<compile_context>
chip_gen: v7x
topology: tpu7x:2x2x1
jax: 0.10.2.dev20260603
libtpu: 0.0.44.dev20260713+nightly
codegen_flags: <defaults>
</compile_context>

<pallas_src>
import functools

import numpy as np
import jax
import jax.numpy as jnp
from jax import lax
from jax.experimental import pallas as pl
from jax.experimental.pallas import tpu as pltpu
from jax.experimental.pallas import tpu_sc as plsc

_N = 10000
_E = 320000
_C = 32
_NBAS = 8
_RMAX = 5.0
_LMAX = 3
_T = 2
_OUT = 128
_HID = 64
_AVG = 32.0
_NLM = 16

_L_OF = np.array([0, 1, 1, 1, 2, 2, 2, 2, 2, 3, 3, 3, 3, 3, 3, 3], np.int32)

_NB = 1000


def _silu(x):
    return x / (1.0 + jnp.exp(-x))


_EBG = 2560


def _geom_body(ps_ref, pr_ref, rbT_ref, shT_ref):
    rel = pr_ref[...] - ps_ref[...]
    rr = lax.broadcasted_iota(jnp.int32, (16, 16), 0)
    cc = lax.broadcasted_iota(jnp.int32, (16, 16), 1)
    eye = jnp.where(rr == cc, 1.0, 0.0).astype(jnp.float32)
    relT = lax.dot_general(eye, rel, (((1,), (1,)), ((), ())),
                           preferred_element_type=jnp.float32)
    x = relT[0:1, :]
    y = relT[1:2, :]
    z = relT[2:3, :]
    d2 = x * x + y * y + z * z
    dist = jnp.sqrt(d2)
    inv = 1.0 / jnp.maximum(dist, 1e-6)
    x = x * inv
    y = y * inv
    z = z * inv

    ks = (jnp.arange(_NBAS, dtype=jnp.int32).astype(jnp.float32) + 1.0)[:, None]
    d_safe = jnp.where(dist == 0.0, 1e-6, dist)
    rb = jnp.sqrt(2.0 / _RMAX) * jnp.sin(ks * ((jnp.pi / _RMAX) * d_safe)) / d_safe
    u = dist * (1.0 / _RMAX)
    u2 = u * u
    env = jnp.exp(-u2 / jnp.clip(1.0 - u2, 1e-6, None))
    env = jnp.where(u < 1.0, env, 0.0)
    rbT_ref[...] = rb * env

    one = jnp.ones_like(x)
    x2 = x * x
    y2 = y * y
    z2 = z * z
    rows = [
        0.28209479 * one,
        0.48860251 * y,
        0.48860251 * z,
        0.48860251 * x,
        1.09254843 * x * y,
        1.09254843 * y * z,
        0.31539157 * (3.0 * z2 - 1.0),
        1.09254843 * x * z,
        0.54627422 * (x2 - y2),
        0.59004359 * y * (3.0 * x2 - y2),
        2.89061144 * x * y * z,
        0.45704580 * y * (5.0 * z2 - 1.0),
        0.37317633 * z * (5.0 * z2 - 3.0),
        0.45704580 * x * (5.0 * z2 - 1.0),
        1.44530572 * z * (x2 - y2),
        0.59004359 * x * (x2 - 3.0 * y2),
    ]
    shT_ref[...] = jnp.concatenate(rows, axis=0)


def _geom(psr):
    grid = _E // _EBG
    return pl.pallas_call(
        _geom_body,
        grid=(grid,),
        in_specs=[
            pl.BlockSpec((_EBG, 16), lambda i: (i, 0)),
            pl.BlockSpec((_EBG, 16), lambda i: (i + _E // _EBG, 0)),
        ],
        out_specs=[
            pl.BlockSpec((_NBAS, _EBG), lambda i: (0, i)),
            pl.BlockSpec((_NLM, _EBG), lambda i: (0, i)),
        ],
        out_shape=[
            jax.ShapeDtypeStruct((_NBAS, _E), jnp.float32),
            jax.ShapeDtypeStruct((_NLM, _E), jnp.float32),
        ],
    )(psr, psr)


_EBE = 1280


def _edge_body(rbT_ref, shT_ref, hs_ref, w1_ref, w2p_ref, q_ref, r4_ref, out_ref):
    rbT = rbT_ref[...]
    shT = shT_ref[...]
    hs = hs_ref[...]
    hidT = _silu(
        lax.dot_general(w1_ref[...], rbT, (((0,), (0,)), ((), ())),
                        preferred_element_type=jnp.float32)
    )
    radlm = lax.dot_general(hidT, w2p_ref[...], (((0,), (0,)), ((), ())),
                            preferred_element_type=jnp.float32)
    hsx = jnp.dot(hs, q_ref[...], preferred_element_type=jnp.float32)
    shx4 = lax.dot_general(shT, r4_ref[...], (((0,), (0,)), ((), ())),
                           preferred_element_type=jnp.float32)
    out_ref[...] = radlm * hsx * shx4


def _edge(rbT, shT, hs, w1, w2p, q, r4):
    grid = _E // _EBE
    return pl.pallas_call(
        _edge_body,
        grid=(grid,),
        in_specs=[
            pl.BlockSpec((_NBAS, _EBE), lambda i: (0, i)),
            pl.BlockSpec((_NLM, _EBE), lambda i: (0, i)),
            pl.BlockSpec((_EBE, _C), lambda i: (i, 0)),
            pl.BlockSpec((_NBAS, _HID), lambda i: (0, 0)),
            pl.BlockSpec((_HID, 512), lambda i: (0, 0)),
            pl.BlockSpec((_C, 512), lambda i: (0, 0)),
            pl.BlockSpec((_NLM, 512), lambda i: (0, 0)),
        ],
        out_specs=pl.BlockSpec((_EBE, 512), lambda i: (i, 0)),
        out_shape=jax.ShapeDtypeStruct((_E, 512), jnp.float32),
    )(rbT, shT, hs, w1, w2p, q, r4)


def _edge_weight_prep(w_rad2_t):
    colidx = np.zeros(512, np.int32)
    for k in range(4):
        for c8 in range(8):
            for lm in range(_NLM):
                colidx[128 * k + 16 * c8 + lm] = (8 * k + c8) * 4 + _L_OF[lm]
    return w_rad2_t[:, colidx]


def _make_q():
    q = np.zeros((_C, 512), np.float32)
    for k in range(4):
        for c8 in range(8):
            q[8 * k + c8, 128 * k + 16 * c8 : 128 * k + 16 * c8 + _NLM] = 1.0
    return jnp.asarray(q)


def _make_r4():
    r4 = np.zeros((_NLM, 512), np.float32)
    for j in range(512):
        r4[j % 16, j] = 1.0
    return jnp.asarray(r4)


def _node_body(agg_ref, mw_ref, wr_ref, h_ref, rd_ref):
    h_pre = jnp.zeros((_NB, _C), jnp.float32)
    for k in range(4):
        a = agg_ref[k] * (1.0 / _AVG)
        sq = a * a
        h_pre = h_pre + jnp.dot(sq, mw_ref[k], preferred_element_type=jnp.float32)
    h_new = _silu(h_pre)
    h_ref[...] = h_new
    rd_ref[...] = jnp.dot(h_new, wr_ref[...], preferred_element_type=jnp.float32)


def _node(agg4, mw, w_read):
    grid = _N // _NB
    return pl.pallas_call(
        _node_body,
        grid=(grid,),
        in_specs=[
            pl.BlockSpec((4, _NB, 128), lambda i: (0, i, 0)),
            pl.BlockSpec((4, 128, _C), lambda i: (0, 0, 0)),
            pl.BlockSpec((_C, _OUT), lambda i: (0, 0)),
        ],
        out_specs=[
            pl.BlockSpec((_NB, _C), lambda i: (i, 0)),
            pl.BlockSpec((_NB, _OUT), lambda i: (i, 0)),
        ],
        out_shape=[
            jax.ShapeDtypeStruct((_N, _C), jnp.float32),
            jax.ShapeDtypeStruct((_N, _OUT), jnp.float32),
        ],
    )(agg4, mw, w_read)


_GB = 80
_NW = 32


def _sc_mesh():
    return plsc.VectorSubcoreMesh(
        core_axis_name="c", subcore_axis_name="s", num_cores=2, num_subcores=16
    )


def _sc_gather(table, idx2d, rows, width):
    per_w = rows // _NW
    nb = per_w // _GB

    @functools.partial(
        pl.kernel,
        mesh=_sc_mesh(),
        out_type=jax.ShapeDtypeStruct((rows, width), jnp.float32),
        scratch_types=[
            pltpu.VMEM((nb, _GB), jnp.int32),
            pltpu.VMEM((_GB, width), jnp.float32),
            pltpu.VMEM((_GB, width), jnp.float32),
            pltpu.SemaphoreType.DMA,
            pltpu.SemaphoreType.DMA,
            pltpu.SemaphoreType.DMA,
        ],
        compiler_params=pltpu.CompilerParams(use_tc_tiling_on_sc=False),
    )
    def k(table_hbm, idx_hbm, out_hbm, idx_v, buf0, buf1, sem0, sem1, gsem):
        cid = lax.axis_index("c")
        sid = lax.axis_index("s")
        wid = sid * 2 + cid
        base = wid * per_w
        pltpu.sync_copy(idx_hbm.at[pl.ds(wid * nb, nb)], idx_v)
        bufs = (buf0, buf1)
        sems = (sem0, sem1)

        def _dst(j):
            return out_hbm.at[pl.ds(base + j * _GB, _GB)]

        def body(j2, _):
            j = j2 * 2
            for b in range(2):
                jj = j + b

                @pl.when(jj >= 2)
                def _():
                    pltpu.make_async_copy(bufs[b], _dst(jj - 2), sems[b]).wait()

                pltpu.async_copy(table_hbm.at[idx_v.at[jj]], bufs[b], gsem).wait()
                pltpu.async_copy(bufs[b], _dst(jj), sems[b])
            return 0

        lax.fori_loop(0, nb // 2, body, 0)
        if nb % 2 == 1:
            jj = nb - 1
            pltpu.make_async_copy(bufs[0], _dst(jj - 2), sems[0]).wait()
            pltpu.async_copy(table_hbm.at[idx_v.at[jj]], bufs[0], gsem).wait()
            pltpu.async_copy(bufs[0], _dst(jj), sems[0])
            pltpu.make_async_copy(bufs[1], _dst(nb - 2), sems[1]).wait()
            pltpu.make_async_copy(bufs[0], _dst(nb - 1), sems[0]).wait()
        else:
            for b in range(2):
                jj = nb - 2 + b
                pltpu.make_async_copy(bufs[b], _dst(jj), sems[b]).wait()

    return k(table, idx2d)


def _sc_scatter_add(msg, recv2d):
    per_tile = _E // 16
    nb = per_tile // _GB
    nrow_t = _N // 16

    def _zero_acc(zsrc, acc, nbase):
        for q in range(7):
            pltpu.sync_copy(zsrc, acc.at[pl.ds(nbase + q * _GB, _GB)])
        pltpu.sync_copy(zsrc.at[pl.ds(0, 65)], acc.at[pl.ds(nbase + 7 * _GB, 65)])

    @functools.partial(
        pl.kernel,
        mesh=_sc_mesh(),
        out_type=jax.ShapeDtypeStruct((4, _N, 128), jnp.float32),
        scratch_types=[
            pltpu.VMEM((nb, _GB), jnp.int32),
            pltpu.VMEM((_GB, 128), jnp.float32),
            pltpu.VMEM((_GB, 128), jnp.float32),
            pltpu.VMEM_SHARED((_N, 128), jnp.float32),
            pltpu.SemaphoreType.DMA,
            pltpu.SemaphoreType.DMA,
        ],
        compiler_params=pltpu.CompilerParams(use_tc_tiling_on_sc=False),
    )
    def k(msg_hbm, idx_hbm, zer_hbm, out_hbm, idx_v, buf0, buf1, acc, sem0, sem1):
        cid = lax.axis_index("c")
        sid = lax.axis_index("s")
        ebase = sid * per_tile
        nbase = sid * nrow_t
        pltpu.sync_copy(idx_hbm.at[pl.ds(sid * nb, nb)], idx_v)
        pltpu.sync_copy(zer_hbm, buf0)
        _zero_acc(buf0, acc, nbase)
        plsc.subcore_barrier()
        bufs = (buf0, buf1)
        sems = (sem0, sem1)
        for chunk in range(2):
            cglob = cid * 2 + chunk
            col0 = cglob * 128

            def _src(j):
                return msg_hbm.at[pl.ds(ebase + j * _GB, _GB), pl.ds(col0, 128)]

            for b in range(2):
                pltpu.async_copy(_src(b), bufs[b], sems[b])

            def body(j2, _):
                j = j2 * 2
                for b in range(2):
                    jj = j + b
                    pltpu.make_async_copy(_src(jj), bufs[b], sems[b]).wait()
                    pltpu.sync_copy(bufs[b], acc.at[idx_v.at[jj]], add=True)

                    @pl.when(jj + 2 < nb)
                    def _():
                        pltpu.async_copy(_src(jj + 2), bufs[b], sems[b])

                return 0

            lax.fori_loop(0, nb // 2, body, 0)
            plsc.subcore_barrier()
            pltpu.sync_copy(
                acc.at[pl.ds(nbase, nrow_t)],
                out_hbm.at[cglob, pl.ds(nbase, nrow_t)],
            )
            if chunk == 0:
                pltpu.sync_copy(zer_hbm, buf0)
                _zero_acc(buf0, acc, nbase)
                plsc.subcore_barrier()

    zer = jnp.zeros((_GB, 128), jnp.float32)
    return k(msg, recv2d, zer)


def _make_mw(w_upd_t):
    rows = np.zeros((4, 128), np.int32)
    for k in range(4):
        for c8 in range(8):
            for lm in range(_NLM):
                rows[k, c8 * 16 + lm] = _L_OF[lm] * _C + 8 * k + c8
    return w_upd_t[rows.reshape(-1)].reshape(4, 128, _C)


def kernel(positions, species, senders, receivers, species_embed, W_rad1, W_rad2, W_upd, W_read):
    pos_pad = jnp.pad(positions, ((0, 0), (0, 13)))
    send2d = senders.astype(jnp.int32).reshape(_E // _GB, _GB)
    recv2d = receivers.astype(jnp.int32).reshape(_E // _GB, _GB)

    sr2d = jnp.concatenate([senders, receivers]).astype(jnp.int32).reshape(2 * _E // _GB, _GB)
    psr = _sc_gather(pos_pad, sr2d, 2 * _E, 16)
    rbT, shT = _geom(psr)

    npad = 10240
    spec2d = jnp.pad(species.astype(jnp.int32), (0, npad - _N)).reshape(npad // _GB, _GB)
    h = _sc_gather(species_embed, spec2d, npad, _C)[:_N]

    q = _make_q()
    r4 = _make_r4()
    reads = []
    for t in range(_T):
        hs = _sc_gather(h, send2d, _E, _C)
        msg = _edge(rbT, shT, hs, W_rad1[t], _edge_weight_prep(W_rad2[t]), q, r4)
        agg4 = _sc_scatter_add(msg, recv2d)
        h, rd = _node(agg4, _make_mw(W_upd[t]), W_read[t])
        reads.append(rd)
    return jnp.concatenate(reads, axis=1)

# --- scband reference (transcript-rebuilt; emitter-appended) ---
"""Pipeline reference for scband-mace-32590211842659 (READ-ONLY COPY).

The authoritative reference and input builder live on the scoring server;
editing this copy changes nothing except your own understanding.
"""

import jax, jax.numpy as jnp
import numpy as np

N = 10000
E = 320000
NUM_SPECIES = 10
C = 32
NUM_BASIS = 8
R_MAX = 5.0
L_MAX = 3
T = 2
OUT = 128
HID_R = 64
AVG_NEIGH = 32.0


def bessel(x, n, x_max):
    ks = jnp.arange(1, n + 1, dtype=jnp.float32)
    x_safe = jnp.where(x == 0.0, 1e-6, x)
    return jnp.sqrt(2.0 / x_max) * jnp.sin(ks[None, :] * jnp.pi * x_safe[:, None] / x_max) / x_safe[:, None]


def soft_envelope(x, x_max):
    u = x / x_max
    val = jnp.exp(-(u ** 2) / jnp.clip(1.0 - u ** 2, 1e-6, None))
    return jnp.where(u < 1.0, val, 0.0)


def spherical_harmonics(vec):
    x, y, z = vec[:, 0], vec[:, 1], vec[:, 2]
    sh0 = 0.28209479 * jnp.ones_like(x)[:, None]
    sh1 = 0.48860251 * jnp.stack([y, z, x], axis=-1)
    sh2 = jnp.stack([
        1.09254843 * x * y,
        1.09254843 * y * z,
        0.31539157 * (3.0 * z ** 2 - 1.0),
        1.09254843 * x * z,
        0.54627422 * (x ** 2 - y ** 2),
    ], axis=-1)
    sh3 = jnp.stack([
        0.59004359 * y * (3.0 * x ** 2 - y ** 2),
        2.89061144 * x * y * z,
        0.45704580 * y * (5.0 * z ** 2 - 1.0),
        0.37317633 * z * (5.0 * z ** 2 - 3.0),
        0.45704580 * x * (5.0 * z ** 2 - 1.0),
        1.44530572 * z * (x ** 2 - y ** 2),
        0.59004359 * x * (x ** 2 - 3.0 * y ** 2),
    ], axis=-1)
    return [sh0, sh1, sh2, sh3]


def setup_inputs(seed: int = 0) -> dict:
    key = jax.random.key(seed)
    ks = jax.random.split(key, 9)
    positions = jax.random.normal(ks[0], (N, 3), dtype=jnp.float32)
    species = jax.random.randint(ks[1], (N,), 0, NUM_SPECIES)
    senders = jax.random.randint(ks[2], (E,), 0, N)
    receivers = jax.random.randint(ks[3], (E,), 0, N)
    species_embed = jax.random.normal(ks[4], (NUM_SPECIES, C), dtype=jnp.float32)
    W_rad1 = jax.random.normal(ks[5], (T, NUM_BASIS, HID_R), dtype=jnp.float32) / np.sqrt(NUM_BASIS)
    W_rad2 = jax.random.normal(ks[6], (T, HID_R, C * (L_MAX + 1)), dtype=jnp.float32) / np.sqrt(HID_R)
    W_upd = jax.random.normal(ks[7], (T, C * (L_MAX + 1), C), dtype=jnp.float32) / np.sqrt(C * (L_MAX + 1))
    W_read = jax.random.normal(ks[8], (T, C, OUT), dtype=jnp.float32) / np.sqrt(C)
    return {
        "positions": positions,
        "species": species,
        "senders": senders,
        "receivers": receivers,
        "species_embed": species_embed,
        "W_rad1": W_rad1,
        "W_rad2": W_rad2,
        "W_upd": W_upd,
        "W_read": W_read,
    }


def reference(positions, species, senders, receivers, species_embed, W_rad1, W_rad2, W_upd, W_read):
    rel = positions[receivers] - positions[senders]  # [E, 3]
    dist = jnp.linalg.norm(rel, axis=-1)
    unit = rel / jnp.clip(dist, 1e-6, None)[:, None]
    rb = bessel(dist, NUM_BASIS, R_MAX) * soft_envelope(dist, R_MAX)[:, None]  # [E, B]
    shs = spherical_harmonics(unit)  # list of [E, 2l+1]
    h = species_embed[species]  # [N, C]
    readouts = []
    for t in range(T):
        hid = jax.nn.silu(rb @ W_rad1[t])  # [E, HID_R]
        rad_w = (hid @ W_rad2[t]).reshape(-1, C, L_MAX + 1)  # [E, C, L+1]
        h_send = h[senders]  # [E, C]
        norms = []
        for l in range(L_MAX + 1):
            msg = (rad_w[:, :, l] * h_send)[:, :, None] * shs[l][:, None, :]  # [E, C, 2l+1]
            agg = jax.ops.segment_sum(msg, receivers, num_segments=N) / AVG_NEIGH  # [N, C, 2l+1]
            norms.append(jnp.sum(agg ** 2, axis=-1))  # [N, C]
        feats = jnp.concatenate(norms, axis=-1)  # [N, C*(L+1)]
        h = jax.nn.silu(feats @ W_upd[t])  # [N, C]
        readouts.append(h @ W_read[t])  # [N, OUT]
    node_embeddings = jnp.stack(readouts, axis=1)  # [N, T, OUT]
    return node_embeddings.reshape(N, T * OUT)  # axis_to_mul(axis=-2)

if __name__ == "__main__":
    import jax
    _d = setup_inputs()
    print(jax.jit(kernel)(*tuple(_d.values())))

</pallas_src>

<mosaic_0001>
#map = affine_map<(d0, d1) -> (0, 0)>
module attributes {stable_mosaic.version = 14 : i64} {
  func.func @k(%arg0: i32, %arg1: i32, %arg2: memref<10x32xf32, #tpu.memory_space<hbm>>, %arg3: memref<128x80xi32, #tpu.memory_space<hbm>>, %arg4: memref<10240x32xf32, #tpu.memory_space<hbm>>, %arg5: memref<4x80xi32, #tpu.memory_space<vmem>>, %arg6: memref<80x32xf32, #tpu.memory_space<vmem>>, %arg7: memref<80x32xf32, #tpu.memory_space<vmem>>, %arg8: memref<!tpu.dma_semaphore, #tpu.memory_space<semaphore_mem>>, %arg9: memref<!tpu.dma_semaphore, #tpu.memory_space<semaphore_mem>>, %arg10: memref<!tpu.dma_semaphore, #tpu.memory_space<semaphore_mem>>) attributes {dimension_semantics = [#tpu.dimension_semantics<core_parallel>, #tpu.dimension_semantics<subcore_parallel>], iteration_bounds = array<i64: 2, 16>, scalar_prefetch = 0 : i64, scratch_operands = 6 : i64, tpu.core_type = #tpu.core_type<sc_vector_subcore>, window_params = [{transform_indices = #map}, {transform_indices = #map}, {transform_indices = #map}]} {
    %mul3A = arith.constant 2 : i32
    %mul3A_0 = arith.muli %arg1, %mul3A : i32
    %add3A = arith.addi %mul3A_0, %arg0 : i32
    %mul3A_1 = arith.constant 320 : i32
    %mul3A_2 = arith.muli %add3A, %mul3A_1 : i32
    %mul3A_3 = arith.constant 4 : i32
    %mul3A_4 = arith.muli %add3A, %mul3A_3 : i32
    "tpu.region"() ({
      %run_scoped3A = tpu.sem_alloc : memref<!tpu.dma_semaphore, #tpu.memory_space<semaphore_mem>>
      %dma_start3A = arith.constant 0 : i32
      %dma_start3A_22 = tpu.memref_slice %arg3[%mul3A_4, %dma_start3A] : memref<128x80xi32, #tpu.memory_space<hbm>> -> memref<4x80xi32, #tpu.memory_space<hbm>>
      %dma_start3A_23 = arith.constant 0 : i32
      %dma_start3A_24 = tpu.memref_slice %arg3[%mul3A_4, %dma_start3A_23] : memref<128x80xi32, #tpu.memory_space<hbm>> -> memref<4x80xi32, #tpu.memory_space<hbm>>
      tpu.enqueue_dma source(%dma_start3A_24 : memref<4x80xi32, #tpu.memory_space<hbm>>) target(%arg5 : memref<4x80xi32, #tpu.memory_space<vmem>>) target_semaphore(%run_scoped3A : memref<!tpu.dma_semaphore, #tpu.memory_space<semaphore_mem>>)
      %dma_wait3A_25 = arith.constant 0 : i32
      %dma_wait3A_26 = tpu.memref_slice %arg3[%mul3A_4, %dma_wait3A_25] : memref<128x80xi32, #tpu.memory_space<hbm>> -> memref<4x80xi32, #tpu.memory_space<hbm>>
      %dma_wait3A_27 = arith.constant 0 : i32
      %dma_wait3A_28 = tpu.memref_slice %arg3[%mul3A_4, %dma_wait3A_27] : memref<128x80xi32, #tpu.memory_space<hbm>> -> memref<4x80xi32, #tpu.memory_space<hbm>>
      tpu.wait_dma2 semaphore(%run_scoped3A : memref<!tpu.dma_semaphore, #tpu.memory_space<semaphore_mem>>) src(%dma_wait3A_28 : memref<4x80xi32, #tpu.memory_space<hbm>>) dst(%arg5 : memref<4x80xi32, #tpu.memory_space<vmem>>)
      tpu.yield
    }) : () -> ()
    %scan3A = arith.constant 0 : i32
    %scan3A_5 = arith.constant 0 : i32
    %scan3A_6 = arith.constant 2 : i32
    %scan3A_7 = arith.addi %scan3A_5, %scan3A_6 : i32
    %scan3A_8 = arith.constant 1 : i32
    %scan3A_9 = scf.for %scan3A_22 = %scan3A_5 to %scan3A_7 step %scan3A_8 iter_args(%scan3A_23 = %scan3A) -> (i32)  : i32 {
      %mul3A_24 = arith.constant 2 : i32
      %mul3A_25 = arith.muli %scan3A_22, %mul3A_24 : i32
      %add3A_26 = arith.constant 0 : i32
      %add3A_27 = arith.addi %mul3A_25, %add3A_26 : i32
      %ge3A = arith.constant 2 : i32
      %ge3A_28 = arith.cmpi sge, %add3A_27, %ge3A : i32
      %convert_element_type3A = arith.extui %ge3A_28 : i1 to i32
      %cond3A = arith.constant 0 : i32
      %cond3A_29 = arith.cmpi ne, %convert_element_type3A, %cond3A : i32
      scf.if %cond3A_29 {
        %sub3A = arith.constant 2 : i32
        %sub3A_75 = arith.subi %add3A_27, %sub3A : i32
        %mul3A_76 = arith.constant 80 : i32
        %mul3A_77 = arith.muli %sub3A_75, %mul3A_76 : i32
        %add3A_78 = arith.addi %mul3A_2, %mul3A_77 : i32
        %dma_wait3A_79 = arith.constant 0 : i32
        %dma_wait3A_80 = tpu.memref_slice %arg4[%add3A_78, %dma_wait3A_79] : memref<10240x32xf32, #tpu.memory_space<hbm>> -> memref<80x32xf32, #tpu.memory_space<hbm>>
        %dma_wait3A_81 = arith.constant 0 : i32
        %dma_wait3A_82 = tpu.memref_slice %arg4[%add3A_78, %dma_wait3A_81] : memref<10240x32xf32, #tpu.memory_space<hbm>> -> memref<80x32xf32, #tpu.memory_space<hbm>>
        tpu.wait_dma2 semaphore(%arg8 : memref<!tpu.dma_semaphore, #tpu.memory_space<semaphore_mem>>) src(%arg6 : memref<80x32xf32, #tpu.memory_space<vmem>>) dst(%dma_wait3A_82 : memref<80x32xf32, #tpu.memory_space<hbm>>)
      } else {
      }
      %dma_start3A = arith.constant 0 : i32
      %dma_start3A_30 = tpu.memref_slice %arg5[%add3A_27, %dma_start3A] : memref<4x80xi32, #tpu.memory_space<vmem>> -> memref<1x80xi32, #tpu.memory_space<vmem>>
      %dma_start3A_31 = tpu.memref_squeeze %dma_start3A_30 : memref<1x80xi32, #tpu.memory_space<vmem>> -> memref<80xi32, #tpu.memory_space<vmem>>
      %dma_start3A_32 = arith.constant 0 : i32
      %dma_start3A_33 = arith.constant 0 : i32
      %dma_start3A_34 = tpu.memref_slice %arg2[%dma_start3A_32, %dma_start3A_33] : memref<10x32xf32, #tpu.memory_space<hbm>> -> memref<10x32xf32, #tpu.memory_space<hbm>>
      tpu.enqueue_indirect_dma source(%dma_start3A_34 : memref<10x32xf32, #tpu.memory_space<hbm>>) target(%arg6 : memref<80x32xf32, #tpu.memory_space<vmem>>) offsets(%dma_start3A_31 : memref<80xi32, #tpu.memory_space<vmem>>) semaphore(%arg10 : memref<!tpu.dma_semaphore, #tpu.memory_space<semaphore_mem>>)
      %dma_wait3A_35 = arith.constant 0 : i32
      %dma_wait3A_36 = tpu.memref_slice %arg5[%add3A_27, %dma_wait3A_35] : memref<4x80xi32, #tpu.memory_space<vmem>> -> memref<1x80xi32, #tpu.memory_space<vmem>>
      %dma_wait3A_37 = tpu.memref_squeeze %dma_wait3A_36 : memref<1x80xi32, #tpu.memory_space<vmem>> -> memref<80xi32, #tpu.memory_space<vmem>>
      %dma_wait3A_38 = arith.constant 0 : i32
      %dma_wait3A_39 = arith.constant 0 : i32
      %dma_wait3A_40 = tpu.memref_slice %arg2[%dma_wait3A_38, %dma_wait3A_39] : memref<10x32xf32, #tpu.memory_space<hbm>> -> memref<10x32xf32, #tpu.memory_space<hbm>>
      tpu.wait_indirect_dma semaphore(%arg10 : memref<!tpu.dma_semaphore, #tpu.memory_space<semaphore_mem>>) src(%dma_wait3A_40 : memref<10x32xf32, #tpu.memory_space<hbm>>) dst(%arg6 : memref<80x32xf32, #tpu.memory_space<vmem>>)
      %mul3A_41 = arith.constant 80 : i32
      %mul3A_42 = arith.muli %add3A_27, %mul3A_41 : i32
      %add3A_43 = arith.addi %mul3A_2, %mul3A_42 : i32
      %dma_start3A_44 = arith.constant 0 : i32
      %dma_start3A_45 = tpu.memref_slice %arg4[%add3A_43, %dma_start3A_44] : memref<10240x32xf32, #tpu.memory_space<hbm>> -> memref<80x32xf32, #tpu.memory_space<hbm>>
      %dma_start3A_46 = arith.constant 0 : i32
      %dma_start3A_47 = tpu.memref_slice %arg4[%add3A_43, %dma_start3A_46] : memref<10240x32xf32, #tpu.memory_space<hbm>> -> memref<80x32xf32, #tpu.memory_space<hbm>>
      tpu.enqueue_dma source(%arg6 : memref<80x32xf32, #tpu.memory_space<vmem>>) target(%dma_start3A_47 : memref<80x32xf32, #tpu.memory_space<hbm>>) target_semaphore(%arg8 : memref<!tpu.dma_semaphore, #tpu.memory_space<semaphore_mem>>)
      %add3A_48 = arith.constant 1 : i32
      %add3A_49 = arith.addi %mul3A_25, %add3A_48 : i32
      %ge3A_50 = arith.constant 2 : i32
      %ge3A_51 = arith.cmpi sge, %add3A_49, %ge3A_50 : i32
      %convert_element_type3A_52 = arith.extui %ge3A_51 : i1 to i32
      %cond3A_53 = arith.constant 0 : i32
      %cond3A_54 = arith.cmpi ne, %convert_element_type3A_52, %cond3A_53 : i32
      scf.if %cond3A_54 {
        %sub3A = arith.constant 2 : i32
        %sub3A_75 = arith.subi %add3A_49, %sub3A : i32
        %mul3A_76 = arith.constant 80 : i32
        %mul3A_77 = arith.muli %sub3A_75, %mul3A_76 : i32
        %add3A_78 = arith.addi %mul3A_2, %mul3A_77 : i32
        %dma_wait3A_79 = arith.constant 0 : i32
        %dma_wait3A_80 = tpu.memref_slice %arg4[%add3A_78, %dma_wait3A_79] : memref<10240x32xf32, #tpu.memory_space<hbm>> -> memref<80x32xf32, #tpu.memory_space<hbm>>
        %dma_wait3A_81 = arith.constant 0 : i32
        %dma_wait3A_82 = tpu.memref_slice %arg4[%add3A_78, %dma_wait3A_81] : memref<10240x32xf32, #tpu.memory_space<hbm>> -> memref<80x32xf32, #tpu.memory_space<hbm>>
        tpu.wait_dma2 semaphore(%arg9 : memref<!tpu.dma_semaphore, #tpu.memory_space<semaphore_mem>>) src(%arg7 : memref<80x32xf32, #tpu.memory_space<vmem>>) dst(%dma_wait3A_82 : memref<80x32xf32, #tpu.memory_space<hbm>>)
      } else {
      }
      %dma_start3A_55 = arith.constant 0 : i32
      %dma_start3A_56 = tpu.memref_slice %arg5[%add3A_49, %dma_start3A_55] : memref<4x80xi32, #tpu.memory_space<vmem>> -> memref<1x80xi32, #tpu.memory_space<vmem>>
      %dma_start3A_57 = tpu.memref_squeeze %dma_start3A_56 : memref<1x80xi32, #tpu.memory_space<vmem>> -> memref<80xi32, #tpu.memory_space<vmem>>
      %dma_start3A_58 = arith.constant 0 : i32
      %dma_start3A_59 = arith.constant 0 : i32
      %dma_start3A_60 = tpu.memref_slice %arg2[%dma_start3A_58, %dma_start3A_59] : memref<10x32xf32, #tpu.memory_space<hbm>> -> memref<10x32xf32, #tpu.memory_space<hbm>>
      tpu.enqueue_indirect_dma source(%dma_start3A_60 : memref<10x32xf32, #tpu.memory_space<hbm>>) target(%arg7 : memref<80x32xf32, #tpu.memory_space<vmem>>) offsets(%dma_start3A_57 : memref<80xi32, #tpu.memory_space<vmem>>) semaphore(%arg10 : memref<!tpu.dma_semaphore, #tpu.memory_space<semaphore_mem>>)
      %dma_wait3A_61 = arith.constant 0 : i32
      %dma_wait3A_62 = tpu.memref_slice %arg5[%add3A_49, %dma_wait3A_61] : memref<4x80xi32, #tpu.memory_space<vmem>> -> memref<1x80xi32, #tpu.memory_space<vmem>>
      %dma_wait3A_63 = tpu.memref_squeeze %dma_wait3A_62 : memref<1x80xi32, #tpu.memory_space<vmem>> -> memref<80xi32, #tpu.memory_space<vmem>>
      %dma_wait3A_64 = arith.constant 0 : i32
      %dma_wait3A_65 = arith.constant 0 : i32
      %dma_wait3A_66 = tpu.memref_slice %arg2[%dma_wait3A_64, %dma_wait3A_65] : memref<10x32xf32, #tpu.memory_space<hbm>> -> memref<10x32xf32, #tpu.memory_space<hbm>>
      tpu.wait_indirect_dma semaphore(%arg10 : memref<!tpu.dma_semaphore, #tpu.memory_space<semaphore_mem>>) src(%dma_wait3A_66 : memref<10x32xf32, #tpu.memory_space<hbm>>) dst(%arg7 : memref<80x32xf32, #tpu.memory_space<vmem>>)
      %mul3A_67 = arith.constant 80 : i32
      %mul3A_68 = arith.muli %add3A_49, %mul3A_67 : i32
      %add3A_69 = arith.addi %mul3A_2, %mul3A_68 : i32
      %dma_start3A_70 = arith.constant 0 : i32
      %dma_start3A_71 = tpu.memref_slice %arg4[%add3A_69, %dma_start3A_70] : memref<10240x32xf32, #tpu.memory_space<hbm>> -> memref<80x32xf32, #tpu.memory_space<hbm>>
      %dma_start3A_72 = arith.constant 0 : i32
      %dma_start3A_73 = tpu.memref_slice %arg4[%add3A_69, %dma_start3A_72] : memref<10240x32xf32, #tpu.memory_space<hbm>> -> memref<80x32xf32, #tpu.memory_space<hbm>>
      tpu.enqueue_dma source(%arg7 : memref<80x32xf32, #tpu.memory_space<vmem>>) target(%dma_start3A_73 : memref<80x32xf32, #tpu.memory_space<hbm>>) target_semaphore(%arg9 : memref<!tpu.dma_semaphore, #tpu.memory_space<semaphore_mem>>)
      %scan3A_74 = arith.constant 0 : i32
      scf.yield %scan3A_74 : i32
    }
    %scan3A_10 = arith.constant 2 : i32
    %add3A_11 = arith.constant 160 : i32
    %add3A_12 = arith.addi %mul3A_2, %add3A_11 : i32
    %dma_wait3A = arith.constant 0 : i32
    %dma_wait3A_13 = tpu.memref_slice %arg4[%add3A_12, %dma_wait3A] : memref<10240x32xf32, #tpu.memory_space<hbm>> -> memref<80x32xf32, #tpu.memory_space<hbm>>
    %dma_wait3A_14 = arith.constant 0 : i32
    %dma_wait3A_15 = tpu.memref_slice %arg4[%add3A_12, %dma_wait3A_14] : memref<10240x32xf32, #tpu.memory_space<hbm>> -> memref<80x32xf32, #tpu.memory_space<hbm>>
    tpu.wait_dma2 semaphore(%arg8 : memref<!tpu.dma_semaphore, #tpu.memory_space<semaphore_mem>>) src(%arg6 : memref<80x32xf32, #tpu.memory_space<vmem>>) dst(%dma_wait3A_15 : memref<80x32xf32, #tpu.memory_space<hbm>>)
    %add3A_16 = arith.constant 240 : i32
    %add3A_17 = arith.addi %mul3A_2, %add3A_16 : i32
    %dma_wait3A_18 = arith.constant 0 : i32
    %dma_wait3A_19 = tpu.memref_slice %arg4[%add3A_17, %dma_wait3A_18] : memref<10240x32xf32, #tpu.memory_space<hbm>> -> memref<80x32xf32, #tpu.memory_space<hbm>>
    %dma_wait3A_20 = arith.constant 0 : i32
    %dma_wait3A_21 = tpu.memref_slice %arg4[%add3A_17, %dma_wait3A_20] : memref<10240x32xf32, #tpu.memory_space<hbm>> -> memref<80x32xf32, #tpu.memory_space<hbm>>
    tpu.wait_dma2 semaphore(%arg9 : memref<!tpu.dma_semaphore, #tpu.memory_space<semaphore_mem>>) src(%arg7 : memref<80x32xf32, #tpu.memory_space<vmem>>) dst(%dma_wait3A_21 : memref<80x32xf32, #tpu.memory_space<hbm>>)
    return
  }
}

#map = affine_map<(d0, d1) -> (0, 0)>
module attributes {stable_mosaic.version = 14 : i64} {
  func.func @k(%arg0: i32, %arg1: i32, %arg2: memref<10000x16xf32, #tpu.memory_space<hbm>>, %arg3: memref<8000x80xi32, #tpu.memory_space<hbm>>, %arg4: memref<640000x16xf32, #tpu.memory_space<hbm>>, %arg5: memref<250x80xi32, #tpu.memory_space<vmem>>, %arg6: memref<80x16xf32, #tpu.memory_space<vmem>>, %arg7: memref<80x16xf32, #tpu.memory_space<vmem>>, %arg8: memref<!tpu.dma_semaphore, #tpu.memory_space<semaphore_mem>>, %arg9: memref<!tpu.dma_semaphore, #tpu.memory_space<semaphore_mem>>, %arg10: memref<!tpu.dma_semaphore, #tpu.memory_space<semaphore_mem>>) attributes {dimension_semantics = [#tpu.dimension_semantics<core_parallel>, #tpu.dimension_semantics<subcore_parallel>], iteration_bounds = array<i64: 2, 16>, scalar_prefetch = 0 : i64, scratch_operands = 6 : i64, tpu.core_type = #tpu.core_type<sc_vector_subcore>, window_params = [{transform_indices = #map}, {transform_indices = #map}, {transform_indices = #map}]} {
    %mul3A = arith.constant 2 : i32
    %mul3A_0 = arith.muli %arg1, %mul3A : i32
    %add3A = arith.addi %mul3A_0, %arg0 : i32
    %mul3A_1 = arith.constant 20000 : i32
    %mul3A_2 = arith.muli %add3A, %mul3A_1 : i32
    %mul3A_3 = arith.constant 250 : i32
    %mul3A_4 = arith.muli %add3A, %mul3A_3 : i32
    "tpu.region"() ({
      %run_scoped3A = tpu.sem_alloc : memref<!tpu.dma_semaphore, #tpu.memory_space<semaphore_mem>>
      %dma_start3A = arith.constant 0 : i32
      %dma_start3A_22 = tpu.memref_slice %arg3[%mul3A_4, %dma_start3A] : memref<8000x80xi32, #tpu.memory_space<hbm>> -> memref<250x80xi32, #tpu.memory_space<hbm>>
      %dma_start3A_23 = arith.constant 0 : i32
      %dma_start3A_24 = tpu.memref_slice %arg3[%mul3A_4, %dma_start3A_23] : memref<8000x80xi32, #tpu.memory_space<hbm>> -> memref<250x80xi32, #tpu.memory_space<hbm>>
      tpu.enqueue_dma source(%dma_start3A_24 : memref<250x80xi32, #tpu.memory_space<hbm>>) target(%arg5 : memref<250x80xi32, #tpu.memory_space<vmem>>) target_semaphore(%run_scoped3A : memref<!tpu.dma_semaphore, #tpu.memory_space<semaphore_mem>>)
      %dma_wait3A_25 = arith.constant 0 : i32
      %dma_wait3A_26 = tpu.memref_slice %arg3[%mul3A_4, %dma_wait3A_25] : memref<8000x80xi32, #tpu.memory_space<hbm>> -> memref<250x80xi32, #tpu.memory_space<hbm>>
      %dma_wait3A_27 = arith.constant 0 : i32
      %dma_wait3A_28 = tpu.memref_slice %arg3[%mul3A_4, %dma_wait3A_27] : memref<8000x80xi32, #tpu.memory_space<hbm>> -> memref<250x80xi32, #tpu.memory_space<hbm>>
      tpu.wait_dma2 semaphore(%run_scoped3A : memref<!tpu.dma_semaphore, #tpu.memory_space<semaphore_mem>>) src(%dma_wait3A_28 : memref<250x80xi32, #tpu.memory_space<hbm>>) dst(%arg5 : memref<250x80xi32, #tpu.memory_space<vmem>>)
      tpu.yield
    }) : () -> ()
    %scan3A = arith.constant 0 : i32
    %scan3A_5 = arith.constant 0 : i32
    %scan3A_6 = arith.constant 125 : i32
    %scan3A_7 = arith.addi %scan3A_5, %scan3A_6 : i32
    %scan3A_8 = arith.constant 1 : i32
    %scan3A_9 = scf.for %scan3A_22 = %scan3A_5 to %scan3A_7 step %scan3A_8 iter_args(%scan3A_23 = %scan3A) -> (i32)  : i32 {
      %mul3A_24 = arith.constant 2 : i32
      %mul3A_25 = arith.muli %scan3A_22, %mul3A_24 : i32
      %add3A_26 = arith.constant 0 : i32
      %add3A_27 = arith.addi %mul3A_25, %add3A_26 : i32
      %ge3A = arith.constant 2 : i32
      %ge3A_28 = arith.cmpi sge, %add3A_27, %ge3A : i32
      %convert_element_type3A = arith.extui %ge3A_28 : i1 to i32
      %cond3A = arith.constant 0 : i32
      %cond3A_29 = arith.cmpi ne, %convert_element_type3A, %cond3A : i32
      scf.if %cond3A_29 {
        %sub3A = arith.constant 2 : i32
        %sub3A_75 = arith.subi %add3A_27, %sub3A : i32
        %mul3A_76 = arith.constant 80 : i32
        %mul3A_77 = arith.muli %sub3A_75, %mul3A_76 : i32
        %add3A_78 = arith.addi %mul3A_2, %mul3A_77 : i32
        %dma_wait3A_79 = arith.constant 0 : i32
        %dma_wait3A_80 = tpu.memref_slice %arg4[%add3A_78, %dma_wait3A_79] : memref<640000x16xf32, #tpu.memory_space<hbm>> -> memref<80x16xf32, #tpu.memory_space<hbm>>
        %dma_wait3A_81 = arith.constant 0 : i32
        %dma_wait3A_82 = tpu.memref_slice %arg4[%add3A_78, %dma_wait3A_81] : memref<640000x16xf32, #tpu.memory_space<hbm>> -> memref<80x16xf32, #tpu.memory_space<hbm>>
        tpu.wait_dma2 semaphore(%arg8 : memref<!tpu.dma_semaphore, #tpu.memory_space<semaphore_mem>>) src(%arg6 : memref<80x16xf32, #tpu.memory_space<vmem>>) dst(%dma_wait3A_82 : memref<80x16xf32, #tpu.memory_space<hbm>>)
      } else {
      }
      %dma_start3A = arith.constant 0 : i32
      %dma_start3A_30 = tpu.memref_slice %arg5[%add3A_27, %dma_start3A] : memref<250x80xi32, #tpu.memory_space<vmem>> -> memref<1x80xi32, #tpu.memory_space<vmem>>
      %dma_start3A_31 = tpu.memref_squeeze %dma_start3A_30 : memref<1x80xi32, #tpu.memory_space<vmem>> -> memref<80xi32, #tpu.memory_space<vmem>>
      %dma_start3A_32 = arith.constant 0 : i32
      %dma_start3A_33 = arith.constant 0 : i32
      %dma_start3A_34 = tpu.memref_slice %arg2[%dma_start3A_32, %dma_start3A_33] : memref<10000x16xf32, #tpu.memory_space<hbm>> -> memref<10000x16xf32, #tpu.memory_space<hbm>>
      tpu.enqueue_indirect_dma source(%dma_start3A_34 : memref<10000x16xf32, #tpu.memory_space<hbm>>) target(%arg6 : memref<80x16xf32, #tpu.memory_space<vmem>>) offsets(%dma_start3A_31 : memref<80xi32, #tpu.memory_space<vmem>>) semaphore(%arg10 : memref<!tpu.dma_semaphore, #tpu.memory_space<semaphore_mem>>)
      %dma_wait3A_35 = arith.constant 0 : i32
      %dma_wait3A_36 = tpu.memref_slice %arg5[%add3A_27, %dma_wait3A_35] : memref<250x80xi32, #tpu.memory_space<vmem>> -> memref<1x80xi32, #tpu.memory_space<vmem>>
      %dma_wait3A_37 = tpu.memref_squeeze %dma_wait3A_36 : memref<1x80xi32, #tpu.memory_space<vmem>> -> memref<80xi32, #tpu.memory_space<vmem>>
      %dma_wait3A_38 = arith.constant 0 : i32
      %dma_wait3A_39 = arith.constant 0 : i32
      %dma_wait3A_40 = tpu.memref_slice %arg2[%dma_wait3A_38, %dma_wait3A_39] : memref<10000x16xf32, #tpu.memory_space<hbm>> -> memref<10000x16xf32, #tpu.memory_space<hbm>>
      tpu.wait_indirect_dma semaphore(%arg10 : memref<!tpu.dma_semaphore, #tpu.memory_space<semaphore_mem>>) src(%dma_wait3A_40 : memref<10000x16xf32, #tpu.memory_space<hbm>>) dst(%arg6 : memref<80x16xf32, #tpu.memory_space<vmem>>)
      %mul3A_41 = arith.constant 80 : i32
      %mul3A_42 = arith.muli %add3A_27, %mul3A_41 : i32
      %add3A_43 = arith.addi %mul3A_2, %mul3A_42 : i32
      %dma_start3A_44 = arith.constant 0 : i32
      %dma_start3A_45 = tpu.memref_slice %arg4[%add3A_43, %dma_start3A_44] : memref<640000x16xf32, #tpu.memory_space<hbm>> -> memref<80x16xf32, #tpu.memory_space<hbm>>
      %dma_start3A_46 = arith.constant 0 : i32
      %dma_start3A_47 = tpu.memref_slice %arg4[%add3A_43, %dma_start3A_46] : memref<640000x16xf32, #tpu.memory_space<hbm>> -> memref<80x16xf32, #tpu.memory_space<hbm>>
      tpu.enqueue_dma source(%arg6 : memref<80x16xf32, #tpu.memory_space<vmem>>) target(%dma_start3A_47 : memref<80x16xf32, #tpu.memory_space<hbm>>) target_semaphore(%arg8 : memref<!tpu.dma_semaphore, #tpu.memory_space<semaphore_mem>>)
      %add3A_48 = arith.constant 1 : i32
      %add3A_49 = arith.addi %mul3A_25, %add3A_48 : i32
      %ge3A_50 = arith.constant 2 : i32
      %ge3A_51 = arith.cmpi sge, %add3A_49, %ge3A_50 : i32
      %convert_element_type3A_52 = arith.extui %ge3A_51 : i1 to i32
      %cond3A_53 = arith.constant 0 : i32
      %cond3A_54 = arith.cmpi ne, %convert_element_type3A_52, %cond3A_53 : i32
      scf.if %cond3A_54 {
        %sub3A = arith.constant 2 : i32
        %sub3A_75 = arith.subi %add3A_49, %sub3A : i32
        %mul3A_76 = arith.constant 80 : i32
        %mul3A_77 = arith.muli %sub3A_75, %mul3A_76 : i32
        %add3A_78 = arith.addi %mul3A_2, %mul3A_77 : i32
        %dma_wait3A_79 = arith.constant 0 : i32
        %dma_wait3A_80 = tpu.memref_slice %arg4[%add3A_78, %dma_wait3A_79] : memref<640000x16xf32, #tpu.memory_space<hbm>> -> memref<80x16xf32, #tpu.memory_space<hbm>>
        %dma_wait3A_81 = arith.constant 0 : i32
        %dma_wait3A_82 = tpu.memref_slice %arg4[%add3A_78, %dma_wait3A_81] : memref<640000x16xf32, #tpu.memory_space<hbm>> -> memref<80x16xf32, #tpu.memory_space<hbm>>
        tpu.wait_dma2 semaphore(%arg9 : memref<!tpu.dma_semaphore, #tpu.memory_space<semaphore_mem>>) src(%arg7 : memref<80x16xf32, #tpu.memory_space<vmem>>) dst(%dma_wait3A_82 : memref<80x16xf32, #tpu.memory_space<hbm>>)
      } else {
      }
      %dma_start3A_55 = arith.constant 0 : i32
      %dma_start3A_56 = tpu.memref_slice %arg5[%add3A_49, %dma_start3A_55] : memref<250x80xi32, #tpu.memory_space<vmem>> -> memref<1x80xi32, #tpu.memory_space<vmem>>
      %dma_start3A_57 = tpu.memref_squeeze %dma_start3A_56 : memref<1x80xi32, #tpu.memory_space<vmem>> -> memref<80xi32, #tpu.memory_space<vmem>>
      %dma_start3A_58 = arith.constant 0 : i32
      %dma_start3A_59 = arith.constant 0 : i32
      %dma_start3A_60 = tpu.memref_slice %arg2[%dma_start3A_58, %dma_start3A_59] : memref<10000x16xf32, #tpu.memory_space<hbm>> -> memref<10000x16xf32, #tpu.memory_space<hbm>>
      tpu.enqueue_indirect_dma source(%dma_start3A_60 : memref<10000x16xf32, #tpu.memory_space<hbm>>) target(%arg7 : memref<80x16xf32, #tpu.memory_space<vmem>>) offsets(%dma_start3A_57 : memref<80xi32, #tpu.memory_space<vmem>>) semaphore(%arg10 : memref<!tpu.dma_semaphore, #tpu.memory_space<semaphore_mem>>)
      %dma_wait3A_61 = arith.constant 0 : i32
      %dma_wait3A_62 = tpu.memref_slice %arg5[%add3A_49, %dma_wait3A_61] : memref<250x80xi32, #tpu.memory_space<vmem>> -> memref<1x80xi32, #tpu.memory_space<vmem>>
      %dma_wait3A_63 = tpu.memref_squeeze %dma_wait3A_62 : memref<1x80xi32, #tpu.memory_space<vmem>> -> memref<80xi32, #tpu.memory_space<vmem>>
      %dma_wait3A_64 = arith.constant 0 : i32
      %dma_wait3A_65 = arith.constant 0 : i32
      %dma_wait3A_66 = tpu.memref_slice %arg2[%dma_wait3A_64, %dma_wait3A_65] : memref<10000x16xf32, #tpu.memory_space<hbm>> -> memref<10000x16xf32, #tpu.memory_space<hbm>>
      tpu.wait_indirect_dma semaphore(%arg10 : memref<!tpu.dma_semaphore, #tpu.memory_space<semaphore_mem>>) src(%dma_wait3A_66 : memref<10000x16xf32, #tpu.memory_space<hbm>>) dst(%arg7 : memref<80x16xf32, #tpu.memory_space<vmem>>)
      %mul3A_67 = arith.constant 80 : i32
      %mul3A_68 = arith.muli %add3A_49, %mul3A_67 : i32
      %add3A_69 = arith.addi %mul3A_2, %mul3A_68 : i32
      %dma_start3A_70 = arith.constant 0 : i32
      %dma_start3A_71 = tpu.memref_slice %arg4[%add3A_69, %dma_start3A_70] : memref<640000x16xf32, #tpu.memory_space<hbm>> -> memref<80x16xf32, #tpu.memory_space<hbm>>
      %dma_start3A_72 = arith.constant 0 : i32
      %dma_start3A_73 = tpu.memref_slice %arg4[%add3A_69, %dma_start3A_72] : memref<640000x16xf32, #tpu.memory_space<hbm>> -> memref<80x16xf32, #tpu.memory_space<hbm>>
      tpu.enqueue_dma source(%arg7 : memref<80x16xf32, #tpu.memory_space<vmem>>) target(%dma_start3A_73 : memref<80x16xf32, #tpu.memory_space<hbm>>) target_semaphore(%arg9 : memref<!tpu.dma_semaphore, #tpu.memory_space<semaphore_mem>>)
      %scan3A_74 = arith.constant 0 : i32
      scf.yield %scan3A_74 : i32
    }
    %scan3A_10 = arith.constant 125 : i32
    %add3A_11 = arith.constant 19840 : i32
    %add3A_12 = arith.addi %mul3A_2, %add3A_11 : i32
    %dma_wait3A = arith.constant 0 : i32
    %dma_wait3A_13 = tpu.memref_slice %arg4[%add3A_12, %dma_wait3A] : memref<640000x16xf32, #tpu.memory_space<hbm>> -> memref<80x16xf32, #tpu.memory_space<hbm>>
    %dma_wait3A_14 = arith.constant 0 : i32
    %dma_wait3A_15 = tpu.memref_slice %arg4[%add3A_12, %dma_wait3A_14] : memref<640000x16xf32, #tpu.memory_space<hbm>> -> memref<80x16xf32, #tpu.memory_space<hbm>>
    tpu.wait_dma2 semaphore(%arg8 : memref<!tpu.dma_semaphore, #tpu.memory_space<semaphore_mem>>) src(%arg6 : memref<80x16xf32, #tpu.memory_space<vmem>>) dst(%dma_wait3A_15 : memref<80x16xf32, #tpu.memory_space<hbm>>)
    %add3A_16 = arith.constant 19920 : i32
    %add3A_17 = arith.addi %mul3A_2, %add3A_16 : i32
    %dma_wait3A_18 = arith.constant 0 : i32
    %dma_wait3A_19 = tpu.memref_slice %arg4[%add3A_17, %dma_wait3A_18] : memref<640000x16xf32, #tpu.memory_space<hbm>> -> memref<80x16xf32, #tpu.memory_space<hbm>>
    %dma_wait3A_20 = arith.constant 0 : i32
    %dma_wait3A_21 = tpu.memref_slice %arg4[%add3A_17, %dma_wait3A_20] : memref<640000x16xf32, #tpu.memory_space<hbm>> -> memref<80x16xf32, #tpu.memory_space<hbm>>
    tpu.wait_dma2 semaphore(%arg9 : memref<!tpu.dma_semaphore, #tpu.memory_space<semaphore_mem>>) src(%arg7 : memref<80x16xf32, #tpu.memory_space<vmem>>) dst(%dma_wait3A_21 : memref<80x16xf32, #tpu.memory_space<hbm>>)
    return
  }
}

#map = affine_map<(d0, d1) -> (0, 0)>
module attributes {stable_mosaic.version = 14 : i64} {
  func.func @k(%arg0: i32, %arg1: i32, %arg2: memref<10000x32xf32, #tpu.memory_space<hbm>>, %arg3: memref<4000x80xi32, #tpu.memory_space<hbm>>, %arg4: memref<320000x32xf32, #tpu.memory_space<hbm>>, %arg5: memref<125x80xi32, #tpu.memory_space<vmem>>, %arg6: memref<80x32xf32, #tpu.memory_space<vmem>>, %arg7: memref<80x32xf32, #tpu.memory_space<vmem>>, %arg8: memref<!tpu.dma_semaphore, #tpu.memory_space<semaphore_mem>>, %arg9: memref<!tpu.dma_semaphore, #tpu.memory_space<semaphore_mem>>, %arg10: memref<!tpu.dma_semaphore, #tpu.memory_space<semaphore_mem>>) attributes {dimension_semantics = [#tpu.dimension_semantics<core_parallel>, #tpu.dimension_semantics<subcore_parallel>], iteration_bounds = array<i64: 2, 16>, scalar_prefetch = 0 : i64, scratch_operands = 6 : i64, tpu.core_type = #tpu.core_type<sc_vector_subcore>, window_params = [{transform_indices = #map}, {transform_indices = #map}, {transform_indices = #map}]} {
    %mul3A = arith.constant 2 : i32
    %mul3A_0 = arith.muli %arg1, %mul3A : i32
    %add3A = arith.addi %mul3A_0, %arg0 : i32
    %mul3A_1 = arith.constant 10000 : i32
    %mul3A_2 = arith.muli %add3A, %mul3A_1 : i32
    %mul3A_3 = arith.constant 125 : i32
    %mul3A_4 = arith.muli %add3A, %mul3A_3 : i32
    "tpu.region"() ({
      %run_scoped3A = tpu.sem_alloc : memref<!tpu.dma_semaphore, #tpu.memory_space<semaphore_mem>>
      %dma_start3A_47 = arith.constant 0 : i32
      %dma_start3A_48 = tpu.memref_slice %arg3[%mul3A_4, %dma_start3A_47] : memref<4000x80xi32, #tpu.memory_space<hbm>> -> memref<125x80xi32, #tpu.memory_space<hbm>>
      %dma_start3A_49 = arith.constant 0 : i32
      %dma_start3A_50 = tpu.memref_slice %arg3[%mul3A_4, %dma_start3A_49] : memref<4000x80xi32, #tpu.memory_space<hbm>> -> memref<125x80xi32, #tpu.memory_space<hbm>>
      tpu.enqueue_dma source(%dma_start3A_50 : memref<125x80xi32, #tpu.memory_space<hbm>>) target(%arg5 : memref<125x80xi32, #tpu.memory_space<vmem>>) target_semaphore(%run_scoped3A : memref<!tpu.dma_semaphore, #tpu.memory_space<semaphore_mem>>)
      %dma_wait3A_51 = arith.constant 0 : i32
      %dma_wait3A_52 = tpu.memref_slice %arg3[%mul3A_4, %dma_wait3A_51] : memref<4000x80xi32, #tpu.memory_space<hbm>> -> memref<125x80xi32, #tpu.memory_space<hbm>>
      %dma_wait3A_53 = arith.constant 0 : i32
      %dma_wait3A_54 = tpu.memref_slice %arg3[%mul3A_4, %dma_wait3A_53] : memref<4000x80xi32, #tpu.memory_space<hbm>> -> memref<125x80xi32, #tpu.memory_space<hbm>>
      tpu.wait_dma2 semaphore(%run_scoped3A : memref<!tpu.dma_semaphore, #tpu.memory_space<semaphore_mem>>) src(%dma_wait3A_54 : memref<125x80xi32, #tpu.memory_space<hbm>>) dst(%arg5 : memref<125x80xi32, #tpu.memory_space<vmem>>)
      tpu.yield
    }) : () -> ()
    %scan3A = arith.constant 0 : i32
    %scan3A_5 = arith.constant 0 : i32
    %scan3A_6 = arith.constant 62 : i32
    %scan3A_7 = arith.addi %scan3A_5, %scan3A_6 : i32
    %scan3A_8 = arith.constant 1 : i32
    %scan3A_9 = scf.for %scan3A_47 = %scan3A_5 to %scan3A_7 step %scan3A_8 iter_args(%scan3A_48 = %scan3A) -> (i32)  : i32 {
      %mul3A_49 = arith.constant 2 : i32
      %mul3A_50 = arith.muli %scan3A_47, %mul3A_49 : i32
      %add3A_51 = arith.constant 0 : i32
      %add3A_52 = arith.addi %mul3A_50, %add3A_51 : i32
      %ge3A = arith.constant 2 : i32
      %ge3A_53 = arith.cmpi sge, %add3A_52, %ge3A : i32
      %convert_element_type3A = arith.extui %ge3A_53 : i1 to i32
      %cond3A = arith.constant 0 : i32
      %cond3A_54 = arith.cmpi ne, %convert_element_type3A, %cond3A : i32
      scf.if %cond3A_54 {
        %sub3A = arith.constant 2 : i32
        %sub3A_101 = arith.subi %add3A_52, %sub3A : i32
        %mul3A_102 = arith.constant 80 : i32
        %mul3A_103 = arith.muli %sub3A_101, %mul3A_102 : i32
        %add3A_104 = arith.addi %mul3A_2, %mul3A_103 : i32
        %dma_wait3A_105 = arith.constant 0 : i32
        %dma_wait3A_106 = tpu.memref_slice %arg4[%add3A_104, %dma_wait3A_105] : memref<320000x32xf32, #tpu.memory_space<hbm>> -> memref<80x32xf32, #tpu.memory_space<hbm>>
        %dma_wait3A_107 = arith.constant 0 : i32
        %dma_wait3A_108 = tpu.memref_slice %arg4[%add3A_104, %dma_wait3A_107] : memref<320000x32xf32, #tpu.memory_space<hbm>> -> memref<80x32xf32, #tpu.memory_space<hbm>>
        tpu.wait_dma2 semaphore(%arg8 : memref<!tpu.dma_semaphore, #tpu.memory_space<semaphore_mem>>) src(%arg6 : memref<80x32xf32, #tpu.memory_space<vmem>>) dst(%dma_wait3A_108 : memref<80x32xf32, #tpu.memory_space<hbm>>)
      } else {
      }
      %dma_start3A_55 = arith.constant 0 : i32
      %dma_start3A_56 = tpu.memref_slice %arg5[%add3A_52, %dma_start3A_55] : memref<125x80xi32, #tpu.memory_space<vmem>> -> memref<1x80xi32, #tpu.memory_space<vmem>>
      %dma_start3A_57 = tpu.memref_squeeze %dma_start3A_56 : memref<1x80xi32, #tpu.memory_space<vmem>> -> memref<80xi32, #tpu.memory_space<vmem>>
      %dma_start3A_58 = arith.constant 0 : i32
      %dma_start3A_59 = arith.constant 0 : i32
      %dma_start3A_60 = tpu.memref_slice %arg2[%dma_start3A_58, %dma_start3A_59] : memref<10000x32xf32, #tpu.memory_space<hbm>> -> memref<10000x32xf32, #tpu.memory_space<hbm>>
      tpu.enqueue_indirect_dma source(%dma_start3A_60 : memref<10000x32xf32, #tpu.memory_space<hbm>>) target(%arg6 : memref<80x32xf32, #tpu.memory_space<vmem>>) offsets(%dma_start3A_57 : memref<80xi32, #tpu.memory_space<vmem>>) semaphore(%arg10 : memref<!tpu.dma_semaphore, #tpu.memory_space<semaphore_mem>>)
      %dma_wait3A_61 = arith.constant 0 : i32
      %dma_wait3A_62 = tpu.memref_slice %arg5[%add3A_52, %dma_wait3A_61] : memref<125x80xi32, #tpu.memory_space<vmem>> -> memref<1x80xi32, #tpu.memory_space<vmem>>
      %dma_wait3A_63 = tpu.memref_squeeze %dma_wait3A_62 : memref<1x80xi32, #tpu.memory_space<vmem>> -> memref<80xi32, #tpu.memory_space<vmem>>
      %dma_wait3A_64 = arith.constant 0 : i32
      %dma_wait3A_65 = arith.constant 0 : i32
      %dma_wait3A_66 = tpu.memref_slice %arg2[%dma_wait3A_64, %dma_wait3A_65] : memref<10000x32xf32, #tpu.memory_space<hbm>> -> memref<10000x32xf32, #tpu.memory_space<hbm>>
      tpu.wait_indirect_dma semaphore(%arg10 : memref<!tpu.dma_semaphore, #tpu.memory_space<semaphore_mem>>) src(%dma_wait3A_66 : memref<10000x32xf32, #tpu.memory_space<hbm>>) dst(%arg6 : memref<80x32xf32, #tpu.memory_space<vmem>>)
      %mul3A_67 = arith.constant 80 : i32
      %mul3A_68 = arith.muli %add3A_52, %mul3A_67 : i32
      %add3A_69 = arith.addi %mul3A_2, %mul3A_68 : i32
      %dma_start3A_70 = arith.constant 0 : i32
      %dma_start3A_71 = tpu.memref_slice %arg4[%add3A_69, %dma_start3A_70] : memref<320000x32xf32, #tpu.memory_space<hbm>> -> memref<80x32xf32, #tpu.memory_space<hbm>>
      %dma_start3A_72 = arith.constant 0 : i32
      %dma_start3A_73 = tpu.memref_slice %arg4[%add3A_69, %dma_start3A_72] : memref<320000x32xf32, #tpu.memory_space<hbm>> -> memref<80x32xf32, #tpu.memory_space<hbm>>
      tpu.enqueue_dma source(%arg6 : memref<80x32xf32, #tpu.memory_space<vmem>>) target(%dma_start3A_73 : memref<80x32xf32, #tpu.memory_space<hbm>>) target_semaphore(%arg8 : memref<!tpu.dma_semaphore, #tpu.memory_space<semaphore_mem>>)
      %add3A_74 = arith.constant 1 : i32
      %add3A_75 = arith.addi %mul3A_50, %add3A_74 : i32
      %ge3A_76 = arith.constant 2 : i32
      %ge3A_77 = arith.cmpi sge, %add3A_75, %ge3A_76 : i32
      %convert_element_type3A_78 = arith.extui %ge3A_77 : i1 to i32
      %cond3A_79 = arith.constant 0 : i32
      %cond3A_80 = arith.cmpi ne, %convert_element_type3A_78, %cond3A_79 : i32
      scf.if %cond3A_80 {
        %sub3A = arith.constant 2 : i32
        %sub3A_101 = arith.subi %add3A_75, %sub3A : i32
        %mul3A_102 = arith.constant 80 : i32
        %mul3A_103 = arith.muli %sub3A_101, %mul3A_102 : i32
        %add3A_104 = arith.addi %mul3A_2, %mul3A_103 : i32
        %dma_wait3A_105 = arith.constant 0 : i32
        %dma_wait3A_106 = tpu.memref_slice %arg4[%add3A_104, %dma_wait3A_105] : memref<320000x32xf32, #tpu.memory_space<hbm>> -> memref<80x32xf32, #tpu.memory_space<hbm>>
        %dma_wait3A_107 = arith.constant 0 : i32
        %dma_wait3A_108 = tpu.memref_slice %arg4[%add3A_104, %dma_wait3A_107] : memref<320000x32xf32, #tpu.memory_space<hbm>> -> memref<80x32xf32, #tpu.memory_space<hbm>>
        tpu.wait_dma2 semaphore(%arg9 : memref<!tpu.dma_semaphore, #tpu.memory_space<semaphore_mem>>) src(%arg7 : memref<80x32xf32, #tpu.memory_space<vmem>>) dst(%dma_wait3A_108 : memref<80x32xf32, #tpu.memory_space<hbm>>)
      } else {
      }
      %dma_start3A_81 = arith.constant 0 : i32
      %dma_start3A_82 = tpu.memref_slice %arg5[%add3A_75, %dma_start3A_81] : memref<125x80xi32, #tpu.memory_space<vmem>> -> memref<1x80xi32, #tpu.memory_space<vmem>>
      %dma_start3A_83 = tpu.memref_squeeze %dma_start3A_82 : memref<1x80xi32, #tpu.memory_space<vmem>> -> memref<80xi32, #tpu.memory_space<vmem>>
      %dma_start3A_84 = arith.constant 0 : i32
      %dma_start3A_85 = arith.constant 0 : i32
      %dma_start3A_86 = tpu.memref_slice %arg2[%dma_start3A_84, %dma_start3A_85] : memref<10000x32xf32, #tpu.memory_space<hbm>> -> memref<10000x32xf32, #tpu.memory_space<hbm>>
      tpu.enqueue_indirect_dma source(%dma_start3A_86 : memref<10000x32xf32, #tpu.memory_space<hbm>>) target(%arg7 : memref<80x32xf32, #tpu.memory_space<vmem>>) offsets(%dma_start3A_83 : memref<80xi32, #tpu.memory_space<vmem>>) semaphore(%arg10 : memref<!tpu.dma_semaphore, #tpu.memory_space<semaphore_mem>>)
      %dma_wait3A_87 = arith.constant 0 : i32
      %dma_wait3A_88 = tpu.memref_slice %arg5[%add3A_75, %dma_wait3A_87] : memref<125x80xi32, #tpu.memory_space<vmem>> -> memref<1x80xi32, #tpu.memory_space<vmem>>
      %dma_wait3A_89 = tpu.memref_squeeze %dma_wait3A_88 : memref<1x80xi32, #tpu.memory_space<vmem>> -> memref<80xi32, #tpu.memory_space<vmem>>
      %dma_wait3A_90 = arith.constant 0 : i32
      %dma_wait3A_91 = arith.constant 0 : i32
      %dma_wait3A_92 = tpu.memref_slice %arg2[%dma_wait3A_90, %dma_wait3A_91] : memref<10000x32xf32, #tpu.memory_space<hbm>> -> memref<10000x32xf32, #tpu.memory_space<hbm>>
      tpu.wait_indirect_dma semaphore(%arg10 : memref<!tpu.dma_semaphore, #tpu.memory_space<semaphore_mem>>) src(%dma_wait3A_92 : memref<10000x32xf32, #tpu.memory_space<hbm>>) dst(%arg7 : memref<80x32xf32, #tpu.memory_space<vmem>>)
      %mul3A_93 = arith.constant 80 : i32
      %mul3A_94 = arith.muli %add3A_75, %mul3A_93 : i32
      %add3A_95 = arith.addi %mul3A_2, %mul3A_94 : i32
      %dma_start3A_96 = arith.constant 0 : i32
      %dma_start3A_97 = tpu.memref_slice %arg4[%add3A_95, %dma_start3A_96] : memref<320000x32xf32, #tpu.memory_space<hbm>> -> memref<80x32xf32, #tpu.memory_space<hbm>>
      %dma_start3A_98 = arith.constant 0 : i32
      %dma_start3A_99 = tpu.memref_slice %arg4[%add3A_95, %dma_start3A_98] : memref<320000x32xf32, #tpu.memory_space<hbm>> -> memref<80x32xf32, #tpu.memory_space<hbm>>
      tpu.enqueue_dma source(%arg7 : memref<80x32xf32, #tpu.memory_space<vmem>>) target(%dma_start3A_99 : memref<80x32xf32, #tpu.memory_space<hbm>>) target_semaphore(%arg9 : memref<!tpu.dma_semaphore, #tpu.memory_space<semaphore_mem>>)
      %scan3A_100 = arith.constant 0 : i32
      scf.yield %scan3A_100 : i32
    }
    %scan3A_10 = arith.constant 62 : i32
    %add3A_11 = arith.constant 9760 : i32
    %add3A_12 = arith.addi %mul3A_2, %add3A_11 : i32
    %dma_wait3A = arith.constant 0 : i32
    %dma_wait3A_13 = tpu.memref_slice %arg4[%add3A_12, %dma_wait3A] : memref<320000x32xf32, #tpu.memory_space<hbm>> -> memref<80x32xf32, #tpu.memory_space<hbm>>
    %dma_wait3A_14 = arith.constant 0 : i32
    %dma_wait3A_15 = tpu.memref_slice %arg4[%add3A_12, %dma_wait3A_14] : memref<320000x32xf32, #tpu.memory_space<hbm>> -> memref<80x32xf32, #tpu.memory_space<hbm>>
    tpu.wait_dma2 semaphore(%arg8 : memref<!tpu.dma_semaphore, #tpu.memory_space<semaphore_mem>>) src(%arg6 : memref<80x32xf32, #tpu.memory_space<vmem>>) dst(%dma_wait3A_15 : memref<80x32xf32, #tpu.memory_space<hbm>>)
    %dma_start3A = arith.constant 124 : i32
    %dma_start3A_16 = arith.constant 0 : i32
    %dma_start3A_17 = tpu.memref_slice %arg5[%dma_start3A, %dma_start3A_16] : memref<125x80xi32, #tpu.memory_space<vmem>> -> memref<1x80xi32, #tpu.memory_space<vmem>>
    %dma_start3A_18 = tpu.memref_squeeze %dma_start3A_17 : memref<1x80xi32, #tpu.memory_space<vmem>> -> memref<80xi32, #tpu.memory_space<vmem>>
    %dma_start3A_19 = arith.constant 0 : i32
    %dma_start3A_20 = arith.constant 0 : i32
    %dma_start3A_21 = tpu.memref_slice %arg2[%dma_start3A_19, %dma_start3A_20] : memref<10000x32xf32, #tpu.memory_space<hbm>> -> memref<10000x32xf32, #tpu.memory_space<hbm>>
    tpu.enqueue_indirect_dma source(%dma_start3A_21 : memref<10000x32xf32, #tpu.memory_space<hbm>>) target(%arg6 : memref<80x32xf32, #tpu.memory_space<vmem>>) offsets(%dma_start3A_18 : memref<80xi32, #tpu.memory_space<vmem>>) semaphore(%arg10 : memref<!tpu.dma_semaphore, #tpu.memory_space<semaphore_mem>>)
    %dma_wait3A_22 = arith.constant 124 : i32
    %dma_wait3A_23 = arith.constant 0 : i32
    %dma_wait3A_24 = tpu.memref_slice %arg5[%dma_wait3A_22, %dma_wait3A_23] : memref<125x80xi32, #tpu.memory_space<vmem>> -> memref<1x80xi32, #tpu.memory_space<vmem>>
    %dma_wait3A_25 = tpu.memref_squeeze %dma_wait3A_24 : memref<1x80xi32, #tpu.memory_space<vmem>> -> memref<80xi32, #tpu.memory_space<vmem>>
    %dma_wait3A_26 = arith.constant 0 : i32
    %dma_wait3A_27 = arith.constant 0 : i32
    %dma_wait3A_28 = tpu.memref_slice %arg2[%dma_wait3A_26, %dma_wait3A_27] : memref<10000x32xf32, #tpu.memory_space<hbm>> -> memref<10000x32xf32, #tpu.memory_space<hbm>>
    tpu.wait_indirect_dma semaphore(%arg10 : memref<!tpu.dma_semaphore, #tpu.memory_space<semaphore_mem>>) src(%dma_wait3A_28 : memref<10000x32xf32, #tpu.memory_space<hbm>>) dst(%arg6 : memref<80x32xf32, #tpu.memory_space<vmem>>)
    %add3A_29 = arith.constant 9920 : i32
    %add3A_30 = arith.addi %mul3A_2, %add3A_29 : i32
    %dma_start3A_31 = arith.constant 0 : i32
    %dma_start3A_32 = tpu.memref_slice %arg4[%add3A_30, %dma_start3A_31] : memref<320000x32xf32, #tpu.memory_space<hbm>> -> memref<80x32xf32, #tpu.memory_space<hbm>>
    %dma_start3A_33 = arith.constant 0 : i32
    %dma_start3A_34 = tpu.memref_slice %arg4[%add3A_30, %dma_start3A_33] : memref<320000x32xf32, #tpu.memory_space<hbm>> -> memref<80x32xf32, #tpu.memory_space<hbm>>
    tpu.enqueue_dma source(%arg6 : memref<80x32xf32, #tpu.memory_space<vmem>>) target(%dma_start3A_34 : memref<80x32xf32, #tpu.memory_space<hbm>>) target_semaphore(%arg8 : memref<!tpu.dma_semaphore, #tpu.memory_space<semaphore_mem>>)
    %add3A_35 = arith.constant 9840 : i32
    %add3A_36 = arith.addi %mul3A_2, %add3A_35 : i32
    %dma_wait3A_37 = arith.constant 0 : i32
    %dma_wait3A_38 = tpu.memref_slice %arg4[%add3A_36, %dma_wait3A_37] : memref<320000x32xf32, #tpu.memory_space<hbm>> -> memref<80x32xf32, #tpu.memory_space<hbm>>
    %dma_wait3A_39 = arith.constant 0 : i32
    %dma_wait3A_40 = tpu.memref_slice %arg4[%add3A_36, %dma_wait3A_39] : memref<320000x32xf32, #tpu.memory_space<hbm>> -> memref<80x32xf32, #tpu.memory_space<hbm>>
    tpu.wait_dma2 semaphore(%arg9 : memref<!tpu.dma_semaphore, #tpu.memory_space<semaphore_mem>>) src(%arg7 : memref<80x32xf32, #tpu.memory_space<vmem>>) dst(%dma_wait3A_40 : memref<80x32xf32, #tpu.memory_space<hbm>>)
    %add3A_41 = arith.constant 9920 : i32
    %add3A_42 = arith.addi %mul3A_2, %add3A_41 : i32
    %dma_wait3A_43 = arith.constant 0 : i32
    %dma_wait3A_44 = tpu.memref_slice %arg4[%add3A_42, %dma_wait3A_43] : memref<320000x32xf32, #tpu.memory_space<hbm>> -> memref<80x32xf32, #tpu.memory_space<hbm>>
    %dma_wait3A_45 = arith.constant 0 : i32
    %dma_wait3A_46 = tpu.memref_slice %arg4[%add3A_42, %dma_wait3A_45] : memref<320000x32xf32, #tpu.memory_space<hbm>> -> memref<80x32xf32, #tpu.memory_space<hbm>>
    tpu.wait_dma2 semaphore(%arg8 : memref<!tpu.dma_semaphore, #tpu.memory_space<semaphore_mem>>) src(%arg6 : memref<80x32xf32, #tpu.memory_space<vmem>>) dst(%dma_wait3A_46 : memref<80x32xf32, #tpu.memory_space<hbm>>)
    return
  }
}

#map = affine_map<(d0, d1) -> (0, 0)>
#map1 = affine_map<(d0, d1) -> (0, 0, 0)>
module attributes {stable_mosaic.version = 14 : i64} {
  func.func @k(%arg0: i32, %arg1: i32, %arg2: memref<320000x512xf32, #tpu.memory_space<hbm>>, %arg3: memref<4000x80xi32, #tpu.memory_space<hbm>>, %arg4: memref<80x128xf32, #tpu.memory_space<hbm>>, %arg5: memref<4x10000x128xf32, #tpu.memory_space<hbm>>, %arg6: memref<250x80xi32, #tpu.memory_space<vmem>>, %arg7: memref<80x128xf32, #tpu.memory_space<vmem>>, %arg8: memref<80x128xf32, #tpu.memory_space<vmem>>, %arg9: memref<10000x128xf32, #tpu.memory_space<vmem_shared>>, %arg10: memref<!tpu.dma_semaphore, #tpu.memory_space<semaphore_mem>>, %arg11: memref<!tpu.dma_semaphore, #tpu.memory_space<semaphore_mem>>) attributes {dimension_semantics = [#tpu.dimension_semantics<core_parallel>, #tpu.dimension_semantics<subcore_parallel>], iteration_bounds = array<i64: 2, 16>, scalar_prefetch = 0 : i64, scratch_operands = 6 : i64, tpu.core_type = #tpu.core_type<sc_vector_subcore>, window_params = [{transform_indices = #map}, {transform_indices = #map}, {transform_indices = #map}, {transform_indices = #map1}]} {
    %mul3A = arith.constant 20000 : i32
    %mul3A_0 = arith.muli %arg1, %mul3A : i32
    %mul3A_1 = arith.constant 625 : i32
    %mul3A_2 = arith.muli %arg1, %mul3A_1 : i32
    %mul3A_3 = arith.constant 250 : i32
    %mul3A_4 = arith.muli %arg1, %mul3A_3 : i32
    "tpu.region"() ({
      %run_scoped3A = tpu.sem_alloc : memref<!tpu.dma_semaphore, #tpu.memory_space<semaphore_mem>>
      %dma_start3A_79 = arith.constant 0 : i32
      %dma_start3A_80 = tpu.memref_slice %arg3[%mul3A_4, %dma_start3A_79] : memref<4000x80xi32, #tpu.memory_space<hbm>> -> memref<250x80xi32, #tpu.memory_space<hbm>>
      %dma_start3A_81 = arith.constant 0 : i32
      %dma_start3A_82 = tpu.memref_slice %arg3[%mul3A_4, %dma_start3A_81] : memref<4000x80xi32, #tpu.memory_space<hbm>> -> memref<250x80xi32, #tpu.memory_space<hbm>>
      tpu.enqueue_dma source(%dma_start3A_82 : memref<250x80xi32, #tpu.memory_space<hbm>>) target(%arg6 : memref<250x80xi32, #tpu.memory_space<vmem>>) target_semaphore(%run_scoped3A : memref<!tpu.dma_semaphore, #tpu.memory_space<semaphore_mem>>)
      %dma_wait3A = arith.constant 0 : i32
      %dma_wait3A_83 = tpu.memref_slice %arg3[%mul3A_4, %dma_wait3A] : memref<4000x80xi32, #tpu.memory_space<hbm>> -> memref<250x80xi32, #tpu.memory_space<hbm>>
      %dma_wait3A_84 = arith.constant 0 : i32
      %dma_wait3A_85 = tpu.memref_slice %arg3[%mul3A_4, %dma_wait3A_84] : memref<4000x80xi32, #tpu.memory_space<hbm>> -> memref<250x80xi32, #tpu.memory_space<hbm>>
      tpu.wait_dma2 semaphore(%run_scoped3A : memref<!tpu.dma_semaphore, #tpu.memory_space<semaphore_mem>>) src(%dma_wait3A_85 : memref<250x80xi32, #tpu.memory_space<hbm>>) dst(%arg6 : memref<250x80xi32, #tpu.memory_space<vmem>>)
      tpu.yield
    }) : () -> ()
    "tpu.region"() ({
      %run_scoped3A = tpu.sem_alloc : memref<!tpu.dma_semaphore, #tpu.memory_space<semaphore_mem>>
      tpu.enqueue_dma source(%arg4 : memref<80x128xf32, #tpu.memory_space<hbm>>) target(%arg7 : memref<80x128xf32, #tpu.memory_space<vmem>>) target_semaphore(%run_scoped3A : memref<!tpu.dma_semaphore, #tpu.memory_space<semaphore_mem>>)
      tpu.wait_dma2 semaphore(%run_scoped3A : memref<!tpu.dma_semaphore, #tpu.memory_space<semaphore_mem>>) src(%arg4 : memref<80x128xf32, #tpu.memory_space<hbm>>) dst(%arg7 : memref<80x128xf32, #tpu.memory_space<vmem>>)
      tpu.yield
    }) : () -> ()
    %add3A = arith.constant 0 : i32
    %add3A_5 = arith.addi %mul3A_2, %add3A : i32
    "tpu.region"() ({
      %run_scoped3A = tpu.sem_alloc : memref<!tpu.dma_semaphore, #tpu.memory_space<semaphore_mem>>
      %dma_start3A_79 = arith.constant 0 : i32
      %dma_start3A_80 = tpu.memref_slice %arg9[%add3A_5, %dma_start3A_79] : memref<10000x128xf32, #tpu.memory_space<vmem_shared>> -> memref<80x128xf32, #tpu.memory_space<vmem_shared>>
      %dma_start3A_81 = arith.constant 0 : i32
      %dma_start3A_82 = tpu.memref_slice %arg9[%add3A_5, %dma_start3A_81] : memref<10000x128xf32, #tpu.memory_space<vmem_shared>> -> memref<80x128xf32, #tpu.memory_space<vmem_shared>>
      tpu.enqueue_dma source(%arg7 : memref<80x128xf32, #tpu.memory_space<vmem>>) target(%dma_start3A_82 : memref<80x128xf32, #tpu.memory_space<vmem_shared>>) target_semaphore(%run_scoped3A : memref<!tpu.dma_semaphore, #tpu.memory_space<semaphore_mem>>)
      %dma_wait3A = arith.constant 0 : i32
      %dma_wait3A_83 = tpu.memref_slice %arg9[%add3A_5, %dma_wait3A] : memref<10000x128xf32, #tpu.memory_space<vmem_shared>> -> memref<80x128xf32, #tpu.memory_space<vmem_shared>>
      %dma_wait3A_84 = arith.constant 0 : i32
      %dma_wait3A_85 = tpu.memref_slice %arg9[%add3A_5, %dma_wait3A_84] : memref<10000x128xf32, #tpu.memory_space<vmem_shared>> -> memref<80x128xf32, #tpu.memory_space<vmem_shared>>
      tpu.wait_dma2 semaphore(%run_scoped3A : memref<!tpu.dma_semaphore, #tpu.memory_space<semaphore_mem>>) src(%arg7 : memref<80x128xf32, #tpu.memory_space<vmem>>) dst(%dma_wait3A_85 : memref<80x128xf32, #tpu.memory_space<vmem_shared>>)
      tpu.yield
    }) : () -> ()
    %add3A_6 = arith.constant 80 : i32
    %add3A_7 = arith.addi %mul3A_2, %add3A_6 : i32
    "tpu.region"() ({
      %run_scoped3A = tpu.sem_alloc : memref<!tpu.dma_semaphore, #tpu.memory_space<semaphore_mem>>
      %dma_start3A_79 = arith.constant 0 : i32
      %dma_start3A_80 = tpu.memref_slice %arg9[%add3A_7, %dma_start3A_79] : memref<10000x128xf32, #tpu.memory_space<vmem_shared>> -> memref<80x128xf32, #tpu.memory_space<vmem_shared>>
      %dma_start3A_81 = arith.constant 0 : i32
      %dma_start3A_82 = tpu.memref_slice %arg9[%add3A_7, %dma_start3A_81] : memref<10000x128xf32, #tpu.memory_space<vmem_shared>> -> memref<80x128xf32, #tpu.memory_space<vmem_shared>>
      tpu.enqueue_dma source(%arg7 : memref<80x128xf32, #tpu.memory_space<vmem>>) target(%dma_start3A_82 : memref<80x128xf32, #tpu.memory_space<vmem_shared>>) target_semaphore(%run_scoped3A : memref<!tpu.dma_semaphore, #tpu.memory_space<semaphore_mem>>)
      %dma_wait3A = arith.constant 0 : i32
      %dma_wait3A_83 = tpu.memref_slice %arg9[%add3A_7, %dma_wait3A] : memref<10000x128xf32, #tpu.memory_space<vmem_shared>> -> memref<80x128xf32, #tpu.memory_space<vmem_shared>>
      %dma_wait3A_84 = arith.constant 0 : i32
      %dma_wait3A_85 = tpu.memref_slice %arg9[%add3A_7, %dma_wait3A_84] : memref<10000x128xf32, #tpu.memory_space<vmem_shared>> -> memref<80x128xf32, #tpu.memory_space<vmem_shared>>
      tpu.wait_dma2 semaphore(%run_scoped3A : memref<!tpu.dma_semaphore, #tpu.memory_space<semaphore_mem>>) src(%arg7 : memref<80x128xf32, #tpu.memory_space<vmem>>) dst(%dma_wait3A_85 : memref<80x128xf32, #tpu.memory_space<vmem_shared>>)
      tpu.yield
    }) : () -> ()
    %add3A_8 = arith.constant 160 : i32
    %add3A_9 = arith.addi %mul3A_2, %add3A_8 : i32
    "tpu.region"() ({
      %run_scoped3A = tpu.sem_alloc : memref<!tpu.dma_semaphore, #tpu.memory_space<semaphore_mem>>
      %dma_start3A_79 = arith.constant 0 : i32
      %dma_start3A_80 = tpu.memref_slice %arg9[%add3A_9, %dma_start3A_79] : memref<10000x128xf32, #tpu.memory_space<vmem_shared>> -> memref<80x128xf32, #tpu.memory_space<vmem_shared>>
      %dma_start3A_81 = arith.constant 0 : i32
      %dma_start3A_82 = tpu.memref_slice %arg9[%add3A_9, %dma_start3A_81] : memref<10000x128xf32, #tpu.memory_space<vmem_shared>> -> memref<80x128xf32, #tpu.memory_space<vmem_shared>>
      tpu.enqueue_dma source(%arg7 : memref<80x128xf32, #tpu.memory_space<vmem>>) target(%dma_start3A_82 : memref<80x128xf32, #tpu.memory_space<vmem_shared>>) target_semaphore(%run_scoped3A : memref<!tpu.dma_semaphore, #tpu.memory_space<semaphore_mem>>)
      %dma_wait3A = arith.constant 0 : i32
      %dma_wait3A_83 = tpu.memref_slice %arg9[%add3A_9, %dma_wait3A] : memref<10000x128xf32, #tpu.memory_space<vmem_shared>> -> memref<80x128xf32, #tpu.memory_space<vmem_shared>>
      %dma_wait3A_84 = arith.constant 0 : i32
      %dma_wait3A_85 = tpu.memref_slice %arg9[%add3A_9, %dma_wait3A_84] : memref<10000x128xf32, #tpu.memory_space<vmem_shared>> -> memref<80x128xf32, #tpu.memory_space<vmem_shared>>
      tpu.wait_dma2 semaphore(%run_scoped3A : memref<!tpu.dma_semaphore, #tpu.memory_space<semaphore_mem>>) src(%arg7 : memref<80x128xf32, #tpu.memory_space<vmem>>) dst(%dma_wait3A_85 : memref<80x128xf32, #tpu.memory_space<vmem_shared>>)
      tpu.yield
    }) : () -> ()
    %add3A_10 = arith.constant 240 : i32
    %add3A_11 = arith.addi %mul3A_2, %add3A_10 : i32
    "tpu.region"() ({
      %run_scoped3A = tpu.sem_alloc : memref<!tpu.dma_semaphore, #tpu.memory_space<semaphore_mem>>
      %dma_start3A_79 = arith.constant 0 : i32
      %dma_start3A_80 = tpu.memref_slice %arg9[%add3A_11, %dma_start3A_79] : memref<10000x128xf32, #tpu.memory_space<vmem_shared>> -> memref<80x128xf32, #tpu.memory_space<vmem_shared>>
      %dma_start3A_81 = arith.constant 0 : i32
      %dma_start3A_82 = tpu.memref_slice %arg9[%add3A_11, %dma_start3A_81] : memref<10000x128xf32, #tpu.memory_space<vmem_shared>> -> memref<80x128xf32, #tpu.memory_space<vmem_shared>>
      tpu.enqueue_dma source(%arg7 : memref<80x128xf32, #tpu.memory_space<vmem>>) target(%dma_start3A_82 : memref<80x128xf32, #tpu.memory_space<vmem_shared>>) target_semaphore(%run_scoped3A : memref<!tpu.dma_semaphore, #tpu.memory_space<semaphore_mem>>)
      %dma_wait3A = arith.constant 0 : i32
      %dma_wait3A_83 = tpu.memref_slice %arg9[%add3A_11, %dma_wait3A] : memref<10000x128xf32, #tpu.memory_space<vmem_shared>> -> memref<80x128xf32, #tpu.memory_space<vmem_shared>>
      %dma_wait3A_84 = arith.constant 0 : i32
      %dma_wait3A_85 = tpu.memref_slice %arg9[%add3A_11, %dma_wait3A_84] : memref<10000x128xf32, #tpu.memory_space<vmem_shared>> -> memref<80x128xf32, #tpu.memory_space<vmem_shared>>
      tpu.wait_dma2 semaphore(%run_scoped3A : memref<!tpu.dma_semaphore, #tpu.memory_space<semaphore_mem>>) src(%arg7 : memref<80x128xf32, #tpu.memory_space<vmem>>) dst(%dma_wait3A_85 : memref<80x128xf32, #tpu.memory_space<vmem_shared>>)
      tpu.yield
    }) : () -> ()
    %add3A_12 = arith.constant 320 : i32
    %add3A_13 = arith.addi %mul3A_2, %add3A_12 : i32
    "tpu.region"() ({
      %run_scoped3A = tpu.sem_alloc : memref<!tpu.dma_semaphore, #tpu.memory_space<semaphore_mem>>
      %dma_start3A_79 = arith.constant 0 : i32
      %dma_start3A_80 = tpu.memref_slice %arg9[%add3A_13, %dma_start3A_79] : memref<10000x128xf32, #tpu.memory_space<vmem_shared>> -> memref<80x128xf32, #tpu.memory_space<vmem_shared>>
      %dma_start3A_81 = arith.constant 0 : i32
      %dma_start3A_82 = tpu.memref_slice %arg9[%add3A_13, %dma_start3A_81] : memref<10000x128xf32, #tpu.memory_space<vmem_shared>> -> memref<80x128xf32, #tpu.memory_space<vmem_shared>>
      tpu.enqueue_dma source(%arg7 : memref<80x128xf32, #tpu.memory_space<vmem>>) target(%dma_start3A_82 : memref<80x128xf32, #tpu.memory_space<vmem_shared>>) target_semaphore(%run_scoped3A : memref<!tpu.dma_semaphore, #tpu.memory_space<semaphore_mem>>)
      %dma_wait3A = arith.constant 0 : i32
      %dma_wait3A_83 = tpu.memref_slice %arg9[%add3A_13, %dma_wait3A] : memref<10000x128xf32, #tpu.memory_space<vmem_shared>> -> memref<80x128xf32, #tpu.memory_space<vmem_shared>>
      %dma_wait3A_84 = arith.constant 0 : i32
      %dma_wait3A_85 = tpu.memref_slice %arg9[%add3A_13, %dma_wait3A_84] : memref<10000x128xf32, #tpu.memory_space<vmem_shared>> -> memref<80x128xf32, #tpu.memory_space<vmem_shared>>
      tpu.wait_dma2 semaphore(%run_scoped3A : memref<!tpu.dma_semaphore, #tpu.memory_space<semaphore_mem>>) src(%arg7 : memref<80x128xf32, #tpu.memory_space<vmem>>) dst(%dma_wait3A_85 : memref<80x128xf32, #tpu.memory_space<vmem_shared>>)
      tpu.yield
    }) : () -> ()
    %add3A_14 = arith.constant 400 : i32
    %add3A_15 = arith.addi %mul3A_2, %add3A_14 : i32
    "tpu.region"() ({
      %run_scoped3A = tpu.sem_alloc : memref<!tpu.dma_semaphore, #tpu.memory_space<semaphore_mem>>
      %dma_start3A_79 = arith.constant 0 : i32
      %dma_start3A_80 = tpu.memref_slice %arg9[%add3A_15, %dma_start3A_79] : memref<10000x128xf32, #tpu.memory_space<vmem_shared>> -> memref<80x128xf32, #tpu.memory_space<vmem_shared>>
      %dma_start3A_81 = arith.constant 0 : i32
      %dma_start3A_82 = tpu.memref_slice %arg9[%add3A_15, %dma_start3A_81] : memref<10000x128xf32, #tpu.memory_space<vmem_shared>> -> memref<80x128xf32, #tpu.memory_space<vmem_shared>>
      tpu.enqueue_dma source(%arg7 : memref<80x128xf32, #tpu.memory_space<vmem>>) target(%dma_start3A_82 : memref<80x128xf32, #tpu.memory_space<vmem_shared>>) target_semaphore(%run_scoped3A : memref<!tpu.dma_semaphore, #tpu.memory_space<semaphore_mem>>)
      %dma_wait3A = arith.constant 0 : i32
      %dma_wait3A_83 = tpu.memref_slice %arg9[%add3A_15, %dma_wait3A] : memref<10000x128xf32, #tpu.memory_space<vmem_shared>> -> memref<80x128xf32, #tpu.memory_space<vmem_shared>>
      %dma_wait3A_84 = arith.constant 0 : i32
      %dma_wait3A_85 = tpu.memref_slice %arg9[%add3A_15, %dma_wait3A_84] : memref<10000x128xf32, #tpu.memory_space<vmem_shared>> -> memref<80x128xf32, #tpu.memory_space<vmem_shared>>
      tpu.wait_dma2 semaphore(%run_scoped3A : memref<!tpu.dma_semaphore, #tpu.memory_space<semaphore_mem>>) src(%arg7 : memref<80x128xf32, #tpu.memory_space<vmem>>) dst(%dma_wait3A_85 : memref<80x128xf32, #tpu.memory_space<vmem_shared>>)
      tpu.yield
    }) : () -> ()
    %add3A_16 = arith.constant 480 : i32
    %add3A_17 = arith.addi %mul3A_2, %add3A_16 : i32
    "tpu.region"() ({
      %run_scoped3A = tpu.sem_alloc : memref<!tpu.dma_semaphore, #tpu.memory_space<semaphore_mem>>
      %dma_start3A_79 = arith.constant 0 : i32
      %dma_start3A_80 = tpu.memref_slice %arg9[%add3A_17, %dma_start3A_79] : memref<10000x128xf32, #tpu.memory_space<vmem_shared>> -> memref<80x128xf32, #tpu.memory_space<vmem_shared>>
      %dma_start3A_81 = arith.constant 0 : i32
      %dma_start3A_82 = tpu.memref_slice %arg9[%add3A_17, %dma_start3A_81] : memref<10000x128xf32, #tpu.memory_space<vmem_shared>> -> memref<80x128xf32, #tpu.memory_space<vmem_shared>>
      tpu.enqueue_dma source(%arg7 : memref<80x128xf32, #tpu.memory_space<vmem>>) target(%dma_start3A_82 : memref<80x128xf32, #tpu.memory_space<vmem_shared>>) target_semaphore(%run_scoped3A : memref<!tpu.dma_semaphore, #tpu.memory_space<semaphore_mem>>)
      %dma_wait3A = arith.constant 0 : i32
      %dma_wait3A_83 = tpu.memref_slice %arg9[%add3A_17, %dma_wait3A] : memref<10000x128xf32, #tpu.memory_space<vmem_shared>> -> memref<80x128xf32, #tpu.memory_space<vmem_shared>>
      %dma_wait3A_84 = arith.constant 0 : i32
      %dma_wait3A_85 = tpu.memref_slice %arg9[%add3A_17, %dma_wait3A_84] : memref<10000x128xf32, #tpu.memory_space<vmem_shared>> -> memref<80x128xf32, #tpu.memory_space<vmem_shared>>
      tpu.wait_dma2 semaphore(%run_scoped3A : memref<!tpu.dma_semaphore, #tpu.memory_space<semaphore_mem>>) src(%arg7 : memref<80x128xf32, #tpu.memory_space<vmem>>) dst(%dma_wait3A_85 : memref<80x128xf32, #tpu.memory_space<vmem_shared>>)
      tpu.yield
    }) : () -> ()
    %add3A_18 = arith.constant 560 : i32
    %add3A_19 = arith.addi %mul3A_2, %add3A_18 : i32
    "tpu.region"() ({
      %run_scoped3A = tpu.sem_alloc : memref<!tpu.dma_semaphore, #tpu.memory_space<semaphore_mem>>
      %dma_start3A_79 = arith.constant 0 : i32
      %dma_start3A_80 = arith.constant 0 : i32
      %dma_start3A_81 = tpu.memref_slice %arg7[%dma_start3A_79, %dma_start3A_80] : memref<80x128xf32, #tpu.memory_space<vmem>> -> memref<65x128xf32, #tpu.memory_space<vmem>>
      %dma_start3A_82 = arith.constant 0 : i32
      %dma_start3A_83 = tpu.memref_slice %arg9[%add3A_19, %dma_start3A_82] : memref<10000x128xf32, #tpu.memory_space<vmem_shared>> -> memref<65x128xf32, #tpu.memory_space<vmem_shared>>
      %dma_start3A_84 = arith.constant 0 : i32
      %dma_start3A_85 = tpu.memref_slice %arg9[%add3A_19, %dma_start3A_84] : memref<10000x128xf32, #tpu.memory_space<vmem_shared>> -> memref<65x128xf32, #tpu.memory_space<vmem_shared>>
      %dma_start3A_86 = arith.constant 0 : i32
      %dma_start3A_87 = arith.constant 0 : i32
      %dma_start3A_88 = tpu.memref_slice %arg7[%dma_start3A_86, %dma_start3A_87] : memref<80x128xf32, #tpu.memory_space<vmem>> -> memref<65x128xf32, #tpu.memory_space<vmem>>
      tpu.enqueue_dma source(%dma_start3A_88 : memref<65x128xf32, #tpu.memory_space<vmem>>) target(%dma_start3A_85 : memref<65x128xf32, #tpu.memory_space<vmem_shared>>) target_semaphore(%run_scoped3A : memref<!tpu.dma_semaphore, #tpu.memory_space<semaphore_mem>>)
      %dma_wait3A = arith.constant 0 : i32
      %dma_wait3A_89 = arith.constant 0 : i32
      %dma_wait3A_90 = tpu.memref_slice %arg7[%dma_wait3A, %dma_wait3A_89] : memref<80x128xf32, #tpu.memory_space<vmem>> -> memref<65x128xf32, #tpu.memory_space<vmem>>
      %dma_wait3A_91 = arith.constant 0 : i32
      %dma_wait3A_92 = tpu.memref_slice %arg9[%add3A_19, %dma_wait3A_91] : memref<10000x128xf32, #tpu.memory_space<vmem_shared>> -> memref<65x128xf32, #tpu.memory_space<vmem_shared>>
      %dma_wait3A_93 = arith.constant 0 : i32
      %dma_wait3A_94 = tpu.memref_slice %arg9[%add3A_19, %dma_wait3A_93] : memref<10000x128xf32, #tpu.memory_space<vmem_shared>> -> memref<65x128xf32, #tpu.memory_space<vmem_shared>>
      %dma_wait3A_95 = arith.constant 0 : i32
      %dma_wait3A_96 = arith.constant 0 : i32
      %dma_wait3A_97 = tpu.memref_slice %arg7[%dma_wait3A_95, %dma_wait3A_96] : memref<80x128xf32, #tpu.memory_space<vmem>> -> memref<65x128xf32, #tpu.memory_space<vmem>>
      tpu.wait_dma2 semaphore(%run_scoped3A : memref<!tpu.dma_semaphore, #tpu.memory_space<semaphore_mem>>) src(%dma_wait3A_97 : memref<65x128xf32, #tpu.memory_space<vmem>>) dst(%dma_wait3A_94 : memref<65x128xf32, #tpu.memory_space<vmem_shared>>)
      tpu.yield
    }) : () -> ()
    %barrier3A = arith.constant 0 : index
    tpu.barrier barrier_id(%barrier3A)
    %mul3A_20 = arith.constant 2 : i32
    %mul3A_21 = arith.muli %arg0, %mul3A_20 : i32
    %add3A_22 = arith.constant 0 : i32
    %add3A_23 = arith.addi %mul3A_21, %add3A_22 : i32
    %mul3A_24 = arith.constant 128 : i32
    %mul3A_25 = arith.muli %add3A_23, %mul3A_24 : i32
    %add3A_26 = arith.constant 0 : i32
    %add3A_27 = arith.addi %mul3A_0, %add3A_26 : i32
    %dma_start3A = tpu.memref_slice %arg2[%add3A_27, %mul3A_25] : memref<320000x512xf32, #tpu.memory_space<hbm>> -> memref<80x128xf32, #tpu.memory_space<hbm>>
    %dma_start3A_28 = tpu.memref_slice %arg2[%add3A_27, %mul3A_25] : memref<320000x512xf32, #tpu.memory_space<hbm>> -> memref<80x128xf32, #tpu.memory_space<hbm>>
    tpu.enqueue_dma source(%dma_start3A_28 : memref<80x128xf32, #tpu.memory_space<hbm>>) target(%arg7 : memref<80x128xf32, #tpu.memory_space<vmem>>) target_semaphore(%arg10 : memref<!tpu.dma_semaphore, #tpu.memory_space<semaphore_mem>>)
    %add3A_29 = arith.constant 80 : i32
    %add3A_30 = arith.addi %mul3A_0, %add3A_29 : i32
    %dma_start3A_31 = tpu.memref_slice %arg2[%add3A_30, %mul3A_25] : memref<320000x512xf32, #tpu.memory_space<hbm>> -> memref<80x128xf32, #tpu.memory_space<hbm>>
    %dma_start3A_32 = tpu.memref_slice %arg2[%add3A_30, %mul3A_25] : memref<320000x512xf32, #tpu.memory_space<hbm>> -> memref<80x128xf32, #tpu.memory_space<hbm>>
    tpu.enqueue_dma source(%dma_start3A_32 : memref<80x128xf32, #tpu.memory_space<hbm>>) target(%arg8 : memref<80x128xf32, #tpu.memory_space<vmem>>) target_semaphore(%arg11 : memref<!tpu.dma_semaphore, #tpu.memory_space<semaphore_mem>>)
    %scan3A = arith.constant 0 : i32
    %scan3A_33 = arith.constant 0 : i32
    %scan3A_34 = arith.constant 125 : i32
    %scan3A_35 = arith.addi %scan3A_33, %scan3A_34 : i32
    %scan3A_36 = arith.constant 1 : i32
    %scan3A_37 = scf.for %scan3A_79 = %scan3A_33 to %scan3A_35 step %scan3A_36 iter_args(%scan3A_80 = %scan3A) -> (i32)  : i32 {
      %mul3A_81 = arith.constant 2 : i32
      %mul3A_82 = arith.muli %scan3A_79, %mul3A_81 : i32
      %add3A_83 = arith.constant 0 : i32
      %add3A_84 = arith.addi %mul3A_82, %add3A_83 : i32
      %mul3A_85 = arith.constant 80 : i32
      %mul3A_86 = arith.muli %add3A_84, %mul3A_85 : i32
      %add3A_87 = arith.addi %mul3A_0, %mul3A_86 : i32
      %dma_wait3A = tpu.memref_slice %arg2[%add3A_87, %mul3A_25] : memref<320000x512xf32, #tpu.memory_space<hbm>> -> memref<80x128xf32, #tpu.memory_space<hbm>>
      %dma_wait3A_88 = tpu.memref_slice %arg2[%add3A_87, %mul3A_25] : memref<320000x512xf32, #tpu.memory_space<hbm>> -> memref<80x128xf32, #tpu.memory_space<hbm>>
      tpu.wait_dma2 semaphore(%arg10 : memref<!tpu.dma_semaphore, #tpu.memory_space<semaphore_mem>>) src(%dma_wait3A_88 : memref<80x128xf32, #tpu.memory_space<hbm>>) dst(%arg7 : memref<80x128xf32, #tpu.memory_space<vmem>>)
      "tpu.region"() ({
        %run_scoped3A = tpu.sem_alloc : memref<!tpu.dma_semaphore, #tpu.memory_space<semaphore_mem>>
        %dma_start3A_108 = arith.constant 0 : i32
        %dma_start3A_109 = tpu.memref_slice %arg6[%add3A_84, %dma_start3A_108] : memref<250x80xi32, #tpu.memory_space<vmem>> -> memref<1x80xi32, #tpu.memory_space<vmem>>
        %dma_start3A_110 = tpu.memref_squeeze %dma_start3A_109 : memref<1x80xi32, #tpu.memory_space<vmem>> -> memref<80xi32, #tpu.memory_space<vmem>>
        %dma_start3A_111 = arith.constant 0 : i32
        %dma_start3A_112 = arith.constant 0 : i32
        %dma_start3A_113 = tpu.memref_slice %arg9[%dma_start3A_111, %dma_start3A_112] : memref<10000x128xf32, #tpu.memory_space<vmem_shared>> -> memref<10000x128xf32, #tpu.memory_space<vmem_shared>>
        tpu.enqueue_indirect_dma source(%arg7 : memref<80x128xf32, #tpu.memory_space<vmem>>) target(%dma_start3A_113 : memref<10000x128xf32, #tpu.memory_space<vmem_shared>>) offsets(%dma_start3A_110 : memref<80xi32, #tpu.memory_space<vmem>>) semaphore(%run_scoped3A : memref<!tpu.dma_semaphore, #tpu.memory_space<semaphore_mem>>) {add = true}
        %dma_wait3A_114 = arith.constant 0 : i32
        %dma_wait3A_115 = tpu.memref_slice %arg6[%add3A_84, %dma_wait3A_114] : memref<250x80xi32, #tpu.memory_space<vmem>> -> memref<1x80xi32, #tpu.memory_space<vmem>>
        %dma_wait3A_116 = tpu.memref_squeeze %dma_wait3A_115 : memref<1x80xi32, #tpu.memory_space<vmem>> -> memref<80xi32, #tpu.memory_space<vmem>>
        %dma_wait3A_117 = arith.constant 0 : i32
        %dma_wait3A_118 = arith.constant 0 : i32
        %dma_wait3A_119 = tpu.memref_slice %arg9[%dma_wait3A_117, %dma_wait3A_118] : memref<10000x128xf32, #tpu.memory_space<vmem_shared>> -> memref<10000x128xf32, #tpu.memory_space<vmem_shared>>
        tpu.wait_indirect_dma semaphore(%run_scoped3A : memref<!tpu.dma_semaphore, #tpu.memory_space<semaphore_mem>>) src(%arg7 : memref<80x128xf32, #tpu.memory_space<vmem>>) dst(%dma_wait3A_119 : memref<10000x128xf32, #tpu.memory_space<vmem_shared>>)
        tpu.yield
      }) : () -> ()
      %add3A_89 = arith.constant 2 : i32
      %add3A_90 = arith.addi %add3A_84, %add3A_89 : i32
      %lt3A = arith.constant 250 : i32
      %lt3A_91 = arith.cmpi slt, %add3A_90, %lt3A : i32
      %convert_element_type3A = arith.extui %lt3A_91 : i1 to i32
      %cond3A = arith.constant 0 : i32
      %cond3A_92 = arith.cmpi ne, %convert_element_type3A, %cond3A : i32
      scf.if %cond3A_92 {
        %add3A_108 = arith.constant 2 : i32
        %add3A_109 = arith.addi %add3A_84, %add3A_108 : i32
        %mul3A_110 = arith.constant 80 : i32
        %mul3A_111 = arith.muli %add3A_109, %mul3A_110 : i32
        %add3A_112 = arith.addi %mul3A_0, %mul3A_111 : i32
        %dma_start3A_113 = tpu.memref_slice %arg2[%add3A_112, %mul3A_25] : memref<320000x512xf32, #tpu.memory_space<hbm>> -> memref<80x128xf32, #tpu.memory_space<hbm>>
        %dma_start3A_114 = tpu.memref_slice %arg2[%add3A_112, %mul3A_25] : memref<320000x512xf32, #tpu.memory_space<hbm>> -> memref<80x128xf32, #tpu.memory_space<hbm>>
        tpu.enqueue_dma source(%dma_start3A_114 : memref<80x128xf32, #tpu.memory_space<hbm>>) target(%arg7 : memref<80x128xf32, #tpu.memory_space<vmem>>) target_semaphore(%arg10 : memref<!tpu.dma_semaphore, #tpu.memory_space<semaphore_mem>>)
      } else {
      }
      %add3A_93 = arith.constant 1 : i32
      %add3A_94 = arith.addi %mul3A_82, %add3A_93 : i32
      %mul3A_95 = arith.constant 80 : i32
      %mul3A_96 = arith.muli %add3A_94, %mul3A_95 : i32
      %add3A_97 = arith.addi %mul3A_0, %mul3A_96 : i32
      %dma_wait3A_98 = tpu.memref_slice %arg2[%add3A_97, %mul3A_25] : memref<320000x512xf32, #tpu.memory_space<hbm>> -> memref<80x128xf32, #tpu.memory_space<hbm>>
      %dma_wait3A_99 = tpu.memref_slice %arg2[%add3A_97, %mul3A_25] : memref<320000x512xf32, #tpu.memory_space<hbm>> -> memref<80x128xf32, #tpu.memory_space<hbm>>
      tpu.wait_dma2 semaphore(%arg11 : memref<!tpu.dma_semaphore, #tpu.memory_space<semaphore_mem>>) src(%dma_wait3A_99 : memref<80x128xf32, #tpu.memory_space<hbm>>) dst(%arg8 : memref<80x128xf32, #tpu.memory_space<vmem>>)
      "tpu.region"() ({
        %run_scoped3A = tpu.sem_alloc : memref<!tpu.dma_semaphore, #tpu.memory_space<semaphore_mem>>
        %dma_start3A_108 = arith.constant 0 : i32
        %dma_start3A_109 = tpu.memref_slice %arg6[%add3A_94, %dma_start3A_108] : memref<250x80xi32, #tpu.memory_space<vmem>> -> memref<1x80xi32, #tpu.memory_space<vmem>>
        %dma_start3A_110 = tpu.memref_squeeze %dma_start3A_109 : memref<1x80xi32, #tpu.memory_space<vmem>> -> memref<80xi32, #tpu.memory_space<vmem>>
        %dma_start3A_111 = arith.constant 0 : i32
        %dma_start3A_112 = arith.constant 0 : i32
        %dma_start3A_113 = tpu.memref_slice %arg9[%dma_start3A_111, %dma_start3A_112] : memref<10000x128xf32, #tpu.memory_space<vmem_shared>> -> memref<10000x128xf32, #tpu.memory_space<vmem_shared>>
        tpu.enqueue_indirect_dma source(%arg8 : memref<80x128xf32, #tpu.memory_space<vmem>>) target(%dma_start3A_113 : memref<10000x128xf32, #tpu.memory_space<vmem_shared>>) offsets(%dma_start3A_110 : memref<80xi32, #tpu.memory_space<vmem>>) semaphore(%run_scoped3A : memref<!tpu.dma_semaphore, #tpu.memory_space<semaphore_mem>>) {add = true}
        %dma_wait3A_114 = arith.constant 0 : i32
        %dma_wait3A_115 = tpu.memref_slice %arg6[%add3A_94, %dma_wait3A_114] : memref<250x80xi32, #tpu.memory_space<vmem>> -> memref<1x80xi32, #tpu.memory_space<vmem>>
        %dma_wait3A_116 = tpu.memref_squeeze %dma_wait3A_115 : memref<1x80xi32, #tpu.memory_space<vmem>> -> memref<80xi32, #tpu.memory_space<vmem>>
        %dma_wait3A_117 = arith.constant 0 : i32
        %dma_wait3A_118 = arith.constant 0 : i32
        %dma_wait3A_119 = tpu.memref_slice %arg9[%dma_wait3A_117, %dma_wait3A_118] : memref<10000x128xf32, #tpu.memory_space<vmem_shared>> -> memref<10000x128xf32, #tpu.memory_space<vmem_shared>>
        tpu.wait_indirect_dma semaphore(%run_scoped3A : memref<!tpu.dma_semaphore, #tpu.memory_space<semaphore_mem>>) src(%arg8 : memref<80x128xf32, #tpu.memory_space<vmem>>) dst(%dma_wait3A_119 : memref<10000x128xf32, #tpu.memory_space<vmem_shared>>)
        tpu.yield
      }) : () -> ()
      %add3A_100 = arith.constant 2 : i32
      %add3A_101 = arith.addi %add3A_94, %add3A_100 : i32
      %lt3A_102 = arith.constant 250 : i32
      %lt3A_103 = arith.cmpi slt, %add3A_101, %lt3A_102 : i32
      %convert_element_type3A_104 = arith.extui %lt3A_103 : i1 to i32
      %cond3A_105 = arith.constant 0 : i32
      %cond3A_106 = arith.cmpi ne, %convert_element_type3A_104, %cond3A_105 : i32
      scf.if %cond3A_106 {
        %add3A_108 = arith.constant 2 : i32
        %add3A_109 = arith.addi %add3A_94, %add3A_108 : i32
        %mul3A_110 = arith.constant 80 : i32
        %mul3A_111 = arith.muli %add3A_109, %mul3A_110 : i32
        %add3A_112 = arith.addi %mul3A_0, %mul3A_111 : i32
        %dma_start3A_113 = tpu.memref_slice %arg2[%add3A_112, %mul3A_25] : memref<320000x512xf32, #tpu.memory_space<hbm>> -> memref<80x128xf32, #tpu.memory_space<hbm>>
        %dma_start3A_114 = tpu.memref_slice %arg2[%add3A_112, %mul3A_25] : memref<320000x512xf32, #tpu.memory_space<hbm>> -> memref<80x128xf32, #tpu.memory_space<hbm>>
        tpu.enqueue_dma source(%dma_start3A_114 : memref<80x128xf32, #tpu.memory_space<hbm>>) target(%arg8 : memref<80x128xf32, #tpu.memory_space<vmem>>) target_semaphore(%arg11 : memref<!tpu.dma_semaphore, #tpu.memory_space<semaphore_mem>>)
      } else {
      }
      %scan3A_107 = arith.constant 0 : i32
      scf.yield %scan3A_107 : i32
    }
    %scan3A_38 = arith.constant 125 : i32
    %barrier3A_39 = arith.constant 0 : index
    tpu.barrier barrier_id(%barrier3A_39)
    "tpu.region"() ({
      %run_scoped3A = tpu.sem_alloc : memref<!tpu.dma_semaphore, #tpu.memory_space<semaphore_mem>>
      %dma_start3A_79 = arith.constant 0 : i32
      %dma_start3A_80 = tpu.memref_slice %arg5[%add3A_23, %mul3A_2, %dma_start3A_79] : memref<4x10000x128xf32, #tpu.memory_space<hbm>> -> memref<1x625x128xf32, #tpu.memory_space<hbm>>
      %dma_start3A_81 = tpu.memref_squeeze %dma_start3A_80 : memref<1x625x128xf32, #tpu.memory_space<hbm>> -> memref<625x128xf32, #tpu.memory_space<hbm>>
      %dma_start3A_82 = arith.constant 0 : i32
      %dma_start3A_83 = tpu.memref_slice %arg9[%mul3A_2, %dma_start3A_82] : memref<10000x128xf32, #tpu.memory_space<vmem_shared>> -> memref<625x128xf32, #tpu.memory_space<vmem_shared>>
      tpu.enqueue_dma source(%dma_start3A_83 : memref<625x128xf32, #tpu.memory_space<vmem_shared>>) target(%dma_start3A_81 : memref<625x128xf32, #tpu.memory_space<hbm>>) target_semaphore(%run_scoped3A : memref<!tpu.dma_semaphore, #tpu.memory_space<semaphore_mem>>)
      %dma_wait3A = arith.constant 0 : i32
      %dma_wait3A_84 = tpu.memref_slice %arg5[%add3A_23, %mul3A_2, %dma_wait3A] : memref<4x10000x128xf32, #tpu.memory_space<hbm>> -> memref<1x625x128xf32, #tpu.memory_space<hbm>>
      %dma_wait3A_85 = tpu.memref_squeeze %dma_wait3A_84 : memref<1x625x128xf32, #tpu.memory_space<hbm>> -> memref<625x128xf32, #tpu.memory_space<hbm>>
      %dma_wait3A_86 = arith.constant 0 : i32
      %dma_wait3A_87 = tpu.memref_slice %arg9[%mul3A_2, %dma_wait3A_86] : memref<10000x128xf32, #tpu.memory_space<vmem_shared>> -> memref<625x128xf32, #tpu.memory_space<vmem_shared>>
      tpu.wait_dma2 semaphore(%run_scoped3A : memref<!tpu.dma_semaphore, #tpu.memory_space<semaphore_mem>>) src(%dma_wait3A_87 : memref<625x128xf32, #tpu.memory_space<vmem_shared>>) dst(%dma_wait3A_85 : memref<625x128xf32, #tpu.memory_space<hbm>>)
      tpu.yield
    }) : () -> ()
    "tpu.region"() ({
      %run_scoped3A = tpu.sem_alloc : memref<!tpu.dma_semaphore, #tpu.memory_space<semaphore_mem>>
      tpu.enqueue_dma source(%arg4 : memref<80x128xf32, #tpu.memory_space<hbm>>) target(%arg7 : memref<80x128xf32, #tpu.memory_space<vmem>>) target_semaphore(%run_scoped3A : memref<!tpu.dma_semaphore, #tpu.memory_space<semaphore_mem>>)
      tpu.wait_dma2 semaphore(%run_scoped3A : memref<!tpu.dma_semaphore, #tpu.memory_space<semaphore_mem>>) src(%arg4 : memref<80x128xf32, #tpu.memory_space<hbm>>) dst(%arg7 : memref<80x128xf32, #tpu.memory_space<vmem>>)
      tpu.yield
    }) : () -> ()
    %add3A_40 = arith.constant 0 : i32
    %add3A_41 = arith.addi %mul3A_2, %add3A_40 : i32
    "tpu.region"() ({
      %run_scoped3A = tpu.sem_alloc : memref<!tpu.dma_semaphore, #tpu.memory_space<semaphore_mem>>
      %dma_start3A_79 = arith.constant 0 : i32
      %dma_start3A_80 = tpu.memref_slice %arg9[%add3A_41, %dma_start3A_79] : memref<10000x128xf32, #tpu.memory_space<vmem_shared>> -> memref<80x128xf32, #tpu.memory_space<vmem_shared>>
      %dma_start3A_81 = arith.constant 0 : i32
      %dma_start3A_82 = tpu.memref_slice %arg9[%add3A_41, %dma_start3A_81] : memref<10000x128xf32, #tpu.memory_space<vmem_shared>> -> memref<80x128xf32, #tpu.memory_space<vmem_shared>>
      tpu.enqueue_dma source(%arg7 : memref<80x128xf32, #tpu.memory_space<vmem>>) target(%dma_start3A_82 : memref<80x128xf32, #tpu.memory_space<vmem_shared>>) target_semaphore(%run_scoped3A : memref<!tpu.dma_semaphore, #tpu.memory_space<semaphore_mem>>)
      %dma_wait3A = arith.constant 0 : i32
      %dma_wait3A_83 = tpu.memref_slice %arg9[%add3A_41, %dma_wait3A] : memref<10000x128xf32, #tpu.memory_space<vmem_shared>> -> memref<80x128xf32, #tpu.memory_space<vmem_shared>>
      %dma_wait3A_84 = arith.constant 0 : i32
      %dma_wait3A_85 = tpu.memref_slice %arg9[%add3A_41, %dma_wait3A_84] : memref<10000x128xf32, #tpu.memory_space<vmem_shared>> -> memref<80x128xf32, #tpu.memory_space<vmem_shared>>
      tpu.wait_dma2 semaphore(%run_scoped3A : memref<!tpu.dma_semaphore, #tpu.memory_space<semaphore_mem>>) src(%arg7 : memref<80x128xf32, #tpu.memory_space<vmem>>) dst(%dma_wait3A_85 : memref<80x128xf32, #tpu.memory_space<vmem_shared>>)
      tpu.yield
    }) : () -> ()
    %add3A_42 = arith.constant 80 : i32
    %add3A_43 = arith.addi %mul3A_2, %add3A_42 : i32
    "tpu.region"() ({
      %run_scoped3A = tpu.sem_alloc : memref<!tpu.dma_semaphore, #tpu.memory_space<semaphore_mem>>
      %dma_start3A_79 = arith.constant 0 : i32
      %dma_start3A_80 = tpu.memref_slice %arg9[%add3A_43, %dma_start3A_79] : memref<10000x128xf32, #tpu.memory_space<vmem_shared>> -> memref<80x128xf32, #tpu.memory_space<vmem_shared>>
      %dma_start3A_81 = arith.constant 0 : i32
      %dma_start3A_82 = tpu.memref_slice %arg9[%add3A_43, %dma_start3A_81] : memref<10000x128xf32, #tpu.memory_space<vmem_shared>> -> memref<80x128xf32, #tpu.memory_space<vmem_shared>>
      tpu.enqueue_dma source(%arg7 : memref<80x128xf32, #tpu.memory_space<vmem>>) target(%dma_start3A_82 : memref<80x128xf32, #tpu.memory_space<vmem_shared>>) target_semaphore(%run_scoped3A : memref<!tpu.dma_semaphore, #tpu.memory_space<semaphore_mem>>)
      %dma_wait3A = arith.constant 0 : i32
      %dma_wait3A_83 = tpu.memref_slice %arg9[%add3A_43, %dma_wait3A] : memref<10000x128xf32, #tpu.memory_space<vmem_shared>> -> memref<80x128xf32, #tpu.memory_space<vmem_shared>>
      %dma_wait3A_84 = arith.constant 0 : i32
      %dma_wait3A_85 = tpu.memref_slice %arg9[%add3A_43, %dma_wait3A_84] : memref<10000x128xf32, #tpu.memory_space<vmem_shared>> -> memref<80x128xf32, #tpu.memory_space<vmem_shared>>
      tpu.wait_dma2 semaphore(%run_scoped3A : memref<!tpu.dma_semaphore, #tpu.memory_space<semaphore_mem>>) src(%arg7 : memref<80x128xf32, #tpu.memory_space<vmem>>) dst(%dma_wait3A_85 : memref<80x128xf32, #tpu.memory_space<vmem_shared>>)
      tpu.yield
    }) : () -> ()
    %add3A_44 = arith.constant 160 : i32
    %add3A_45 = arith.addi %mul3A_2, %add3A_44 : i32
    "tpu.region"() ({
      %run_scoped3A = tpu.sem_alloc : memref<!tpu.dma_semaphore, #tpu.memory_space<semaphore_mem>>
      %dma_start3A_79 = arith.constant 0 : i32
      %dma_start3A_80 = tpu.memref_slice %arg9[%add3A_45, %dma_start3A_79] : memref<10000x128xf32, #tpu.memory_space<vmem_shared>> -> memref<80x128xf32, #tpu.memory_space<vmem_shared>>
      %dma_start3A_81 = arith.constant 0 : i32
      %dma_start3A_82 = tpu.memref_slice %arg9[%add3A_45, %dma_start3A_81] : memref<10000x128xf32, #tpu.memory_space<vmem_shared>> -> memref<80x128xf32, #tpu.memory_space<vmem_shared>>
      tpu.enqueue_dma source(%arg7 : memref<80x128xf32, #tpu.memory_space<vmem>>) target(%dma_start3A_82 : memref<80x128xf32, #tpu.memory_space<vmem_shared>>) target_semaphore(%run_scoped3A : memref<!tpu.dma_semaphore, #tpu.memory_space<semaphore_mem>>)
      %dma_wait3A = arith.constant 0 : i32
      %dma_wait3A_83 = tpu.memref_slice %arg9[%add3A_45, %dma_wait3A] : memref<10000x128xf32, #tpu.memory_space<vmem_shared>> -> memref<80x128xf32, #tpu.memory_space<vmem_shared>>
      %dma_wait3A_84 = arith.constant 0 : i32
      %dma_wait3A_85 = tpu.memref_slice %arg9[%add3A_45, %dma_wait3A_84] : memref<10000x128xf32, #tpu.memory_space<vmem_shared>> -> memref<80x128xf32, #tpu.memory_space<vmem_shared>>
      tpu.wait_dma2 semaphore(%run_scoped3A : memref<!tpu.dma_semaphore, #tpu.memory_space<semaphore_mem>>) src(%arg7 : memref<80x128xf32, #tpu.memory_space<vmem>>) dst(%dma_wait3A_85 : memref<80x128xf32, #tpu.memory_space<vmem_shared>>)
      tpu.yield
    }) : () -> ()
    %add3A_46 = arith.constant 240 : i32
    %add3A_47 = arith.addi %mul3A_2, %add3A_46 : i32
    "tpu.region"() ({
      %run_scoped3A = tpu.sem_alloc : memref<!tpu.dma_semaphore, #tpu.memory_space<semaphore_mem>>
      %dma_start3A_79 = arith.constant 0 : i32
      %dma_start3A_80 = tpu.memref_slice %arg9[%add3A_47, %dma_start3A_79] : memref<10000x128xf32, #tpu.memory_space<vmem_shared>> -> memref<80x128xf32, #tpu.memory_space<vmem_shared>>
      %dma_start3A_81 = arith.constant 0 : i32
      %dma_start3A_82 = tpu.memref_slice %arg9[%add3A_47, %dma_start3A_81] : memref<10000x128xf32, #tpu.memory_space<vmem_shared>> -> memref<80x128xf32, #tpu.memory_space<vmem_shared>>
      tpu.enqueue_dma source(%arg7 : memref<80x128xf32, #tpu.memory_space<vmem>>) target(%dma_start3A_82 : memref<80x128xf32, #tpu.memory_space<vmem_shared>>) target_semaphore(%run_scoped3A : memref<!tpu.dma_semaphore, #tpu.memory_space<semaphore_mem>>)
      %dma_wait3A = arith.constant 0 : i32
      %dma_wait3A_83 = tpu.memref_slice %arg9[%add3A_47, %dma_wait3A] : memref<10000x128xf32, #tpu.memory_space<vmem_shared>> -> memref<80x128xf32, #tpu.memory_space<vmem_shared>>
      %dma_wait3A_84 = arith.constant 0 : i32
      %dma_wait3A_85 = tpu.memref_slice %arg9[%add3A_47, %dma_wait3A_84] : memref<10000x128xf32, #tpu.memory_space<vmem_shared>> -> memref<80x128xf32, #tpu.memory_space<vmem_shared>>
      tpu.wait_dma2 semaphore(%run_scoped3A : memref<!tpu.dma_semaphore, #tpu.memory_space<semaphore_mem>>) src(%arg7 : memref<80x128xf32, #tpu.memory_space<vmem>>) dst(%dma_wait3A_85 : memref<80x128xf32, #tpu.memory_space<vmem_shared>>)
      tpu.yield
    }) : () -> ()
    %add3A_48 = arith.constant 320 : i32
    %add3A_49 = arith.addi %mul3A_2, %add3A_48 : i32
    "tpu.region"() ({
      %run_scoped3A = tpu.sem_alloc : memref<!tpu.dma_semaphore, #tpu.memory_space<semaphore_mem>>
      %dma_start3A_79 = arith.constant 0 : i32
      %dma_start3A_80 = tpu.memref_slice %arg9[%add3A_49, %dma_start3A_79] : memref<10000x128xf32, #tpu.memory_space<vmem_shared>> -> memref<80x128xf32, #tpu.memory_space<vmem_shared>>
      %dma_start3A_81 = arith.constant 0 : i32
      %dma_start3A_82 = tpu.memref_slice %arg9[%add3A_49, %dma_start3A_81] : memref<10000x128xf32, #tpu.memory_space<vmem_shared>> -> memref<80x128xf32, #tpu.memory_space<vmem_shared>>
      tpu.enqueue_dma source(%arg7 : memref<80x128xf32, #tpu.memory_space<vmem>>) target(%dma_start3A_82 : memref<80x128xf32, #tpu.memory_space<vmem_shared>>) target_semaphore(%run_scoped3A : memref<!tpu.dma_semaphore, #tpu.memory_space<semaphore_mem>>)
      %dma_wait3A = arith.constant 0 : i32
      %dma_wait3A_83 = tpu.memref_slice %arg9[%add3A_49, %dma_wait3A] : memref<10000x128xf32, #tpu.memory_space<vmem_shared>> -> memref<80x128xf32, #tpu.memory_space<vmem_shared>>
      %dma_wait3A_84 = arith.constant 0 : i32
      %dma_wait3A_85 = tpu.memref_slice %arg9[%add3A_49, %dma_wait3A_84] : memref<10000x128xf32, #tpu.memory_space<vmem_shared>> -> memref<80x128xf32, #tpu.memory_space<vmem_shared>>
      tpu.wait_dma2 semaphore(%run_scoped3A : memref<!tpu.dma_semaphore, #tpu.memory_space<semaphore_mem>>) src(%arg7 : memref<80x128xf32, #tpu.memory_space<vmem>>) dst(%dma_wait3A_85 : memref<80x128xf32, #tpu.memory_space<vmem_shared>>)
      tpu.yield
    }) : () -> ()
    %add3A_50 = arith.constant 400 : i32
    %add3A_51 = arith.addi %mul3A_2, %add3A_50 : i32
    "tpu.region"() ({
      %run_scoped3A = tpu.sem_alloc : memref<!tpu.dma_semaphore, #tpu.memory_space<semaphore_mem>>
      %dma_start3A_79 = arith.constant 0 : i32
      %dma_start3A_80 = tpu.memref_slice %arg9[%add3A_51, %dma_start3A_79] : memref<10000x128xf32, #tpu.memory_space<vmem_shared>> -> memref<80x128xf32, #tpu.memory_space<vmem_shared>>
      %dma_start3A_81 = arith.constant 0 : i32
      %dma_start3A_82 = tpu.memref_slice %arg9[%add3A_51, %dma_start3A_81] : memref<10000x128xf32, #tpu.memory_space<vmem_shared>> -> memref<80x128xf32, #tpu.memory_space<vmem_shared>>
      tpu.enqueue_dma source(%arg7 : memref<80x128xf32, #tpu.memory_space<vmem>>) target(%dma_start3A_82 : memref<80x128xf32, #tpu.memory_space<vmem_shared>>) target_semaphore(%run_scoped3A : memref<!tpu.dma_semaphore, #tpu.memory_space<semaphore_mem>>)
      %dma_wait3A = arith.constant 0 : i32
      %dma_wait3A_83 = tpu.memref_slice %arg9[%add3A_51, %dma_wait3A] : memref<10000x128xf32, #tpu.memory_space<vmem_shared>> -> memref<80x128xf32, #tpu.memory_space<vmem_shared>>
      %dma_wait3A_84 = arith.constant 0 : i32
      %dma_wait3A_85 = tpu.memref_slice %arg9[%add3A_51, %dma_wait3A_84] : memref<10000x128xf32, #tpu.memory_space<vmem_shared>> -> memref<80x128xf32, #tpu.memory_space<vmem_shared>>
      tpu.wait_dma2 semaphore(%run_scoped3A : memref<!tpu.dma_semaphore, #tpu.memory_space<semaphore_mem>>) src(%arg7 : memref<80x128xf32, #tpu.memory_space<vmem>>) dst(%dma_wait3A_85 : memref<80x128xf32, #tpu.memory_space<vmem_shared>>)
      tpu.yield
    }) : () -> ()
    %add3A_52 = arith.constant 480 : i32
    %add3A_53 = arith.addi %mul3A_2, %add3A_52 : i32
    "tpu.region"() ({
      %run_scoped3A = tpu.sem_alloc : memref<!tpu.dma_semaphore, #tpu.memory_space<semaphore_mem>>
      %dma_start3A_79 = arith.constant 0 : i32
      %dma_start3A_80 = tpu.memref_slice %arg9[%add3A_53, %dma_start3A_79] : memref<10000x128xf32, #tpu.memory_space<vmem_shared>> -> memref<80x128xf32, #tpu.memory_space<vmem_shared>>
      %dma_start3A_81 = arith.constant 0 : i32
      %dma_start3A_82 = tpu.memref_slice %arg9[%add3A_53, %dma_start3A_81] : memref<10000x128xf32, #tpu.memory_space<vmem_shared>> -> memref<80x128xf32, #tpu.memory_space<vmem_shared>>
      tpu.enqueue_dma source(%arg7 : memref<80x128xf32, #tpu.memory_space<vmem>>) target(%dma_start3A_82 : memref<80x128xf32, #tpu.memory_space<vmem_shared>>) target_semaphore(%run_scoped3A : memref<!tpu.dma_semaphore, #tpu.memory_space<semaphore_mem>>)
      %dma_wait3A = arith.constant 0 : i32
      %dma_wait3A_83 = tpu.memref_slice %arg9[%add3A_53, %dma_wait3A] : memref<10000x128xf32, #tpu.memory_space<vmem_shared>> -> memref<80x128xf32, #tpu.memory_space<vmem_shared>>
      %dma_wait3A_84 = arith.constant 0 : i32
      %dma_wait3A_85 = tpu.memref_slice %arg9[%add3A_53, %dma_wait3A_84] : memref<10000x128xf32, #tpu.memory_space<vmem_shared>> -> memref<80x128xf32, #tpu.memory_space<vmem_shared>>
      tpu.wait_dma2 semaphore(%run_scoped3A : memref<!tpu.dma_semaphore, #tpu.memory_space<semaphore_mem>>) src(%arg7 : memref<80x128xf32, #tpu.memory_space<vmem>>) dst(%dma_wait3A_85 : memref<80x128xf32, #tpu.memory_space<vmem_shared>>)
      tpu.yield
    }) : () -> ()
    %add3A_54 = arith.constant 560 : i32
    %add3A_55 = arith.addi %mul3A_2, %add3A_54 : i32
    "tpu.region"() ({
      %run_scoped3A = tpu.sem_alloc : memref<!tpu.dma_semaphore, #tpu.memory_space<semaphore_mem>>
      %dma_start3A_79 = arith.constant 0 : i32
      %dma_start3A_80 = arith.constant 0 : i32
      %dma_start3A_81 = tpu.memref_slice %arg7[%dma_start3A_79, %dma_start3A_80] : memref<80x128xf32, #tpu.memory_space<vmem>> -> memref<65x128xf32, #tpu.memory_space<vmem>>
      %dma_start3A_82 = arith.constant 0 : i32
      %dma_start3A_83 = tpu.memref_slice %arg9[%add3A_55, %dma_start3A_82] : memref<10000x128xf32, #tpu.memory_space<vmem_shared>> -> memref<65x128xf32, #tpu.memory_space<vmem_shared>>
      %dma_start3A_84 = arith.constant 0 : i32
      %dma_start3A_85 = tpu.memref_slice %arg9[%add3A_55, %dma_start3A_84] : memref<10000x128xf32, #tpu.memory_space<vmem_shared>> -> memref<65x128xf32, #tpu.memory_space<vmem_shared>>
      %dma_start3A_86 = arith.constant 0 : i32
      %dma_start3A_87 = arith.constant 0 : i32
      %dma_start3A_88 = tpu.memref_slice %arg7[%dma_start3A_86, %dma_start3A_87] : memref<80x128xf32, #tpu.memory_space<vmem>> -> memref<65x128xf32, #tpu.memory_space<vmem>>
      tpu.enqueue_dma source(%dma_start3A_88 : memref<65x128xf32, #tpu.memory_space<vmem>>) target(%dma_start3A_85 : memref<65x128xf32, #tpu.memory_space<vmem_shared>>) target_semaphore(%run_scoped3A : memref<!tpu.dma_semaphore, #tpu.memory_space<semaphore_mem>>)
      %dma_wait3A = arith.constant 0 : i32
      %dma_wait3A_89 = arith.constant 0 : i32
      %dma_wait3A_90 = tpu.memref_slice %arg7[%dma_wait3A, %dma_wait3A_89] : memref<80x128xf32, #tpu.memory_space<vmem>> -> memref<65x128xf32, #tpu.memory_space<vmem>>
      %dma_wait3A_91 = arith.constant 0 : i32
      %dma_wait3A_92 = tpu.memref_slice %arg9[%add3A_55, %dma_wait3A_91] : memref<10000x128xf32, #tpu.memory_space<vmem_shared>> -> memref<65x128xf32, #tpu.memory_space<vmem_shared>>
      %dma_wait3A_93 = arith.constant 0 : i32
      %dma_wait3A_94 = tpu.memref_slice %arg9[%add3A_55, %dma_wait3A_93] : memref<10000x128xf32, #tpu.memory_space<vmem_shared>> -> memref<65x128xf32, #tpu.memory_space<vmem_shared>>
      %dma_wait3A_95 = arith.constant 0 : i32
      %dma_wait3A_96 = arith.constant 0 : i32
      %dma_wait3A_97 = tpu.memref_slice %arg7[%dma_wait3A_95, %dma_wait3A_96] : memref<80x128xf32, #tpu.memory_space<vmem>> -> memref<65x128xf32, #tpu.memory_space<vmem>>
      tpu.wait_dma2 semaphore(%run_scoped3A : memref<!tpu.dma_semaphore, #tpu.memory_space<semaphore_mem>>) src(%dma_wait3A_97 : memref<65x128xf32, #tpu.memory_space<vmem>>) dst(%dma_wait3A_94 : memref<65x128xf32, #tpu.memory_space<vmem_shared>>)
      tpu.yield
    }) : () -> ()
    %barrier3A_56 = arith.constant 0 : index
    tpu.barrier barrier_id(%barrier3A_56)
    %mul3A_57 = arith.constant 2 : i32
    %mul3A_58 = arith.muli %arg0, %mul3A_57 : i32
    %add3A_59 = arith.constant 1 : i32
    %add3A_60 = arith.addi %mul3A_58, %add3A_59 : i32
    %mul3A_61 = arith.constant 128 : i32
    %mul3A_62 = arith.muli %add3A_60, %mul3A_61 : i32
    %add3A_63 = arith.constant 0 : i32
    %add3A_64 = arith.addi %mul3A_0, %add3A_63 : i32
    %dma_start3A_65 = tpu.memref_slice %arg2[%add3A_64, %mul3A_62] : memref<320000x512xf32, #tpu.memory_space<hbm>> -> memref<80x128xf32, #tpu.memory_space<hbm>>
    %dma_start3A_66 = tpu.memref_slice %arg2[%add3A_64, %mul3A_62] : memref<320000x512xf32, #tpu.memory_space<hbm>> -> memref<80x128xf32, #tpu.memory_space<hbm>>
    tpu.enqueue_dma source(%dma_start3A_66 : memref<80x128xf32, #tpu.memory_space<hbm>>) target(%arg7 : memref<80x128xf32, #tpu.memory_space<vmem>>) target_semaphore(%arg10 : memref<!tpu.dma_semaphore, #tpu.memory_space<semaphore_mem>>)
    %add3A_67 = arith.constant 80 : i32
    %add3A_68 = arith.addi %mul3A_0, %add3A_67 : i32
    %dma_start3A_69 = tpu.memref_slice %arg2[%add3A_68, %mul3A_62] : memref<320000x512xf32, #tpu.memory_space<hbm>> -> memref<80x128xf32, #tpu.memory_space<hbm>>
    %dma_start3A_70 = tpu.memref_slice %arg2[%add3A_68, %mul3A_62] : memref<320000x512xf32, #tpu.memory_space<hbm>> -> memref<80x128xf32, #tpu.memory_space<hbm>>
    tpu.enqueue_dma source(%dma_start3A_70 : memref<80x128xf32, #tpu.memory_space<hbm>>) target(%arg8 : memref<80x128xf32, #tpu.memory_space<vmem>>) target_semaphore(%arg11 : memref<!tpu.dma_semaphore, #tpu.memory_space<semaphore_mem>>)
    %scan3A_71 = arith.constant 0 : i32
    %scan3A_72 = arith.constant 0 : i32
    %scan3A_73 = arith.constant 125 : i32
    %scan3A_74 = arith.addi %scan3A_72, %scan3A_73 : i32
    %scan3A_75 = arith.constant 1 : i32
    %scan3A_76 = scf.for %scan3A_79 = %scan3A_72 to %scan3A_74 step %scan3A_75 iter_args(%scan3A_80 = %scan3A_71) -> (i32)  : i32 {
      %mul3A_81 = arith.constant 2 : i32
      %mul3A_82 = arith.muli %scan3A_79, %mul3A_81 : i32
      %add3A_83 = arith.constant 0 : i32
      %add3A_84 = arith.addi %mul3A_82, %add3A_83 : i32
      %mul3A_85 = arith.constant 80 : i32
      %mul3A_86 = arith.muli %add3A_84, %mul3A_85 : i32
      %add3A_87 = arith.addi %mul3A_0, %mul3A_86 : i32
      %dma_wait3A = tpu.memref_slice %arg2[%add3A_87, %mul3A_62] : memref<320000x512xf32, #tpu.memory_space<hbm>> -> memref<80x128xf32, #tpu.memory_space<hbm>>
      %dma_wait3A_88 = tpu.memref_slice %arg2[%add3A_87, %mul3A_62] : memref<320000x512xf32, #tpu.memory_space<hbm>> -> memref<80x128xf32, #tpu.memory_space<hbm>>
      tpu.wait_dma2 semaphore(%arg10 : memref<!tpu.dma_semaphore, #tpu.memory_space<semaphore_mem>>) src(%dma_wait3A_88 : memref<80x128xf32, #tpu.memory_space<hbm>>) dst(%arg7 : memref<80x128xf32, #tpu.memory_space<vmem>>)
      "tpu.region"() ({
        %run_scoped3A = tpu.sem_alloc : memref<!tpu.dma_semaphore, #tpu.memory_space<semaphore_mem>>
        %dma_start3A_108 = arith.constant 0 : i32
        %dma_start3A_109 = tpu.memref_slice %arg6[%add3A_84, %dma_start3A_108] : memref<250x80xi32, #tpu.memory_space<vmem>> -> memref<1x80xi32, #tpu.memory_space<vmem>>
        %dma_start3A_110 = tpu.memref_squeeze %dma_start3A_109 : memref<1x80xi32, #tpu.memory_space<vmem>> -> memref<80xi32, #tpu.memory_space<vmem>>
        %dma_start3A_111 = arith.constant 0 : i32
        %dma_start3A_112 = arith.constant 0 : i32
        %dma_start3A_113 = tpu.memref_slice %arg9[%dma_start3A_111, %dma_start3A_112] : memref<10000x128xf32, #tpu.memory_space<vmem_shared>> -> memref<10000x128xf32, #tpu.memory_space<vmem_shared>>
        tpu.enqueue_indirect_dma source(%arg7 : memref<80x128xf32, #tpu.memory_space<vmem>>) target(%dma_start3A_113 : memref<10000x128xf32, #tpu.memory_space<vmem_shared>>) offsets(%dma_start3A_110 : memref<80xi32, #tpu.memory_space<vmem>>) semaphore(%run_scoped3A : memref<!tpu.dma_semaphore, #tpu.memory_space<semaphore_mem>>) {add = true}
        %dma_wait3A_114 = arith.constant 0 : i32
        %dma_wait3A_115 = tpu.memref_slice %arg6[%add3A_84, %dma_wait3A_114] : memref<250x80xi32, #tpu.memory_space<vmem>> -> memref<1x80xi32, #tpu.memory_space<vmem>>
        %dma_wait3A_116 = tpu.memref_squeeze %dma_wait3A_115 : memref<1x80xi32, #tpu.memory_space<vmem>> -> memref<80xi32, #tpu.memory_space<vmem>>
        %dma_wait3A_117 = arith.constant 0 : i32
        %dma_wait3A_118 = arith.constant 0 : i32
        %dma_wait3A_119 = tpu.memref_slice %arg9[%dma_wait3A_117, %dma_wait3A_118] : memref<10000x128xf32, #tpu.memory_space<vmem_shared>> -> memref<10000x128xf32, #tpu.memory_space<vmem_shared>>
        tpu.wait_indirect_dma semaphore(%run_scoped3A : memref<!tpu.dma_semaphore, #tpu.memory_space<semaphore_mem>>) src(%arg7 : memref<80x128xf32, #tpu.memory_space<vmem>>) dst(%dma_wait3A_119 : memref<10000x128xf32, #tpu.memory_space<vmem_shared>>)
        tpu.yield
      }) : () -> ()
      %add3A_89 = arith.constant 2 : i32
      %add3A_90 = arith.addi %add3A_84, %add3A_89 : i32
      %lt3A = arith.constant 250 : i32
      %lt3A_91 = arith.cmpi slt, %add3A_90, %lt3A : i32
      %convert_element_type3A = arith.extui %lt3A_91 : i1 to i32
      %cond3A = arith.constant 0 : i32
      %cond3A_92 = arith.cmpi ne, %convert_element_type3A, %cond3A : i32
      scf.if %cond3A_92 {
        %add3A_108 = arith.constant 2 : i32
        %add3A_109 = arith.addi %add3A_84, %add3A_108 : i32
        %mul3A_110 = arith.constant 80 : i32
        %mul3A_111 = arith.muli %add3A_109, %mul3A_110 : i32
        %add3A_112 = arith.addi %mul3A_0, %mul3A_111 : i32
        %dma_start3A_113 = tpu.memref_slice %arg2[%add3A_112, %mul3A_62] : memref<320000x512xf32, #tpu.memory_space<hbm>> -> memref<80x128xf32, #tpu.memory_space<hbm>>
        %dma_start3A_114 = tpu.memref_slice %arg2[%add3A_112, %mul3A_62] : memref<320000x512xf32, #tpu.memory_space<hbm>> -> memref<80x128xf32, #tpu.memory_space<hbm>>
        tpu.enqueue_dma source(%dma_start3A_114 : memref<80x128xf32, #tpu.memory_space<hbm>>) target(%arg7 : memref<80x128xf32, #tpu.memory_space<vmem>>) target_semaphore(%arg10 : memref<!tpu.dma_semaphore, #tpu.memory_space<semaphore_mem>>)
      } else {
      }
      %add3A_93 = arith.constant 1 : i32
      %add3A_94 = arith.addi %mul3A_82, %add3A_93 : i32
      %mul3A_95 = arith.constant 80 : i32
      %mul3A_96 = arith.muli %add3A_94, %mul3A_95 : i32
      %add3A_97 = arith.addi %mul3A_0, %mul3A_96 : i32
      %dma_wait3A_98 = tpu.memref_slice %arg2[%add3A_97, %mul3A_62] : memref<320000x512xf32, #tpu.memory_space<hbm>> -> memref<80x128xf32, #tpu.memory_space<hbm>>
      %dma_wait3A_99 = tpu.memref_slice %arg2[%add3A_97, %mul3A_62] : memref<320000x512xf32, #tpu.memory_space<hbm>> -> memref<80x128xf32, #tpu.memory_space<hbm>>
      tpu.wait_dma2 semaphore(%arg11 : memref<!tpu.dma_semaphore, #tpu.memory_space<semaphore_mem>>) src(%dma_wait3A_99 : memref<80x128xf32, #tpu.memory_space<hbm>>) dst(%arg8 : memref<80x128xf32, #tpu.memory_space<vmem>>)
      "tpu.region"() ({
        %run_scoped3A = tpu.sem_alloc : memref<!tpu.dma_semaphore, #tpu.memory_space<semaphore_mem>>
        %dma_start3A_108 = arith.constant 0 : i32
        %dma_start3A_109 = tpu.memref_slice %arg6[%add3A_94, %dma_start3A_108] : memref<250x80xi32, #tpu.memory_space<vmem>> -> memref<1x80xi32, #tpu.memory_space<vmem>>
        %dma_start3A_110 = tpu.memref_squeeze %dma_start3A_109 : memref<1x80xi32, #tpu.memory_space<vmem>> -> memref<80xi32, #tpu.memory_space<vmem>>
        %dma_start3A_111 = arith.constant 0 : i32
        %dma_start3A_112 = arith.constant 0 : i32
        %dma_start3A_113 = tpu.memref_slice %arg9[%dma_start3A_111, %dma_start3A_112] : memref<10000x128xf32, #tpu.memory_space<vmem_shared>> -> memref<10000x128xf32, #tpu.memory_space<vmem_shared>>
        tpu.enqueue_indirect_dma source(%arg8 : memref<80x128xf32, #tpu.memory_space<vmem>>) target(%dma_start3A_113 : memref<10000x128xf32, #tpu.memory_space<vmem_shared>>) offsets(%dma_start3A_110 : memref<80xi32, #tpu.memory_space<vmem>>) semaphore(%run_scoped3A : memref<!tpu.dma_semaphore, #tpu.memory_space<semaphore_mem>>) {add = true}
        %dma_wait3A_114 = arith.constant 0 : i32
        %dma_wait3A_115 = tpu.memref_slice %arg6[%add3A_94, %dma_wait3A_114] : memref<250x80xi32, #tpu.memory_space<vmem>> -> memref<1x80xi32, #tpu.memory_space<vmem>>
        %dma_wait3A_116 = tpu.memref_squeeze %dma_wait3A_115 : memref<1x80xi32, #tpu.memory_space<vmem>> -> memref<80xi32, #tpu.memory_space<vmem>>
        %dma_wait3A_117 = arith.constant 0 : i32
        %dma_wait3A_118 = arith.constant 0 : i32
        %dma_wait3A_119 = tpu.memref_slice %arg9[%dma_wait3A_117, %dma_wait3A_118] : memref<10000x128xf32, #tpu.memory_space<vmem_shared>> -> memref<10000x128xf32, #tpu.memory_space<vmem_shared>>
        tpu.wait_indirect_dma semaphore(%run_scoped3A : memref<!tpu.dma_semaphore, #tpu.memory_space<semaphore_mem>>) src(%arg8 : memref<80x128xf32, #tpu.memory_space<vmem>>) dst(%dma_wait3A_119 : memref<10000x128xf32, #tpu.memory_space<vmem_shared>>)
        tpu.yield
      }) : () -> ()
      %add3A_100 = arith.constant 2 : i32
      %add3A_101 = arith.addi %add3A_94, %add3A_100 : i32
      %lt3A_102 = arith.constant 250 : i32
      %lt3A_103 = arith.cmpi slt, %add3A_101, %lt3A_102 : i32
      %convert_element_type3A_104 = arith.extui %lt3A_103 : i1 to i32
      %cond3A_105 = arith.constant 0 : i32
      %cond3A_106 = arith.cmpi ne, %convert_element_type3A_104, %cond3A_105 : i32
      scf.if %cond3A_106 {
        %add3A_108 = arith.constant 2 : i32
        %add3A_109 = arith.addi %add3A_94, %add3A_108 : i32
        %mul3A_110 = arith.constant 80 : i32
        %mul3A_111 = arith.muli %add3A_109, %mul3A_110 : i32
        %add3A_112 = arith.addi %mul3A_0, %mul3A_111 : i32
        %dma_start3A_113 = tpu.memref_slice %arg2[%add3A_112, %mul3A_62] : memref<320000x512xf32, #tpu.memory_space<hbm>> -> memref<80x128xf32, #tpu.memory_space<hbm>>
        %dma_start3A_114 = tpu.memref_slice %arg2[%add3A_112, %mul3A_62] : memref<320000x512xf32, #tpu.memory_space<hbm>> -> memref<80x128xf32, #tpu.memory_space<hbm>>
        tpu.enqueue_dma source(%dma_start3A_114 : memref<80x128xf32, #tpu.memory_space<hbm>>) target(%arg8 : memref<80x128xf32, #tpu.memory_space<vmem>>) target_semaphore(%arg11 : memref<!tpu.dma_semaphore, #tpu.memory_space<semaphore_mem>>)
      } else {
      }
      %scan3A_107 = arith.constant 0 : i32
      scf.yield %scan3A_107 : i32
    }
    %scan3A_77 = arith.constant 125 : i32
    %barrier3A_78 = arith.constant 0 : index
    tpu.barrier barrier_id(%barrier3A_78)
    "tpu.region"() ({
      %run_scoped3A = tpu.sem_alloc : memref<!tpu.dma_semaphore, #tpu.memory_space<semaphore_mem>>
      %dma_start3A_79 = arith.constant 0 : i32
      %dma_start3A_80 = tpu.memref_slice %arg5[%add3A_60, %mul3A_2, %dma_start3A_79] : memref<4x10000x128xf32, #tpu.memory_space<hbm>> -> memref<1x625x128xf32, #tpu.memory_space<hbm>>
      %dma_start3A_81 = tpu.memref_squeeze %dma_start3A_80 : memref<1x625x128xf32, #tpu.memory_space<hbm>> -> memref<625x128xf32, #tpu.memory_space<hbm>>
      %dma_start3A_82 = arith.constant 0 : i32
      %dma_start3A_83 = tpu.memref_slice %arg9[%mul3A_2, %dma_start3A_82] : memref<10000x128xf32, #tpu.memory_space<vmem_shared>> -> memref<625x128xf32, #tpu.memory_space<vmem_shared>>
      tpu.enqueue_dma source(%dma_start3A_83 : memref<625x128xf32, #tpu.memory_space<vmem_shared>>) target(%dma_start3A_81 : memref<625x128xf32, #tpu.memory_space<hbm>>) target_semaphore(%run_scoped3A : memref<!tpu.dma_semaphore, #tpu.memory_space<semaphore_mem>>)
      %dma_wait3A = arith.constant 0 : i32
      %dma_wait3A_84 = tpu.memref_slice %arg5[%add3A_60, %mul3A_2, %dma_wait3A] : memref<4x10000x128xf32, #tpu.memory_space<hbm>> -> memref<1x625x128xf32, #tpu.memory_space<hbm>>
      %dma_wait3A_85 = tpu.memref_squeeze %dma_wait3A_84 : memref<1x625x128xf32, #tpu.memory_space<hbm>> -> memref<625x128xf32, #tpu.memory_space<hbm>>
      %dma_wait3A_86 = arith.constant 0 : i32
      %dma_wait3A_87 = tpu.memref_slice %arg9[%mul3A_2, %dma_wait3A_86] : memref<10000x128xf32, #tpu.memory_space<vmem_shared>> -> memref<625x128xf32, #tpu.memory_space<vmem_shared>>
      tpu.wait_dma2 semaphore(%run_scoped3A : memref<!tpu.dma_semaphore, #tpu.memory_space<semaphore_mem>>) src(%dma_wait3A_87 : memref<625x128xf32, #tpu.memory_space<vmem_shared>>) dst(%dma_wait3A_85 : memref<625x128xf32, #tpu.memory_space<hbm>>)
      tpu.yield
    }) : () -> ()
    return
  }
}

#map = affine_map<(d0, d1) -> (0, 0)>
module attributes {stable_mosaic.version = 14 : i64} {
  func.func @k(%arg0: i32, %arg1: i32, %arg2: memref<10000x32xf32, #tpu.memory_space<hbm>>, %arg3: memref<4000x80xi32, #tpu.memory_space<hbm>>, %arg4: memref<320000x32xf32, #tpu.memory_space<hbm>>, %arg5: memref<125x80xi32, #tpu.memory_space<vmem>>, %arg6: memref<80x32xf32, #tpu.memory_space<vmem>>, %arg7: memref<80x32xf32, #tpu.memory_space<vmem>>, %arg8: memref<!tpu.dma_semaphore, #tpu.memory_space<semaphore_mem>>, %arg9: memref<!tpu.dma_semaphore, #tpu.memory_space<semaphore_mem>>, %arg10: memref<!tpu.dma_semaphore, #tpu.memory_space<semaphore_mem>>) attributes {dimension_semantics = [#tpu.dimension_semantics<core_parallel>, #tpu.dimension_semantics<subcore_parallel>], iteration_bounds = array<i64: 2, 16>, scalar_prefetch = 0 : i64, scratch_operands = 6 : i64, tpu.core_type = #tpu.core_type<sc_vector_subcore>, window_params = [{transform_indices = #map}, {transform_indices = #map}, {transform_indices = #map}]} {
    %mul3A = arith.constant 2 : i32
    %mul3A_0 = arith.muli %arg1, %mul3A : i32
    %add3A = arith.addi %mul3A_0, %arg0 : i32
    %mul3A_1 = arith.constant 10000 : i32
    %mul3A_2 = arith.muli %add3A, %mul3A_1 : i32
    %mul3A_3 = arith.constant 125 : i32
    %mul3A_4 = arith.muli %add3A, %mul3A_3 : i32
    "tpu.region"() ({
      %run_scoped3A = tpu.sem_alloc : memref<!tpu.dma_semaphore, #tpu.memory_space<semaphore_mem>>
      %dma_start3A_47 = arith.constant 0 : i32
      %dma_start3A_48 = tpu.memref_slice %arg3[%mul3A_4, %dma_start3A_47] : memref<4000x80xi32, #tpu.memory_space<hbm>> -> memref<125x80xi32, #tpu.memory_space<hbm>>
      %dma_start3A_49 = arith.constant 0 : i32
      %dma_start3A_50 = tpu.memref_slice %arg3[%mul3A_4, %dma_start3A_49] : memref<4000x80xi32, #tpu.memory_space<hbm>> -> memref<125x80xi32, #tpu.memory_space<hbm>>
      tpu.enqueue_dma source(%dma_start3A_50 : memref<125x80xi32, #tpu.memory_space<hbm>>) target(%arg5 : memref<125x80xi32, #tpu.memory_space<vmem>>) target_semaphore(%run_scoped3A : memref<!tpu.dma_semaphore, #tpu.memory_space<semaphore_mem>>)
      %dma_wait3A_51 = arith.constant 0 : i32
      %dma_wait3A_52 = tpu.memref_slice %arg3[%mul3A_4, %dma_wait3A_51] : memref<4000x80xi32, #tpu.memory_space<hbm>> -> memref<125x80xi32, #tpu.memory_space<hbm>>
      %dma_wait3A_53 = arith.constant 0 : i32
      %dma_wait3A_54 = tpu.memref_slice %arg3[%mul3A_4, %dma_wait3A_53] : memref<4000x80xi32, #tpu.memory_space<hbm>> -> memref<125x80xi32, #tpu.memory_space<hbm>>
      tpu.wait_dma2 semaphore(%run_scoped3A : memref<!tpu.dma_semaphore, #tpu.memory_space<semaphore_mem>>) src(%dma_wait3A_54 : memref<125x80xi32, #tpu.memory_space<hbm>>) dst(%arg5 : memref<125x80xi32, #tpu.memory_space<vmem>>)
      tpu.yield
    }) : () -> ()
    %scan3A = arith.constant 0 : i32
    %scan3A_5 = arith.constant 0 : i32
    %scan3A_6 = arith.constant 62 : i32
    %scan3A_7 = arith.addi %scan3A_5, %scan3A_6 : i32
    %scan3A_8 = arith.constant 1 : i32
    %scan3A_9 = scf.for %scan3A_47 = %scan3A_5 to %scan3A_7 step %scan3A_8 iter_args(%scan3A_48 = %scan3A) -> (i32)  : i32 {
      %mul3A_49 = arith.constant 2 : i32
      %mul3A_50 = arith.muli %scan3A_47, %mul3A_49 : i32
      %add3A_51 = arith.constant 0 : i32
      %add3A_52 = arith.addi %mul3A_50, %add3A_51 : i32
      %ge3A = arith.constant 2 : i32
      %ge3A_53 = arith.cmpi sge, %add3A_52, %ge3A : i32
      %convert_element_type3A = arith.extui %ge3A_53 : i1 to i32
      %cond3A = arith.constant 0 : i32
      %cond3A_54 = arith.cmpi ne, %convert_element_type3A, %cond3A : i32
      scf.if %cond3A_54 {
        %sub3A = arith.constant 2 : i32
        %sub3A_101 = arith.subi %add3A_52, %sub3A : i32
        %mul3A_102 = arith.constant 80 : i32
        %mul3A_103 = arith.muli %sub3A_101, %mul3A_102 : i32
        %add3A_104 = arith.addi %mul3A_2, %mul3A_103 : i32
        %dma_wait3A_105 = arith.constant 0 : i32
        %dma_wait3A_106 = tpu.memref_slice %arg4[%add3A_104, %dma_wait3A_105] : memref<320000x32xf32, #tpu.memory_space<hbm>> -> memref<80x32xf32, #tpu.memory_space<hbm>>
        %dma_wait3A_107 = arith.constant 0 : i32
        %dma_wait3A_108 = tpu.memref_slice %arg4[%add3A_104, %dma_wait3A_107] : memref<320000x32xf32, #tpu.memory_space<hbm>> -> memref<80x32xf32, #tpu.memory_space<hbm>>
        tpu.wait_dma2 semaphore(%arg8 : memref<!tpu.dma_semaphore, #tpu.memory_space<semaphore_mem>>) src(%arg6 : memref<80x32xf32, #tpu.memory_space<vmem>>) dst(%dma_wait3A_108 : memref<80x32xf32, #tpu.memory_space<hbm>>)
      } else {
      }
      %dma_start3A_55 = arith.constant 0 : i32
      %dma_start3A_56 = tpu.memref_slice %arg5[%add3A_52, %dma_start3A_55] : memref<125x80xi32, #tpu.memory_space<vmem>> -> memref<1x80xi32, #tpu.memory_space<vmem>>
      %dma_start3A_57 = tpu.memref_squeeze %dma_start3A_56 : memref<1x80xi32, #tpu.memory_space<vmem>> -> memref<80xi32, #tpu.memory_space<vmem>>
      %dma_start3A_58 = arith.constant 0 : i32
      %dma_start3A_59 = arith.constant 0 : i32
      %dma_start3A_60 = tpu.memref_slice %arg2[%dma_start3A_58, %dma_start3A_59] : memref<10000x32xf32, #tpu.memory_space<hbm>> -> memref<10000x32xf32, #tpu.memory_space<hbm>>
      tpu.enqueue_indirect_dma source(%dma_start3A_60 : memref<10000x32xf32, #tpu.memory_space<hbm>>) target(%arg6 : memref<80x32xf32, #tpu.memory_space<vmem>>) offsets(%dma_start3A_57 : memref<80xi32, #tpu.memory_space<vmem>>) semaphore(%arg10 : memref<!tpu.dma_semaphore, #tpu.memory_space<semaphore_mem>>)
      %dma_wait3A_61 = arith.constant 0 : i32
      %dma_wait3A_62 = tpu.memref_slice %arg5[%add3A_52, %dma_wait3A_61] : memref<125x80xi32, #tpu.memory_space<vmem>> -> memref<1x80xi32, #tpu.memory_space<vmem>>
      %dma_wait3A_63 = tpu.memref_squeeze %dma_wait3A_62 : memref<1x80xi32, #tpu.memory_space<vmem>> -> memref<80xi32, #tpu.memory_space<vmem>>
      %dma_wait3A_64 = arith.constant 0 : i32
      %dma_wait3A_65 = arith.constant 0 : i32
      %dma_wait3A_66 = tpu.memref_slice %arg2[%dma_wait3A_64, %dma_wait3A_65] : memref<10000x32xf32, #tpu.memory_space<hbm>> -> memref<10000x32xf32, #tpu.memory_space<hbm>>
      tpu.wait_indirect_dma semaphore(%arg10 : memref<!tpu.dma_semaphore, #tpu.memory_space<semaphore_mem>>) src(%dma_wait3A_66 : memref<10000x32xf32, #tpu.memory_space<hbm>>) dst(%arg6 : memref<80x32xf32, #tpu.memory_space<vmem>>)
      %mul3A_67 = arith.constant 80 : i32
      %mul3A_68 = arith.muli %add3A_52, %mul3A_67 : i32
      %add3A_69 = arith.addi %mul3A_2, %mul3A_68 : i32
      %dma_start3A_70 = arith.constant 0 : i32
      %dma_start3A_71 = tpu.memref_slice %arg4[%add3A_69, %dma_start3A_70] : memref<320000x32xf32, #tpu.memory_space<hbm>> -> memref<80x32xf32, #tpu.memory_space<hbm>>
      %dma_start3A_72 = arith.constant 0 : i32
      %dma_start3A_73 = tpu.memref_slice %arg4[%add3A_69, %dma_start3A_72] : memref<320000x32xf32, #tpu.memory_space<hbm>> -> memref<80x32xf32, #tpu.memory_space<hbm>>
      tpu.enqueue_dma source(%arg6 : memref<80x32xf32, #tpu.memory_space<vmem>>) target(%dma_start3A_73 : memref<80x32xf32, #tpu.memory_space<hbm>>) target_semaphore(%arg8 : memref<!tpu.dma_semaphore, #tpu.memory_space<semaphore_mem>>)
      %add3A_74 = arith.constant 1 : i32
      %add3A_75 = arith.addi %mul3A_50, %add3A_74 : i32
      %ge3A_76 = arith.constant 2 : i32
      %ge3A_77 = arith.cmpi sge, %add3A_75, %ge3A_76 : i32
      %convert_element_type3A_78 = arith.extui %ge3A_77 : i1 to i32
      %cond3A_79 = arith.constant 0 : i32
      %cond3A_80 = arith.cmpi ne, %convert_element_type3A_78, %cond3A_79 : i32
      scf.if %cond3A_80 {
        %sub3A = arith.constant 2 : i32
        %sub3A_101 = arith.subi %add3A_75, %sub3A : i32
        %mul3A_102 = arith.constant 80 : i32
        %mul3A_103 = arith.muli %sub3A_101, %mul3A_102 : i32
        %add3A_104 = arith.addi %mul3A_2, %mul3A_103 : i32
        %dma_wait3A_105 = arith.constant 0 : i32
        %dma_wait3A_106 = tpu.memref_slice %arg4[%add3A_104, %dma_wait3A_105] : memref<320000x32xf32, #tpu.memory_space<hbm>> -> memref<80x32xf32, #tpu.memory_space<hbm>>
        %dma_wait3A_107 = arith.constant 0 : i32
        %dma_wait3A_108 = tpu.memref_slice %arg4[%add3A_104, %dma_wait3A_107] : memref<320000x32xf32, #tpu.memory_space<hbm>> -> memref<80x32xf32, #tpu.memory_space<hbm>>
        tpu.wait_dma2 semaphore(%arg9 : memref<!tpu.dma_semaphore, #tpu.memory_space<semaphore_mem>>) src(%arg7 : memref<80x32xf32, #tpu.memory_space<vmem>>) dst(%dma_wait3A_108 : memref<80x32xf32, #tpu.memory_space<hbm>>)
      } else {
      }
      %dma_start3A_81 = arith.constant 0 : i32
      %dma_start3A_82 = tpu.memref_slice %arg5[%add3A_75, %dma_start3A_81] : memref<125x80xi32, #tpu.memory_space<vmem>> -> memref<1x80xi32, #tpu.memory_space<vmem>>
      %dma_start3A_83 = tpu.memref_squeeze %dma_start3A_82 : memref<1x80xi32, #tpu.memory_space<vmem>> -> memref<80xi32, #tpu.memory_space<vmem>>
      %dma_start3A_84 = arith.constant 0 : i32
      %dma_start3A_85 = arith.constant 0 : i32
      %dma_start3A_86 = tpu.memref_slice %arg2[%dma_start3A_84, %dma_start3A_85] : memref<10000x32xf32, #tpu.memory_space<hbm>> -> memref<10000x32xf32, #tpu.memory_space<hbm>>
      tpu.enqueue_indirect_dma source(%dma_start3A_86 : memref<10000x32xf32, #tpu.memory_space<hbm>>) target(%arg7 : memref<80x32xf32, #tpu.memory_space<vmem>>) offsets(%dma_start3A_83 : memref<80xi32, #tpu.memory_space<vmem>>) semaphore(%arg10 : memref<!tpu.dma_semaphore, #tpu.memory_space<semaphore_mem>>)
      %dma_wait3A_87 = arith.constant 0 : i32
      %dma_wait3A_88 = tpu.memref_slice %arg5[%add3A_75, %dma_wait3A_87] : memref<125x80xi32, #tpu.memory_space<vmem>> -> memref<1x80xi32, #tpu.memory_space<vmem>>
      %dma_wait3A_89 = tpu.memref_squeeze %dma_wait3A_88 : memref<1x80xi32, #tpu.memory_space<vmem>> -> memref<80xi32, #tpu.memory_space<vmem>>
      %dma_wait3A_90 = arith.constant 0 : i32
      %dma_wait3A_91 = arith.constant 0 : i32
      %dma_wait3A_92 = tpu.memref_slice %arg2[%dma_wait3A_90, %dma_wait3A_91] : memref<10000x32xf32, #tpu.memory_space<hbm>> -> memref<10000x32xf32, #tpu.memory_space<hbm>>
      tpu.wait_indirect_dma semaphore(%arg10 : memref<!tpu.dma_semaphore, #tpu.memory_space<semaphore_mem>>) src(%dma_wait3A_92 : memref<10000x32xf32, #tpu.memory_space<hbm>>) dst(%arg7 : memref<80x32xf32, #tpu.memory_space<vmem>>)
      %mul3A_93 = arith.constant 80 : i32
      %mul3A_94 = arith.muli %add3A_75, %mul3A_93 : i32
      %add3A_95 = arith.addi %mul3A_2, %mul3A_94 : i32
      %dma_start3A_96 = arith.constant 0 : i32
      %dma_start3A_97 = tpu.memref_slice %arg4[%add3A_95, %dma_start3A_96] : memref<320000x32xf32, #tpu.memory_space<hbm>> -> memref<80x32xf32, #tpu.memory_space<hbm>>
      %dma_start3A_98 = arith.constant 0 : i32
      %dma_start3A_99 = tpu.memref_slice %arg4[%add3A_95, %dma_start3A_98] : memref<320000x32xf32, #tpu.memory_space<hbm>> -> memref<80x32xf32, #tpu.memory_space<hbm>>
      tpu.enqueue_dma source(%arg7 : memref<80x32xf32, #tpu.memory_space<vmem>>) target(%dma_start3A_99 : memref<80x32xf32, #tpu.memory_space<hbm>>) target_semaphore(%arg9 : memref<!tpu.dma_semaphore, #tpu.memory_space<semaphore_mem>>)
      %scan3A_100 = arith.constant 0 : i32
      scf.yield %scan3A_100 : i32
    }
    %scan3A_10 = arith.constant 62 : i32
    %add3A_11 = arith.constant 9760 : i32
    %add3A_12 = arith.addi %mul3A_2, %add3A_11 : i32
    %dma_wait3A = arith.constant 0 : i32
    %dma_wait3A_13 = tpu.memref_slice %arg4[%add3A_12, %dma_wait3A] : memref<320000x32xf32, #tpu.memory_space<hbm>> -> memref<80x32xf32, #tpu.memory_space<hbm>>
    %dma_wait3A_14 = arith.constant 0 : i32
    %dma_wait3A_15 = tpu.memref_slice %arg4[%add3A_12, %dma_wait3A_14] : memref<320000x32xf32, #tpu.memory_space<hbm>> -> memref<80x32xf32, #tpu.memory_space<hbm>>
    tpu.wait_dma2 semaphore(%arg8 : memref<!tpu.dma_semaphore, #tpu.memory_space<semaphore_mem>>) src(%arg6 : memref<80x32xf32, #tpu.memory_space<vmem>>) dst(%dma_wait3A_15 : memref<80x32xf32, #tpu.memory_space<hbm>>)
    %dma_start3A = arith.constant 124 : i32
    %dma_start3A_16 = arith.constant 0 : i32
    %dma_start3A_17 = tpu.memref_slice %arg5[%dma_start3A, %dma_start3A_16] : memref<125x80xi32, #tpu.memory_space<vmem>> -> memref<1x80xi32, #tpu.memory_space<vmem>>
    %dma_start3A_18 = tpu.memref_squeeze %dma_start3A_17 : memref<1x80xi32, #tpu.memory_space<vmem>> -> memref<80xi32, #tpu.memory_space<vmem>>
    %dma_start3A_19 = arith.constant 0 : i32
    %dma_start3A_20 = arith.constant 0 : i32
    %dma_start3A_21 = tpu.memref_slice %arg2[%dma_start3A_19, %dma_start3A_20] : memref<10000x32xf32, #tpu.memory_space<hbm>> -> memref<10000x32xf32, #tpu.memory_space<hbm>>
    tpu.enqueue_indirect_dma source(%dma_start3A_21 : memref<10000x32xf32, #tpu.memory_space<hbm>>) target(%arg6 : memref<80x32xf32, #tpu.memory_space<vmem>>) offsets(%dma_start3A_18 : memref<80xi32, #tpu.memory_space<vmem>>) semaphore(%arg10 : memref<!tpu.dma_semaphore, #tpu.memory_space<semaphore_mem>>)
    %dma_wait3A_22 = arith.constant 124 : i32
    %dma_wait3A_23 = arith.constant 0 : i32
    %dma_wait3A_24 = tpu.memref_slice %arg5[%dma_wait3A_22, %dma_wait3A_23] : memref<125x80xi32, #tpu.memory_space<vmem>> -> memref<1x80xi32, #tpu.memory_space<vmem>>
    %dma_wait3A_25 = tpu.memref_squeeze %dma_wait3A_24 : memref<1x80xi32, #tpu.memory_space<vmem>> -> memref<80xi32, #tpu.memory_space<vmem>>
    %dma_wait3A_26 = arith.constant 0 : i32
    %dma_wait3A_27 = arith.constant 0 : i32
    %dma_wait3A_28 = tpu.memref_slice %arg2[%dma_wait3A_26, %dma_wait3A_27] : memref<10000x32xf32, #tpu.memory_space<hbm>> -> memref<10000x32xf32, #tpu.memory_space<hbm>>
    tpu.wait_indirect_dma semaphore(%arg10 : memref<!tpu.dma_semaphore, #tpu.memory_space<semaphore_mem>>) src(%dma_wait3A_28 : memref<10000x32xf32, #tpu.memory_space<hbm>>) dst(%arg6 : memref<80x32xf32, #tpu.memory_space<vmem>>)
    %add3A_29 = arith.constant 9920 : i32
    %add3A_30 = arith.addi %mul3A_2, %add3A_29 : i32
    %dma_start3A_31 = arith.constant 0 : i32
    %dma_start3A_32 = tpu.memref_slice %arg4[%add3A_30, %dma_start3A_31] : memref<320000x32xf32, #tpu.memory_space<hbm>> -> memref<80x32xf32, #tpu.memory_space<hbm>>
    %dma_start3A_33 = arith.constant 0 : i32
    %dma_start3A_34 = tpu.memref_slice %arg4[%add3A_30, %dma_start3A_33] : memref<320000x32xf32, #tpu.memory_space<hbm>> -> memref<80x32xf32, #tpu.memory_space<hbm>>
    tpu.enqueue_dma source(%arg6 : memref<80x32xf32, #tpu.memory_space<vmem>>) target(%dma_start3A_34 : memref<80x32xf32, #tpu.memory_space<hbm>>) target_semaphore(%arg8 : memref<!tpu.dma_semaphore, #tpu.memory_space<semaphore_mem>>)
    %add3A_35 = arith.constant 9840 : i32
    %add3A_36 = arith.addi %mul3A_2, %add3A_35 : i32
    %dma_wait3A_37 = arith.constant 0 : i32
    %dma_wait3A_38 = tpu.memref_slice %arg4[%add3A_36, %dma_wait3A_37] : memref<320000x32xf32, #tpu.memory_space<hbm>> -> memref<80x32xf32, #tpu.memory_space<hbm>>
    %dma_wait3A_39 = arith.constant 0 : i32
    %dma_wait3A_40 = tpu.memref_slice %arg4[%add3A_36, %dma_wait3A_39] : memref<320000x32xf32, #tpu.memory_space<hbm>> -> memref<80x32xf32, #tpu.memory_space<hbm>>
    tpu.wait_dma2 semaphore(%arg9 : memref<!tpu.dma_semaphore, #tpu.memory_space<semaphore_mem>>) src(%arg7 : memref<80x32xf32, #tpu.memory_space<vmem>>) dst(%dma_wait3A_40 : memref<80x32xf32, #tpu.memory_space<hbm>>)
    %add3A_41 = arith.constant 9920 : i32
    %add3A_42 = arith.addi %mul3A_2, %add3A_41 : i32
    %dma_wait3A_43 = arith.constant 0 : i32
    %dma_wait3A_44 = tpu.memref_slice %arg4[%add3A_42, %dma_wait3A_43] : memref<320000x32xf32, #tpu.memory_space<hbm>> -> memref<80x32xf32, #tpu.memory_space<hbm>>
    %dma_wait3A_45 = arith.constant 0 : i32
    %dma_wait3A_46 = tpu.memref_slice %arg4[%add3A_42, %dma_wait3A_45] : memref<320000x32xf32, #tpu.memory_space<hbm>> -> memref<80x32xf32, #tpu.memory_space<hbm>>
    tpu.wait_dma2 semaphore(%arg8 : memref<!tpu.dma_semaphore, #tpu.memory_space<semaphore_mem>>) src(%arg6 : memref<80x32xf32, #tpu.memory_space<vmem>>) dst(%dma_wait3A_46 : memref<80x32xf32, #tpu.memory_space<hbm>>)
    return
  }
}

#map = affine_map<(d0, d1) -> (0, 0)>
#map1 = affine_map<(d0, d1) -> (0, 0, 0)>
module attributes {stable_mosaic.version = 14 : i64} {
  func.func @k(%arg0: i32, %arg1: i32, %arg2: memref<320000x512xf32, #tpu.memory_space<hbm>>, %arg3: memref<4000x80xi32, #tpu.memory_space<hbm>>, %arg4: memref<80x128xf32, #tpu.memory_space<hbm>>, %arg5: memref<4x10000x128xf32, #tpu.memory_space<hbm>>, %arg6: memref<250x80xi32, #tpu.memory_space<vmem>>, %arg7: memref<80x128xf32, #tpu.memory_space<vmem>>, %arg8: memref<80x128xf32, #tpu.memory_space<vmem>>, %arg9: memref<10000x128xf32, #tpu.memory_space<vmem_shared>>, %arg10: memref<!tpu.dma_semaphore, #tpu.memory_space<semaphore_mem>>, %arg11: memref<!tpu.dma_semaphore, #tpu.memory_space<semaphore_mem>>) attributes {dimension_semantics = [#tpu.dimension_semantics<core_parallel>, #tpu.dimension_semantics<subcore_parallel>], iteration_bounds = array<i64: 2, 16>, scalar_prefetch = 0 : i64, scratch_operands = 6 : i64, tpu.core_type = #tpu.core_type<sc_vector_subcore>, window_params = [{transform_indices = #map}, {transform_indices = #map}, {transform_indices = #map}, {transform_indices = #map1}]} {
    %mul3A = arith.constant 20000 : i32
    %mul3A_0 = arith.muli %arg1, %mul3A : i32
    %mul3A_1 = arith.constant 625 : i32
    %mul3A_2 = arith.muli %arg1, %mul3A_1 : i32
    %mul3A_3 = arith.constant 250 : i32
    %mul3A_4 = arith.muli %arg1, %mul3A_3 : i32
    "tpu.region"() ({
      %run_scoped3A = tpu.sem_alloc : memref<!tpu.dma_semaphore, #tpu.memory_space<semaphore_mem>>
      %dma_start3A_79 = arith.constant 0 : i32
      %dma_start3A_80 = tpu.memref_slice %arg3[%mul3A_4, %dma_start3A_79] : memref<4000x80xi32, #tpu.memory_space<hbm>> -> memref<250x80xi32, #tpu.memory_space<hbm>>
      %dma_start3A_81 = arith.constant 0 : i32
      %dma_start3A_82 = tpu.memref_slice %arg3[%mul3A_4, %dma_start3A_81] : memref<4000x80xi32, #tpu.memory_space<hbm>> -> memref<250x80xi32, #tpu.memory_space<hbm>>
      tpu.enqueue_dma source(%dma_start3A_82 : memref<250x80xi32, #tpu.memory_space<hbm>>) target(%arg6 : memref<250x80xi32, #tpu.memory_space<vmem>>) target_semaphore(%run_scoped3A : memref<!tpu.dma_semaphore, #tpu.memory_space<semaphore_mem>>)
      %dma_wait3A = arith.constant 0 : i32
      %dma_wait3A_83 = tpu.memref_slice %arg3[%mul3A_4, %dma_wait3A] : memref<4000x80xi32, #tpu.memory_space<hbm>> -> memref<250x80xi32, #tpu.memory_space<hbm>>
      %dma_wait3A_84 = arith.constant 0 : i32
      %dma_wait3A_85 = tpu.memref_slice %arg3[%mul3A_4, %dma_wait3A_84] : memref<4000x80xi32, #tpu.memory_space<hbm>> -> memref<250x80xi32, #tpu.memory_space<hbm>>
      tpu.wait_dma2 semaphore(%run_scoped3A : memref<!tpu.dma_semaphore, #tpu.memory_space<semaphore_mem>>) src(%dma_wait3A_85 : memref<250x80xi32, #tpu.memory_space<hbm>>) dst(%arg6 : memref<250x80xi32, #tpu.memory_space<vmem>>)
      tpu.yield
    }) : () -> ()
    "tpu.region"() ({
      %run_scoped3A = tpu.sem_alloc : memref<!tpu.dma_semaphore, #tpu.memory_space<semaphore_mem>>
      tpu.enqueue_dma source(%arg4 : memref<80x128xf32, #tpu.memory_space<hbm>>) target(%arg7 : memref<80x128xf32, #tpu.memory_space<vmem>>) target_semaphore(%run_scoped3A : memref<!tpu.dma_semaphore, #tpu.memory_space<semaphore_mem>>)
      tpu.wait_dma2 semaphore(%run_scoped3A : memref<!tpu.dma_semaphore, #tpu.memory_space<semaphore_mem>>) src(%arg4 : memref<80x128xf32, #tpu.memory_space<hbm>>) dst(%arg7 : memref<80x128xf32, #tpu.memory_space<vmem>>)
      tpu.yield
    }) : () -> ()
    %add3A = arith.constant 0 : i32
    %add3A_5 = arith.addi %mul3A_2, %add3A : i32
    "tpu.region"() ({
      %run_scoped3A = tpu.sem_alloc : memref<!tpu.dma_semaphore, #tpu.memory_space<semaphore_mem>>
      %dma_start3A_79 = arith.constant 0 : i32
      %dma_start3A_80 = tpu.memref_slice %arg9[%add3A_5, %dma_start3A_79] : memref<10000x128xf32, #tpu.memory_space<vmem_shared>> -> memref<80x128xf32, #tpu.memory_space<vmem_shared>>
      %dma_start3A_81 = arith.constant 0 : i32
      %dma_start3A_82 = tpu.memref_slice %arg9[%add3A_5, %dma_start3A_81] : memref<10000x128xf32, #tpu.memory_space<vmem_shared>> -> memref<80x128xf32, #tpu.memory_space<vmem_shared>>
      tpu.enqueue_dma source(%arg7 : memref<80x128xf32, #tpu.memory_space<vmem>>) target(%dma_start3A_82 : memref<80x128xf32, #tpu.memory_space<vmem_shared>>) target_semaphore(%run_scoped3A : memref<!tpu.dma_semaphore, #tpu.memory_space<semaphore_mem>>)
      %dma_wait3A = arith.constant 0 : i32
      %dma_wait3A_83 = tpu.memref_slice %arg9[%add3A_5, %dma_wait3A] : memref<10000x128xf32, #tpu.memory_space<vmem_shared>> -> memref<80x128xf32, #tpu.memory_space<vmem_shared>>
      %dma_wait3A_84 = arith.constant 0 : i32
      %dma_wait3A_85 = tpu.memref_slice %arg9[%add3A_5, %dma_wait3A_84] : memref<10000x128xf32, #tpu.memory_space<vmem_shared>> -> memref<80x128xf32, #tpu.memory_space<vmem_shared>>
      tpu.wait_dma2 semaphore(%run_scoped3A : memref<!tpu.dma_semaphore, #tpu.memory_space<semaphore_mem>>) src(%arg7 : memref<80x128xf32, #tpu.memory_space<vmem>>) dst(%dma_wait3A_85 : memref<80x128xf32, #tpu.memory_space<vmem_shared>>)
      tpu.yield
    }) : () -> ()
    %add3A_6 = arith.constant 80 : i32
    %add3A_7 = arith.addi %mul3A_2, %add3A_6 : i32
    "tpu.region"() ({
      %run_scoped3A = tpu.sem_alloc : memref<!tpu.dma_semaphore, #tpu.memory_space<semaphore_mem>>
      %dma_start3A_79 = arith.constant 0 : i32
      %dma_start3A_80 = tpu.memref_slice %arg9[%add3A_7, %dma_start3A_79] : memref<10000x128xf32, #tpu.memory_space<vmem_shared>> -> memref<80x128xf32, #tpu.memory_space<vmem_shared>>
      %dma_start3A_81 = arith.constant 0 : i32
      %dma_start3A_82 = tpu.memref_slice %arg9[%add3A_7, %dma_start3A_81] : memref<10000x128xf32, #tpu.memory_space<vmem_shared>> -> memref<80x128xf32, #tpu.memory_space<vmem_shared>>
      tpu.enqueue_dma source(%arg7 : memref<80x128xf32, #tpu.memory_space<vmem>>) target(%dma_start3A_82 : memref<80x128xf32, #tpu.memory_space<vmem_shared>>) target_semaphore(%run_scoped3A : memref<!tpu.dma_semaphore, #tpu.memory_space<semaphore_mem>>)
      %dma_wait3A = arith.constant 0 : i32
      %dma_wait3A_83 = tpu.memref_slice %arg9[%add3A_7, %dma_wait3A] : memref<10000x128xf32, #tpu.memory_space<vmem_shared>> -> memref<80x128xf32, #tpu.memory_space<vmem_shared>>
      %dma_wait3A_84 = arith.constant 0 : i32
      %dma_wait3A_85 = tpu.memref_slice %arg9[%add3A_7, %dma_wait3A_84] : memref<10000x128xf32, #tpu.memory_space<vmem_shared>> -> memref<80x128xf32, #tpu.memory_space<vmem_shared>>
      tpu.wait_dma2 semaphore(%run_scoped3A : memref<!tpu.dma_semaphore, #tpu.memory_space<semaphore_mem>>) src(%arg7 : memref<80x128xf32, #tpu.memory_space<vmem>>) dst(%dma_wait3A_85 : memref<80x128xf32, #tpu.memory_space<vmem_shared>>)
      tpu.yield
    }) : () -> ()
    %add3A_8 = arith.constant 160 : i32
    %add3A_9 = arith.addi %mul3A_2, %add3A_8 : i32
    "tpu.region"() ({
      %run_scoped3A = tpu.sem_alloc : memref<!tpu.dma_semaphore, #tpu.memory_space<semaphore_mem>>
      %dma_start3A_79 = arith.constant 0 : i32
      %dma_start3A_80 = tpu.memref_slice %arg9[%add3A_9, %dma_start3A_79] : memref<10000x128xf32, #tpu.memory_space<vmem_shared>> -> memref<80x128xf32, #tpu.memory_space<vmem_shared>>
      %dma_start3A_81 = arith.constant 0 : i32
      %dma_start3A_82 = tpu.memref_slice %arg9[%add3A_9, %dma_start3A_81] : memref<10000x128xf32, #tpu.memory_space<vmem_shared>> -> memref<80x128xf32, #tpu.memory_space<vmem_shared>>
      tpu.enqueue_dma source(%arg7 : memref<80x128xf32, #tpu.memory_space<vmem>>) target(%dma_start3A_82 : memref<80x128xf32, #tpu.memory_space<vmem_shared>>) target_semaphore(%run_scoped3A : memref<!tpu.dma_semaphore, #tpu.memory_space<semaphore_mem>>)
      %dma_wait3A = arith.constant 0 : i32
      %dma_wait3A_83 = tpu.memref_slice %arg9[%add3A_9, %dma_wait3A] : memref<10000x128xf32, #tpu.memory_space<vmem_shared>> -> memref<80x128xf32, #tpu.memory_space<vmem_shared>>
      %dma_wait3A_84 = arith.constant 0 : i32
      %dma_wait3A_85 = tpu.memref_slice %arg9[%add3A_9, %dma_wait3A_84] : memref<10000x128xf32, #tpu.memory_space<vmem_shared>> -> memref<80x128xf32, #tpu.memory_space<vmem_shared>>
      tpu.wait_dma2 semaphore(%run_scoped3A : memref<!tpu.dma_semaphore, #tpu.memory_space<semaphore_mem>>) src(%arg7 : memref<80x128xf32, #tpu.memory_space<vmem>>) dst(%dma_wait3A_85 : memref<80x128xf32, #tpu.memory_space<vmem_shared>>)
      tpu.yield
    }) : () -> ()
    %add3A_10 = arith.constant 240 : i32
    %add3A_11 = arith.addi %mul3A_2, %add3A_10 : i32
    "tpu.region"() ({
      %run_scoped3A = tpu.sem_alloc : memref<!tpu.dma_semaphore, #tpu.memory_space<semaphore_mem>>
      %dma_start3A_79 = arith.constant 0 : i32
      %dma_start3A_80 = tpu.memref_slice %arg9[%add3A_11, %dma_start3A_79] : memref<10000x128xf32, #tpu.memory_space<vmem_shared>> -> memref<80x128xf32, #tpu.memory_space<vmem_shared>>
      %dma_start3A_81 = arith.constant 0 : i32
      %dma_start3A_82 = tpu.memref_slice %arg9[%add3A_11, %dma_start3A_81] : memref<10000x128xf32, #tpu.memory_space<vmem_shared>> -> memref<80x128xf32, #tpu.memory_space<vmem_shared>>
      tpu.enqueue_dma source(%arg7 : memref<80x128xf32, #tpu.memory_space<vmem>>) target(%dma_start3A_82 : memref<80x128xf32, #tpu.memory_space<vmem_shared>>) target_semaphore(%run_scoped3A : memref<!tpu.dma_semaphore, #tpu.memory_space<semaphore_mem>>)
      %dma_wait3A = arith.constant 0 : i32
      %dma_wait3A_83 = tpu.memref_slice %arg9[%add3A_11, %dma_wait3A] : memref<10000x128xf32, #tpu.memory_space<vmem_shared>> -> memref<80x128xf32, #tpu.memory_space<vmem_shared>>
      %dma_wait3A_84 = arith.constant 0 : i32
      %dma_wait3A_85 = tpu.memref_slice %arg9[%add3A_11, %dma_wait3A_84] : memref<10000x128xf32, #tpu.memory_space<vmem_shared>> -> memref<80x128xf32, #tpu.memory_space<vmem_shared>>
      tpu.wait_dma2 semaphore(%run_scoped3A : memref<!tpu.dma_semaphore, #tpu.memory_space<semaphore_mem>>) src(%arg7 : memref<80x128xf32, #tpu.memory_space<vmem>>) dst(%dma_wait3A_85 : memref<80x128xf32, #tpu.memory_space<vmem_shared>>)
      tpu.yield
    }) : () -> ()
    %add3A_12 = arith.constant 320 : i32
    %add3A_13 = arith.addi %mul3A_2, %add3A_12 : i32
    "tpu.region"() ({
      %run_scoped3A = tpu.sem_alloc : memref<!tpu.dma_semaphore, #tpu.memory_space<semaphore_mem>>
      %dma_start3A_79 = arith.constant 0 : i32
      %dma_start3A_80 = tpu.memref_slice %arg9[%add3A_13, %dma_start3A_79] : memref<10000x128xf32, #tpu.memory_space<vmem_shared>> -> memref<80x128xf32, #tpu.memory_space<vmem_shared>>
      %dma_start3A_81 = arith.constant 0 : i32
      %dma_start3A_82 = tpu.memref_slice %arg9[%add3A_13, %dma_start3A_81] : memref<10000x128xf32, #tpu.memory_space<vmem_shared>> -> memref<80x128xf32, #tpu.memory_space<vmem_shared>>
      tpu.enqueue_dma source(%arg7 : memref<80x128xf32, #tpu.memory_space<vmem>>) target(%dma_start3A_82 : memref<80x128xf32, #tpu.memory_space<vmem_shared>>) target_semaphore(%run_scoped3A : memref<!tpu.dma_semaphore, #tpu.memory_space<semaphore_mem>>)
      %dma_wait3A = arith.constant 0 : i32
      %dma_wait3A_83 = tpu.memref_slice %arg9[%add3A_13, %dma_wait3A] : memref<10000x128xf32, #tpu.memory_space<vmem_shared>> -> memref<80x128xf32, #tpu.memory_space<vmem_shared>>
      %dma_wait3A_84 = arith.constant 0 : i32
      %dma_wait3A_85 = tpu.memref_slice %arg9[%add3A_13, %dma_wait3A_84] : memref<10000x128xf32, #tpu.memory_space<vmem_shared>> -> memref<80x128xf32, #tpu.memory_space<vmem_shared>>
      tpu.wait_dma2 semaphore(%run_scoped3A : memref<!tpu.dma_semaphore, #tpu.memory_space<semaphore_mem>>) src(%arg7 : memref<80x128xf32, #tpu.memory_space<vmem>>) dst(%dma_wait3A_85 : memref<80x128xf32, #tpu.memory_space<vmem_shared>>)
      tpu.yield
    }) : () -> ()
    %add3A_14 = arith.constant 400 : i32
    %add3A_15 = arith.addi %mul3A_2, %add3A_14 : i32
    "tpu.region"() ({
      %run_scoped3A = tpu.sem_alloc : memref<!tpu.dma_semaphore, #tpu.memory_space<semaphore_mem>>
      %dma_start3A_79 = arith.constant 0 : i32
      %dma_start3A_80 = tpu.memref_slice %arg9[%add3A_15, %dma_start3A_79] : memref<10000x128xf32, #tpu.memory_space<vmem_shared>> -> memref<80x128xf32, #tpu.memory_space<vmem_shared>>
      %dma_start3A_81 = arith.constant 0 : i32
      %dma_start3A_82 = tpu.memref_slice %arg9[%add3A_15, %dma_start3A_81] : memref<10000x128xf32, #tpu.memory_space<vmem_shared>> -> memref<80x128xf32, #tpu.memory_space<vmem_shared>>
      tpu.enqueue_dma source(%arg7 : memref<80x128xf32, #tpu.memory_space<vmem>>) target(%dma_start3A_82 : memref<80x128xf32, #tpu.memory_space<vmem_shared>>) target_semaphore(%run_scoped3A : memref<!tpu.dma_semaphore, #tpu.memory_space<semaphore_mem>>)
      %dma_wait3A = arith.constant 0 : i32
      %dma_wait3A_83 = tpu.memref_slice %arg9[%add3A_15, %dma_wait3A] : memref<10000x128xf32, #tpu.memory_space<vmem_shared>> -> memref<80x128xf32, #tpu.memory_space<vmem_shared>>
      %dma_wait3A_84 = arith.constant 0 : i32
      %dma_wait3A_85 = tpu.memref_slice %arg9[%add3A_15, %dma_wait3A_84] : memref<10000x128xf32, #tpu.memory_space<vmem_shared>> -> memref<80x128xf32, #tpu.memory_space<vmem_shared>>
      tpu.wait_dma2 semaphore(%run_scoped3A : memref<!tpu.dma_semaphore, #tpu.memory_space<semaphore_mem>>) src(%arg7 : memref<80x128xf32, #tpu.memory_space<vmem>>) dst(%dma_wait3A_85 : memref<80x128xf32, #tpu.memory_space<vmem_shared>>)
      tpu.yield
    }) : () -> ()
    %add3A_16 = arith.constant 480 : i32
    %add3A_17 = arith.addi %mul3A_2, %add3A_16 : i32
    "tpu.region"() ({
      %run_scoped3A = tpu.sem_alloc : memref<!tpu.dma_semaphore, #tpu.memory_space<semaphore_mem>>
      %dma_start3A_79 = arith.constant 0 : i32
      %dma_start3A_80 = tpu.memref_slice %arg9[%add3A_17, %dma_start3A_79] : memref<10000x128xf32, #tpu.memory_space<vmem_shared>> -> memref<80x128xf32, #tpu.memory_space<vmem_shared>>
      %dma_start3A_81 = arith.constant 0 : i32
      %dma_start3A_82 = tpu.memref_slice %arg9[%add3A_17, %dma_start3A_81] : memref<10000x128xf32, #tpu.memory_space<vmem_shared>> -> memref<80x128xf32, #tpu.memory_space<vmem_shared>>
      tpu.enqueue_dma source(%arg7 : memref<80x128xf32, #tpu.memory_space<vmem>>) target(%dma_start3A_82 : memref<80x128xf32, #tpu.memory_space<vmem_shared>>) target_semaphore(%run_scoped3A : memref<!tpu.dma_semaphore, #tpu.memory_space<semaphore_mem>>)
      %dma_wait3A = arith.constant 0 : i32
      %dma_wait3A_83 = tpu.memref_slice %arg9[%add3A_17, %dma_wait3A] : memref<10000x128xf32, #tpu.memory_space<vmem_shared>> -> memref<80x128xf32, #tpu.memory_space<vmem_shared>>
      %dma_wait3A_84 = arith.constant 0 : i32
      %dma_wait3A_85 = tpu.memref_slice %arg9[%add3A_17, %dma_wait3A_84] : memref<10000x128xf32, #tpu.memory_space<vmem_shared>> -> memref<80x128xf32, #tpu.memory_space<vmem_shared>>
      tpu.wait_dma2 semaphore(%run_scoped3A : memref<!tpu.dma_semaphore, #tpu.memory_space<semaphore_mem>>) src(%arg7 : memref<80x128xf32, #tpu.memory_space<vmem>>) dst(%dma_wait3A_85 : memref<80x128xf32, #tpu.memory_space<vmem_shared>>)
      tpu.yield
    }) : () -> ()
    %add3A_18 = arith.constant 560 : i32
    %add3A_19 = arith.addi %mul3A_2, %add3A_18 : i32
    "tpu.region"() ({
      %run_scoped3A = tpu.sem_alloc : memref<!tpu.dma_semaphore, #tpu.memory_space<semaphore_mem>>
      %dma_start3A_79 = arith.constant 0 : i32
      %dma_start3A_80 = arith.constant 0 : i32
      %dma_start3A_81 = tpu.memref_slice %arg7[%dma_start3A_79, %dma_start3A_80] : memref<80x128xf32, #tpu.memory_space<vmem>> -> memref<65x128xf32, #tpu.memory_space<vmem>>
      %dma_start3A_82 = arith.constant 0 : i32
      %dma_start3A_83 = tpu.memref_slice %arg9[%add3A_19, %dma_start3A_82] : memref<10000x128xf32, #tpu.memory_space<vmem_shared>> -> memref<65x128xf32, #tpu.memory_space<vmem_shared>>
      %dma_start3A_84 = arith.constant 0 : i32
      %dma_start3A_85 = tpu.memref_slice %arg9[%add3A_19, %dma_start3A_84] : memref<10000x128xf32, #tpu.memory_space<vmem_shared>> -> memref<65x128xf32, #tpu.memory_space<vmem_shared>>
      %dma_start3A_86 = arith.constant 0 : i32
      %dma_start3A_87 = arith.constant 0 : i32
      %dma_start3A_88 = tpu.memref_slice %arg7[%dma_start3A_86, %dma_start3A_87] : memref<80x128xf32, #tpu.memory_space<vmem>> -> memref<65x128xf32, #tpu.memory_space<vmem>>
      tpu.enqueue_dma source(%dma_start3A_88 : memref<65x128xf32, #tpu.memory_space<vmem>>) target(%dma_start3A_85 : memref<65x128xf32, #tpu.memory_space<vmem_shared>>) target_semaphore(%run_scoped3A : memref<!tpu.dma_semaphore, #tpu.memory_space<semaphore_mem>>)
      %dma_wait3A = arith.constant 0 : i32
      %dma_wait3A_89 = arith.constant 0 : i32
      %dma_wait3A_90 = tpu.memref_slice %arg7[%dma_wait3A, %dma_wait3A_89] : memref<80x128xf32, #tpu.memory_space<vmem>> -> memref<65x128xf32, #tpu.memory_space<vmem>>
      %dma_wait3A_91 = arith.constant 0 : i32
      %dma_wait3A_92 = tpu.memref_slice %arg9[%add3A_19, %dma_wait3A_91] : memref<10000x128xf32, #tpu.memory_space<vmem_shared>> -> memref<65x128xf32, #tpu.memory_space<vmem_shared>>
      %dma_wait3A_93 = arith.constant 0 : i32
      %dma_wait3A_94 = tpu.memref_slice %arg9[%add3A_19, %dma_wait3A_93] : memref<10000x128xf32, #tpu.memory_space<vmem_shared>> -> memref<65x128xf32, #tpu.memory_space<vmem_shared>>
      %dma_wait3A_95 = arith.constant 0 : i32
      %dma_wait3A_96 = arith.constant 0 : i32
      %dma_wait3A_97 = tpu.memref_slice %arg7[%dma_wait3A_95, %dma_wait3A_96] : memref<80x128xf32, #tpu.memory_space<vmem>> -> memref<65x128xf32, #tpu.memory_space<vmem>>
      tpu.wait_dma2 semaphore(%run_scoped3A : memref<!tpu.dma_semaphore, #tpu.memory_space<semaphore_mem>>) src(%dma_wait3A_97 : memref<65x128xf32, #tpu.memory_space<vmem>>) dst(%dma_wait3A_94 : memref<65x128xf32, #tpu.memory_space<vmem_shared>>)
      tpu.yield
    }) : () -> ()
    %barrier3A = arith.constant 0 : index
    tpu.barrier barrier_id(%barrier3A)
    %mul3A_20 = arith.constant 2 : i32
    %mul3A_21 = arith.muli %arg0, %mul3A_20 : i32
    %add3A_22 = arith.constant 0 : i32
    %add3A_23 = arith.addi %mul3A_21, %add3A_22 : i32
    %mul3A_24 = arith.constant 128 : i32
    %mul3A_25 = arith.muli %add3A_23, %mul3A_24 : i32
    %add3A_26 = arith.constant 0 : i32
    %add3A_27 = arith.addi %mul3A_0, %add3A_26 : i32
    %dma_start3A = tpu.memref_slice %arg2[%add3A_27, %mul3A_25] : memref<320000x512xf32, #tpu.memory_space<hbm>> -> memref<80x128xf32, #tpu.memory_space<hbm>>
    %dma_start3A_28 = tpu.memref_slice %arg2[%add3A_27, %mul3A_25] : memref<320000x512xf32, #tpu.memory_space<hbm>> -> memref<80x128xf32, #tpu.memory_space<hbm>>
    tpu.enqueue_dma source(%dma_start3A_28 : memref<80x128xf32, #tpu.memory_space<hbm>>) target(%arg7 : memref<80x128xf32, #tpu.memory_space<vmem>>) target_semaphore(%arg10 : memref<!tpu.dma_semaphore, #tpu.memory_space<semaphore_mem>>)
    %add3A_29 = arith.constant 80 : i32
    %add3A_30 = arith.addi %mul3A_0, %add3A_29 : i32
    %dma_start3A_31 = tpu.memref_slice %arg2[%add3A_30, %mul3A_25] : memref<320000x512xf32, #tpu.memory_space<hbm>> -> memref<80x128xf32, #tpu.memory_space<hbm>>
    %dma_start3A_32 = tpu.memref_slice %arg2[%add3A_30, %mul3A_25] : memref<320000x512xf32, #tpu.memory_space<hbm>> -> memref<80x128xf32, #tpu.memory_space<hbm>>
    tpu.enqueue_dma source(%dma_start3A_32 : memref<80x128xf32, #tpu.memory_space<hbm>>) target(%arg8 : memref<80x128xf32, #tpu.memory_space<vmem>>) target_semaphore(%arg11 : memref<!tpu.dma_semaphore, #tpu.memory_space<semaphore_mem>>)
    %scan3A = arith.constant 0 : i32
    %scan3A_33 = arith.constant 0 : i32
    %scan3A_34 = arith.constant 125 : i32
    %scan3A_35 = arith.addi %scan3A_33, %scan3A_34 : i32
    %scan3A_36 = arith.constant 1 : i32
    %scan3A_37 = scf.for %scan3A_79 = %scan3A_33 to %scan3A_35 step %scan3A_36 iter_args(%scan3A_80 = %scan3A) -> (i32)  : i32 {
      %mul3A_81 = arith.constant 2 : i32
      %mul3A_82 = arith.muli %scan3A_79, %mul3A_81 : i32
      %add3A_83 = arith.constant 0 : i32
      %add3A_84 = arith.addi %mul3A_82, %add3A_83 : i32
      %mul3A_85 = arith.constant 80 : i32
      %mul3A_86 = arith.muli %add3A_84, %mul3A_85 : i32
      %add3A_87 = arith.addi %mul3A_0, %mul3A_86 : i32
      %dma_wait3A = tpu.memref_slice %arg2[%add3A_87, %mul3A_25] : memref<320000x512xf32, #tpu.memory_space<hbm>> -> memref<80x128xf32, #tpu.memory_space<hbm>>
      %dma_wait3A_88 = tpu.memref_slice %arg2[%add3A_87, %mul3A_25] : memref<320000x512xf32, #tpu.memory_space<hbm>> -> memref<80x128xf32, #tpu.memory_space<hbm>>
      tpu.wait_dma2 semaphore(%arg10 : memref<!tpu.dma_semaphore, #tpu.memory_space<semaphore_mem>>) src(%dma_wait3A_88 : memref<80x128xf32, #tpu.memory_space<hbm>>) dst(%arg7 : memref<80x128xf32, #tpu.memory_space<vmem>>)
      "tpu.region"() ({
        %run_scoped3A = tpu.sem_alloc : memref<!tpu.dma_semaphore, #tpu.memory_space<semaphore_mem>>
        %dma_start3A_108 = arith.constant 0 : i32
        %dma_start3A_109 = tpu.memref_slice %arg6[%add3A_84, %dma_start3A_108] : memref<250x80xi32, #tpu.memory_space<vmem>> -> memref<1x80xi32, #tpu.memory_space<vmem>>
        %dma_start3A_110 = tpu.memref_squeeze %dma_start3A_109 : memref<1x80xi32, #tpu.memory_space<vmem>> -> memref<80xi32, #tpu.memory_space<vmem>>
        %dma_start3A_111 = arith.constant 0 : i32
        %dma_start3A_112 = arith.constant 0 : i32
        %dma_start3A_113 = tpu.memref_slice %arg9[%dma_start3A_111, %dma_start3A_112] : memref<10000x128xf32, #tpu.memory_space<vmem_shared>> -> memref<10000x128xf32, #tpu.memory_space<vmem_shared>>
        tpu.enqueue_indirect_dma source(%arg7 : memref<80x128xf32, #tpu.memory_space<vmem>>) target(%dma_start3A_113 : memref<10000x128xf32, #tpu.memory_space<vmem_shared>>) offsets(%dma_start3A_110 : memref<80xi32, #tpu.memory_space<vmem>>) semaphore(%run_scoped3A : memref<!tpu.dma_semaphore, #tpu.memory_space<semaphore_mem>>) {add = true}
        %dma_wait3A_114 = arith.constant 0 : i32
        %dma_wait3A_115 = tpu.memref_slice %arg6[%add3A_84, %dma_wait3A_114] : memref<250x80xi32, #tpu.memory_space<vmem>> -> memref<1x80xi32, #tpu.memory_space<vmem>>
        %dma_wait3A_116 = tpu.memref_squeeze %dma_wait3A_115 : memref<1x80xi32, #tpu.memory_space<vmem>> -> memref<80xi32, #tpu.memory_space<vmem>>
        %dma_wait3A_117 = arith.constant 0 : i32
        %dma_wait3A_118 = arith.constant 0 : i32
        %dma_wait3A_119 = tpu.memref_slice %arg9[%dma_wait3A_117, %dma_wait3A_118] : memref<10000x128xf32, #tpu.memory_space<vmem_shared>> -> memref<10000x128xf32, #tpu.memory_space<vmem_shared>>
        tpu.wait_indirect_dma semaphore(%run_scoped3A : memref<!tpu.dma_semaphore, #tpu.memory_space<semaphore_mem>>) src(%arg7 : memref<80x128xf32, #tpu.memory_space<vmem>>) dst(%dma_wait3A_119 : memref<10000x128xf32, #tpu.memory_space<vmem_shared>>)
        tpu.yield
      }) : () -> ()
      %add3A_89 = arith.constant 2 : i32
      %add3A_90 = arith.addi %add3A_84, %add3A_89 : i32
      %lt3A = arith.constant 250 : i32
      %lt3A_91 = arith.cmpi slt, %add3A_90, %lt3A : i32
      %convert_element_type3A = arith.extui %lt3A_91 : i1 to i32
      %cond3A = arith.constant 0 : i32
      %cond3A_92 = arith.cmpi ne, %convert_element_type3A, %cond3A : i32
      scf.if %cond3A_92 {
        %add3A_108 = arith.constant 2 : i32
        %add3A_109 = arith.addi %add3A_84, %add3A_108 : i32
        %mul3A_110 = arith.constant 80 : i32
        %mul3A_111 = arith.muli %add3A_109, %mul3A_110 : i32
        %add3A_112 = arith.addi %mul3A_0, %mul3A_111 : i32
        %dma_start3A_113 = tpu.memref_slice %arg2[%add3A_112, %mul3A_25] : memref<320000x512xf32, #tpu.memory_space<hbm>> -> memref<80x128xf32, #tpu.memory_space<hbm>>
        %dma_start3A_114 = tpu.memref_slice %arg2[%add3A_112, %mul3A_25] : memref<320000x512xf32, #tpu.memory_space<hbm>> -> memref<80x128xf32, #tpu.memory_space<hbm>>
        tpu.enqueue_dma source(%dma_start3A_114 : memref<80x128xf32, #tpu.memory_space<hbm>>) target(%arg7 : memref<80x128xf32, #tpu.memory_space<vmem>>) target_semaphore(%arg10 : memref<!tpu.dma_semaphore, #tpu.memory_space<semaphore_mem>>)
      } else {
      }
      %add3A_93 = arith.constant 1 : i32
      %add3A_94 = arith.addi %mul3A_82, %add3A_93 : i32
      %mul3A_95 = arith.constant 80 : i32
      %mul3A_96 = arith.muli %add3A_94, %mul3A_95 : i32
      %add3A_97 = arith.addi %mul3A_0, %mul3A_96 : i32
      %dma_wait3A_98 = tpu.memref_slice %arg2[%add3A_97, %mul3A_25] : memref<320000x512xf32, #tpu.memory_space<hbm>> -> memref<80x128xf32, #tpu.memory_space<hbm>>
      %dma_wait3A_99 = tpu.memref_slice %arg2[%add3A_97, %mul3A_25] : memref<320000x512xf32, #tpu.memory_space<hbm>> -> memref<80x128xf32, #tpu.memory_space<hbm>>
      tpu.wait_dma2 semaphore(%arg11 : memref<!tpu.dma_semaphore, #tpu.memory_space<semaphore_mem>>) src(%dma_wait3A_99 : memref<80x128xf32, #tpu.memory_space<hbm>>) dst(%arg8 : memref<80x128xf32, #tpu.memory_space<vmem>>)
      "tpu.region"() ({
        %run_scoped3A = tpu.sem_alloc : memref<!tpu.dma_semaphore, #tpu.memory_space<semaphore_mem>>
        %dma_start3A_108 = arith.constant 0 : i32
        %dma_start3A_109 = tpu.memref_slice %arg6[%add3A_94, %dma_start3A_108] : memref<250x80xi32, #tpu.memory_space<vmem>> -> memref<1x80xi32, #tpu.memory_space<vmem>>
        %dma_start3A_110 = tpu.memref_squeeze %dma_start3A_109 : memref<1x80xi32, #tpu.memory_space<vmem>> -> memref<80xi32, #tpu.memory_space<vmem>>
        %dma_start3A_111 = arith.constant 0 : i32
        %dma_start3A_112 = arith.constant 0 : i32
        %dma_start3A_113 = tpu.memref_slice %arg9[%dma_start3A_111, %dma_start3A_112] : memref<10000x128xf32, #tpu.memory_space<vmem_shared>> -> memref<10000x128xf32, #tpu.memory_space<vmem_shared>>
        tpu.enqueue_indirect_dma source(%arg8 : memref<80x128xf32, #tpu.memory_space<vmem>>) target(%dma_start3A_113 : memref<10000x128xf32, #tpu.memory_space<vmem_shared>>) offsets(%dma_start3A_110 : memref<80xi32, #tpu.memory_space<vmem>>) semaphore(%run_scoped3A : memref<!tpu.dma_semaphore, #tpu.memory_space<semaphore_mem>>) {add = true}
        %dma_wait3A_114 = arith.constant 0 : i32
        %dma_wait3A_115 = tpu.memref_slice %arg6[%add3A_94, %dma_wait3A_114] : memref<250x80xi32, #tpu.memory_space<vmem>> -> memref<1x80xi32, #tpu.memory_space<vmem>>
        %dma_wait3A_116 = tpu.memref_squeeze %dma_wait3A_115 : memref<1x80xi32, #tpu.memory_space<vmem>> -> memref<80xi32, #tpu.memory_space<vmem>>
        %dma_wait3A_117 = arith.constant 0 : i32
        %dma_wait3A_118 = arith.constant 0 : i32
        %dma_wait3A_119 = tpu.memref_slice %arg9[%dma_wait3A_117, %dma_wait3A_118] : memref<10000x128xf32, #tpu.memory_space<vmem_shared>> -> memref<10000x128xf32, #tpu.memory_space<vmem_shared>>
        tpu.wait_indirect_dma semaphore(%run_scoped3A : memref<!tpu.dma_semaphore, #tpu.memory_space<semaphore_mem>>) src(%arg8 : memref<80x128xf32, #tpu.memory_space<vmem>>) dst(%dma_wait3A_119 : memref<10000x128xf32, #tpu.memory_space<vmem_shared>>)
        tpu.yield
      }) : () -> ()
      %add3A_100 = arith.constant 2 : i32
      %add3A_101 = arith.addi %add3A_94, %add3A_100 : i32
      %lt3A_102 = arith.constant 250 : i32
      %lt3A_103 = arith.cmpi slt, %add3A_101, %lt3A_102 : i32
      %convert_element_type3A_104 = arith.extui %lt3A_103 : i1 to i32
      %cond3A_105 = arith.constant 0 : i32
      %cond3A_106 = arith.cmpi ne, %convert_element_type3A_104, %cond3A_105 : i32
      scf.if %cond3A_106 {
        %add3A_108 = arith.constant 2 : i32
        %add3A_109 = arith.addi %add3A_94, %add3A_108 : i32
        %mul3A_110 = arith.constant 80 : i32
        %mul3A_111 = arith.muli %add3A_109, %mul3A_110 : i32
        %add3A_112 = arith.addi %mul3A_0, %mul3A_111 : i32
        %dma_start3A_113 = tpu.memref_slice %arg2[%add3A_112, %mul3A_25] : memref<320000x512xf32, #tpu.memory_space<hbm>> -> memref<80x128xf32, #tpu.memory_space<hbm>>
        %dma_start3A_114 = tpu.memref_slice %arg2[%add3A_112, %mul3A_25] : memref<320000x512xf32, #tpu.memory_space<hbm>> -> memref<80x128xf32, #tpu.memory_space<hbm>>
        tpu.enqueue_dma source(%dma_start3A_114 : memref<80x128xf32, #tpu.memory_space<hbm>>) target(%arg8 : memref<80x128xf32, #tpu.memory_space<vmem>>) target_semaphore(%arg11 : memref<!tpu.dma_semaphore, #tpu.memory_space<semaphore_mem>>)
      } else {
      }
      %scan3A_107 = arith.constant 0 : i32
      scf.yield %scan3A_107 : i32
    }
    %scan3A_38 = arith.constant 125 : i32
    %barrier3A_39 = arith.constant 0 : index
    tpu.barrier barrier_id(%barrier3A_39)
    "tpu.region"() ({
      %run_scoped3A = tpu.sem_alloc : memref<!tpu.dma_semaphore, #tpu.memory_space<semaphore_mem>>
      %dma_start3A_79 = arith.constant 0 : i32
      %dma_start3A_80 = tpu.memref_slice %arg5[%add3A_23, %mul3A_2, %dma_start3A_79] : memref<4x10000x128xf32, #tpu.memory_space<hbm>> -> memref<1x625x128xf32, #tpu.memory_space<hbm>>
      %dma_start3A_81 = tpu.memref_squeeze %dma_start3A_80 : memref<1x625x128xf32, #tpu.memory_space<hbm>> -> memref<625x128xf32, #tpu.memory_space<hbm>>
      %dma_start3A_82 = arith.constant 0 : i32
      %dma_start3A_83 = tpu.memref_slice %arg9[%mul3A_2, %dma_start3A_82] : memref<10000x128xf32, #tpu.memory_space<vmem_shared>> -> memref<625x128xf32, #tpu.memory_space<vmem_shared>>
      tpu.enqueue_dma source(%dma_start3A_83 : memref<625x128xf32, #tpu.memory_space<vmem_shared>>) target(%dma_start3A_81 : memref<625x128xf32, #tpu.memory_space<hbm>>) target_semaphore(%run_scoped3A : memref<!tpu.dma_semaphore, #tpu.memory_space<semaphore_mem>>)
      %dma_wait3A = arith.constant 0 : i32
      %dma_wait3A_84 = tpu.memref_slice %arg5[%add3A_23, %mul3A_2, %dma_wait3A] : memref<4x10000x128xf32, #tpu.memory_space<hbm>> -> memref<1x625x128xf32, #tpu.memory_space<hbm>>
      %dma_wait3A_85 = tpu.memref_squeeze %dma_wait3A_84 : memref<1x625x128xf32, #tpu.memory_space<hbm>> -> memref<625x128xf32, #tpu.memory_space<hbm>>
      %dma_wait3A_86 = arith.constant 0 : i32
      %dma_wait3A_87 = tpu.memref_slice %arg9[%mul3A_2, %dma_wait3A_86] : memref<10000x128xf32, #tpu.memory_space<vmem_shared>> -> memref<625x128xf32, #tpu.memory_space<vmem_shared>>
      tpu.wait_dma2 semaphore(%run_scoped3A : memref<!tpu.dma_semaphore, #tpu.memory_space<semaphore_mem>>) src(%dma_wait3A_87 : memref<625x128xf32, #tpu.memory_space<vmem_shared>>) dst(%dma_wait3A_85 : memref<625x128xf32, #tpu.memory_space<hbm>>)
      tpu.yield
    }) : () -> ()
    "tpu.region"() ({
      %run_scoped3A = tpu.sem_alloc : memref<!tpu.dma_semaphore, #tpu.memory_space<semaphore_mem>>
      tpu.enqueue_dma source(%arg4 : memref<80x128xf32, #tpu.memory_space<hbm>>) target(%arg7 : memref<80x128xf32, #tpu.memory_space<vmem>>) target_semaphore(%run_scoped3A : memref<!tpu.dma_semaphore, #tpu.memory_space<semaphore_mem>>)
      tpu.wait_dma2 semaphore(%run_scoped3A : memref<!tpu.dma_semaphore, #tpu.memory_space<semaphore_mem>>) src(%arg4 : memref<80x128xf32, #tpu.memory_space<hbm>>) dst(%arg7 : memref<80x128xf32, #tpu.memory_space<vmem>>)
      tpu.yield
    }) : () -> ()
    %add3A_40 = arith.constant 0 : i32
    %add3A_41 = arith.addi %mul3A_2, %add3A_40 : i32
    "tpu.region"() ({
      %run_scoped3A = tpu.sem_alloc : memref<!tpu.dma_semaphore, #tpu.memory_space<semaphore_mem>>
      %dma_start3A_79 = arith.constant 0 : i32
      %dma_start3A_80 = tpu.memref_slice %arg9[%add3A_41, %dma_start3A_79] : memref<10000x128xf32, #tpu.memory_space<vmem_shared>> -> memref<80x128xf32, #tpu.memory_space<vmem_shared>>
      %dma_start3A_81 = arith.constant 0 : i32
      %dma_start3A_82 = tpu.memref_slice %arg9[%add3A_41, %dma_start3A_81] : memref<10000x128xf32, #tpu.memory_space<vmem_shared>> -> memref<80x128xf32, #tpu.memory_space<vmem_shared>>
      tpu.enqueue_dma source(%arg7 : memref<80x128xf32, #tpu.memory_space<vmem>>) target(%dma_start3A_82 : memref<80x128xf32, #tpu.memory_space<vmem_shared>>) target_semaphore(%run_scoped3A : memref<!tpu.dma_semaphore, #tpu.memory_space<semaphore_mem>>)
      %dma_wait3A = arith.constant 0 : i32
      %dma_wait3A_83 = tpu.memref_slice %arg9[%add3A_41, %dma_wait3A] : memref<10000x128xf32, #tpu.memory_space<vmem_shared>> -> memref<80x128xf32, #tpu.memory_space<vmem_shared>>
      %dma_wait3A_84 = arith.constant 0 : i32
      %dma_wait3A_85 = tpu.memref_slice %arg9[%add3A_41, %dma_wait3A_84] : memref<10000x128xf32, #tpu.memory_space<vmem_shared>> -> memref<80x128xf32, #tpu.memory_space<vmem_shared>>
      tpu.wait_dma2 semaphore(%run_scoped3A : memref<!tpu.dma_semaphore, #tpu.memory_space<semaphore_mem>>) src(%arg7 : memref<80x128xf32, #tpu.memory_space<vmem>>) dst(%dma_wait3A_85 : memref<80x128xf32, #tpu.memory_space<vmem_shared>>)
      tpu.yield
    }) : () -> ()
    %add3A_42 = arith.constant 80 : i32
    %add3A_43 = arith.addi %mul3A_2, %add3A_42 : i32
    "tpu.region"() ({
      %run_scoped3A = tpu.sem_alloc : memref<!tpu.dma_semaphore, #tpu.memory_space<semaphore_mem>>
      %dma_start3A_79 = arith.constant 0 : i32
      %dma_start3A_80 = tpu.memref_slice %arg9[%add3A_43, %dma_start3A_79] : memref<10000x128xf32, #tpu.memory_space<vmem_shared>> -> memref<80x128xf32, #tpu.memory_space<vmem_shared>>
      %dma_start3A_81 = arith.constant 0 : i32
      %dma_start3A_82 = tpu.memref_slice %arg9[%add3A_43, %dma_start3A_81] : memref<10000x128xf32, #tpu.memory_space<vmem_shared>> -> memref<80x128xf32, #tpu.memory_space<vmem_shared>>
      tpu.enqueue_dma source(%arg7 : memref<80x128xf32, #tpu.memory_space<vmem>>) target(%dma_start3A_82 : memref<80x128xf32, #tpu.memory_space<vmem_shared>>) target_semaphore(%run_scoped3A : memref<!tpu.dma_semaphore, #tpu.memory_space<semaphore_mem>>)
      %dma_wait3A = arith.constant 0 : i32
      %dma_wait3A_83 = tpu.memref_slice %arg9[%add3A_43, %dma_wait3A] : memref<10000x128xf32, #tpu.memory_space<vmem_shared>> -> memref<80x128xf32, #tpu.memory_space<vmem_shared>>
      %dma_wait3A_84 = arith.constant 0 : i32
      %dma_wait3A_85 = tpu.memref_slice %arg9[%add3A_43, %dma_wait3A_84] : memref<10000x128xf32, #tpu.memory_space<vmem_shared>> -> memref<80x128xf32, #tpu.memory_space<vmem_shared>>
      tpu.wait_dma2 semaphore(%run_scoped3A : memref<!tpu.dma_semaphore, #tpu.memory_space<semaphore_mem>>) src(%arg7 : memref<80x128xf32, #tpu.memory_space<vmem>>) dst(%dma_wait3A_85 : memref<80x128xf32, #tpu.memory_space<vmem_shared>>)
      tpu.yield
    }) : () -> ()
    %add3A_44 = arith.constant 160 : i32
    %add3A_45 = arith.addi %mul3A_2, %add3A_44 : i32
    "tpu.region"() ({
      %run_scoped3A = tpu.sem_alloc : memref<!tpu.dma_semaphore, #tpu.memory_space<semaphore_mem>>
      %dma_start3A_79 = arith.constant 0 : i32
      %dma_start3A_80 = tpu.memref_slice %arg9[%add3A_45, %dma_start3A_79] : memref<10000x128xf32, #tpu.memory_space<vmem_shared>> -> memref<80x128xf32, #tpu.memory_space<vmem_shared>>
      %dma_start3A_81 = arith.constant 0 : i32
      %dma_start3A_82 = tpu.memref_slice %arg9[%add3A_45, %dma_start3A_81] : memref<10000x128xf32, #tpu.memory_space<vmem_shared>> -> memref<80x128xf32, #tpu.memory_space<vmem_shared>>
      tpu.enqueue_dma source(%arg7 : memref<80x128xf32, #tpu.memory_space<vmem>>) target(%dma_start3A_82 : memref<80x128xf32, #tpu.memory_space<vmem_shared>>) target_semaphore(%run_scoped3A : memref<!tpu.dma_semaphore, #tpu.memory_space<semaphore_mem>>)
      %dma_wait3A = arith.constant 0 : i32
      %dma_wait3A_83 = tpu.memref_slice %arg9[%add3A_45, %dma_wait3A] : memref<10000x128xf32, #tpu.memory_space<vmem_shared>> -> memref<80x128xf32, #tpu.memory_space<vmem_shared>>
      %dma_wait3A_84 = arith.constant 0 : i32
      %dma_wait3A_85 = tpu.memref_slice %arg9[%add3A_45, %dma_wait3A_84] : memref<10000x128xf32, #tpu.memory_space<vmem_shared>> -> memref<80x128xf32, #tpu.memory_space<vmem_shared>>
      tpu.wait_dma2 semaphore(%run_scoped3A : memref<!tpu.dma_semaphore, #tpu.memory_space<semaphore_mem>>) src(%arg7 : memref<80x128xf32, #tpu.memory_space<vmem>>) dst(%dma_wait3A_85 : memref<80x128xf32, #tpu.memory_space<vmem_shared>>)
      tpu.yield
    }) : () -> ()
    %add3A_46 = arith.constant 240 : i32
    %add3A_47 = arith.addi %mul3A_2, %add3A_46 : i32
    "tpu.region"() ({
      %run_scoped3A = tpu.sem_alloc : memref<!tpu.dma_semaphore, #tpu.memory_space<semaphore_mem>>
      %dma_start3A_79 = arith.constant 0 : i32
      %dma_start3A_80 = tpu.memref_slice %arg9[%add3A_47, %dma_start3A_79] : memref<10000x128xf32, #tpu.memory_space<vmem_shared>> -> memref<80x128xf32, #tpu.memory_space<vmem_shared>>
      %dma_start3A_81 = arith.constant 0 : i32
      %dma_start3A_82 = tpu.memref_slice %arg9[%add3A_47, %dma_start3A_81] : memref<10000x128xf32, #tpu.memory_space<vmem_shared>> -> memref<80x128xf32, #tpu.memory_space<vmem_shared>>
      tpu.enqueue_dma source(%arg7 : memref<80x128xf32, #tpu.memory_space<vmem>>) target(%dma_start3A_82 : memref<80x128xf32, #tpu.memory_space<vmem_shared>>) target_semaphore(%run_scoped3A : memref<!tpu.dma_semaphore, #tpu.memory_space<semaphore_mem>>)
      %dma_wait3A = arith.constant 0 : i32
      %dma_wait3A_83 = tpu.memref_slice %arg9[%add3A_47, %dma_wait3A] : memref<10000x128xf32, #tpu.memory_space<vmem_shared>> -> memref<80x128xf32, #tpu.memory_space<vmem_shared>>
      %dma_wait3A_84 = arith.constant 0 : i32
      %dma_wait3A_85 = tpu.memref_slice %arg9[%add3A_47, %dma_wait3A_84] : memref<10000x128xf32, #tpu.memory_space<vmem_shared>> -> memref<80x128xf32, #tpu.memory_space<vmem_shared>>
      tpu.wait_dma2 semaphore(%run_scoped3A : memref<!tpu.dma_semaphore, #tpu.memory_space<semaphore_mem>>) src(%arg7 : memref<80x128xf32, #tpu.memory_space<vmem>>) dst(%dma_wait3A_85 : memref<80x128xf32, #tpu.memory_space<vmem_shared>>)
      tpu.yield
    }) : () -> ()
    %add3A_48 = arith.constant 320 : i32
    %add3A_49 = arith.addi %mul3A_2, %add3A_48 : i32
    "tpu.region"() ({
      %run_scoped3A = tpu.sem_alloc : memref<!tpu.dma_semaphore, #tpu.memory_space<semaphore_mem>>
      %dma_start3A_79 = arith.constant 0 : i32
      %dma_start3A_80 = tpu.memref_slice %arg9[%add3A_49, %dma_start3A_79] : memref<10000x128xf32, #tpu.memory_space<vmem_shared>> -> memref<80x128xf32, #tpu.memory_space<vmem_shared>>
      %dma_start3A_81 = arith.constant 0 : i32
      %dma_start3A_82 = tpu.memref_slice %arg9[%add3A_49, %dma_start3A_81] : memref<10000x128xf32, #tpu.memory_space<vmem_shared>> -> memref<80x128xf32, #tpu.memory_space<vmem_shared>>
      tpu.enqueue_dma source(%arg7 : memref<80x128xf32, #tpu.memory_space<vmem>>) target(%dma_start3A_82 : memref<80x128xf32, #tpu.memory_space<vmem_shared>>) target_semaphore(%run_scoped3A : memref<!tpu.dma_semaphore, #tpu.memory_space<semaphore_mem>>)
      %dma_wait3A = arith.constant 0 : i32
      %dma_wait3A_83 = tpu.memref_slice %arg9[%add3A_49, %dma_wait3A] : memref<10000x128xf32, #tpu.memory_space<vmem_shared>> -> memref<80x128xf32, #tpu.memory_space<vmem_shared>>
      %dma_wait3A_84 = arith.constant 0 : i32
      %dma_wait3A_85 = tpu.memref_slice %arg9[%add3A_49, %dma_wait3A_84] : memref<10000x128xf32, #tpu.memory_space<vmem_shared>> -> memref<80x128xf32, #tpu.memory_space<vmem_shared>>
      tpu.wait_dma2 semaphore(%run_scoped3A : memref<!tpu.dma_semaphore, #tpu.memory_space<semaphore_mem>>) src(%arg7 : memref<80x128xf32, #tpu.memory_space<vmem>>) dst(%dma_wait3A_85 : memref<80x128xf32, #tpu.memory_space<vmem_shared>>)
      tpu.yield
    }) : () -> ()
    %add3A_50 = arith.constant 400 : i32
    %add3A_51 = arith.addi %mul3A_2, %add3A_50 : i32
    "tpu.region"() ({
      %run_scoped3A = tpu.sem_alloc : memref<!tpu.dma_semaphore, #tpu.memory_space<semaphore_mem>>
      %dma_start3A_79 = arith.constant 0 : i32
      %dma_start3A_80 = tpu.memref_slice %arg9[%add3A_51, %dma_start3A_79] : memref<10000x128xf32, #tpu.memory_space<vmem_shared>> -> memref<80x128xf32, #tpu.memory_space<vmem_shared>>
      %dma_start3A_81 = arith.constant 0 : i32
      %dma_start3A_82 = tpu.memref_slice %arg9[%add3A_51, %dma_start3A_81] : memref<10000x128xf32, #tpu.memory_space<vmem_shared>> -> memref<80x128xf32, #tpu.memory_space<vmem_shared>>
      tpu.enqueue_dma source(%arg7 : memref<80x128xf32, #tpu.memory_space<vmem>>) target(%dma_start3A_82 : memref<80x128xf32, #tpu.memory_space<vmem_shared>>) target_semaphore(%run_scoped3A : memref<!tpu.dma_semaphore, #tpu.memory_space<semaphore_mem>>)
      %dma_wait3A = arith.constant 0 : i32
      %dma_wait3A_83 = tpu.memref_slice %arg9[%add3A_51, %dma_wait3A] : memref<10000x128xf32, #tpu.memory_space<vmem_shared>> -> memref<80x128xf32, #tpu.memory_space<vmem_shared>>
      %dma_wait3A_84 = arith.constant 0 : i32
      %dma_wait3A_85 = tpu.memref_slice %arg9[%add3A_51, %dma_wait3A_84] : memref<10000x128xf32, #tpu.memory_space<vmem_shared>> -> memref<80x128xf32, #tpu.memory_space<vmem_shared>>
      tpu.wait_dma2 semaphore(%run_scoped3A : memref<!tpu.dma_semaphore, #tpu.memory_space<semaphore_mem>>) src(%arg7 : memref<80x128xf32, #tpu.memory_space<vmem>>) dst(%dma_wait3A_85 : memref<80x128xf32, #tpu.memory_space<vmem_shared>>)
      tpu.yield
    }) : () -> ()
    %add3A_52 = arith.constant 480 : i32
    %add3A_53 = arith.addi %mul3A_2, %add3A_52 : i32
    "tpu.region"() ({
      %run_scoped3A = tpu.sem_alloc : memref<!tpu.dma_semaphore, #tpu.memory_space<semaphore_mem>>
      %dma_start3A_79 = arith.constant 0 : i32
      %dma_start3A_80 = tpu.memref_slice %arg9[%add3A_53, %dma_start3A_79] : memref<10000x128xf32, #tpu.memory_space<vmem_shared>> -> memref<80x128xf32, #tpu.memory_space<vmem_shared>>
      %dma_start3A_81 = arith.constant 0 : i32
      %dma_start3A_82 = tpu.memref_slice %arg9[%add3A_53, %dma_start3A_81] : memref<10000x128xf32, #tpu.memory_space<vmem_shared>> -> memref<80x128xf32, #tpu.memory_space<vmem_shared>>
      tpu.enqueue_dma source(%arg7 : memref<80x128xf32, #tpu.memory_space<vmem>>) target(%dma_start3A_82 : memref<80x128xf32, #tpu.memory_space<vmem_shared>>) target_semaphore(%run_scoped3A : memref<!tpu.dma_semaphore, #tpu.memory_space<semaphore_mem>>)
      %dma_wait3A = arith.constant 0 : i32
      %dma_wait3A_83 = tpu.memref_slice %arg9[%add3A_53, %dma_wait3A] : memref<10000x128xf32, #tpu.memory_space<vmem_shared>> -> memref<80x128xf32, #tpu.memory_space<vmem_shared>>
      %dma_wait3A_84 = arith.constant 0 : i32
      %dma_wait3A_85 = tpu.memref_slice %arg9[%add3A_53, %dma_wait3A_84] : memref<10000x128xf32, #tpu.memory_space<vmem_shared>> -> memref<80x128xf32, #tpu.memory_space<vmem_shared>>
      tpu.wait_dma2 semaphore(%run_scoped3A : memref<!tpu.dma_semaphore, #tpu.memory_space<semaphore_mem>>) src(%arg7 : memref<80x128xf32, #tpu.memory_space<vmem>>) dst(%dma_wait3A_85 : memref<80x128xf32, #tpu.memory_space<vmem_shared>>)
      tpu.yield
    }) : () -> ()
    %add3A_54 = arith.constant 560 : i32
    %add3A_55 = arith.addi %mul3A_2, %add3A_54 : i32
    "tpu.region"() ({
      %run_scoped3A = tpu.sem_alloc : memref<!tpu.dma_semaphore, #tpu.memory_space<semaphore_mem>>
      %dma_start3A_79 = arith.constant 0 : i32
      %dma_start3A_80 = arith.constant 0 : i32
      %dma_start3A_81 = tpu.memref_slice %arg7[%dma_start3A_79, %dma_start3A_80] : memref<80x128xf32, #tpu.memory_space<vmem>> -> memref<65x128xf32, #tpu.memory_space<vmem>>
      %dma_start3A_82 = arith.constant 0 : i32
      %dma_start3A_83 = tpu.memref_slice %arg9[%add3A_55, %dma_start3A_82] : memref<10000x128xf32, #tpu.memory_space<vmem_shared>> -> memref<65x128xf32, #tpu.memory_space<vmem_shared>>
      %dma_start3A_84 = arith.constant 0 : i32
      %dma_start3A_85 = tpu.memref_slice %arg9[%add3A_55, %dma_start3A_84] : memref<10000x128xf32, #tpu.memory_space<vmem_shared>> -> memref<65x128xf32, #tpu.memory_space<vmem_shared>>
      %dma_start3A_86 = arith.constant 0 : i32
      %dma_start3A_87 = arith.constant 0 : i32
      %dma_start3A_88 = tpu.memref_slice %arg7[%dma_start3A_86, %dma_start3A_87] : memref<80x128xf32, #tpu.memory_space<vmem>> -> memref<65x128xf32, #tpu.memory_space<vmem>>
      tpu.enqueue_dma source(%dma_start3A_88 : memref<65x128xf32, #tpu.memory_space<vmem>>) target(%dma_start3A_85 : memref<65x128xf32, #tpu.memory_space<vmem_shared>>) target_semaphore(%run_scoped3A : memref<!tpu.dma_semaphore, #tpu.memory_space<semaphore_mem>>)
      %dma_wait3A = arith.constant 0 : i32
      %dma_wait3A_89 = arith.constant 0 : i32
      %dma_wait3A_90 = tpu.memref_slice %arg7[%dma_wait3A, %dma_wait3A_89] : memref<80x128xf32, #tpu.memory_space<vmem>> -> memref<65x128xf32, #tpu.memory_space<vmem>>
      %dma_wait3A_91 = arith.constant 0 : i32
      %dma_wait3A_92 = tpu.memref_slice %arg9[%add3A_55, %dma_wait3A_91] : memref<10000x128xf32, #tpu.memory_space<vmem_shared>> -> memref<65x128xf32, #tpu.memory_space<vmem_shared>>
      %dma_wait3A_93 = arith.constant 0 : i32
      %dma_wait3A_94 = tpu.memref_slice %arg9[%add3A_55, %dma_wait3A_93] : memref<10000x128xf32, #tpu.memory_space<vmem_shared>> -> memref<65x128xf32, #tpu.memory_space<vmem_shared>>
      %dma_wait3A_95 = arith.constant 0 : i32
      %dma_wait3A_96 = arith.constant 0 : i32
      %dma_wait3A_97 = tpu.memref_slice %arg7[%dma_wait3A_95, %dma_wait3A_96] : memref<80x128xf32, #tpu.memory_space<vmem>> -> memref<65x128xf32, #tpu.memory_space<vmem>>
      tpu.wait_dma2 semaphore(%run_scoped3A : memref<!tpu.dma_semaphore, #tpu.memory_space<semaphore_mem>>) src(%dma_wait3A_97 : memref<65x128xf32, #tpu.memory_space<vmem>>) dst(%dma_wait3A_94 : memref<65x128xf32, #tpu.memory_space<vmem_shared>>)
      tpu.yield
    }) : () -> ()
    %barrier3A_56 = arith.constant 0 : index
    tpu.barrier barrier_id(%barrier3A_56)
    %mul3A_57 = arith.constant 2 : i32
    %mul3A_58 = arith.muli %arg0, %mul3A_57 : i32
    %add3A_59 = arith.constant 1 : i32
    %add3A_60 = arith.addi %mul3A_58, %add3A_59 : i32
    %mul3A_61 = arith.constant 128 : i32
    %mul3A_62 = arith.muli %add3A_60, %mul3A_61 : i32
    %add3A_63 = arith.constant 0 : i32
    %add3A_64 = arith.addi %mul3A_0, %add3A_63 : i32
    %dma_start3A_65 = tpu.memref_slice %arg2[%add3A_64, %mul3A_62] : memref<320000x512xf32, #tpu.memory_space<hbm>> -> memref<80x128xf32, #tpu.memory_space<hbm>>
    %dma_start3A_66 = tpu.memref_slice %arg2[%add3A_64, %mul3A_62] : memref<320000x512xf32, #tpu.memory_space<hbm>> -> memref<80x128xf32, #tpu.memory_space<hbm>>
    tpu.enqueue_dma source(%dma_start3A_66 : memref<80x128xf32, #tpu.memory_space<hbm>>) target(%arg7 : memref<80x128xf32, #tpu.memory_space<vmem>>) target_semaphore(%arg10 : memref<!tpu.dma_semaphore, #tpu.memory_space<semaphore_mem>>)
    %add3A_67 = arith.constant 80 : i32
    %add3A_68 = arith.addi %mul3A_0, %add3A_67 : i32
    %dma_start3A_69 = tpu.memref_slice %arg2[%add3A_68, %mul3A_62] : memref<320000x512xf32, #tpu.memory_space<hbm>> -> memref<80x128xf32, #tpu.memory_space<hbm>>
    %dma_start3A_70 = tpu.memref_slice %arg2[%add3A_68, %mul3A_62] : memref<320000x512xf32, #tpu.memory_space<hbm>> -> memref<80x128xf32, #tpu.memory_space<hbm>>
    tpu.enqueue_dma source(%dma_start3A_70 : memref<80x128xf32, #tpu.memory_space<hbm>>) target(%arg8 : memref<80x128xf32, #tpu.memory_space<vmem>>) target_semaphore(%arg11 : memref<!tpu.dma_semaphore, #tpu.memory_space<semaphore_mem>>)
    %scan3A_71 = arith.constant 0 : i32
    %scan3A_72 = arith.constant 0 : i32
    %scan3A_73 = arith.constant 125 : i32
    %scan3A_74 = arith.addi %scan3A_72, %scan3A_73 : i32
    %scan3A_75 = arith.constant 1 : i32
    %scan3A_76 = scf.for %scan3A_79 = %scan3A_72 to %scan3A_74 step %scan3A_75 iter_args(%scan3A_80 = %scan3A_71) -> (i32)  : i32 {
      %mul3A_81 = arith.constant 2 : i32
      %mul3A_82 = arith.muli %scan3A_79, %mul3A_81 : i32
      %add3A_83 = arith.constant 0 : i32
      %add3A_84 = arith.addi %mul3A_82, %add3A_83 : i32
      %mul3A_85 = arith.constant 80 : i32
      %mul3A_86 = arith.muli %add3A_84, %mul3A_85 : i32
      %add3A_87 = arith.addi %mul3A_0, %mul3A_86 : i32
      %dma_wait3A = tpu.memref_slice %arg2[%add3A_87, %mul3A_62] : memref<320000x512xf32, #tpu.memory_space<hbm>> -> memref<80x128xf32, #tpu.memory_space<hbm>>
      %dma_wait3A_88 = tpu.memref_slice %arg2[%add3A_87, %mul3A_62] : memref<320000x512xf32, #tpu.memory_space<hbm>> -> memref<80x128xf32, #tpu.memory_space<hbm>>
      tpu.wait_dma2 semaphore(%arg10 : memref<!tpu.dma_semaphore, #tpu.memory_space<semaphore_mem>>) src(%dma_wait3A_88 : memref<80x128xf32, #tpu.memory_space<hbm>>) dst(%arg7 : memref<80x128xf32, #tpu.memory_space<vmem>>)
      "tpu.region"() ({
        %run_scoped3A = tpu.sem_alloc : memref<!tpu.dma_semaphore, #tpu.memory_space<semaphore_mem>>
        %dma_start3A_108 = arith.constant 0 : i32
        %dma_start3A_109 = tpu.memref_slice %arg6[%add3A_84, %dma_start3A_108] : memref<250x80xi32, #tpu.memory_space<vmem>> -> memref<1x80xi32, #tpu.memory_space<vmem>>
        %dma_start3A_110 = tpu.memref_squeeze %dma_start3A_109 : memref<1x80xi32, #tpu.memory_space<vmem>> -> memref<80xi32, #tpu.memory_space<vmem>>
        %dma_start3A_111 = arith.constant 0 : i32
        %dma_start3A_112 = arith.constant 0 : i32
        %dma_start3A_113 = tpu.memref_slice %arg9[%dma_start3A_111, %dma_start3A_112] : memref<10000x128xf32, #tpu.memory_space<vmem_shared>> -> memref<10000x128xf32, #tpu.memory_space<vmem_shared>>
        tpu.enqueue_indirect_dma source(%arg7 : memref<80x128xf32, #tpu.memory_space<vmem>>) target(%dma_start3A_113 : memref<10000x128xf32, #tpu.memory_space<vmem_shared>>) offsets(%dma_start3A_110 : memref<80xi32, #tpu.memory_space<vmem>>) semaphore(%run_scoped3A : memref<!tpu.dma_semaphore, #tpu.memory_space<semaphore_mem>>) {add = true}
        %dma_wait3A_114 = arith.constant 0 : i32
        %dma_wait3A_115 = tpu.memref_slice %arg6[%add3A_84, %dma_wait3A_114] : memref<250x80xi32, #tpu.memory_space<vmem>> -> memref<1x80xi32, #tpu.memory_space<vmem>>
        %dma_wait3A_116 = tpu.memref_squeeze %dma_wait3A_115 : memref<1x80xi32, #tpu.memory_space<vmem>> -> memref<80xi32, #tpu.memory_space<vmem>>
        %dma_wait3A_117 = arith.constant 0 : i32
        %dma_wait3A_118 = arith.constant 0 : i32
        %dma_wait3A_119 = tpu.memref_slice %arg9[%dma_wait3A_117, %dma_wait3A_118] : memref<10000x128xf32, #tpu.memory_space<vmem_shared>> -> memref<10000x128xf32, #tpu.memory_space<vmem_shared>>
        tpu.wait_indirect_dma semaphore(%run_scoped3A : memref<!tpu.dma_semaphore, #tpu.memory_space<semaphore_mem>>) src(%arg7 : memref<80x128xf32, #tpu.memory_space<vmem>>) dst(%dma_wait3A_119 : memref<10000x128xf32, #tpu.memory_space<vmem_shared>>)
        tpu.yield
      }) : () -> ()
      %add3A_89 = arith.constant 2 : i32
      %add3A_90 = arith.addi %add3A_84, %add3A_89 : i32
      %lt3A = arith.constant 250 : i32
      %lt3A_91 = arith.cmpi slt, %add3A_90, %lt3A : i32
      %convert_element_type3A = arith.extui %lt3A_91 : i1 to i32
      %cond3A = arith.constant 0 : i32
      %cond3A_92 = arith.cmpi ne, %convert_element_type3A, %cond3A : i32
      scf.if %cond3A_92 {
        %add3A_108 = arith.constant 2 : i32
        %add3A_109 = arith.addi %add3A_84, %add3A_108 : i32
        %mul3A_110 = arith.constant 80 : i32
        %mul3A_111 = arith.muli %add3A_109, %mul3A_110 : i32
        %add3A_112 = arith.addi %mul3A_0, %mul3A_111 : i32
        %dma_start3A_113 = tpu.memref_slice %arg2[%add3A_112, %mul3A_62] : memref<320000x512xf32, #tpu.memory_space<hbm>> -> memref<80x128xf32, #tpu.memory_space<hbm>>
        %dma_start3A_114 = tpu.memref_slice %arg2[%add3A_112, %mul3A_62] : memref<320000x512xf32, #tpu.memory_space<hbm>> -> memref<80x128xf32, #tpu.memory_space<hbm>>
        tpu.enqueue_dma source(%dma_start3A_114 : memref<80x128xf32, #tpu.memory_space<hbm>>) target(%arg7 : memref<80x128xf32, #tpu.memory_space<vmem>>) target_semaphore(%arg10 : memref<!tpu.dma_semaphore, #tpu.memory_space<semaphore_mem>>)
      } else {
      }
      %add3A_93 = arith.constant 1 : i32
      %add3A_94 = arith.addi %mul3A_82, %add3A_93 : i32
      %mul3A_95 = arith.constant 80 : i32
      %mul3A_96 = arith.muli %add3A_94, %mul3A_95 : i32
      %add3A_97 = arith.addi %mul3A_0, %mul3A_96 : i32
      %dma_wait3A_98 = tpu.memref_slice %arg2[%add3A_97, %mul3A_62] : memref<320000x512xf32, #tpu.memory_space<hbm>> -> memref<80x128xf32, #tpu.memory_space<hbm>>
      %dma_wait3A_99 = tpu.memref_slice %arg2[%add3A_97, %mul3A_62] : memref<320000x512xf32, #tpu.memory_space<hbm>> -> memref<80x128xf32, #tpu.memory_space<hbm>>
      tpu.wait_dma2 semaphore(%arg11 : memref<!tpu.dma_semaphore, #tpu.memory_space<semaphore_mem>>) src(%dma_wait3A_99 : memref<80x128xf32, #tpu.memory_space<hbm>>) dst(%arg8 : memref<80x128xf32, #tpu.memory_space<vmem>>)
      "tpu.region"() ({
        %run_scoped3A = tpu.sem_alloc : memref<!tpu.dma_semaphore, #tpu.memory_space<semaphore_mem>>
        %dma_start3A_108 = arith.constant 0 : i32
        %dma_start3A_109 = tpu.memref_slice %arg6[%add3A_94, %dma_start3A_108] : memref<250x80xi32, #tpu.memory_space<vmem>> -> memref<1x80xi32, #tpu.memory_space<vmem>>
        %dma_start3A_110 = tpu.memref_squeeze %dma_start3A_109 : memref<1x80xi32, #tpu.memory_space<vmem>> -> memref<80xi32, #tpu.memory_space<vmem>>
        %dma_start3A_111 = arith.constant 0 : i32
        %dma_start3A_112 = arith.constant 0 : i32
        %dma_start3A_113 = tpu.memref_slice %arg9[%dma_start3A_111, %dma_start3A_112] : memref<10000x128xf32, #tpu.memory_space<vmem_shared>> -> memref<10000x128xf32, #tpu.memory_space<vmem_shared>>
        tpu.enqueue_indirect_dma source(%arg8 : memref<80x128xf32, #tpu.memory_space<vmem>>) target(%dma_start3A_113 : memref<10000x128xf32, #tpu.memory_space<vmem_shared>>) offsets(%dma_start3A_110 : memref<80xi32, #tpu.memory_space<vmem>>) semaphore(%run_scoped3A : memref<!tpu.dma_semaphore, #tpu.memory_space<semaphore_mem>>) {add = true}
        %dma_wait3A_114 = arith.constant 0 : i32
        %dma_wait3A_115 = tpu.memref_slice %arg6[%add3A_94, %dma_wait3A_114] : memref<250x80xi32, #tpu.memory_space<vmem>> -> memref<1x80xi32, #tpu.memory_space<vmem>>
        %dma_wait3A_116 = tpu.memref_squeeze %dma_wait3A_115 : memref<1x80xi32, #tpu.memory_space<vmem>> -> memref<80xi32, #tpu.memory_space<vmem>>
        %dma_wait3A_117 = arith.constant 0 : i32
        %dma_wait3A_118 = arith.constant 0 : i32
        %dma_wait3A_119 = tpu.memref_slice %arg9[%dma_wait3A_117, %dma_wait3A_118] : memref<10000x128xf32, #tpu.memory_space<vmem_shared>> -> memref<10000x128xf32, #tpu.memory_space<vmem_shared>>
        tpu.wait_indirect_dma semaphore(%run_scoped3A : memref<!tpu.dma_semaphore, #tpu.memory_space<semaphore_mem>>) src(%arg8 : memref<80x128xf32, #tpu.memory_space<vmem>>) dst(%dma_wait3A_119 : memref<10000x128xf32, #tpu.memory_space<vmem_shared>>)
        tpu.yield
      }) : () -> ()
      %add3A_100 = arith.constant 2 : i32
      %add3A_101 = arith.addi %add3A_94, %add3A_100 : i32
      %lt3A_102 = arith.constant 250 : i32
      %lt3A_103 = arith.cmpi slt, %add3A_101, %lt3A_102 : i32
      %convert_element_type3A_104 = arith.extui %lt3A_103 : i1 to i32
      %cond3A_105 = arith.constant 0 : i32
      %cond3A_106 = arith.cmpi ne, %convert_element_type3A_104, %cond3A_105 : i32
      scf.if %cond3A_106 {
        %add3A_108 = arith.constant 2 : i32
        %add3A_109 = arith.addi %add3A_94, %add3A_108 : i32
        %mul3A_110 = arith.constant 80 : i32
        %mul3A_111 = arith.muli %add3A_109, %mul3A_110 : i32
        %add3A_112 = arith.addi %mul3A_0, %mul3A_111 : i32
        %dma_start3A_113 = tpu.memref_slice %arg2[%add3A_112, %mul3A_62] : memref<320000x512xf32, #tpu.memory_space<hbm>> -> memref<80x128xf32, #tpu.memory_space<hbm>>
        %dma_start3A_114 = tpu.memref_slice %arg2[%add3A_112, %mul3A_62] : memref<320000x512xf32, #tpu.memory_space<hbm>> -> memref<80x128xf32, #tpu.memory_space<hbm>>
        tpu.enqueue_dma source(%dma_start3A_114 : memref<80x128xf32, #tpu.memory_space<hbm>>) target(%arg8 : memref<80x128xf32, #tpu.memory_space<vmem>>) target_semaphore(%arg11 : memref<!tpu.dma_semaphore, #tpu.memory_space<semaphore_mem>>)
      } else {
      }
      %scan3A_107 = arith.constant 0 : i32
      scf.yield %scan3A_107 : i32
    }
    %scan3A_77 = arith.constant 125 : i32
    %barrier3A_78 = arith.constant 0 : index
    tpu.barrier barrier_id(%barrier3A_78)
    "tpu.region"() ({
      %run_scoped3A = tpu.sem_alloc : memref<!tpu.dma_semaphore, #tpu.memory_space<semaphore_mem>>
      %dma_start3A_79 = arith.constant 0 : i32
      %dma_start3A_80 = tpu.memref_slice %arg5[%add3A_60, %mul3A_2, %dma_start3A_79] : memref<4x10000x128xf32, #tpu.memory_space<hbm>> -> memref<1x625x128xf32, #tpu.memory_space<hbm>>
      %dma_start3A_81 = tpu.memref_squeeze %dma_start3A_80 : memref<1x625x128xf32, #tpu.memory_space<hbm>> -> memref<625x128xf32, #tpu.memory_space<hbm>>
      %dma_start3A_82 = arith.constant 0 : i32
      %dma_start3A_83 = tpu.memref_slice %arg9[%mul3A_2, %dma_start3A_82] : memref<10000x128xf32, #tpu.memory_space<vmem_shared>> -> memref<625x128xf32, #tpu.memory_space<vmem_shared>>
      tpu.enqueue_dma source(%dma_start3A_83 : memref<625x128xf32, #tpu.memory_space<vmem_shared>>) target(%dma_start3A_81 : memref<625x128xf32, #tpu.memory_space<hbm>>) target_semaphore(%run_scoped3A : memref<!tpu.dma_semaphore, #tpu.memory_space<semaphore_mem>>)
      %dma_wait3A = arith.constant 0 : i32
      %dma_wait3A_84 = tpu.memref_slice %arg5[%add3A_60, %mul3A_2, %dma_wait3A] : memref<4x10000x128xf32, #tpu.memory_space<hbm>> -> memref<1x625x128xf32, #tpu.memory_space<hbm>>
      %dma_wait3A_85 = tpu.memref_squeeze %dma_wait3A_84 : memref<1x625x128xf32, #tpu.memory_space<hbm>> -> memref<625x128xf32, #tpu.memory_space<hbm>>
      %dma_wait3A_86 = arith.constant 0 : i32
      %dma_wait3A_87 = tpu.memref_slice %arg9[%mul3A_2, %dma_wait3A_86] : memref<10000x128xf32, #tpu.memory_space<vmem_shared>> -> memref<625x128xf32, #tpu.memory_space<vmem_shared>>
      tpu.wait_dma2 semaphore(%run_scoped3A : memref<!tpu.dma_semaphore, #tpu.memory_space<semaphore_mem>>) src(%dma_wait3A_87 : memref<625x128xf32, #tpu.memory_space<vmem_shared>>) dst(%dma_wait3A_85 : memref<625x128xf32, #tpu.memory_space<hbm>>)
      tpu.yield
    }) : () -> ()
    return
  }
}

module attributes {stable_mosaic.version = 14 : i64} {
  func.func @_geom_body(%arg0: i32, %arg1: memref<2560x16xf32, #tpu.memory_space<vmem>>, %arg2: memref<2560x16xf32, #tpu.memory_space<vmem>>, %arg3: memref<8x2560xf32, #tpu.memory_space<vmem>>, %arg4: memref<16x2560xf32, #tpu.memory_space<vmem>>) attributes {dimension_semantics = [#tpu.dimension_semantics<arbitrary>], iteration_bounds = array<i64: 125>, scalar_prefetch = 0 : i64, scratch_operands = 0 : i64, tpu.core_type = #tpu.core_type<tc>, window_params = [{transform_indices = @transform_0, window_bounds = array<i64: 2560, 16>}, {transform_indices = @transform_1, window_bounds = array<i64: 2560, 16>}, {transform_indices = @transform_2, window_bounds = array<i64: 8, 2560>}, {transform_indices = @transform_3, window_bounds = array<i64: 16, 2560>}]} {
    %get3A = arith.constant 0 : index
    %get3A_0 = arith.constant 0 : index
    %get3A_1 = vector.load %arg2[%get3A, %get3A_0] : memref<2560x16xf32, #tpu.memory_space<vmem>>, vector<2560x16xf32>
    %get3A_2 = arith.constant 0 : index
    %get3A_3 = arith.constant 0 : index
    %get3A_4 = vector.load %arg1[%get3A_2, %get3A_3] : memref<2560x16xf32, #tpu.memory_space<vmem>>, vector<2560x16xf32>
    %sub3A = arith.subf %get3A_1, %get3A_4 : vector<2560x16xf32>
    %iota3A = tpu.iota {dimensions = array<i32: 0>} : vector<16x16xi32>
    %iota3A_5 = tpu.iota {dimensions = array<i32: 1>} : vector<16x16xi32>
    %eq3A = arith.cmpi eq, %iota3A, %iota3A_5 : vector<16x16xi32>
    %jit3A = arith.constant 1.000000e+00 : f32
    %jit3A_6 = arith.constant 0.000000e+00 : f32
    %broadcast_in_dim3A = vector.broadcast %jit3A : f32 to vector<16x16xf32>
    %broadcast_in_dim3A_7 = vector.broadcast %jit3A_6 : f32 to vector<16x16xf32>
    %select_n3A = arith.select %eq3A, %broadcast_in_dim3A, %broadcast_in_dim3A_7 : vector<16x16xi1>, vector<16x16xf32>
    %dot_general3A = arith.constant dense<0.000000e+00> : vector<16x2560xf32>
    %dot_general3A_8 = tpu.matmul %select_n3A, %sub3A, %dot_general3A {dimension_numbers = #tpu.dot_dimension_numbers<[1], [1], [0], [0], [0, 0, 1, 0], [], []>, transpose_lhs_hint = false} : vector<16x16xf32>, vector<2560x16xf32>, vector<16x2560xf32> -> vector<16x2560xf32>
    %slice3A = vector.extract_strided_slice %dot_general3A_8 {offsets = [0, 0], sizes = [1, 2560], strides = [1, 1]} : vector<16x2560xf32> to vector<1x2560xf32>
    %slice3A_9 = vector.extract_strided_slice %dot_general3A_8 {offsets = [1, 0], sizes = [1, 2560], strides = [1, 1]} : vector<16x2560xf32> to vector<1x2560xf32>
    %slice3A_10 = vector.extract_strided_slice %dot_general3A_8 {offsets = [2, 0], sizes = [1, 2560], strides = [1, 1]} : vector<16x2560xf32> to vector<1x2560xf32>
    %mul3A = arith.mulf %slice3A, %slice3A : vector<1x2560xf32>
    %mul3A_11 = arith.mulf %slice3A_9, %slice3A_9 : vector<1x2560xf32>
    %add3A = arith.addf %mul3A, %mul3A_11 : vector<1x2560xf32>
    %mul3A_12 = arith.mulf %slice3A_10, %slice3A_10 : vector<1x2560xf32>
    %add3A_13 = arith.addf %add3A, %mul3A_12 : vector<1x2560xf32>
    %sqrt3A = math.sqrt %add3A_13 : vector<1x2560xf32>
    %max3A = arith.constant 9.99999997E-7 : f32
    %max3A_14 = vector.broadcast %max3A : f32 to vector<1x2560xf32>
    %max3A_15 = arith.maximumf %sqrt3A, %max3A_14 : vector<1x2560xf32>
    %div3A = arith.constant 1.000000e+00 : f32
    %div3A_16 = vector.broadcast %div3A : f32 to vector<1x2560xf32>
    %div3A_17 = arith.divf %div3A_16, %max3A_15 : vector<1x2560xf32>
    %mul3A_18 = arith.mulf %slice3A, %div3A_17 : vector<1x2560xf32>
    %mul3A_19 = arith.mulf %slice3A_9, %div3A_17 : vector<1x2560xf32>
    %mul3A_20 = arith.mulf %slice3A_10, %div3A_17 : vector<1x2560xf32>
    %iota3A_21 = tpu.iota {dimensions = array<i32: 1>} : vector<1x8xi32>
    %iota3A_22 = vector.shape_cast %iota3A_21 : vector<1x8xi32> to vector<8xi32>
    %convert_element_type3A = arith.sitofp %iota3A_22 : vector<8xi32> to vector<8xf32>
    %add3A_23 = arith.constant 1.000000e+00 : f32
    %add3A_24 = vector.broadcast %add3A_23 : f32 to vector<8xf32>
    %add3A_25 = arith.addf %convert_element_type3A, %add3A_24 : vector<8xf32>
    %broadcast_in_dim3A_26 = vector.shape_cast %add3A_25 : vector<8xf32> to vector<8x1xf32>
    %eq3A_27 = arith.constant 0.000000e+00 : f32
    %eq3A_28 = vector.broadcast %eq3A_27 : f32 to vector<1x2560xf32>
    %eq3A_29 = arith.cmpf oeq, %sqrt3A, %eq3A_28 : vector<1x2560xf32>
    %jit3A_30 = arith.constant 9.99999997E-7 : f32
    %broadcast_in_dim3A_31 = vector.broadcast %jit3A_30 : f32 to vector<1x2560xf32>
    %select_n3A_32 = arith.select %eq3A_29, %broadcast_in_dim3A_31, %sqrt3A : vector<1x2560xi1>, vector<1x2560xf32>
    %sqrt3A_33 = arith.constant 4.000000e-01 : f32
    %sqrt3A_34 = math.sqrt %sqrt3A_33 : f32
    %mul3A_35 = arith.constant 0.628318548 : f32
    %mul3A_36 = vector.broadcast %mul3A_35 : f32 to vector<1x2560xf32>
    %mul3A_37 = arith.mulf %mul3A_36, %select_n3A_32 : vector<1x2560xf32>
    %mul3A_38 = vector.broadcast %broadcast_in_dim3A_26 : vector<8x1xf32> to vector<8x2560xf32>
    %mul3A_39 = vector.broadcast %mul3A_37 : vector<1x2560xf32> to vector<8x2560xf32>
    %mul3A_40 = arith.mulf %mul3A_38, %mul3A_39 : vector<8x2560xf32>
    %sin3A = math.sin %mul3A_40 : vector<8x2560xf32>
    %mul3A_41 = vector.broadcast %sqrt3A_34 : f32 to vector<8x2560xf32>
    %mul3A_42 = arith.mulf %mul3A_41, %sin3A : vector<8x2560xf32>
    %div3A_43 = vector.broadcast %select_n3A_32 : vector<1x2560xf32> to vector<8x2560xf32>
    %div3A_44 = arith.divf %mul3A_42, %div3A_43 : vector<8x2560xf32>
    %mul3A_45 = arith.constant 2.000000e-01 : f32
    %mul3A_46 = vector.broadcast %mul3A_45 : f32 to vector<1x2560xf32>
    %mul3A_47 = arith.mulf %sqrt3A, %mul3A_46 : vector<1x2560xf32>
    %mul3A_48 = arith.mulf %mul3A_47, %mul3A_47 : vector<1x2560xf32>
    %neg3A = arith.constant 0.000000e+00 : f32
    %neg3A_49 = vector.broadcast %neg3A : f32 to vector<1x2560xf32>
    %neg3A_50 = arith.subf %neg3A_49, %mul3A_48 : vector<1x2560xf32>
    %sub3A_51 = arith.constant 1.000000e+00 : f32
    %sub3A_52 = vector.broadcast %sub3A_51 : f32 to vector<1x2560xf32>
    %sub3A_53 = arith.subf %sub3A_52, %mul3A_48 : vector<1x2560xf32>
    %jit3A_54 = arith.constant 9.99999997E-7 : f32
    %max3A_55 = vector.broadcast %jit3A_54 : f32 to vector<1x2560xf32>
    %max3A_56 = arith.maximumf %max3A_55, %sub3A_53 : vector<1x2560xf32>
    %div3A_57 = arith.divf %neg3A_50, %max3A_56 : vector<1x2560xf32>
    %exp3A = math.exp %div3A_57 : vector<1x2560xf32>
    %lt3A = arith.constant 1.000000e+00 : f32
    %lt3A_58 = vector.broadcast %lt3A : f32 to vector<1x2560xf32>
    %lt3A_59 = arith.cmpf olt, %mul3A_47, %lt3A_58 : vector<1x2560xf32>
    %jit3A_60 = arith.constant 0.000000e+00 : f32
    %broadcast_in_dim3A_61 = vector.broadcast %jit3A_60 : f32 to vector<1x2560xf32>
    %select_n3A_62 = arith.select %lt3A_59, %exp3A, %broadcast_in_dim3A_61 : vector<1x2560xi1>, vector<1x2560xf32>
    %mul3A_63 = vector.broadcast %select_n3A_62 : vector<1x2560xf32> to vector<8x2560xf32>
    %mul3A_64 = arith.mulf %div3A_44, %mul3A_63 : vector<8x2560xf32>
    %swap3A = arith.constant 0 : index
    %swap3A_65 = arith.constant 0 : index
    %swap3A_66 = vector.load %arg3[%swap3A, %swap3A_65] : memref<8x2560xf32, #tpu.memory_space<vmem>>, vector<8x2560xf32>
    tpu.vector_store %arg3[%swap3A, %swap3A_65], %mul3A_64 {strides = array<i32>} : memref<8x2560xf32, #tpu.memory_space<vmem>>, vector<8x2560xf32>,
    %broadcast_in_dim3A_67 = arith.constant 1.000000e+00 : f32
    %broadcast_in_dim3A_68 = vector.broadcast %broadcast_in_dim3A_67 : f32 to vector<1x2560xf32>
    %mul3A_69 = arith.mulf %mul3A_18, %mul3A_18 : vector<1x2560xf32>
    %mul3A_70 = arith.mulf %mul3A_19, %mul3A_19 : vector<1x2560xf32>
    %mul3A_71 = arith.mulf %mul3A_20, %mul3A_20 : vector<1x2560xf32>
    %mul3A_72 = arith.constant 0.282094777 : f32
    %mul3A_73 = vector.broadcast %mul3A_72 : f32 to vector<1x2560xf32>
    %mul3A_74 = arith.mulf %mul3A_73, %broadcast_in_dim3A_68 : vector<1x2560xf32>
    %mul3A_75 = arith.constant 0.488602519 : f32
    %mul3A_76 = vector.broadcast %mul3A_75 : f32 to vector<1x2560xf32>
    %mul3A_77 = arith.mulf %mul3A_76, %mul3A_19 : vector<1x2560xf32>
    %mul3A_78 = arith.constant 0.488602519 : f32
    %mul3A_79 = vector.broadcast %mul3A_78 : f32 to vector<1x2560xf32>
    %mul3A_80 = arith.mulf %mul3A_79, %mul3A_20 : vector<1x2560xf32>
    %mul3A_81 = arith.constant 0.488602519 : f32
    %mul3A_82 = vector.broadcast %mul3A_81 : f32 to vector<1x2560xf32>
    %mul3A_83 = arith.mulf %mul3A_82, %mul3A_18 : vector<1x2560xf32>
    %mul3A_84 = arith.constant 1.09254849 : f32
    %mul3A_85 = vector.broadcast %mul3A_84 : f32 to vector<1x2560xf32>
    %mul3A_86 = arith.mulf %mul3A_85, %mul3A_18 : vector<1x2560xf32>
    %mul3A_87 = arith.mulf %mul3A_86, %mul3A_19 : vector<1x2560xf32>
    %mul3A_88 = arith.constant 1.09254849 : f32
    %mul3A_89 = vector.broadcast %mul3A_88 : f32 to vector<1x2560xf32>
    %mul3A_90 = arith.mulf %mul3A_89, %mul3A_19 : vector<1x2560xf32>
    %mul3A_91 = arith.mulf %mul3A_90, %mul3A_20 : vector<1x2560xf32>
    %mul3A_92 = arith.constant 3.000000e+00 : f32
    %mul3A_93 = vector.broadcast %mul3A_92 : f32 to vector<1x2560xf32>
    %mul3A_94 = arith.mulf %mul3A_93, %mul3A_71 : vector<1x2560xf32>
    %sub3A_95 = arith.constant 1.000000e+00 : f32
    %sub3A_96 = vector.broadcast %sub3A_95 : f32 to vector<1x2560xf32>
    %sub3A_97 = arith.subf %mul3A_94, %sub3A_96 : vector<1x2560xf32>
    %mul3A_98 = arith.constant 0.31539157 : f32
    %mul3A_99 = vector.broadcast %mul3A_98 : f32 to vector<1x2560xf32>
    %mul3A_100 = arith.mulf %mul3A_99, %sub3A_97 : vector<1x2560xf32>
    %mul3A_101 = arith.constant 1.09254849 : f32
    %mul3A_102 = vector.broadcast %mul3A_101 : f32 to vector<1x2560xf32>
    %mul3A_103 = arith.mulf %mul3A_102, %mul3A_18 : vector<1x2560xf32>
    %mul3A_104 = arith.mulf %mul3A_103, %mul3A_20 : vector<1x2560xf32>
    %sub3A_105 = arith.subf %mul3A_69, %mul3A_70 : vector<1x2560xf32>
    %mul3A_106 = arith.constant 0.546274245 : f32
    %mul3A_107 = vector.broadcast %mul3A_106 : f32 to vector<1x2560xf32>
    %mul3A_108 = arith.mulf %mul3A_107, %sub3A_105 : vector<1x2560xf32>
    %mul3A_109 = arith.constant 0.590043604 : f32
    %mul3A_110 = vector.broadcast %mul3A_109 : f32 to vector<1x2560xf32>
    %mul3A_111 = arith.mulf %mul3A_110, %mul3A_19 : vector<1x2560xf32>
    %mul3A_112 = arith.constant 3.000000e+00 : f32
    %mul3A_113 = vector.broadcast %mul3A_112 : f32 to vector<1x2560xf32>
    %mul3A_114 = arith.mulf %mul3A_113, %mul3A_69 : vector<1x2560xf32>
    %sub3A_115 = arith.subf %mul3A_114, %mul3A_70 : vector<1x2560xf32>
    %mul3A_116 = arith.mulf %mul3A_111, %sub3A_115 : vector<1x2560xf32>
    %mul3A_117 = arith.constant 2.89061141 : f32
    %mul3A_118 = vector.broadcast %mul3A_117 : f32 to vector<1x2560xf32>
    %mul3A_119 = arith.mulf %mul3A_118, %mul3A_18 : vector<1x2560xf32>
    %mul3A_120 = arith.mulf %mul3A_119, %mul3A_19 : vector<1x2560xf32>
    %mul3A_121 = arith.mulf %mul3A_120, %mul3A_20 : vector<1x2560xf32>
    %mul3A_122 = arith.constant 0.457045794 : f32
    %mul3A_123 = vector.broadcast %mul3A_122 : f32 to vector<1x2560xf32>
    %mul3A_124 = arith.mulf %mul3A_123, %mul3A_19 : vector<1x2560xf32>
    %mul3A_125 = arith.constant 5.000000e+00 : f32
    %mul3A_126 = vector.broadcast %mul3A_125 : f32 to vector<1x2560xf32>
    %mul3A_127 = arith.mulf %mul3A_126, %mul3A_71 : vector<1x2560xf32>
    %sub3A_128 = arith.constant 1.000000e+00 : f32
    %sub3A_129 = vector.broadcast %sub3A_128 : f32 to vector<1x2560xf32>
    %sub3A_130 = arith.subf %mul3A_127, %sub3A_129 : vector<1x2560xf32>
    %mul3A_131 = arith.mulf %mul3A_124, %sub3A_130 : vector<1x2560xf32>
    %mul3A_132 = arith.constant 0.373176336 : f32
    %mul3A_133 = vector.broadcast %mul3A_132 : f32 to vector<1x2560xf32>
    %mul3A_134 = arith.mulf %mul3A_133, %mul3A_20 : vector<1x2560xf32>
    %mul3A_135 = arith.constant 5.000000e+00 : f32
    %mul3A_136 = vector.broadcast %mul3A_135 : f32 to vector<1x2560xf32>
    %mul3A_137 = arith.mulf %mul3A_136, %mul3A_71 : vector<1x2560xf32>
    %sub3A_138 = arith.constant 3.000000e+00 : f32
    %sub3A_139 = vector.broadcast %sub3A_138 : f32 to vector<1x2560xf32>
    %sub3A_140 = arith.subf %mul3A_137, %sub3A_139 : vector<1x2560xf32>
    %mul3A_141 = arith.mulf %mul3A_134, %sub3A_140 : vector<1x2560xf32>
    %mul3A_142 = arith.constant 0.457045794 : f32
    %mul3A_143 = vector.broadcast %mul3A_142 : f32 to vector<1x2560xf32>
    %mul3A_144 = arith.mulf %mul3A_143, %mul3A_18 : vector<1x2560xf32>
    %mul3A_145 = arith.constant 5.000000e+00 : f32
    %mul3A_146 = vector.broadcast %mul3A_145 : f32 to vector<1x2560xf32>
    %mul3A_147 = arith.mulf %mul3A_146, %mul3A_71 : vector<1x2560xf32>
    %sub3A_148 = arith.constant 1.000000e+00 : f32
    %sub3A_149 = vector.broadcast %sub3A_148 : f32 to vector<1x2560xf32>
    %sub3A_150 = arith.subf %mul3A_147, %sub3A_149 : vector<1x2560xf32>
    %mul3A_151 = arith.mulf %mul3A_144, %sub3A_150 : vector<1x2560xf32>
    %mul3A_152 = arith.constant 1.44530571 : f32
    %mul3A_153 = vector.broadcast %mul3A_152 : f32 to vector<1x2560xf32>
    %mul3A_154 = arith.mulf %mul3A_153, %mul3A_20 : vector<1x2560xf32>
    %sub3A_155 = arith.subf %mul3A_69, %mul3A_70 : vector<1x2560xf32>
    %mul3A_156 = arith.mulf %mul3A_154, %sub3A_155 : vector<1x2560xf32>
    %mul3A_157 = arith.constant 0.590043604 : f32
    %mul3A_158 = vector.broadcast %mul3A_157 : f32 to vector<1x2560xf32>
    %mul3A_159 = arith.mulf %mul3A_158, %mul3A_18 : vector<1x2560xf32>
    %mul3A_160 = arith.constant 3.000000e+00 : f32
    %mul3A_161 = vector.broadcast %mul3A_160 : f32 to vector<1x2560xf32>
    %mul3A_162 = arith.mulf %mul3A_161, %mul3A_70 : vector<1x2560xf32>
    %sub3A_163 = arith.subf %mul3A_69, %mul3A_162 : vector<1x2560xf32>
    %mul3A_164 = arith.mulf %mul3A_159, %sub3A_163 : vector<1x2560xf32>
    %concatenate3A = tpu.concatenate %mul3A_74, %mul3A_77, %mul3A_80, %mul3A_83, %mul3A_87, %mul3A_91, %mul3A_100, %mul3A_104, %mul3A_108, %mul3A_116, %mul3A_121, %mul3A_131, %mul3A_141, %mul3A_151, %mul3A_156, %mul3A_164 in 0 : vector<1x2560xf32>, vector<1x2560xf32>, vector<1x2560xf32>, vector<1x2560xf32>, vector<1x2560xf32>, vector<1x2560xf32>, vector<1x2560xf32>, vector<1x2560xf32>, vector<1x2560xf32>, vector<1x2560xf32>, vector<1x2560xf32>, vector<1x2560xf32>, vector<1x2560xf32>, vector<1x2560xf32>, vector<1x2560xf32>, vector<1x2560xf32> -> vector<16x2560xf32>
    %swap3A_165 = arith.constant 0 : index
    %swap3A_166 = arith.constant 0 : index
    %swap3A_167 = vector.load %arg4[%swap3A_165, %swap3A_166] : memref<16x2560xf32, #tpu.memory_space<vmem>>, vector<16x2560xf32>
    tpu.vector_store %arg4[%swap3A_165, %swap3A_166], %concatenate3A {strides = array<i32>} : memref<16x2560xf32, #tpu.memory_space<vmem>>, vector<16x2560xf32>,
    return
  }
  func.func @transform_0(%arg0: i32) -> (i32, i32) {
    %c0_i32 = arith.constant 0 : i32
    %c0_i32_0 = arith.constant 0 : i32
    return %arg0, %c0_i32 : i32, i32
  }
  func.func @transform_1(%arg0: i32) -> (i32, i32) {
    %add3A = arith.constant 125 : i32
    %add3A_0 = arith.addi %arg0, %add3A : i32
    %c0_i32 = arith.constant 0 : i32
    %c0_i32_1 = arith.constant 0 : i32
    return %add3A_0, %c0_i32 : i32, i32
  }
  func.func @transform_2(%arg0: i32) -> (i32, i32) {
    %c0_i32 = arith.constant 0 : i32
    %c0_i32_0 = arith.constant 0 : i32
    return %c0_i32, %arg0 : i32, i32
  }
  func.func @transform_3(%arg0: i32) -> (i32, i32) {
    %c0_i32 = arith.constant 0 : i32
    %c0_i32_0 = arith.constant 0 : i32
    return %c0_i32, %arg0 : i32, i32
  }
}

module attributes {stable_mosaic.version = 14 : i64} {
  func.func @_edge_body(%arg0: i32, %arg1: memref<8x1280xf32, #tpu.memory_space<vmem>>, %arg2: memref<16x1280xf32, #tpu.memory_space<vmem>>, %arg3: memref<1280x32xf32, #tpu.memory_space<vmem>>, %arg4: memref<8x64xf32, #tpu.memory_space<vmem>>, %arg5: memref<64x512xf32, #tpu.memory_space<vmem>>, %arg6: memref<32x512xf32, #tpu.memory_space<vmem>>, %arg7: memref<16x512xf32, #tpu.memory_space<vmem>>, %arg8: memref<1280x512xf32, #tpu.memory_space<vmem>>) attributes {dimension_semantics = [#tpu.dimension_semantics<arbitrary>], iteration_bounds = array<i64: 250>, scalar_prefetch = 0 : i64, scratch_operands = 0 : i64, tpu.core_type = #tpu.core_type<tc>, window_params = [{transform_indices = @transform_0, window_bounds = array<i64: 8, 1280>}, {transform_indices = @transform_1, window_bounds = array<i64: 16, 1280>}, {transform_indices = @transform_2, window_bounds = array<i64: 1280, 32>}, {pipeline_mode = #tpu.pipeline_mode<synchronous>, transform_indices = @transform_3, window_bounds = array<i64: 8, 64>}, {pipeline_mode = #tpu.pipeline_mode<synchronous>, transform_indices = @transform_4, window_bounds = array<i64: 64, 512>}, {pipeline_mode = #tpu.pipeline_mode<synchronous>, transform_indices = @transform_5, window_bounds = array<i64: 32, 512>}, {pipeline_mode = #tpu.pipeline_mode<synchronous>, transform_indices = @transform_6, window_bounds = array<i64: 16, 512>}, {transform_indices = @transform_7, window_bounds = array<i64: 1280, 512>}]} {
    %get3A = arith.constant 0 : index
    %get3A_0 = arith.constant 0 : index
    %get3A_1 = vector.load %arg1[%get3A, %get3A_0] : memref<8x1280xf32, #tpu.memory_space<vmem>>, vector<8x1280xf32>
    %get3A_2 = arith.constant 0 : index
    %get3A_3 = arith.constant 0 : index
    %get3A_4 = vector.load %arg2[%get3A_2, %get3A_3] : memref<16x1280xf32, #tpu.memory_space<vmem>>, vector<16x1280xf32>
    %get3A_5 = arith.constant 0 : index
    %get3A_6 = arith.constant 0 : index
    %get3A_7 = vector.load %arg3[%get3A_5, %get3A_6] : memref<1280x32xf32, #tpu.memory_space<vmem>>, vector<1280x32xf32>
    %get3A_8 = arith.constant 0 : index
    %get3A_9 = arith.constant 0 : index
    %get3A_10 = vector.load %arg4[%get3A_8, %get3A_9] : memref<8x64xf32, #tpu.memory_space<vmem>>, vector<8x64xf32>
    %dot_general3A = arith.constant dense<0.000000e+00> : vector<64x1280xf32>
    %dot_general3A_11 = tpu.matmul %get3A_10, %get3A_1, %dot_general3A {dimension_numbers = #tpu.dot_dimension_numbers<[0], [0], [1], [1], [0, 1, 1, 1], [], []>, transpose_lhs_hint = false} : vector<8x64xf32>, vector<8x1280xf32>, vector<64x1280xf32> -> vector<64x1280xf32>
    %neg3A = arith.constant 0.000000e+00 : f32
    %neg3A_12 = vector.broadcast %neg3A : f32 to vector<64x1280xf32>
    %neg3A_13 = arith.subf %neg3A_12, %dot_general3A_11 : vector<64x1280xf32>
    %exp3A = math.exp %neg3A_13 : vector<64x1280xf32>
    %add3A = arith.constant 1.000000e+00 : f32
    %add3A_14 = vector.broadcast %add3A : f32 to vector<64x1280xf32>
    %add3A_15 = arith.addf %add3A_14, %exp3A : vector<64x1280xf32>
    %div3A = arith.divf %dot_general3A_11, %add3A_15 : vector<64x1280xf32>
    %get3A_16 = arith.constant 0 : index
    %get3A_17 = arith.constant 0 : index
    %get3A_18 = vector.load %arg5[%get3A_16, %get3A_17] : memref<64x512xf32, #tpu.memory_space<vmem>>, vector<64x512xf32>
    %dot_general3A_19 = arith.constant dense<0.000000e+00> : vector<1280x512xf32>
    %dot_general3A_20 = tpu.matmul %div3A, %get3A_18, %dot_general3A_19 {dimension_numbers = #tpu.dot_dimension_numbers<[0], [0], [1], [1], [0, 1, 1, 1], [], []>, transpose_lhs_hint = false} : vector<64x1280xf32>, vector<64x512xf32>, vector<1280x512xf32> -> vector<1280x512xf32>
    %get3A_21 = arith.constant 0 : index
    %get3A_22 = arith.constant 0 : index
    %get3A_23 = vector.load %arg6[%get3A_21, %get3A_22] : memref<32x512xf32, #tpu.memory_space<vmem>>, vector<32x512xf32>
    %dot_general3A_24 = arith.constant dense<0.000000e+00> : vector<1280x512xf32>
    %dot_general3A_25 = tpu.matmul %get3A_7, %get3A_23, %dot_general3A_24 {dimension_numbers = #tpu.dot_dimension_numbers<[1], [0], [0], [1], [0, 0, 1, 1], [], []>, transpose_lhs_hint = false} : vector<1280x32xf32>, vector<32x512xf32>, vector<1280x512xf32> -> vector<1280x512xf32>
    %get3A_26 = arith.constant 0 : index
    %get3A_27 = arith.constant 0 : index
    %get3A_28 = vector.load %arg7[%get3A_26, %get3A_27] : memref<16x512xf32, #tpu.memory_space<vmem>>, vector<16x512xf32>
    %dot_general3A_29 = arith.constant dense<0.000000e+00> : vector<1280x512xf32>
    %dot_general3A_30 = tpu.matmul %get3A_4, %get3A_28, %dot_general3A_29 {dimension_numbers = #tpu.dot_dimension_numbers<[0], [0], [1], [1], [0, 1, 1, 1], [], []>, transpose_lhs_hint = false} : vector<16x1280xf32>, vector<16x512xf32>, vector<1280x512xf32> -> vector<1280x512xf32>
    %mul3A = arith.mulf %dot_general3A_20, %dot_general3A_25 : vector<1280x512xf32>
    %mul3A_31 = arith.mulf %mul3A, %dot_general3A_30 : vector<1280x512xf32>
    %swap3A = arith.constant 0 : index
    %swap3A_32 = arith.constant 0 : index
    %swap3A_33 = vector.load %arg8[%swap3A, %swap3A_32] : memref<1280x512xf32, #tpu.memory_space<vmem>>, vector<1280x512xf32>
    tpu.vector_store %arg8[%swap3A, %swap3A_32], %mul3A_31 {strides = array<i32>} : memref<1280x512xf32, #tpu.memory_space<vmem>>, vector<1280x512xf32>,
    return
  }
  func.func @transform_0(%arg0: i32) -> (i32, i32) {
    %c0_i32 = arith.constant 0 : i32
    %c0_i32_0 = arith.constant 0 : i32
    return %c0_i32, %arg0 : i32, i32
  }
  func.func @transform_1(%arg0: i32) -> (i32, i32) {
    %c0_i32 = arith.constant 0 : i32
    %c0_i32_0 = arith.constant 0 : i32
    return %c0_i32, %arg0 : i32, i32
  }
  func.func @transform_2(%arg0: i32) -> (i32, i32) {
    %c0_i32 = arith.constant 0 : i32
    %c0_i32_0 = arith.constant 0 : i32
    return %arg0, %c0_i32 : i32, i32
  }
  func.func @transform_3(%arg0: i32) -> (i32, i32) {
    %c0_i32 = arith.constant 0 : i32
    %c0_i32_0 = arith.constant 0 : i32
    %c0_i32_1 = arith.constant 0 : i32
    return %c0_i32, %c0_i32_0 : i32, i32
  }
  func.func @transform_4(%arg0: i32) -> (i32, i32) {
    %c0_i32 = arith.constant 0 : i32
    %c0_i32_0 = arith.constant 0 : i32
    %c0_i32_1 = arith.constant 0 : i32
    return %c0_i32, %c0_i32_0 : i32, i32
  }
  func.func @transform_5(%arg0: i32) -> (i32, i32) {
    %c0_i32 = arith.constant 0 : i32
    %c0_i32_0 = arith.constant 0 : i32
    %c0_i32_1 = arith.constant 0 : i32
    return %c0_i32, %c0_i32_0 : i32, i32
  }
  func.func @transform_6(%arg0: i32) -> (i32, i32) {
    %c0_i32 = arith.constant 0 : i32
    %c0_i32_0 = arith.constant 0 : i32
    %c0_i32_1 = arith.constant 0 : i32
    return %c0_i32, %c0_i32_0 : i32, i32
  }
  func.func @transform_7(%arg0: i32) -> (i32, i32) {
    %c0_i32 = arith.constant 0 : i32
    %c0_i32_0 = arith.constant 0 : i32
    return %arg0, %c0_i32 : i32, i32
  }
}

module attributes {stable_mosaic.version = 14 : i64} {
  func.func @_node_body(%arg0: i32, %arg1: memref<4x1000x128xf32, #tpu.memory_space<vmem>>, %arg2: memref<4x128x32xf32, #tpu.memory_space<vmem>>, %arg3: memref<32x128xf32, #tpu.memory_space<vmem>>, %arg4: memref<1000x32xf32, #tpu.memory_space<vmem>>, %arg5: memref<1000x128xf32, #tpu.memory_space<vmem>>) attributes {dimension_semantics = [#tpu.dimension_semantics<arbitrary>], iteration_bounds = array<i64: 10>, scalar_prefetch = 0 : i64, scratch_operands = 0 : i64, tpu.core_type = #tpu.core_type<tc>, window_params = [{transform_indices = @transform_0, window_bounds = array<i64: 4, 1000, 128>}, {pipeline_mode = #tpu.pipeline_mode<synchronous>, transform_indices = @transform_1, window_bounds = array<i64: 4, 128, 32>}, {pipeline_mode = #tpu.pipeline_mode<synchronous>, transform_indices = @transform_2, window_bounds = array<i64: 32, 128>}, {transform_indices = @transform_3, window_bounds = array<i64: 1000, 32>}, {transform_indices = @transform_4, window_bounds = array<i64: 1000, 128>}]} {
    %broadcast_in_dim3A = arith.constant 0.000000e+00 : f32
    %broadcast_in_dim3A_0 = vector.broadcast %broadcast_in_dim3A : f32 to vector<1000x32xf32>
    %get3A = arith.constant 0 : index
    %get3A_1 = arith.constant 0 : index
    %get3A_2 = arith.constant 0 : index
    %get3A_3 = vector.load %arg1[%get3A, %get3A_1, %get3A_2] : memref<4x1000x128xf32, #tpu.memory_space<vmem>>, vector<1x1000x128xf32>
    %get3A_4 = vector.shape_cast %get3A_3 : vector<1x1000x128xf32> to vector<1000x128xf32>
    %mul3A = arith.constant 3.125000e-02 : f32
    %mul3A_5 = vector.broadcast %mul3A : f32 to vector<1000x128xf32>
    %mul3A_6 = arith.mulf %get3A_4, %mul3A_5 : vector<1000x128xf32>
    %mul3A_7 = arith.mulf %mul3A_6, %mul3A_6 : vector<1000x128xf32>
    %get3A_8 = arith.constant 0 : index
    %get3A_9 = arith.constant 0 : index
    %get3A_10 = arith.constant 0 : index
    %get3A_11 = vector.load %arg2[%get3A_8, %get3A_9, %get3A_10] : memref<4x128x32xf32, #tpu.memory_space<vmem>>, vector<1x128x32xf32>
    %get3A_12 = vector.shape_cast %get3A_11 : vector<1x128x32xf32> to vector<128x32xf32>
    %dot_general3A = arith.constant dense<0.000000e+00> : vector<1000x32xf32>
    %dot_general3A_13 = tpu.matmul %mul3A_7, %get3A_12, %dot_general3A {dimension_numbers = #tpu.dot_dimension_numbers<[1], [0], [0], [1], [0, 0, 1, 1], [], []>, transpose_lhs_hint = false} : vector<1000x128xf32>, vector<128x32xf32>, vector<1000x32xf32> -> vector<1000x32xf32>
    %add3A = arith.addf %broadcast_in_dim3A_0, %dot_general3A_13 : vector<1000x32xf32>
    %get3A_14 = arith.constant 1 : index
    %get3A_15 = arith.constant 0 : index
    %get3A_16 = arith.constant 0 : index
    %get3A_17 = vector.load %arg1[%get3A_14, %get3A_15, %get3A_16] : memref<4x1000x128xf32, #tpu.memory_space<vmem>>, vector<1x1000x128xf32>
    %get3A_18 = vector.shape_cast %get3A_17 : vector<1x1000x128xf32> to vector<1000x128xf32>
    %mul3A_19 = arith.constant 3.125000e-02 : f32
    %mul3A_20 = vector.broadcast %mul3A_19 : f32 to vector<1000x128xf32>
    %mul3A_21 = arith.mulf %get3A_18, %mul3A_20 : vector<1000x128xf32>
    %mul3A_22 = arith.mulf %mul3A_21, %mul3A_21 : vector<1000x128xf32>
    %get3A_23 = arith.constant 1 : index
    %get3A_24 = arith.constant 0 : index
    %get3A_25 = arith.constant 0 : index
    %get3A_26 = vector.load %arg2[%get3A_23, %get3A_24, %get3A_25] : memref<4x128x32xf32, #tpu.memory_space<vmem>>, vector<1x128x32xf32>
    %get3A_27 = vector.shape_cast %get3A_26 : vector<1x128x32xf32> to vector<128x32xf32>
    %dot_general3A_28 = arith.constant dense<0.000000e+00> : vector<1000x32xf32>
    %dot_general3A_29 = tpu.matmul %mul3A_22, %get3A_27, %dot_general3A_28 {dimension_numbers = #tpu.dot_dimension_numbers<[1], [0], [0], [1], [0, 0, 1, 1], [], []>, transpose_lhs_hint = false} : vector<1000x128xf32>, vector<128x32xf32>, vector<1000x32xf32> -> vector<1000x32xf32>
    %add3A_30 = arith.addf %add3A, %dot_general3A_29 : vector<1000x32xf32>
    %get3A_31 = arith.constant 2 : index
    %get3A_32 = arith.constant 0 : index
    %get3A_33 = arith.constant 0 : index
    %get3A_34 = vector.load %arg1[%get3A_31, %get3A_32, %get3A_33] : memref<4x1000x128xf32, #tpu.memory_space<vmem>>, vector<1x1000x128xf32>
    %get3A_35 = vector.shape_cast %get3A_34 : vector<1x1000x128xf32> to vector<1000x128xf32>
    %mul3A_36 = arith.constant 3.125000e-02 : f32
    %mul3A_37 = vector.broadcast %mul3A_36 : f32 to vector<1000x128xf32>
    %mul3A_38 = arith.mulf %get3A_35, %mul3A_37 : vector<1000x128xf32>
    %mul3A_39 = arith.mulf %mul3A_38, %mul3A_38 : vector<1000x128xf32>
    %get3A_40 = arith.constant 2 : index
    %get3A_41 = arith.constant 0 : index
    %get3A_42 = arith.constant 0 : index
    %get3A_43 = vector.load %arg2[%get3A_40, %get3A_41, %get3A_42] : memref<4x128x32xf32, #tpu.memory_space<vmem>>, vector<1x128x32xf32>
    %get3A_44 = vector.shape_cast %get3A_43 : vector<1x128x32xf32> to vector<128x32xf32>
    %dot_general3A_45 = arith.constant dense<0.000000e+00> : vector<1000x32xf32>
    %dot_general3A_46 = tpu.matmul %mul3A_39, %get3A_44, %dot_general3A_45 {dimension_numbers = #tpu.dot_dimension_numbers<[1], [0], [0], [1], [0, 0, 1, 1], [], []>, transpose_lhs_hint = false} : vector<1000x128xf32>, vector<128x32xf32>, vector<1000x32xf32> -> vector<1000x32xf32>
    %add3A_47 = arith.addf %add3A_30, %dot_general3A_46 : vector<1000x32xf32>
    %get3A_48 = arith.constant 3 : index
    %get3A_49 = arith.constant 0 : index
    %get3A_50 = arith.constant 0 : index
    %get3A_51 = vector.load %arg1[%get3A_48, %get3A_49, %get3A_50] : memref<4x1000x128xf32, #tpu.memory_space<vmem>>, vector<1x1000x128xf32>
    %get3A_52 = vector.shape_cast %get3A_51 : vector<1x1000x128xf32> to vector<1000x128xf32>
    %mul3A_53 = arith.constant 3.125000e-02 : f32
    %mul3A_54 = vector.broadcast %mul3A_53 : f32 to vector<1000x128xf32>
    %mul3A_55 = arith.mulf %get3A_52, %mul3A_54 : vector<1000x128xf32>
    %mul3A_56 = arith.mulf %mul3A_55, %mul3A_55 : vector<1000x128xf32>
    %get3A_57 = arith.constant 3 : index
    %get3A_58 = arith.constant 0 : index
    %get3A_59 = arith.constant 0 : index
    %get3A_60 = vector.load %arg2[%get3A_57, %get3A_58, %get3A_59] : memref<4x128x32xf32, #tpu.memory_space<vmem>>, vector<1x128x32xf32>
    %get3A_61 = vector.shape_cast %get3A_60 : vector<1x128x32xf32> to vector<128x32xf32>
    %dot_general3A_62 = arith.constant dense<0.000000e+00> : vector<1000x32xf32>
    %dot_general3A_63 = tpu.matmul %mul3A_56, %get3A_61, %dot_general3A_62 {dimension_numbers = #tpu.dot_dimension_numbers<[1], [0], [0], [1], [0, 0, 1, 1], [], []>, transpose_lhs_hint = false} : vector<1000x128xf32>, vector<128x32xf32>, vector<1000x32xf32> -> vector<1000x32xf32>
    %add3A_64 = arith.addf %add3A_47, %dot_general3A_63 : vector<1000x32xf32>
    %neg3A = arith.constant 0.000000e+00 : f32
    %neg3A_65 = vector.broadcast %neg3A : f32 to vector<1000x32xf32>
    %neg3A_66 = arith.subf %neg3A_65, %add3A_64 : vector<1000x32xf32>
    %exp3A = math.exp %neg3A_66 : vector<1000x32xf32>
    %add3A_67 = arith.constant 1.000000e+00 : f32
    %add3A_68 = vector.broadcast %add3A_67 : f32 to vector<1000x32xf32>
    %add3A_69 = arith.addf %add3A_68, %exp3A : vector<1000x32xf32>
    %div3A = arith.divf %add3A_64, %add3A_69 : vector<1000x32xf32>
    %swap3A = arith.constant 0 : index
    %swap3A_70 = arith.constant 0 : index
    %swap3A_71 = vector.load %arg4[%swap3A, %swap3A_70] : memref<1000x32xf32, #tpu.memory_space<vmem>>, vector<1000x32xf32>
    tpu.vector_store %arg4[%swap3A, %swap3A_70], %div3A {strides = array<i32>} : memref<1000x32xf32, #tpu.memory_space<vmem>>, vector<1000x32xf32>,
    %get3A_72 = arith.constant 0 : index
    %get3A_73 = arith.constant 0 : index
    %get3A_74 = vector.load %arg3[%get3A_72, %get3A_73] : memref<32x128xf32, #tpu.memory_space<vmem>>, vector<32x128xf32>
    %dot_general3A_75 = arith.constant dense<0.000000e+00> : vector<1000x128xf32>
    %dot_general3A_76 = tpu.matmul %div3A, %get3A_74, %dot_general3A_75 {dimension_numbers = #tpu.dot_dimension_numbers<[1], [0], [0], [1], [0, 0, 1, 1], [], []>, transpose_lhs_hint = false} : vector<1000x32xf32>, vector<32x128xf32>, vector<1000x128xf32> -> vector<1000x128xf32>
    %swap3A_77 = arith.constant 0 : index
    %swap3A_78 = arith.constant 0 : index
    %swap3A_79 = vector.load %arg5[%swap3A_77, %swap3A_78] : memref<1000x128xf32, #tpu.memory_space<vmem>>, vector<1000x128xf32>
    tpu.vector_store %arg5[%swap3A_77, %swap3A_78], %dot_general3A_76 {strides = array<i32>} : memref<1000x128xf32, #tpu.memory_space<vmem>>, vector<1000x128xf32>,
    return
  }
  func.func @transform_0(%arg0: i32) -> (i32, i32, i32) {
    %c0_i32 = arith.constant 0 : i32
    %c0_i32_0 = arith.constant 0 : i32
    %c0_i32_1 = arith.constant 0 : i32
    return %c0_i32, %arg0, %c0_i32_0 : i32, i32, i32
  }
  func.func @transform_1(%arg0: i32) -> (i32, i32, i32) {
    %c0_i32 = arith.constant 0 : i32
    %c0_i32_0 = arith.constant 0 : i32
    %c0_i32_1 = arith.constant 0 : i32
    %c0_i32_2 = arith.constant 0 : i32
    return %c0_i32, %c0_i32_0, %c0_i32_1 : i32, i32, i32
  }
  func.func @transform_2(%arg0: i32) -> (i32, i32) {
    %c0_i32 = arith.constant 0 : i32
    %c0_i32_0 = arith.constant 0 : i32
    %c0_i32_1 = arith.constant 0 : i32
    return %c0_i32, %c0_i32_0 : i32, i32
  }
  func.func @transform_3(%arg0: i32) -> (i32, i32) {
    %c0_i32 = arith.constant 0 : i32
    %c0_i32_0 = arith.constant 0 : i32
    return %arg0, %c0_i32 : i32, i32
  }
  func.func @transform_4(%arg0: i32) -> (i32, i32) {
    %c0_i32 = arith.constant 0 : i32
    %c0_i32_0 = arith.constant 0 : i32
    return %arg0, %c0_i32 : i32, i32
  }
}

module attributes {stable_mosaic.version = 14 : i64} {
  func.func @_node_body(%arg0: i32, %arg1: memref<4x1000x128xf32, #tpu.memory_space<vmem>>, %arg2: memref<4x128x32xf32, #tpu.memory_space<vmem>>, %arg3: memref<32x128xf32, #tpu.memory_space<vmem>>, %arg4: memref<1000x32xf32, #tpu.memory_space<vmem>>, %arg5: memref<1000x128xf32, #tpu.memory_space<vmem>>) attributes {dimension_semantics = [#tpu.dimension_semantics<arbitrary>], iteration_bounds = array<i64: 10>, scalar_prefetch = 0 : i64, scratch_operands = 0 : i64, tpu.core_type = #tpu.core_type<tc>, window_params = [{transform_indices = @transform_0, window_bounds = array<i64: 4, 1000, 128>}, {pipeline_mode = #tpu.pipeline_mode<synchronous>, transform_indices = @transform_1, window_bounds = array<i64: 4, 128, 32>}, {pipeline_mode = #tpu.pipeline_mode<synchronous>, transform_indices = @transform_2, window_bounds = array<i64: 32, 128>}, {transform_indices = @transform_3, window_bounds = array<i64: 1000, 32>}, {transform_indices = @transform_4, window_bounds = array<i64: 1000, 128>}]} {
    %broadcast_in_dim3A = arith.constant 0.000000e+00 : f32
    %broadcast_in_dim3A_0 = vector.broadcast %broadcast_in_dim3A : f32 to vector<1000x32xf32>
    %get3A = arith.constant 0 : index
    %get3A_1 = arith.constant 0 : index
    %get3A_2 = arith.constant 0 : index
    %get3A_3 = vector.load %arg1[%get3A, %get3A_1, %get3A_2] : memref<4x1000x128xf32, #tpu.memory_space<vmem>>, vector<1x1000x128xf32>
    %get3A_4 = vector.shape_cast %get3A_3 : vector<1x1000x128xf32> to vector<1000x128xf32>
    %mul3A = arith.constant 3.125000e-02 : f32
    %mul3A_5 = vector.broadcast %mul3A : f32 to vector<1000x128xf32>
    %mul3A_6 = arith.mulf %get3A_4, %mul3A_5 : vector<1000x128xf32>
    %mul3A_7 = arith.mulf %mul3A_6, %mul3A_6 : vector<1000x128xf32>
    %get3A_8 = arith.constant 0 : index
    %get3A_9 = arith.constant 0 : index
    %get3A_10 = arith.constant 0 : index
    %get3A_11 = vector.load %arg2[%get3A_8, %get3A_9, %get3A_10] : memref<4x128x32xf32, #tpu.memory_space<vmem>>, vector<1x128x32xf32>
    %get3A_12 = vector.shape_cast %get3A_11 : vector<1x128x32xf32> to vector<128x32xf32>
    %dot_general3A = arith.constant dense<0.000000e+00> : vector<1000x32xf32>
    %dot_general3A_13 = tpu.matmul %mul3A_7, %get3A_12, %dot_general3A {dimension_numbers = #tpu.dot_dimension_numbers<[1], [0], [0], [1], [0, 0, 1, 1], [], []>, transpose_lhs_hint = false} : vector<1000x128xf32>, vector<128x32xf32>, vector<1000x32xf32> -> vector<1000x32xf32>
    %add3A = arith.addf %broadcast_in_dim3A_0, %dot_general3A_13 : vector<1000x32xf32>
    %get3A_14 = arith.constant 1 : index
    %get3A_15 = arith.constant 0 : index
    %get3A_16 = arith.constant 0 : index
    %get3A_17 = vector.load %arg1[%get3A_14, %get3A_15, %get3A_16] : memref<4x1000x128xf32, #tpu.memory_space<vmem>>, vector<1x1000x128xf32>
    %get3A_18 = vector.shape_cast %get3A_17 : vector<1x1000x128xf32> to vector<1000x128xf32>
    %mul3A_19 = arith.constant 3.125000e-02 : f32
    %mul3A_20 = vector.broadcast %mul3A_19 : f32 to vector<1000x128xf32>
    %mul3A_21 = arith.mulf %get3A_18, %mul3A_20 : vector<1000x128xf32>
    %mul3A_22 = arith.mulf %mul3A_21, %mul3A_21 : vector<1000x128xf32>
    %get3A_23 = arith.constant 1 : index
    %get3A_24 = arith.constant 0 : index
    %get3A_25 = arith.constant 0 : index
    %get3A_26 = vector.load %arg2[%get3A_23, %get3A_24, %get3A_25] : memref<4x128x32xf32, #tpu.memory_space<vmem>>, vector<1x128x32xf32>
    %get3A_27 = vector.shape_cast %get3A_26 : vector<1x128x32xf32> to vector<128x32xf32>
    %dot_general3A_28 = arith.constant dense<0.000000e+00> : vector<1000x32xf32>
    %dot_general3A_29 = tpu.matmul %mul3A_22, %get3A_27, %dot_general3A_28 {dimension_numbers = #tpu.dot_dimension_numbers<[1], [0], [0], [1], [0, 0, 1, 1], [], []>, transpose_lhs_hint = false} : vector<1000x128xf32>, vector<128x32xf32>, vector<1000x32xf32> -> vector<1000x32xf32>
    %add3A_30 = arith.addf %add3A, %dot_general3A_29 : vector<1000x32xf32>
    %get3A_31 = arith.constant 2 : index
    %get3A_32 = arith.constant 0 : index
    %get3A_33 = arith.constant 0 : index
    %get3A_34 = vector.load %arg1[%get3A_31, %get3A_32, %get3A_33] : memref<4x1000x128xf32, #tpu.memory_space<vmem>>, vector<1x1000x128xf32>
    %get3A_35 = vector.shape_cast %get3A_34 : vector<1x1000x128xf32> to vector<1000x128xf32>
    %mul3A_36 = arith.constant 3.125000e-02 : f32
    %mul3A_37 = vector.broadcast %mul3A_36 : f32 to vector<1000x128xf32>
    %mul3A_38 = arith.mulf %get3A_35, %mul3A_37 : vector<1000x128xf32>
    %mul3A_39 = arith.mulf %mul3A_38, %mul3A_38 : vector<1000x128xf32>
    %get3A_40 = arith.constant 2 : index
    %get3A_41 = arith.constant 0 : index
    %get3A_42 = arith.constant 0 : index
    %get3A_43 = vector.load %arg2[%get3A_40, %get3A_41, %get3A_42] : memref<4x128x32xf32, #tpu.memory_space<vmem>>, vector<1x128x32xf32>
    %get3A_44 = vector.shape_cast %get3A_43 : vector<1x128x32xf32> to vector<128x32xf32>
    %dot_general3A_45 = arith.constant dense<0.000000e+00> : vector<1000x32xf32>
    %dot_general3A_46 = tpu.matmul %mul3A_39, %get3A_44, %dot_general3A_45 {dimension_numbers = #tpu.dot_dimension_numbers<[1], [0], [0], [1], [0, 0, 1, 1], [], []>, transpose_lhs_hint = false} : vector<1000x128xf32>, vector<128x32xf32>, vector<1000x32xf32> -> vector<1000x32xf32>
    %add3A_47 = arith.addf %add3A_30, %dot_general3A_46 : vector<1000x32xf32>
    %get3A_48 = arith.constant 3 : index
    %get3A_49 = arith.constant 0 : index
    %get3A_50 = arith.constant 0 : index
    %get3A_51 = vector.load %arg1[%get3A_48, %get3A_49, %get3A_50] : memref<4x1000x128xf32, #tpu.memory_space<vmem>>, vector<1x1000x128xf32>
    %get3A_52 = vector.shape_cast %get3A_51 : vector<1x1000x128xf32> to vector<1000x128xf32>
    %mul3A_53 = arith.constant 3.125000e-02 : f32
    %mul3A_54 = vector.broadcast %mul3A_53 : f32 to vector<1000x128xf32>
    %mul3A_55 = arith.mulf %get3A_52, %mul3A_54 : vector<1000x128xf32>
    %mul3A_56 = arith.mulf %mul3A_55, %mul3A_55 : vector<1000x128xf32>
    %get3A_57 = arith.constant 3 : index
    %get3A_58 = arith.constant 0 : index
    %get3A_59 = arith.constant 0 : index
    %get3A_60 = vector.load %arg2[%get3A_57, %get3A_58, %get3A_59] : memref<4x128x32xf32, #tpu.memory_space<vmem>>, vector<1x128x32xf32>
    %get3A_61 = vector.shape_cast %get3A_60 : vector<1x128x32xf32> to vector<128x32xf32>
    %dot_general3A_62 = arith.constant dense<0.000000e+00> : vector<1000x32xf32>
    %dot_general3A_63 = tpu.matmul %mul3A_56, %get3A_61, %dot_general3A_62 {dimension_numbers = #tpu.dot_dimension_numbers<[1], [0], [0], [1], [0, 0, 1, 1], [], []>, transpose_lhs_hint = false} : vector<1000x128xf32>, vector<128x32xf32>, vector<1000x32xf32> -> vector<1000x32xf32>
    %add3A_64 = arith.addf %add3A_47, %dot_general3A_63 : vector<1000x32xf32>
    %neg3A = arith.constant 0.000000e+00 : f32
    %neg3A_65 = vector.broadcast %neg3A : f32 to vector<1000x32xf32>
    %neg3A_66 = arith.subf %neg3A_65, %add3A_64 : vector<1000x32xf32>
    %exp3A = math.exp %neg3A_66 : vector<1000x32xf32>
    %add3A_67 = arith.constant 1.000000e+00 : f32
    %add3A_68 = vector.broadcast %add3A_67 : f32 to vector<1000x32xf32>
    %add3A_69 = arith.addf %add3A_68, %exp3A : vector<1000x32xf32>
    %div3A = arith.divf %add3A_64, %add3A_69 : vector<1000x32xf32>
    %swap3A = arith.constant 0 : index
    %swap3A_70 = arith.constant 0 : index
    %swap3A_71 = vector.load %arg4[%swap3A, %swap3A_70] : memref<1000x32xf32, #tpu.memory_space<vmem>>, vector<1000x32xf32>
    tpu.vector_store %arg4[%swap3A, %swap3A_70], %div3A {strides = array<i32>} : memref<1000x32xf32, #tpu.memory_space<vmem>>, vector<1000x32xf32>,
    %get3A_72 = arith.constant 0 : index
    %get3A_73 = arith.constant 0 : index
    %get3A_74 = vector.load %arg3[%get3A_72, %get3A_73] : memref<32x128xf32, #tpu.memory_space<vmem>>, vector<32x128xf32>
    %dot_general3A_75 = arith.constant dense<0.000000e+00> : vector<1000x128xf32>
    %dot_general3A_76 = tpu.matmul %div3A, %get3A_74, %dot_general3A_75 {dimension_numbers = #tpu.dot_dimension_numbers<[1], [0], [0], [1], [0, 0, 1, 1], [], []>, transpose_lhs_hint = false} : vector<1000x32xf32>, vector<32x128xf32>, vector<1000x128xf32> -> vector<1000x128xf32>
    %swap3A_77 = arith.constant 0 : index
    %swap3A_78 = arith.constant 0 : index
    %swap3A_79 = vector.load %arg5[%swap3A_77, %swap3A_78] : memref<1000x128xf32, #tpu.memory_space<vmem>>, vector<1000x128xf32>
    tpu.vector_store %arg5[%swap3A_77, %swap3A_78], %dot_general3A_76 {strides = array<i32>} : memref<1000x128xf32, #tpu.memory_space<vmem>>, vector<1000x128xf32>,
    return
  }
  func.func @transform_0(%arg0: i32) -> (i32, i32, i32) {
    %c0_i32 = arith.constant 0 : i32
    %c0_i32_0 = arith.constant 0 : i32
    %c0_i32_1 = arith.constant 0 : i32
    return %c0_i32, %arg0, %c0_i32_0 : i32, i32, i32
  }
  func.func @transform_1(%arg0: i32) -> (i32, i32, i32) {
    %c0_i32 = arith.constant 0 : i32
    %c0_i32_0 = arith.constant 0 : i32
    %c0_i32_1 = arith.constant 0 : i32
    %c0_i32_2 = arith.constant 0 : i32
    return %c0_i32, %c0_i32_0, %c0_i32_1 : i32, i32, i32
  }
  func.func @transform_2(%arg0: i32) -> (i32, i32) {
    %c0_i32 = arith.constant 0 : i32
    %c0_i32_0 = arith.constant 0 : i32
    %c0_i32_1 = arith.constant 0 : i32
    return %c0_i32, %c0_i32_0 : i32, i32
  }
  func.func @transform_3(%arg0: i32) -> (i32, i32) {
    %c0_i32 = arith.constant 0 : i32
    %c0_i32_0 = arith.constant 0 : i32
    return %arg0, %c0_i32 : i32, i32
  }
  func.func @transform_4(%arg0: i32) -> (i32, i32) {
    %c0_i32 = arith.constant 0 : i32
    %c0_i32_0 = arith.constant 0 : i32
    return %arg0, %c0_i32 : i32, i32
  }
}

</mosaic_0001>

<sc_bundles>
// kernel: kernel.13.cloned.1.call-start
scs
__scs_entry_jumppad:
0x0: {  	(pc) =	sbr.rel $0x88, $3  }
0x1: {  	(tag) =	ssettag $0x0;
	lr =	simm.s32 $0x1  }
0x2: {  	[smem:$0x3F98] =	sst lr;
	_ =	strace $0xD0000000  }
0x3: {  	_ = 	snop  }
0x4: {  	_ = 	snop  }
0x5: {  	_ = 	snop  }
0x6: {  	_ = 	snop  }
0x7: {  	_ = 	snop  }
__scs_overlays_trampoline_lowered:
0x8: {  	[smem:$0x3FA7] =	sst s0  }
0x9: {  	[smem:$0x3FA8] =	sst s1  }
0xa: {  	[smem:$0x3FA9] =	sst s2  }
0xb: {  	[smem:$0x3FAA] =	sst s3  }
0xc: {  	[smem:$0x3FAB] =	sst s4  }
0xd: {  	[smem:$0x3FAC] =	sst s5  }
0xe: {  	[smem:$0x3FAD] =	sst s6  }
0xf: {  	[smem:$0x3FAE] =	sst s7  }
0x10: {  	[smem:$0x3FAF] =	sst s8  }
0x11: {  	[smem:$0x3FB0] =	sst s9;
	s0 =	simm.s32 @!p0 $0x0  }
0x12: {  	s1 =	sld [smem:$0x3F96];
	s0 =	simm.s32 @p0 $0x1  }
0x13: {  	[smem:$0x3FB1] =	sst s0;
	s0 =	simm.s32 @!p1 $0x0  }
0x14: {  	s2 =	sld [smem:$0x3F95];
	s0 =	simm.s32 @p1 $0x1  }
0x15: {  	[smem:$0x3FB2] =	sst s0;
	s0 =	simm.s32 @!p2 $0x0  }
0x16: {  	s3 =	sld [smem:$0x3FDB];
	s0 =	simm.s32 @p2 $0x1  }
0x17: {  	s4 =	simm.s32 $0x1BF5;
	[smem:$0x3FB4] =	sst s0  }
0x18: {  	s0 =	sld [smem:$0x3F97];
	_ =	swait.ge [sflag:s4], $0x0  }
0x19: {  	s7 =	sld [smem:$0x3F98]  }
0x1a: {  	s8 =	sadd.s32 $0xFFFFE003, lr  }
0x1b: {  	s9 =	sadd.s32 $0xFFFFFEF7, lr;
	s5 =	simm.s32 $0xFFFFFFFF;
	p2 =	slt.u32 s8, $0xFFFFF086  }
0x1c: {  	p1 =	slt.u32 s9, $0xF7A;
	s5 =	simm.s32 @!p2 $0x0  }
0x1d: {  	s5 =	simm.s32 @p1 $0x1;
	p0 =	seq.s32 s7, s2  }
0x1e: {  	s7 =	smul.u32 @!p0 $0xF7A, s2;
	p2 =	seq.s32 @!p0 s5, $0x0  }
0x1f: {  	s9 =	smul.u32 $0xF7A, s1;
	s8 =	simm.s32 @!p0 $0x1BF5;
	p2 =	por !p2, p0  }
0x20: {  	[sflag:s8] =	ssyncset.s32 @!p0 $0xFFFFF086;
	s6 =	sadd.s32 @!p0 s3, s7;
	s7 =	simm.s32 @!p0 $0x108  }
0x21: {  	s3 =	sadd.s32 s3, s9;
	s6 =	sadd.s32 @!p0 $0x88, s6;
	s7 =	simm.s32 @p2 $0x1082  }
0x22: {  	[simem:s7], [sflag:s8] =	dma.local @!p0 [hbm:s6], $0xF7A  }
0x23: {  	s9 =	sor.u32 $0xD0000000, s2;
	s6 =	simm.s32 $0x108;
	_ =	swait.ge @!p0 [sflag:s8], $0x0  }
0x24: {  	s3 =	sadd.s32 $0x88, s3;
	s6 =	simm.s32 @!p1 $0x1082;
	[sflag:s4] =	ssyncset.s32 $0xFFFFF086  }
0x25: {  	[simem:s6], [sflag:s4] =	dma.local [hbm:s3], $0xF7A  }
0x26: {  	[smem:$0x3F98] =	sst s1;
	(tag) =	ssettag s2;
	_ =	strace s9  }
0x27: {  	s1 =	sld [smem:$0x3FA8]  }
0x28: {  	s2 =	sld [smem:$0x3FA9]  }
0x29: {  	s4 =	sld [smem:$0x3FAB]  }
0x2a: {  	p0 =	seq.s32 s5, $0x0;
	s5 =	sld [smem:$0x3FAC]  }
0x2b: {  	s6 =	sld [smem:$0x3FAD]  }
0x2c: {  	s7 =	sld [smem:$0x3FAE]  }
0x2d: {  	s3 =	simm.s32 $0x108;
	s8 =	sld [smem:$0x3FAF]  }
0x2e: {  	s3 =	simm.s32 @!p0 $0x1082;
	s9 =	sld [smem:$0x3FB0]  }
0x2f: {  	lr =	sadd.s32 s0, s3;
	s0 =	sld [smem:$0x3FA7]  }
0x30: {  	s3 =	sld [smem:$0x3FAA]  }
0x31: {  	[smem:$0x3FB3] =	sst s10  }
0x32: {  	s10 =	sld [smem:$0x3FB1];
	_ =	sdelay $0x3  }
0x33: {  	p0 =	seq.s32 s10, $0x1;
	s10 =	sld [smem:$0x3FB3];
	_ =	sdelay $0x3  }
0x34: {  	[smem:$0x3FB3] =	sst s10  }
0x35: {  	s10 =	sld [smem:$0x3FB2];
	_ =	sdelay $0x3  }
0x36: {  	p1 =	seq.s32 s10, $0x1;
	s10 =	sld [smem:$0x3FB3];
	_ =	sdelay $0x3  }
0x37: {  	[smem:$0x3FB3] =	sst s10  }
0x38: {  	s10 =	sld [smem:$0x3FB4]  }
0x39: {  	_ = 	snop;
	(pc) =	sbr.ind lr, $3  }
0x3a: {  	_ = 	snop  }
0x3b: {  	_ = 	snop  }
0x3c: {  	p2 =	seq.s32 s10, $0x1;
	s10 =	sld [smem:$0x3FB3]  }
0x3d: {  	_ =	shalt  }
0x3e: {  	_ =	shalt  }
0x3f: {  	_ =	shalt  }
0x40: {  	_ =	shalt  }
0x41: {  	_ =	shalt  }
0x42: {  	_ =	shalt  }
0x43: {  	_ =	shalt  }
0x44: {  	_ =	shalt  }
0x45: {  	_ =	shalt  }
0x46: {  	_ =	shalt  }
0x47: {  	_ =	shalt  }
0x48: {  	_ =	shalt  }
0x49: {  	_ =	shalt  }
0x4a: {  	_ =	shalt  }
0x4b: {  	_ =	shalt  }
0x4c: {  	_ =	shalt  }
0x4d: {  	_ =	shalt  }
0x4e: {  	_ =	shalt  }
0x4f: {  	_ =	shalt  }
0x50: {  	_ =	shalt  }
0x51: {  	_ =	shalt  }
0x52: {  	_ =	shalt  }
0x53: {  	_ =	shalt  }
0x54: {  	_ =	shalt  }
0x55: {  	_ =	shalt  }
0x56: {  	_ =	shalt  }
0x57: {  	_ =	shalt  }
0x58: {  	_ =	shalt  }
0x59: {  	_ =	shalt  }
0x5a: {  	_ =	shalt  }
0x5b: {  	_ =	shalt  }
0x5c: {  	_ =	shalt  }
0x5d: {  	_ =	shalt  }
0x5e: {  	_ =	shalt  }
0x5f: {  	_ =	shalt  }
0x60: {  	_ =	shalt  }
0x61: {  	_ =	shalt  }
0x62: {  	_ =	shalt  }
0x63: {  	_ =	shalt  }
0x64: {  	_ =	shalt  }
0x65: {  	_ =	shalt  }
0x66: {  	_ =	shalt  }
0x67: {  	_ =	shalt  }
0x68: {  	_ =	shalt  }
0x69: {  	_ =	shalt  }
0x6a: {  	_ =	shalt  }
0x6b: {  	_ =	shalt  }
0x6c: {  	_ =	shalt  }
0x6d: {  	_ =	shalt  }
0x6e: {  	_ =	shalt  }
0x6f: {  	_ =	shalt  }
0x70: {  	_ =	shalt  }
0x71: {  	_ =	shalt  }
0x72: {  	_ =	shalt  }
0x73: {  	_ =	shalt  }
0x74: {  	_ =	shalt  }
0x75: {  	_ =	shalt  }
0x76: {  	_ =	shalt  }
0x77: {  	_ =	shalt  }
0x78: {  	_ =	shalt  }
0x79: {  	_ =	shalt  }
0x7a: {  	_ =	shalt  }
0x7b: {  	_ =	shalt  }
0x7c: {  	_ =	shalt  }
0x7d: {  	_ =	shalt  }
0x7e: {  	_ =	shalt  }
0x7f: {  	_ =	shalt  }
0x80: {  	_ =	shalt  }
0x81: {  	_ =	shalt  }
0x82: {  	_ =	shalt  }
0x83: {  	_ =	shalt  }
0x84: {  	_ =	shalt  }
0x85: {  	_ =	shalt  }
0x86: {  	_ =	shalt  }
0x87: {  	_ =	shalt  }
.Lfunc_end0:
.L_simem_size_0:
called_computation.2_lowered:
.L_overlay_start_0:
0x88: {  	s2 =	sld [smem:$0x3FD9]  }
0x89: {  	s3 =	sld [smem:$0x3FFE];
	_ =	sdelay $0x1  }
0x8a: {  	s1 =	srdreg.scid  }
0x8b: {  	s0 =	sand.u32 $0x1, s1  }
0x8c: {  	s17 =	sshll.u32 s0, $0xA;
	s2 =	sadd.s32 s3, s2  }
0x8d: {  	s2 =	sadd.s32 s2, s17  }
0x8e: {  	[smem:$0x3FBF] =	sst s2  }
0x8f: {  	_ = 	snop  }
0x90: {  	s18 =	sld [smem:$0x3FD0];
	(tm) =	ssettm $0x1  }
0x91: {  	s19 =	sld [smem:$0x3FFB];
	_ =	sdelay $0x3  }
0x92: {  	_ =	strace s19  }
0x93: {  	s2 =	sld [smem:$0x3FFC];
	_ =	sdelay $0x3  }
0x94: {  	_ =	strace s2  }
0x95: {  	s2 =	sld [smem:$0x3FFD];
	_ =	sdelay $0x3  }
0x96: {  	_ =	strace s2  }
0x97: {  	_ =	strace $0x8FFFFFFF  }
0x98: {  	s20 =	sld [smem:$0x3FDB];
	_ =	sdelay $0x1  }
0x99: {  	s4 =	simm.s32 $_scs_section_size  }
0x9a: {  	s5 =	simm.s32 $_size__tile_overlayer_lowered;
	s6 =	simm.s32 $_tile_overlayer_lowered  }
0x9b: {  	s7 =	simm.s32 $0x1BFF;
	s21 =	sshll.u32 s6, $0x1;
	s4 =	sadd.s32 s4, s20  }
0x9c: {  	s22 =	simm.s32 $0x0;
	s5 =	sshll.u32 s5, $0x1;
	s6 =	sadd.s32 s21, s4  }
0x9d: {  	[timem:s22], [sflag:s7] =	dma.local [hbm:s6], s5  }
0x9e: {  	_ =	swait.ge [sflag:s7], s5  }
0x9f: {  	s5 =	ssub.s32 $0x0, s5;
	[sflag:s7] =	ssyncset.done $0x0  }
0xa0: {  	[sflag:s7] =	ssyncadd.s32 s5;
	_ =	sdelay $0x1  }
0xa1: {  	s23 =	simm.s32 $0x1B8B  }
0xa2: {  	_ =	swait.ge [sflag:s23], $0x1  }
0xa3: {  	[sflag:s23] =	ssyncset.done $0x0  }
0xa4: {  	[sflag:s23] =	ssyncadd.s32 $0xFFFFFFFF  }
0xa5: {  	s5 =	sld [smem:$0x0]  }
0xa6: {  	s6 =	sand.u32 $0xFFFFFFFE, s1  }
0xa7: {  	p0 =	sne.s32 s1, s6  }
0xa8: {  	s6 =	sshll.u32 @p0 s6, $0xE  }
0xa9: {  	s6 =	sadd.s32 @p0 $0x11B8D, s6;
	s7 =	sshll.u32 @p0 s5, $0x11  }
0xaa: {  	s6 =	sor.u32 @p0 s7, s6  }
0xab: {  	[sflag:s6] =	ssyncadd.remote.s32 @p0 $0x1;
	_ =	sdelay $0x1  }
0xac: {  	s6 =	simm.s32 @p0 $0x1B8D  }
0xad: {  	_ =	swait.eq @p0 [sflag:s6], $0x1  }
0xae: {  	[sflag:s6] =	ssyncadd.s32 @p0 $0xFFFFFFFF  }
0xaf: {  	s7 =	sshll.u32 @!p0 s1, $0xE  }
0xb0: {  	s7 =	sor.u32 @!p0 $0x4000, s7;
	s6 =	simm.s32 @!p0 $0x1B8D  }
0xb1: {  	s5 =	sshll.u32 @!p0 s5, $0x11;
	s7 =	sadd.s32 @!p0 $0x11B8D, s7;
	_ =	swait.eq @!p0 [sflag:s6], $0x1  }
0xb2: {  	s5 =	sor.u32 @!p0 s5, s7;
	[sflag:s6] =	ssyncadd.s32 @!p0 $0xFFFFFFFF  }
0xb3: {  	s25 =	simm.s32 $0x1B8E;
	s24 =	sld [smem:$0x3FFE];
	[sflag:s5] =	ssyncadd.remote.s32 @!p0 $0x1  }
0xb4: {  	s26 =	simm.s32 $execute0_lowered;
	[smem:$0x3FD2] =	sst s25  }
0xb5: {  	s6 =	sshll.u32 s26, $0x1;
	_ =	strace $0x80000049;
	[dreg:$0x1] =	wrdreg $0xFFFFFFFF  }
0xb6: {  	s28 =	simm.s32 $_size_execute0_lowered;
	s4 =	sadd.s32 s4, s6;
	[dreg:$0x0] =	wrdreg $0x0  }
0xb7: {  	s6 =	sshll.u32 s28, $0x1;
	[dreg:$0x2] =	wrdreg s4  }
0xb8: {  	[dreg:$0x3] =	wrdreg s6  }
0xb9: {  	[dreg:$0x4] =	wrdreg $0xC0  }
0xba: {  	_ =	task [dreg:s22], $0x5FFFF  }
0xbb: {  	[dreg:$0x1] =	wrdreg $0xFFFFFFFF  }
0xbc: {  	[dreg:$0x0] =	wrdreg $0x60  }
0xbd: {  	[dreg:$0x2] =	wrdreg s24  }
0xbe: {  	[dreg:$0x3] =	wrdreg s18  }
0xbf: {  	[dreg:$0x4] =	wrdreg $0x9  }
0xc0: {  	_ =	task.clear_ibuf [dreg:s22], $0x5FFFF;
	_ =	strace $0x90000049  }
0xc1: {  	s29 =	simm.s32 $0x9;
	_ =	strace $0x8000004B  }
0xc2: {  	_ =	swait.ge [sflag:s29], $0x1  }
0xc3: {  	[sflag:s29] =	ssyncadd.s32 $0xFFFFFFFF  }
0xc4: {  	_ =	strace $0x9000004B  }
0xc5: {  	_ =	sfence  }
0xc6: {  	s30 =	sld [smem:$0x0];
	_ =	sdelay $0x2  }
0xc7: {  	s31 =	sshll.u32 s1, $0xD;
	s1 =	sshrl.u32 s1, $0x2  }
0xc8: {  	s4 =	sand.u32 $0x4000, s31;
	s1 =	sadd.s32 s1, s30  }
0xc9: {  	s0 =	sor.u32 s4, s0;
	s1 =	sshll.u32 s1, $0x11  }
0xca: {  	s0 =	sor.u32 s1, s0  }
0xcb: {  	s0 =	sadd.s32 $0x8F2B, s0  }
0xcc: {  	[sflag:s0] =	ssyncadd.remote.s32 $0x1  }
0xcd: {  	_ =	sfence.sel $0xFFFF  }
0xce: {  	[dreg:$0x0] =	wrdreg $0xFFFFFFFF;
	(pc) =	sbr.abs _section_cstart, $3  }
0xcf: {  	[dreg:$0x1] =	wrdreg $0xFFFFFFFF  }
0xd0: {  	_ =	task.clear_ibuf [dreg:s22], $0x2FFFF;
	_ =	strace $0x9FFFFFFF  }
0xd1: {  	(tm) =	ssettm $0x7FFFFFFF  }
tec
execute0_lowered:
.L_overlay_start_1:
0x0: {  	(tag) =	ssettag $0x1  }
0x1: {  	s4 =	rddreg [dreg:$0x0];
	s1 =	srdreg.scid  }
0x2: {  	s0 =	stileid.u32;
	s5 =	rddreg [dreg:$0x1];
	s2 =	simm.s32 $0x0  }
0x3: {  	s14 =	simm.s32 $0x5320;
	s15 =	simm.s32 $0x1;
	s16 =	simm.s32 $0x2  }
0x4: {  	s17 =	simm.s32 $0x0;
	s6 =	sand.u32 $0x1, s1;
	s10 =	smul.u32 $0x9C40, s0  }
0x5: {  	s3 =	sshll.u32 s0, $0x1;
	s1 =	rddreg [dreg:$0x2];
	s30 =	smul.u32 $0x13880, s0  }
0x6: {  	[smem:$0x7FF] =	sst s2;
	s13 =	sadd.s32 $0x16C00, s4;
	s12 =	smul.u32 $0x4E20, s6  }
0x7: {  	s7 =	sor.u32 s6, s3;
	s9 =	ssub.s32 $0x2, s6;
	s31 =	smul.u32 $0x9C40, s6  }
0x8: {  	_ =	strace $0x8000004A;
	s8 =	smul.u32 $0x9C4, s7;
	s11 =	sshrl.u32 s9, $0x1  }
0x9: {  	s3 =	sadd.s32 $0x11C00, s4;
	s7 =	smul.u32 $0x9C40, s7;
	s9 =	ssub.s32 s9, s11  }
0xa: {  	s29 =	sadd.s32 s12, s10;
	s10 =	sadd.s32 s30, s13;
	s11 =	simm.s32 $0x50  }
0xb: {  	s12 =	simm.s32 $0x4E20;
	s4 =	sadd.s32 s5, s8;
	s5 =	smax.u32 s9, $0x1  }
0xc: {  	s8 =	sshll.u32 s29, $0x1;
	s6 =	sadd.s32 s13, s7;
	s9 =	sadd.s32 s31, s10  }
0xd: {  	s10 =	simm.s32 $0x4;
	s8 =	sadd.s32 s13, s8;
	s7 =	sadd.s32 $0xA0, s6  }
0xe: {  	s9 =	sadd.s32 $0x140, s9;
	s13 =	simm.s32 $0x3;
	s8 =	sadd.s32 $0x1E0, s8  }
.LBB2_1:
0xf: {  	[tilespmem:s2], [sflag:$0x4] =	stream.linear.gather [hbm4b:s4+s2], $0x4E20, $0x38;
	[tilespmem:$0x5820] =	vst v63  }
0x10: {  	_ =	swait.ge [sflag:s10], $0x4E20  }
0x11: {  	[sflag:s10] =	ssyncset.done $0x0  }
0x12: {  	[sflag:s10] =	ssyncadd.s32 $0xFFFFB1E0  }
0x13: {  	[tilespmem:s12], [sflag:$0x3] =	stream.indirect.gather [hbm4b:s3+s11], $0x10, s2, s11, $0xb8;
	[tilespmem:$0x5820] =	vst v63  }
0x14: {  	_ =	swait.ge [sflag:s13], $0x500  }
0x15: {  	[sflag:s13] =	ssyncset.done $0x0  }
0x16: {  	[sflag:s13] =	ssyncadd.s32 $0xFFFFFB00  }
0x17: {  	[hbm4b:s6+s2] =	stream.linear.scatter [tilespmem:s12], [sflag:$0x1], $0x500, $0x38;
	[tilespmem:$0x5820] =	vst v63  }
0x18: {  	_ = 	snop  }
0x19: {  	[tilespmem:s14], [sflag:$0x3] =	stream.indirect.gather [hbm4b:s3+s11], $0x10, s11, s11, $0xb8;
	[tilespmem:$0x5820] =	vst v63  }
0x1a: {  	_ =	swait.ge [sflag:s13], $0x500  }
0x1b: {  	[sflag:s13] =	ssyncset.done $0x0  }
0x1c: {  	[sflag:s13] =	ssyncadd.s32 $0xFFFFFB00  }
0x1d: {  	[hbm4b:s7+s2] =	stream.linear.scatter [tilespmem:s14], [sflag:$0x2], $0x500, $0x38;
	[tilespmem:$0x5820] =	vst v63  }
0x1e: {  	_ =	swait.ge [sflag:s15], $0x500  }
0x1f: {  	[sflag:s15] =	ssyncset.done $0x0  }
0x20: {  	s18 =	simm.s32 $0xA0;
	[sflag:s15] =	ssyncadd.s32 $0xFFFFFB00  }
0x21: {  	[tilespmem:s12], [sflag:$0x3] =	stream.indirect.gather [hbm4b:s3+s11], $0x10, s18, s11, $0xb8;
	[tilespmem:$0x5820] =	vst v63  }
0x22: {  	_ =	swait.ge [sflag:s13], $0x500  }
0x23: {  	[sflag:s13] =	ssyncset.done $0x0  }
0x24: {  	s30 =	sadd.s32 $0x0, s9;
	[sflag:s13] =	ssyncadd.s32 $0xFFFFFB00  }
0x25: {  	[hbm4b:s30+s2] =	stream.linear.scatter [tilespmem:s12], [sflag:$0x1], $0x500, $0x38;
	[tilespmem:$0x5820] =	vst v63  }
0x26: {  	_ =	swait.ge [sflag:s16], $0x500  }
0x27: {  	[sflag:s16] =	ssyncset.done $0x0  }
0x28: {  	s31 =	simm.s32 $0xF0;
	[sflag:s16] =	ssyncadd.s32 $0xFFFFFB00  }
0x29: {  	[tilespmem:s14], [sflag:$0x3] =	stream.indirect.gather [hbm4b:s3+s11], $0x10, s31, s11, $0xb8;
	[tilespmem:$0x5820] =	vst v63  }
0x2a: {  	_ =	swait.ge [sflag:s13], $0x500  }
0x2b: {  	s20 =	sadd.s32 $0x0, s8;
	[sflag:s13] =	ssyncset.done $0x0  }
0x2c: {  	s19 =	simm.s32 $0x190;
	s18 =	simm.s32 $0x140;
	[sflag:s13] =	ssyncadd.s32 $0xFFFFFB00  }
.LBB2_2:
0x2d: {  	[hbm4b:s20+s2] =	stream.linear.scatter [tilespmem:s14], [sflag:$0x2], $0x500, $0x38;
	[tilespmem:$0x5820] =	vst v63  }
0x2e: {  	s20 =	smov.u32 s18  }
0x2f: {  	p0 =	sne.s32 s18, $0x99C0;
	s18 =	sadd.s32 $0x140, s18;
	_ =	swait.ge [sflag:s15], $0x500  }
0x30: {  	[sflag:s15] =	ssyncset.done $0x0  }
0x31: {  	s21 =	sadd.s32 $0xFFFFFFB0, s19;
	[sflag:s15] =	ssyncadd.s32 $0xFFFFFB00  }
0x32: {  	[tilespmem:s12], [sflag:$0x3] =	stream.indirect.gather [hbm4b:s3+s11], $0x10, s21, s11, $0xb8;
	[tilespmem:$0x5820] =	vst v63  }
0x33: {  	_ =	swait.ge [sflag:s13], $0x500  }
0x34: {  	[sflag:s13] =	ssyncset.done $0x0  }
0x35: {  	s21 =	sadd.s32 s20, s9;
	[sflag:s13] =	ssyncadd.s32 $0xFFFFFB00  }
0x36: {  	[hbm4b:s21+s2] =	stream.linear.scatter [tilespmem:s12], [sflag:$0x1], $0x500, $0x38;
	[tilespmem:$0x5820] =	vst v63  }
0x37: {  	_ =	swait.ge [sflag:s16], $0x500  }
0x38: {  	[sflag:s16] =	ssyncset.done $0x0  }
.Ltmp0:
0x39: {  	[sflag:s16] =	ssyncadd.s32 $0xFFFFFB00;
	(pc) =	sbr.rel @p0 .LBB2_2-.Ltmp0, $4  }
0x3a: {  	[tilespmem:s14], [sflag:$0x3] =	stream.indirect.gather [hbm4b:s3+s11], $0x10, s19, s11, $0xb8;
	[tilespmem:$0x5820] =	vst v63  }
0x3b: {  	_ =	swait.ge [sflag:s13], $0x500  }
0x3c: {  	[sflag:s13] =	ssyncset.done $0x0  }
0x3d: {  	s20 =	sadd.s32 s20, s8;
	s19 =	sadd.s32 $0xA0, s19;
	[sflag:s13] =	ssyncadd.s32 $0xFFFFFB00  }
0x3e: {  	[hbm4b:s20+s2] =	stream.linear.scatter [tilespmem:s14], [sflag:$0x2], $0x500, $0x38;
	[tilespmem:$0x5820] =	vst v63  }
0x3f: {  	s17 =	sadd.s32 $0x1, s17  }
0x40: {  	_ =	swait.ge [sflag:s15], $0x500;
	p0 =	sne.s32 s17, s5  }
.Ltmp1:
0x41: {  	[sflag:s15] =	ssyncset.done $0x0;
	(pc) =	sbr.rel @p0 .LBB2_1-.Ltmp1, $4  }
0x42: {  	[sflag:s15] =	ssyncadd.s32 $0xFFFFFB00  }
0x43: {  	_ =	swait.ge [sflag:s16], $0x500  }
0x44: {  	[sflag:s16] =	ssyncset.done $0x0  }
0x45: {  	[sflag:s16] =	ssyncadd.s32 $0xFFFFFB00  }
0x46: {  	_ =	sfence.sel $0x180000  }
0x47: {  	[bflag:$0x0] =	sbarrier.arrive $0xFFFF  }
0x48: {  	p0 =	sne.s32 s0, $0x0;
	_ =	strace $0x9000004A  }
0x49: {  	s0 =	sadd.s32 @!p0 $0x100000, s1;
	[bflag:$0x2] =	sbarrier.arrive $0xFFFF  }
0x4a: {  	[sflag:s0] =	ssyncadd.tile.s32 @!p0 $0x1;
	_ =	shalt  }
.Lfunc_end2:
_tile_overlayer_lowered:
.L_overlay_start_2:
0x4b: {  	(tag) =	ssettag $0x2  }
0x4c: {  	s0 =	rddreg [dreg:$0x0];
	s2 =	stileid.u32  }
0x4d: {  	s1 =	rddreg [dreg:$0x1];
	p0 =	sne.s32 s2, $0x0  }
0x4e: {  	s3 =	rddreg [dreg:$0x2];
	[bflag:$0x3] =	sbarrier.arrive $0xFFFF;
	s2 =	simm.s32 @!p0 $0x1C04  }
0x4f: {  	[timem:s3], [sflag:s2] =	dma.local @!p0 [hbm:s0], s1  }
0x50: {  	s0 =	simm.s32 @!p0 $0x4  }
0x51: {  	_ =	swait.ge @!p0 [sflag:s0], s1  }
0x52: {  	s1 =	ssub.s32 @!p0 $0x0, s1;
	[sflag:s0] =	ssyncset.done @!p0 $0x0  }
0x53: {  	[sflag:s0] =	ssyncadd.s32 @!p0 s1  }
0x54: {  	[bflag:$0x3] =	sbarrier.arrive $0xFFFF  }
0x55: {  	_ =	shalt  }

// kernel: kernel.16.cloned.1.call-start
scs
__scs_entry_jumppad:
0x0: {  	(pc) =	sbr.rel $0x88, $3  }
0x1: {  	(tag) =	ssettag $0x0;
	lr =	simm.s32 $0x1  }
0x2: {  	[smem:$0x3F98] =	sst lr;
	_ =	strace $0xD0000000  }
0x3: {  	_ = 	snop  }
0x4: {  	_ = 	snop  }
0x5: {  	_ = 	snop  }
0x6: {  	_ = 	snop  }
0x7: {  	_ = 	snop  }
__scs_overlays_trampoline_lowered:
0x8: {  	[smem:$0x3FA7] =	sst s0  }
0x9: {  	[smem:$0x3FA8] =	sst s1  }
0xa: {  	[smem:$0x3FA9] =	sst s2  }
0xb: {  	[smem:$0x3FAA] =	sst s3  }
0xc: {  	[smem:$0x3FAB] =	sst s4  }
0xd: {  	[smem:$0x3FAC] =	sst s5  }
0xe: {  	[smem:$0x3FAD] =	sst s6  }
0xf: {  	[smem:$0x3FAE] =	sst s7  }
0x10: {  	[smem:$0x3FAF] =	sst s8  }
0x11: {  	[smem:$0x3FB0] =	sst s9;
	s0 =	simm.s32 @!p0 $0x0  }
0x12: {  	s1 =	sld [smem:$0x3F96];
	s0 =	simm.s32 @p0 $0x1  }
0x13: {  	[smem:$0x3FB1] =	sst s0;
	s0 =	simm.s32 @!p1 $0x0  }
0x14: {  	s2 =	sld [smem:$0x3F95];
	s0 =	simm.s32 @p1 $0x1  }
0x15: {  	[smem:$0x3FB2] =	sst s0;
	s0 =	simm.s32 @!p2 $0x0  }
0x16: {  	s3 =	sld [smem:$0x3FDB];
	s0 =	simm.s32 @p2 $0x1  }
0x17: {  	s4 =	simm.s32 $0x1BF5;
	[smem:$0x3FB4] =	sst s0  }
0x18: {  	s0 =	sld [smem:$0x3F97];
	_ =	swait.ge [sflag:s4], $0x0  }
0x19: {  	s7 =	sld [smem:$0x3F98]  }
0x1a: {  	s8 =	sadd.s32 $0xFFFFE003, lr  }
0x1b: {  	s9 =	sadd.s32 $0xFFFFFEF7, lr;
	s5 =	simm.s32 $0xFFFFFFFF;
	p2 =	slt.u32 s8, $0xFFFFF086  }
0x1c: {  	p1 =	slt.u32 s9, $0xF7A;
	s5 =	simm.s32 @!p2 $0x0  }
0x1d: {  	s5 =	simm.s32 @p1 $0x1;
	p0 =	seq.s32 s7, s2  }
0x1e: {  	s7 =	smul.u32 @!p0 $0xF7A, s2;
	p2 =	seq.s32 @!p0 s5, $0x0  }
0x1f: {  	s9 =	smul.u32 $0xF7A, s1;
	s8 =	simm.s32 @!p0 $0x1BF5;
	p2 =	por !p2, p0  }
0x20: {  	[sflag:s8] =	ssyncset.s32 @!p0 $0xFFFFF086;
	s6 =	sadd.s32 @!p0 s3, s7;
	s7 =	simm.s32 @!p0 $0x108  }
0x21: {  	s3 =	sadd.s32 s3, s9;
	s6 =	sadd.s32 @!p0 $0x88, s6;
	s7 =	simm.s32 @p2 $0x1082  }
0x22: {  	[simem:s7], [sflag:s8] =	dma.local @!p0 [hbm:s6], $0xF7A  }
0x23: {  	s9 =	sor.u32 $0xD0000000, s2;
	s6 =	simm.s32 $0x108;
	_ =	swait.ge @!p0 [sflag:s8], $0x0  }
0x24: {  	s3 =	sadd.s32 $0x88, s3;
	s6 =	simm.s32 @!p1 $0x1082;
	[sflag:s4] =	ssyncset.s32 $0xFFFFF086  }
0x25: {  	[simem:s6], [sflag:s4] =	dma.local [hbm:s3], $0xF7A  }
0x26: {  	[smem:$0x3F98] =	sst s1;
	(tag) =	ssettag s2;
	_ =	strace s9  }
0x27: {  	s1 =	sld [smem:$0x3FA8]  }
0x28: {  	s2 =	sld [smem:$0x3FA9]  }
0x29: {  	s4 =	sld [smem:$0x3FAB]  }
0x2a: {  	p0 =	seq.s32 s5, $0x0;
	s5 =	sld [smem:$0x3FAC]  }
0x2b: {  	s6 =	sld [smem:$0x3FAD]  }
0x2c: {  	s7 =	sld [smem:$0x3FAE]  }
0x2d: {  	s3 =	simm.s32 $0x108;
	s8 =	sld [smem:$0x3FAF]  }
0x2e: {  	s3 =	simm.s32 @!p0 $0x1082;
	s9 =	sld [smem:$0x3FB0]  }
0x2f: {  	lr =	sadd.s32 s0, s3;
	s0 =	sld [smem:$0x3FA7]  }
0x30: {  	s3 =	sld [smem:$0x3FAA]  }
0x31: {  	[smem:$0x3FB3] =	sst s10  }
0x32: {  	s10 =	sld [smem:$0x3FB1];
	_ =	sdelay $0x3  }
0x33: {  	p0 =	seq.s32 s10, $0x1;
	s10 =	sld [smem:$0x3FB3];
	_ =	sdelay $0x3  }
0x34: {  	[smem:$0x3FB3] =	sst s10  }
0x35: {  	s10 =	sld [smem:$0x3FB2];
	_ =	sdelay $0x3  }
0x36: {  	p1 =	seq.s32 s10, $0x1;
	s10 =	sld [smem:$0x3FB3];
	_ =	sdelay $0x3  }
0x37: {  	[smem:$0x3FB3] =	sst s10  }
0x38: {  	s10 =	sld [smem:$0x3FB4]  }
0x39: {  	_ = 	snop;
	(pc) =	sbr.ind lr, $3  }
0x3a: {  	_ = 	snop  }
0x3b: {  	_ = 	snop  }
0x3c: {  	p2 =	seq.s32 s10, $0x1;
	s10 =	sld [smem:$0x3FB3]  }
0x3d: {  	_ =	shalt  }
0x3e: {  	_ =	shalt  }
0x3f: {  	_ =	shalt  }
0x40: {  	_ =	shalt  }
0x41: {  	_ =	shalt  }
0x42: {  	_ =	shalt  }
0x43: {  	_ =	shalt  }
0x44: {  	_ =	shalt  }
0x45: {  	_ =	shalt  }
0x46: {  	_ =	shalt  }
0x47: {  	_ =	shalt  }
0x48: {  	_ =	shalt  }
0x49: {  	_ =	shalt  }
0x4a: {  	_ =	shalt  }
0x4b: {  	_ =	shalt  }
0x4c: {  	_ =	shalt  }
0x4d: {  	_ =	shalt  }
0x4e: {  	_ =	shalt  }
0x4f: {  	_ =	shalt  }
0x50: {  	_ =	shalt  }
0x51: {  	_ =	shalt  }
0x52: {  	_ =	shalt  }
0x53: {  	_ =	shalt  }
0x54: {  	_ =	shalt  }
0x55: {  	_ =	shalt  }
0x56: {  	_ =	shalt  }
0x57: {  	_ =	shalt  }
0x58: {  	_ =	shalt  }
0x59: {  	_ =	shalt  }
0x5a: {  	_ =	shalt  }
0x5b: {  	_ =	shalt  }
0x5c: {  	_ =	shalt  }
0x5d: {  	_ =	shalt  }
0x5e: {  	_ =	shalt  }
0x5f: {  	_ =	shalt  }
0x60: {  	_ =	shalt  }
0x61: {  	_ =	shalt  }
0x62: {  	_ =	shalt  }
0x63: {  	_ =	shalt  }
0x64: {  	_ =	shalt  }
0x65: {  	_ =	shalt  }
0x66: {  	_ =	shalt  }
0x67: {  	_ =	shalt  }
0x68: {  	_ =	shalt  }
0x69: {  	_ =	shalt  }
0x6a: {  	_ =	shalt  }
0x6b: {  	_ =	shalt  }
0x6c: {  	_ =	shalt  }
0x6d: {  	_ =	shalt  }
0x6e: {  	_ =	shalt  }
0x6f: {  	_ =	shalt  }
0x70: {  	_ =	shalt  }
0x71: {  	_ =	shalt  }
0x72: {  	_ =	shalt  }
0x73: {  	_ =	shalt  }
0x74: {  	_ =	shalt  }
0x75: {  	_ =	shalt  }
0x76: {  	_ =	shalt  }
0x77: {  	_ =	shalt  }
0x78: {  	_ =	shalt  }
0x79: {  	_ =	shalt  }
0x7a: {  	_ =	shalt  }
0x7b: {  	_ =	shalt  }
0x7c: {  	_ =	shalt  }
0x7d: {  	_ =	shalt  }
0x7e: {  	_ =	shalt  }
0x7f: {  	_ =	shalt  }
0x80: {  	_ =	shalt  }
0x81: {  	_ =	shalt  }
0x82: {  	_ =	shalt  }
0x83: {  	_ =	shalt  }
0x84: {  	_ =	shalt  }
0x85: {  	_ =	shalt  }
0x86: {  	_ =	shalt  }
0x87: {  	_ =	shalt  }
.Lfunc_end0:
.L_simem_size_0:
called_computation.3_lowered:
.L_overlay_start_0:
0x88: {  	s2 =	sld [smem:$0x3FD9]  }
0x89: {  	s3 =	sld [smem:$0x3FFE];
	_ =	sdelay $0x1  }
0x8a: {  	s1 =	srdreg.scid  }
0x8b: {  	s0 =	sand.u32 $0x1, s1  }
0x8c: {  	s16 =	sshll.u32 s0, $0xA;
	s2 =	sadd.s32 s3, s2  }
0x8d: {  	s2 =	sadd.s32 s2, s16  }
0x8e: {  	[smem:$0x3FBF] =	sst s2  }
0x8f: {  	_ = 	snop  }
0x90: {  	(tm) =	ssettm $0x1  }
0x91: {  	s17 =	sld [smem:$0x3FFB];
	_ =	sdelay $0x3  }
0x92: {  	_ =	strace s17  }
0x93: {  	s2 =	sld [smem:$0x3FFC];
	_ =	sdelay $0x3  }
0x94: {  	_ =	strace s2  }
0x95: {  	s2 =	sld [smem:$0x3FFD];
	_ =	sdelay $0x3  }
0x96: {  	_ =	strace s2  }
0x97: {  	_ =	strace $0x8FFFFFFF  }
0x98: {  	s18 =	sld [smem:$0x3FDB];
	_ =	sdelay $0x1  }
0x99: {  	s19 =	simm.s32 $_scs_section_size  }
0x9a: {  	s4 =	simm.s32 $_size__tile_overlayer_lowered;
	s5 =	simm.s32 $_tile_overlayer_lowered  }
0x9b: {  	s22 =	simm.s32 $0x1BFF;
	s21 =	sshll.u32 s5, $0x1;
	s2 =	sadd.s32 s19, s18  }
0x9c: {  	s6 =	simm.s32 $0x0;
	s20 =	sshll.u32 s4, $0x1;
	s4 =	sadd.s32 s21, s2  }
0x9d: {  	[timem:s6], [sflag:s22] =	dma.local [hbm:s4], s20  }
0x9e: {  	_ =	swait.ge [sflag:s22], s20  }
0x9f: {  	s3 =	ssub.s32 $0x0, s20;
	[sflag:s22] =	ssyncset.done $0x0  }
0xa0: {  	[sflag:s22] =	ssyncadd.s32 s3;
	_ =	sdelay $0x1  }
0xa1: {  	s23 =	simm.s32 $0x1B8B  }
0xa2: {  	_ =	swait.ge [sflag:s23], $0x1  }
0xa3: {  	[sflag:s23] =	ssyncset.done $0x0  }
0xa4: {  	s25 =	simm.s32 $0x1B8E;
	s24 =	sld [smem:$0x3FFE];
	[sflag:s23] =	ssyncadd.s32 $0xFFFFFFFF  }
0xa5: {  	s26 =	simm.s32 $execute0_lowered;
	[smem:$0x3FD2] =	sst s25  }
0xa6: {  	s4 =	sshll.u32 s26, $0x1;
	_ =	strace $0x80000046;
	[dreg:$0x1] =	wrdreg $0xFFFFFFFF  }
0xa7: {  	s28 =	simm.s32 $_size_execute0_lowered;
	s2 =	sadd.s32 s2, s4;
	[dreg:$0x0] =	wrdreg $0x0  }
0xa8: {  	s4 =	sshll.u32 s28, $0x1;
	[dreg:$0x2] =	wrdreg s2  }
0xa9: {  	[dreg:$0x3] =	wrdreg s4  }
0xaa: {  	[dreg:$0x4] =	wrdreg $0xC0  }
0xab: {  	_ =	task [dreg:s6], $0x5FFFF  }
0xac: {  	[dreg:$0x1] =	wrdreg $0xFFFFFFFF  }
0xad: {  	[dreg:$0x0] =	wrdreg $0x60  }
0xae: {  	[dreg:$0x2] =	wrdreg s24  }
0xaf: {  	[dreg:$0x3] =	wrdreg $0xA  }
0xb0: {  	_ =	task.clear_ibuf [dreg:s6], $0x4FFFF;
	_ =	strace $0x90000046  }
0xb1: {  	s29 =	simm.s32 $0xA;
	_ =	strace $0x80000048  }
0xb2: {  	_ =	swait.ge [sflag:s29], $0x1  }
0xb3: {  	[sflag:s29] =	ssyncadd.s32 $0xFFFFFFFF  }
0xb4: {  	_ =	strace $0x90000048  }
0xb5: {  	_ =	sfence  }
0xb6: {  	s30 =	sld [smem:$0x0];
	_ =	sdelay $0x2  }
0xb7: {  	s31 =	sshll.u32 s1, $0xD;
	s1 =	sshrl.u32 s1, $0x2  }
0xb8: {  	s3 =	sand.u32 $0x4000, s31;
	s1 =	sadd.s32 s1, s30  }
0xb9: {  	s0 =	sor.u32 s3, s0;
	s1 =	sshll.u32 s1, $0x11  }
0xba: {  	s0 =	sor.u32 s1, s0  }
0xbb: {  	s0 =	sadd.s32 $0x8F2B, s0  }
0xbc: {  	[sflag:s0] =	ssyncadd.remote.s32 $0x1  }
0xbd: {  	_ =	sfence.sel $0xFFFF  }
0xbe: {  	[dreg:$0x0] =	wrdreg $0xFFFFFFFF;
	(pc) =	sbr.abs _section_cstart, $3  }
0xbf: {  	[dreg:$0x1] =	wrdreg $0xFFFFFFFF  }
0xc0: {  	_ =	task.clear_ibuf [dreg:s6], $0x2FFFF;
	_ =	strace $0x9FFFFFFF  }
0xc1: {  	(tm) =	ssettm $0x7FFFFFFF  }
tec
execute0_lowered:
.L_overlay_start_1:
0x0: {  	(tag) =	ssettag $0x1  }
0x1: {  	s1 =	srdreg.scid;
	s0 =	stileid.u32  }
0x2: {  	s17 =	sand.u32 $0x1, s1;
	s30 =	sshll.u32 s0, $0x1  }
0x3: {  	s6 =	sor.u32 s17, s30  }
0x4: {  	s3 =	smul.u32 $0x28, s6  }
0x5: {  	s9 =	rddreg [dreg:$0x0];
	s2 =	simm.s32 $0x0  }
0x6: {  	s4 =	simm.s32 $0x4;
	[smem:$0x7FF] =	sst s2;
	s3 =	sadd.s32 s3, s9  }
0x7: {  	s1 =	rddreg [dreg:$0x1];
	_ =	strace $0x80000047;
	s3 =	sadd.s32 $0x7600, s3  }
0x8: {  	[tilespmem:s2], [sflag:$0x4] =	stream.linear.gather [hbm4b:s3+s2], $0x140, $0x38;
	[tilespmem:$0x1540] =	vst v63  }
0x9: {  	s7 =	simm.s32 $0x140;
	_ =	swait.ge [sflag:s4], $0x140  }
0xa: {  	s8 =	simm.s32 $0x3;
	s5 =	sadd.s32 $0x7400, s9;
	[sflag:s4] =	ssyncset.done $0x0  }
0xb: {  	s10 =	smul.u32 $0x500, s6;
	s6 =	simm.s32 $0x50;
	[sflag:s4] =	ssyncadd.s32 $0xFFFFFEC0  }
0xc: {  	[tilespmem:s7], [sflag:$0x3] =	stream.indirect.gather [hbm4b:s5+s6], $0x20, s2, s6, $0xb8;
	[tilespmem:$0x1540] =	vst v63  }
0xd: {  	_ =	swait.ge [sflag:s8], $0xA00  }
0xe: {  	s18 =	sadd.s32 s10, s9;
	[sflag:s8] =	ssyncset.done $0x0  }
0xf: {  	s9 =	sadd.s32 $0x7C00, s18;
	[sflag:s8] =	ssyncadd.s32 $0xFFFFF600  }
0x10: {  	[hbm4b:s9+s2] =	stream.linear.scatter [tilespmem:s7], [sflag:$0x1], $0xA00, $0x38;
	[tilespmem:$0x1540] =	vst v63  }
0x11: {  	s10 =	simm.s32 $0xB40  }
0x12: {  	[tilespmem:s10], [sflag:$0x3] =	stream.indirect.gather [hbm4b:s5+s6], $0x20, s6, s6, $0xb8;
	[tilespmem:$0x1540] =	vst v63  }
0x13: {  	_ =	swait.ge [sflag:s8], $0xA00  }
0x14: {  	[sflag:s8] =	ssyncset.done $0x0  }
0x15: {  	s12 =	simm.s32 $0x1;
	s11 =	sadd.s32 $0x7D40, s18;
	[sflag:s8] =	ssyncadd.s32 $0xFFFFF600  }
0x16: {  	[hbm4b:s11+s2] =	stream.linear.scatter [tilespmem:s10], [sflag:$0x2], $0xA00, $0x38;
	[tilespmem:$0x1540] =	vst v63  }
0x17: {  	_ =	swait.ge [sflag:s12], $0xA00  }
0x18: {  	[sflag:s12] =	ssyncset.done $0x0  }
0x19: {  	s13 =	simm.s32 $0xA0;
	[sflag:s12] =	ssyncadd.s32 $0xFFFFF600  }
0x1a: {  	[tilespmem:s7], [sflag:$0x3] =	stream.indirect.gather [hbm4b:s5+s6], $0x20, s13, s6, $0xb8;
	[tilespmem:$0x1540] =	vst v63  }
0x1b: {  	_ =	swait.ge [sflag:s8], $0xA00  }
0x1c: {  	[sflag:s8] =	ssyncset.done $0x0  }
0x1d: {  	s14 =	simm.s32 $0x2;
	s15 =	sadd.s32 $0x7E80, s18;
	[sflag:s8] =	ssyncadd.s32 $0xFFFFF600  }
0x1e: {  	[hbm4b:s15+s2] =	stream.linear.scatter [tilespmem:s7], [sflag:$0x1], $0xA00, $0x38;
	[tilespmem:$0x1540] =	vst v63  }
0x1f: {  	_ =	swait.ge [sflag:s14], $0xA00  }
0x20: {  	s19 =	ssub.s32 $0x2, s17;
	[sflag:s14] =	ssyncset.done $0x0  }
0x21: {  	s16 =	simm.s32 $0xF0;
	s31 =	sshrl.u32 s19, $0x1;
	[sflag:s14] =	ssyncadd.s32 $0xFFFFF600  }
0x22: {  	[tilespmem:s10], [sflag:$0x3] =	stream.indirect.gather [hbm4b:s5+s6], $0x20, s16, s6, $0xb8;
	[tilespmem:$0x1540] =	vst v63  }
0x23: {  	s17 =	sadd.s32 $0x7FC0, s18;
	s18 =	ssub.s32 s19, s31;
	_ =	swait.ge [sflag:s8], $0xA00  }
0x24: {  	s18 =	smax.u32 s18, $0x1;
	[sflag:s8] =	ssyncset.done $0x0  }
0x25: {  	p0 =	sne.s32 s18, $0x1;
	[sflag:s8] =	ssyncadd.s32 $0xFFFFF600  }
0x26: {  	[hbm4b:s17+s2] =	stream.linear.scatter [tilespmem:s10], [sflag:$0x2], $0xA00, $0x38;
	[tilespmem:$0x1540] =	vst v63  }
.Ltmp0:
0x27: {  	_ =	swait.ge [sflag:s12], $0xA00;
	(pc) =	sbr.rel @!p0 .LBB2_2-.Ltmp0, $4  }
0x28: {  	[sflag:s12] =	ssyncset.done $0x0  }
0x29: {  	[sflag:s12] =	ssyncadd.s32 $0xFFFFF600  }
0x2a: {  	_ =	swait.ge [sflag:s14], $0xA00  }
0x2b: {  	s18 =	sadd.s32 $0xFFFFFFFF, s18;
	[sflag:s14] =	ssyncset.done $0x0  }
.LBB2_1:
0x2c: {  	p0 =	sne.s32 s18, $0x1;
	s18 =	sadd.s32 $0xFFFFFFFF, s18;
	[sflag:s14] =	ssyncadd.s32 $0xFFFFF600  }
0x2d: {  	[tilespmem:s2], [sflag:$0x4] =	stream.linear.gather [hbm4b:s3+s2], $0x140, $0x38;
	[tilespmem:$0x1540] =	vst v63  }
0x2e: {  	_ =	swait.ge [sflag:s4], $0x140  }
0x2f: {  	[sflag:s4] =	ssyncset.done $0x0  }
0x30: {  	[sflag:s4] =	ssyncadd.s32 $0xFFFFFEC0  }
0x31: {  	[tilespmem:s7], [sflag:$0x3] =	stream.indirect.gather [hbm4b:s5+s6], $0x20, s2, s6, $0xb8;
	[tilespmem:$0x1540] =	vst v63  }
0x32: {  	_ =	swait.ge [sflag:s8], $0xA00  }
0x33: {  	[sflag:s8] =	ssyncset.done $0x0  }
0x34: {  	[sflag:s8] =	ssyncadd.s32 $0xFFFFF600  }
0x35: {  	[hbm4b:s9+s2] =	stream.linear.scatter [tilespmem:s7], [sflag:$0x1], $0xA00, $0x38;
	[tilespmem:$0x1540] =	vst v63  }
0x36: {  	_ = 	snop  }
0x37: {  	[tilespmem:s10], [sflag:$0x3] =	stream.indirect.gather [hbm4b:s5+s6], $0x20, s6, s6, $0xb8;
	[tilespmem:$0x1540] =	vst v63  }
0x38: {  	_ =	swait.ge [sflag:s8], $0xA00  }
0x39: {  	[sflag:s8] =	ssyncset.done $0x0  }
0x3a: {  	[sflag:s8] =	ssyncadd.s32 $0xFFFFF600  }
0x3b: {  	[hbm4b:s11+s2] =	stream.linear.scatter [tilespmem:s10], [sflag:$0x2], $0xA00, $0x38;
	[tilespmem:$0x1540] =	vst v63  }
0x3c: {  	_ =	swait.ge [sflag:s12], $0xA00  }
0x3d: {  	[sflag:s12] =	ssyncset.done $0x0  }
0x3e: {  	[sflag:s12] =	ssyncadd.s32 $0xFFFFF600  }
0x3f: {  	[tilespmem:s7], [sflag:$0x3] =	stream.indirect.gather [hbm4b:s5+s6], $0x20, s13, s6, $0xb8;
	[tilespmem:$0x1540] =	vst v63  }
0x40: {  	_ =	swait.ge [sflag:s8], $0xA00  }
0x41: {  	[sflag:s8] =	ssyncset.done $0x0  }
0x42: {  	[sflag:s8] =	ssyncadd.s32 $0xFFFFF600  }
0x43: {  	[hbm4b:s15+s2] =	stream.linear.scatter [tilespmem:s7], [sflag:$0x1], $0xA00, $0x38;
	[tilespmem:$0x1540] =	vst v63  }
0x44: {  	_ =	swait.ge [sflag:s14], $0xA00  }
0x45: {  	[sflag:s14] =	ssyncset.done $0x0  }
0x46: {  	[sflag:s14] =	ssyncadd.s32 $0xFFFFF600  }
0x47: {  	[tilespmem:s10], [sflag:$0x3] =	stream.indirect.gather [hbm4b:s5+s6], $0x20, s16, s6, $0xb8;
	[tilespmem:$0x1540] =	vst v63  }
0x48: {  	_ =	swait.ge [sflag:s8], $0xA00  }
0x49: {  	[sflag:s8] =	ssyncset.done $0x0  }
0x4a: {  	[sflag:s8] =	ssyncadd.s32 $0xFFFFF600  }
0x4b: {  	[hbm4b:s17+s2] =	stream.linear.scatter [tilespmem:s10], [sflag:$0x2], $0xA00, $0x38;
	[tilespmem:$0x1540] =	vst v63  }
.Ltmp1:
0x4c: {  	_ =	swait.ge [sflag:s12], $0xA00;
	(pc) =	sbr.rel @p0 .LBB2_1-.Ltmp1, $4  }
0x4d: {  	[sflag:s12] =	ssyncset.done $0x0  }
0x4e: {  	[sflag:s12] =	ssyncadd.s32 $0xFFFFF600  }
0x4f: {  	_ =	swait.ge [sflag:s14], $0xA00  }
0x50: {  	[sflag:s14] =	ssyncset.done $0x0  }
.LBB2_2:
0x51: {  	[sflag:s14] =	ssyncadd.s32 $0xFFFFF600  }
0x52: {  	_ =	sfence.sel $0x180000  }
0x53: {  	[bflag:$0x0] =	sbarrier.arrive $0xFFFF  }
0x54: {  	p0 =	sne.s32 s0, $0x0;
	_ =	strace $0x90000047  }
0x55: {  	s0 =	sadd.s32 @!p0 $0x100000, s1;
	[bflag:$0x2] =	sbarrier.arrive $0xFFFF  }
0x56: {  	[sflag:s0] =	ssyncadd.tile.s32 @!p0 $0x1;
	_ =	shalt  }
.Lfunc_end2:
_tile_overlayer_lowered:
.L_overlay_start_2:
0x57: {  	(tag) =	ssettag $0x2  }
0x58: {  	s0 =	rddreg [dreg:$0x0];
	s2 =	stileid.u32  }
0x59: {  	s1 =	rddreg [dreg:$0x1];
	p0 =	sne.s32 s2, $0x0  }
0x5a: {  	s3 =	rddreg [dreg:$0x2];
	[bflag:$0x3] =	sbarrier.arrive $0xFFFF;
	s2 =	simm.s32 @!p0 $0x1C04  }
0x5b: {  	[timem:s3], [sflag:s2] =	dma.local @!p0 [hbm:s0], s1  }
0x5c: {  	s0 =	simm.s32 @!p0 $0x4  }
0x5d: {  	_ =	swait.ge @!p0 [sflag:s0], s1  }
0x5e: {  	s1 =	ssub.s32 @!p0 $0x0, s1;
	[sflag:s0] =	ssyncset.done @!p0 $0x0  }
0x5f: {  	[sflag:s0] =	ssyncadd.s32 @!p0 s1  }
0x60: {  	[bflag:$0x3] =	sbarrier.arrive $0xFFFF  }
0x61: {  	_ =	shalt  }

// kernel: kernel.19.cloned.1.call-start
scs
__scs_entry_jumppad:
0x0: {  	(pc) =	sbr.rel $0x88, $3  }
0x1: {  	(tag) =	ssettag $0x0;
	lr =	simm.s32 $0x1  }
0x2: {  	[smem:$0x3F98] =	sst lr;
	_ =	strace $0xD0000000  }
0x3: {  	_ = 	snop  }
0x4: {  	_ = 	snop  }
0x5: {  	_ = 	snop  }
0x6: {  	_ = 	snop  }
0x7: {  	_ = 	snop  }
__scs_overlays_trampoline_lowered:
0x8: {  	[smem:$0x3FA7] =	sst s0  }
0x9: {  	[smem:$0x3FA8] =	sst s1  }
0xa: {  	[smem:$0x3FA9] =	sst s2  }
0xb: {  	[smem:$0x3FAA] =	sst s3  }
0xc: {  	[smem:$0x3FAB] =	sst s4  }
0xd: {  	[smem:$0x3FAC] =	sst s5  }
0xe: {  	[smem:$0x3FAD] =	sst s6  }
0xf: {  	[smem:$0x3FAE] =	sst s7  }
0x10: {  	[smem:$0x3FAF] =	sst s8  }
0x11: {  	[smem:$0x3FB0] =	sst s9;
	s0 =	simm.s32 @!p0 $0x0  }
0x12: {  	s1 =	sld [smem:$0x3F96];
	s0 =	simm.s32 @p0 $0x1  }
0x13: {  	[smem:$0x3FB1] =	sst s0;
	s0 =	simm.s32 @!p1 $0x0  }
0x14: {  	s2 =	sld [smem:$0x3F95];
	s0 =	simm.s32 @p1 $0x1  }
0x15: {  	[smem:$0x3FB2] =	sst s0;
	s0 =	simm.s32 @!p2 $0x0  }
0x16: {  	s3 =	sld [smem:$0x3FDB];
	s0 =	simm.s32 @p2 $0x1  }
0x17: {  	s4 =	simm.s32 $0x1BF5;
	[smem:$0x3FB4] =	sst s0  }
0x18: {  	s0 =	sld [smem:$0x3F97];
	_ =	swait.ge [sflag:s4], $0x0  }
0x19: {  	s7 =	sld [smem:$0x3F98]  }
0x1a: {  	s8 =	sadd.s32 $0xFFFFE003, lr  }
0x1b: {  	s9 =	sadd.s32 $0xFFFFFEF7, lr;
	s5 =	simm.s32 $0xFFFFFFFF;
	p2 =	slt.u32 s8, $0xFFFFF086  }
0x1c: {  	p1 =	slt.u32 s9, $0xF7A;
	s5 =	simm.s32 @!p2 $0x0  }
0x1d: {  	s5 =	simm.s32 @p1 $0x1;
	p0 =	seq.s32 s7, s2  }
0x1e: {  	s7 =	smul.u32 @!p0 $0xF7A, s2;
	p2 =	seq.s32 @!p0 s5, $0x0  }
0x1f: {  	s9 =	smul.u32 $0xF7A, s1;
	s8 =	simm.s32 @!p0 $0x1BF5;
	p2 =	por !p2, p0  }
0x20: {  	[sflag:s8] =	ssyncset.s32 @!p0 $0xFFFFF086;
	s6 =	sadd.s32 @!p0 s3, s7;
	s7 =	simm.s32 @!p0 $0x108  }
0x21: {  	s3 =	sadd.s32 s3, s9;
	s6 =	sadd.s32 @!p0 $0x88, s6;
	s7 =	simm.s32 @p2 $0x1082  }
0x22: {  	[simem:s7], [sflag:s8] =	dma.local @!p0 [hbm:s6], $0xF7A  }
0x23: {  	s9 =	sor.u32 $0xD0000000, s2;
	s6 =	simm.s32 $0x108;
	_ =	swait.ge @!p0 [sflag:s8], $0x0  }
0x24: {  	s3 =	sadd.s32 $0x88, s3;
	s6 =	simm.s32 @!p1 $0x1082;
	[sflag:s4] =	ssyncset.s32 $0xFFFFF086  }
0x25: {  	[simem:s6], [sflag:s4] =	dma.local [hbm:s3], $0xF7A  }
0x26: {  	[smem:$0x3F98] =	sst s1;
	(tag) =	ssettag s2;
	_ =	strace s9  }
0x27: {  	s1 =	sld [smem:$0x3FA8]  }
0x28: {  	s2 =	sld [smem:$0x3FA9]  }
0x29: {  	s4 =	sld [smem:$0x3FAB]  }
0x2a: {  	p0 =	seq.s32 s5, $0x0;
	s5 =	sld [smem:$0x3FAC]  }
0x2b: {  	s6 =	sld [smem:$0x3FAD]  }
0x2c: {  	s7 =	sld [smem:$0x3FAE]  }
0x2d: {  	s3 =	simm.s32 $0x108;
	s8 =	sld [smem:$0x3FAF]  }
0x2e: {  	s3 =	simm.s32 @!p0 $0x1082;
	s9 =	sld [smem:$0x3FB0]  }
0x2f: {  	lr =	sadd.s32 s0, s3;
	s0 =	sld [smem:$0x3FA7]  }
0x30: {  	s3 =	sld [smem:$0x3FAA]  }
0x31: {  	[smem:$0x3FB3] =	sst s10  }
0x32: {  	s10 =	sld [smem:$0x3FB1];
	_ =	sdelay $0x3  }
0x33: {  	p0 =	seq.s32 s10, $0x1;
	s10 =	sld [smem:$0x3FB3];
	_ =	sdelay $0x3  }
0x34: {  	[smem:$0x3FB3] =	sst s10  }
0x35: {  	s10 =	sld [smem:$0x3FB2];
	_ =	sdelay $0x3  }
0x36: {  	p1 =	seq.s32 s10, $0x1;
	s10 =	sld [smem:$0x3FB3];
	_ =	sdelay $0x3  }
0x37: {  	[smem:$0x3FB3] =	sst s10  }
0x38: {  	s10 =	sld [smem:$0x3FB4]  }
0x39: {  	_ = 	snop;
	(pc) =	sbr.ind lr, $3  }
0x3a: {  	_ = 	snop  }
0x3b: {  	_ = 	snop  }
0x3c: {  	p2 =	seq.s32 s10, $0x1;
	s10 =	sld [smem:$0x3FB3]  }
0x3d: {  	_ =	shalt  }
0x3e: {  	_ =	shalt  }
0x3f: {  	_ =	shalt  }
0x40: {  	_ =	shalt  }
0x41: {  	_ =	shalt  }
0x42: {  	_ =	shalt  }
0x43: {  	_ =	shalt  }
0x44: {  	_ =	shalt  }
0x45: {  	_ =	shalt  }
0x46: {  	_ =	shalt  }
0x47: {  	_ =	shalt  }
0x48: {  	_ =	shalt  }
0x49: {  	_ =	shalt  }
0x4a: {  	_ =	shalt  }
0x4b: {  	_ =	shalt  }
0x4c: {  	_ =	shalt  }
0x4d: {  	_ =	shalt  }
0x4e: {  	_ =	shalt  }
0x4f: {  	_ =	shalt  }
0x50: {  	_ =	shalt  }
0x51: {  	_ =	shalt  }
0x52: {  	_ =	shalt  }
0x53: {  	_ =	shalt  }
0x54: {  	_ =	shalt  }
0x55: {  	_ =	shalt  }
0x56: {  	_ =	shalt  }
0x57: {  	_ =	shalt  }
0x58: {  	_ =	shalt  }
0x59: {  	_ =	shalt  }
0x5a: {  	_ =	shalt  }
0x5b: {  	_ =	shalt  }
0x5c: {  	_ =	shalt  }
0x5d: {  	_ =	shalt  }
0x5e: {  	_ =	shalt  }
0x5f: {  	_ =	shalt  }
0x60: {  	_ =	shalt  }
0x61: {  	_ =	shalt  }
0x62: {  	_ =	shalt  }
0x63: {  	_ =	shalt  }
0x64: {  	_ =	shalt  }
0x65: {  	_ =	shalt  }
0x66: {  	_ =	shalt  }
0x67: {  	_ =	shalt  }
0x68: {  	_ =	shalt  }
0x69: {  	_ =	shalt  }
0x6a: {  	_ =	shalt  }
0x6b: {  	_ =	shalt  }
0x6c: {  	_ =	shalt  }
0x6d: {  	_ =	shalt  }
0x6e: {  	_ =	shalt  }
0x6f: {  	_ =	shalt  }
0x70: {  	_ =	shalt  }
0x71: {  	_ =	shalt  }
0x72: {  	_ =	shalt  }
0x73: {  	_ =	shalt  }
0x74: {  	_ =	shalt  }
0x75: {  	_ =	shalt  }
0x76: {  	_ =	shalt  }
0x77: {  	_ =	shalt  }
0x78: {  	_ =	shalt  }
0x79: {  	_ =	shalt  }
0x7a: {  	_ =	shalt  }
0x7b: {  	_ =	shalt  }
0x7c: {  	_ =	shalt  }
0x7d: {  	_ =	shalt  }
0x7e: {  	_ =	shalt  }
0x7f: {  	_ =	shalt  }
0x80: {  	_ =	shalt  }
0x81: {  	_ =	shalt  }
0x82: {  	_ =	shalt  }
0x83: {  	_ =	shalt  }
0x84: {  	_ =	shalt  }
0x85: {  	_ =	shalt  }
0x86: {  	_ =	shalt  }
0x87: {  	_ =	shalt  }
.Lfunc_end0:
.L_simem_size_0:
called_computation.4_lowered:
.L_overlay_start_0:
0x88: {  	s2 =	sld [smem:$0x3FD9]  }
0x89: {  	s3 =	sld [smem:$0x3FFE];
	_ =	sdelay $0x1  }
0x8a: {  	s1 =	srdreg.scid  }
0x8b: {  	s0 =	sand.u32 $0x1, s1  }
0x8c: {  	s17 =	sshll.u32 s0, $0xA;
	s2 =	sadd.s32 s3, s2  }
0x8d: {  	s2 =	sadd.s32 s2, s17  }
0x8e: {  	[smem:$0x3FBF] =	sst s2  }
0x8f: {  	_ = 	snop  }
0x90: {  	s18 =	sld [smem:$0x3FC7];
	(tm) =	ssettm $0x1  }
0x91: {  	s19 =	sld [smem:$0x3FFB];
	_ =	sdelay $0x3  }
0x92: {  	_ =	strace s19  }
0x93: {  	s2 =	sld [smem:$0x3FFC];
	_ =	sdelay $0x3  }
0x94: {  	_ =	strace s2  }
0x95: {  	s2 =	sld [smem:$0x3FFD];
	_ =	sdelay $0x3  }
0x96: {  	_ =	strace s2  }
0x97: {  	_ =	strace $0x8FFFFFFF  }
0x98: {  	s20 =	sld [smem:$0x3FDB];
	_ =	sdelay $0x1  }
0x99: {  	s4 =	simm.s32 $_scs_section_size  }
0x9a: {  	s5 =	simm.s32 $_size__tile_overlayer_lowered;
	s6 =	simm.s32 $_tile_overlayer_lowered  }
0x9b: {  	s7 =	simm.s32 $0x1BFF;
	s21 =	sshll.u32 s6, $0x1;
	s4 =	sadd.s32 s4, s20  }
0x9c: {  	s22 =	simm.s32 $0x0;
	s5 =	sshll.u32 s5, $0x1;
	s6 =	sadd.s32 s21, s4  }
0x9d: {  	[timem:s22], [sflag:s7] =	dma.local [hbm:s6], s5  }
0x9e: {  	_ =	swait.ge [sflag:s7], s5  }
0x9f: {  	s5 =	ssub.s32 $0x0, s5;
	[sflag:s7] =	ssyncset.done $0x0  }
0xa0: {  	[sflag:s7] =	ssyncadd.s32 s5;
	_ =	sdelay $0x1  }
0xa1: {  	s23 =	simm.s32 $0x1B8B  }
0xa2: {  	_ =	swait.ge [sflag:s23], $0x1  }
0xa3: {  	[sflag:s23] =	ssyncset.done $0x0  }
0xa4: {  	[sflag:s23] =	ssyncadd.s32 $0xFFFFFFFF  }
0xa5: {  	s5 =	sld [smem:$0x0]  }
0xa6: {  	s6 =	sand.u32 $0xFFFFFFFE, s1  }
0xa7: {  	p0 =	sne.s32 s1, s6  }
0xa8: {  	s6 =	sshll.u32 @p0 s6, $0xE  }
0xa9: {  	s6 =	sadd.s32 @p0 $0x11B8D, s6;
	s7 =	sshll.u32 @p0 s5, $0x11  }
0xaa: {  	s6 =	sor.u32 @p0 s7, s6  }
0xab: {  	[sflag:s6] =	ssyncadd.remote.s32 @p0 $0x1;
	_ =	sdelay $0x1  }
0xac: {  	s6 =	simm.s32 @p0 $0x1B8D  }
0xad: {  	_ =	swait.eq @p0 [sflag:s6], $0x1  }
0xae: {  	[sflag:s6] =	ssyncadd.s32 @p0 $0xFFFFFFFF  }
0xaf: {  	s7 =	sshll.u32 @!p0 s1, $0xE  }
0xb0: {  	s7 =	sor.u32 @!p0 $0x4000, s7;
	s6 =	simm.s32 @!p0 $0x1B8D  }
0xb1: {  	s5 =	sshll.u32 @!p0 s5, $0x11;
	s7 =	sadd.s32 @!p0 $0x11B8D, s7;
	_ =	swait.eq @!p0 [sflag:s6], $0x1  }
0xb2: {  	s5 =	sor.u32 @!p0 s5, s7;
	[sflag:s6] =	ssyncadd.s32 @!p0 $0xFFFFFFFF  }
0xb3: {  	s25 =	simm.s32 $0x1B8E;
	s24 =	sld [smem:$0x3FFE];
	[sflag:s5] =	ssyncadd.remote.s32 @!p0 $0x1  }
0xb4: {  	s26 =	simm.s32 $execute0_lowered;
	[smem:$0x3FD2] =	sst s25  }
0xb5: {  	s6 =	sshll.u32 s26, $0x1;
	_ =	strace $0x8000004C;
	[dreg:$0x1] =	wrdreg $0xFFFFFFFF  }
0xb6: {  	s28 =	simm.s32 $_size_execute0_lowered;
	s4 =	sadd.s32 s4, s6;
	[dreg:$0x0] =	wrdreg $0x0  }
0xb7: {  	s6 =	sshll.u32 s28, $0x1;
	[dreg:$0x2] =	wrdreg s4  }
0xb8: {  	[dreg:$0x3] =	wrdreg s6  }
0xb9: {  	[dreg:$0x4] =	wrdreg $0xC0  }
0xba: {  	_ =	task [dreg:s22], $0x5FFFF  }
0xbb: {  	[dreg:$0x1] =	wrdreg $0xFFFFFFFF  }
0xbc: {  	[dreg:$0x0] =	wrdreg $0x60  }
0xbd: {  	[dreg:$0x2] =	wrdreg s24  }
0xbe: {  	[dreg:$0x3] =	wrdreg s18  }
0xbf: {  	[dreg:$0x4] =	wrdreg $0xA  }
0xc0: {  	_ =	task.clear_ibuf [dreg:s22], $0x5FFFF;
	_ =	strace $0x9000004C  }
0xc1: {  	s29 =	simm.s32 $0xA;
	_ =	strace $0x8000004E  }
0xc2: {  	_ =	swait.ge [sflag:s29], $0x1  }
0xc3: {  	[sflag:s29] =	ssyncadd.s32 $0xFFFFFFFF  }
0xc4: {  	_ =	strace $0x9000004E  }
0xc5: {  	_ =	sfence  }
0xc6: {  	s30 =	sld [smem:$0x0];
	_ =	sdelay $0x2  }
0xc7: {  	s31 =	sshll.u32 s1, $0xD;
	s1 =	sshrl.u32 s1, $0x2  }
0xc8: {  	s4 =	sand.u32 $0x4000, s31;
	s1 =	sadd.s32 s1, s30  }
0xc9: {  	s0 =	sor.u32 s4, s0;
	s1 =	sshll.u32 s1, $0x11  }
0xca: {  	s0 =	sor.u32 s1, s0  }
0xcb: {  	s0 =	sadd.s32 $0x8F2B, s0  }
0xcc: {  	[sflag:s0] =	ssyncadd.remote.s32 $0x1  }
0xcd: {  	_ =	sfence.sel $0xFFFF  }
0xce: {  	[dreg:$0x0] =	wrdreg $0xFFFFFFFF;
	(pc) =	sbr.abs _section_cstart, $3  }
0xcf: {  	[dreg:$0x1] =	wrdreg $0xFFFFFFFF  }
0xd0: {  	_ =	task.clear_ibuf [dreg:s22], $0x2FFFF;
	_ =	strace $0x9FFFFFFF  }
0xd1: {  	(tm) =	ssettm $0x7FFFFFFF  }
tec
execute0_lowered:
.L_overlay_start_1:
0x0: {  	(tag) =	ssettag $0x1  }
0x1: {  	s4 =	rddreg [dreg:$0x0];
	s1 =	srdreg.scid  }
0x2: {  	s0 =	stileid.u32;
	s5 =	rddreg [dreg:$0x1]  }
0x3: {  	s2 =	simm.s32 $0x0;
	s14 =	simm.s32 $0x3;
	s15 =	simm.s32 $0x3110  }
0x4: {  	s16 =	simm.s32 $0x1;
	s17 =	simm.s32 $0x2;
	s12 =	smul.u32 $0x4E20, s0  }
0x5: {  	s18 =	simm.s32 $0x26C0;
	s6 =	sand.u32 $0x1, s1;
	s28 =	smul.u32 $0x13880, s0  }
0x6: {  	s19 =	simm.s32 $0x0;
	s3 =	sshll.u32 s0, $0x1;
	s13 =	smul.u32 $0x2710, s6  }
0x7: {  	s1 =	rddreg [dreg:$0x2];
	s7 =	sor.u32 s6, s3;
	s30 =	smul.u32 $0x9C40, s6  }
0x8: {  	[smem:$0x7FF] =	sst s2;
	s11 =	sadd.s32 $0x14F400, s4;
	s8 =	smul.u32 $0x4E2, s7  }
0x9: {  	_ =	strace $0x8000004D;
	s10 =	ssub.s32 $0x2, s6;
	s9 =	smul.u32 $0x4E200, s7  }
0xa: {  	s3 =	sadd.s32 $0x7400, s4;
	s7 =	smul.u32 $0x9C40, s7;
	s25 =	sshrl.u32 s10, $0x1  }
0xb: {  	s10 =	ssub.s32 s10, s25;
	s29 =	sadd.s32 s13, s12;
	s12 =	simm.s32 $0x50  }
0xc: {  	s13 =	simm.s32 $0x2710;
	s9 =	sshrl.u32 s9, $0x3;
	s4 =	sadd.s32 s5, s8  }
0xd: {  	s6 =	smax.u32 s10, $0x1;
	s8 =	sadd.s32 s28, s11;
	s7 =	sadd.s32 s11, s7  }
0xe: {  	s26 =	sadd.s32 s11, s9;
	s9 =	sshll.u32 s29, $0x2;
	s31 =	sadd.s32 s30, s8  }
0xf: {  	s8 =	sadd.s32 $0x140, s7;
	s5 =	sadd.s32 $0x9B00, s26;
	s9 =	sadd.s32 s11, s9  }
0x10: {  	s10 =	sadd.s32 $0x280, s31;
	s11 =	simm.s32 $0x4;
	s9 =	sadd.s32 $0x3C0, s9  }
.LBB2_1:
0x11: {  	[tilespmem:s2], [sflag:$0x4] =	stream.linear.gather [hbm4b:s4+s2], $0x2710, $0x38;
	[tilespmem:$0x3B10] =	vst v63  }
0x12: {  	_ =	swait.ge [sflag:s11], $0x2710  }
0x13: {  	[sflag:s11] =	ssyncset.done $0x0  }
0x14: {  	[sflag:s11] =	ssyncadd.s32 $0xFFFFD8F0  }
0x15: {  	[tilespmem:s13], [sflag:$0x3] =	stream.indirect.gather [hbm4b:s3+s12], $0x20, s2, s12, $0xb8;
	[tilespmem:$0x3B10] =	vst v63  }
0x16: {  	_ =	swait.ge [sflag:s14], $0xA00  }
0x17: {  	[sflag:s14] =	ssyncset.done $0x0  }
0x18: {  	[sflag:s14] =	ssyncadd.s32 $0xFFFFF600  }
0x19: {  	[hbm4b:s7+s2] =	stream.linear.scatter [tilespmem:s13], [sflag:$0x1], $0xA00, $0x38;
	[tilespmem:$0x3B10] =	vst v63  }
0x1a: {  	_ = 	snop  }
0x1b: {  	[tilespmem:s15], [sflag:$0x3] =	stream.indirect.gather [hbm4b:s3+s12], $0x20, s12, s12, $0xb8;
	[tilespmem:$0x3B10] =	vst v63  }
0x1c: {  	_ =	swait.ge [sflag:s14], $0xA00  }
0x1d: {  	[sflag:s14] =	ssyncset.done $0x0  }
0x1e: {  	[sflag:s14] =	ssyncadd.s32 $0xFFFFF600  }
0x1f: {  	[hbm4b:s8+s2] =	stream.linear.scatter [tilespmem:s15], [sflag:$0x2], $0xA00, $0x38;
	[tilespmem:$0x3B10] =	vst v63  }
0x20: {  	_ =	swait.ge [sflag:s16], $0xA00  }
0x21: {  	[sflag:s16] =	ssyncset.done $0x0  }
0x22: {  	s20 =	simm.s32 $0xA0;
	[sflag:s16] =	ssyncadd.s32 $0xFFFFF600  }
0x23: {  	[tilespmem:s13], [sflag:$0x3] =	stream.indirect.gather [hbm4b:s3+s12], $0x20, s20, s12, $0xb8;
	[tilespmem:$0x3B10] =	vst v63  }
0x24: {  	_ =	swait.ge [sflag:s14], $0xA00  }
0x25: {  	[sflag:s14] =	ssyncset.done $0x0  }
0x26: {  	s30 =	sadd.s32 $0x0, s10;
	[sflag:s14] =	ssyncadd.s32 $0xFFFFF600  }
0x27: {  	[hbm4b:s30+s2] =	stream.linear.scatter [tilespmem:s13], [sflag:$0x1], $0xA00, $0x38;
	[tilespmem:$0x3B10] =	vst v63  }
0x28: {  	_ =	swait.ge [sflag:s17], $0xA00  }
0x29: {  	[sflag:s17] =	ssyncset.done $0x0  }
0x2a: {  	s31 =	simm.s32 $0xF0;
	[sflag:s17] =	ssyncadd.s32 $0xFFFFF600  }
0x2b: {  	[tilespmem:s15], [sflag:$0x3] =	stream.indirect.gather [hbm4b:s3+s12], $0x20, s31, s12, $0xb8;
	[tilespmem:$0x3B10] =	vst v63  }
0x2c: {  	_ =	swait.ge [sflag:s14], $0xA00  }
0x2d: {  	[sflag:s14] =	ssyncset.done $0x0  }
0x2e: {  	s21 =	sadd.s32 $0x0, s9;
	s20 =	simm.s32 $0x280;
	[sflag:s14] =	ssyncadd.s32 $0xFFFFF600  }
.LBB2_2:
0x2f: {  	[hbm4b:s21+s2] =	stream.linear.scatter [tilespmem:s15], [sflag:$0x2], $0xA00, $0x38;
	[tilespmem:$0x3B10] =	vst v63  }
0x30: {  	s21 =	smov.u32 s20  }
0x31: {  	p0 =	sne.s32 s20, $0x9600;
	s20 =	sadd.s32 $0x280, s20;
	_ =	swait.ge [sflag:s16], $0xA00  }
0x32: {  	s22 =	sshra.s32 s21, $0x2;
	[sflag:s16] =	ssyncset.done $0x0  }
0x33: {  	s23 =	sadd.s32 $0xA0, s22;
	[sflag:s16] =	ssyncadd.s32 $0xFFFFF600  }
0x34: {  	[tilespmem:s13], [sflag:$0x3] =	stream.indirect.gather [hbm4b:s3+s12], $0x20, s23, s12, $0xb8;
	[tilespmem:$0x3B10] =	vst v63  }
0x35: {  	_ =	swait.ge [sflag:s14], $0xA00  }
0x36: {  	[sflag:s14] =	ssyncset.done $0x0  }
0x37: {  	s23 =	sadd.s32 s21, s10;
	[sflag:s14] =	ssyncadd.s32 $0xFFFFF600  }
0x38: {  	[hbm4b:s23+s2] =	stream.linear.scatter [tilespmem:s13], [sflag:$0x1], $0xA00, $0x38;
	[tilespmem:$0x3B10] =	vst v63  }
0x39: {  	_ =	swait.ge [sflag:s17], $0xA00  }
0x3a: {  	[sflag:s17] =	ssyncset.done $0x0  }
.Ltmp0:
0x3b: {  	s22 =	sadd.s32 $0xF0, s22;
	[sflag:s17] =	ssyncadd.s32 $0xFFFFF600;
	(pc) =	sbr.rel @p0 .LBB2_2-.Ltmp0, $4  }
0x3c: {  	[tilespmem:s15], [sflag:$0x3] =	stream.indirect.gather [hbm4b:s3+s12], $0x20, s22, s12, $0xb8;
	[tilespmem:$0x3B10] =	vst v63  }
0x3d: {  	_ =	swait.ge [sflag:s14], $0xA00  }
0x3e: {  	[sflag:s14] =	ssyncset.done $0x0  }
0x3f: {  	s21 =	sadd.s32 s21, s9;
	[sflag:s14] =	ssyncadd.s32 $0xFFFFF600  }
0x40: {  	[hbm4b:s21+s2] =	stream.linear.scatter [tilespmem:s15], [sflag:$0x2], $0xA00, $0x38;
	[tilespmem:$0x3B10] =	vst v63  }
0x41: {  	_ =	swait.ge [sflag:s16], $0xA00  }
0x42: {  	[sflag:s16] =	ssyncset.done $0x0  }
0x43: {  	[sflag:s16] =	ssyncadd.s32 $0xFFFFF600  }
0x44: {  	[tilespmem:s13], [sflag:$0x3] =	stream.indirect.gather [hbm4b:s3+s12], $0x20, s18, s12, $0xb8;
	[tilespmem:$0x3B10] =	vst v63  }
0x45: {  	_ =	swait.ge [sflag:s14], $0xA00  }
0x46: {  	[sflag:s14] =	ssyncset.done $0x0  }
0x47: {  	s19 =	sadd.s32 $0x1, s19;
	[sflag:s14] =	ssyncadd.s32 $0xFFFFF600  }
0x48: {  	[hbm4b:s5+s2] =	stream.linear.scatter [tilespmem:s13], [sflag:$0x1], $0xA00, $0x38;
	[tilespmem:$0x3B10] =	vst v63  }
0x49: {  	p0 =	sne.s32 s19, s6;
	_ =	swait.ge [sflag:s17], $0xA00  }
.Ltmp1:
0x4a: {  	[sflag:s17] =	ssyncset.done $0x0;
	(pc) =	sbr.rel @p0 .LBB2_1-.Ltmp1, $4  }
0x4b: {  	[sflag:s17] =	ssyncadd.s32 $0xFFFFF600  }
0x4c: {  	_ =	swait.ge [sflag:s16], $0xA00  }
0x4d: {  	[sflag:s16] =	ssyncset.done $0x0  }
0x4e: {  	[sflag:s16] =	ssyncadd.s32 $0xFFFFF600  }
0x4f: {  	_ =	sfence.sel $0x180000  }
0x50: {  	[bflag:$0x0] =	sbarrier.arrive $0xFFFF  }
0x51: {  	p0 =	sne.s32 s0, $0x0;
	_ =	strace $0x9000004D  }
0x52: {  	s0 =	sadd.s32 @!p0 $0x100000, s1;
	[bflag:$0x2] =	sbarrier.arrive $0xFFFF  }
0x53: {  	[sflag:s0] =	ssyncadd.tile.s32 @!p0 $0x1;
	_ =	shalt  }
.Lfunc_end2:
_tile_overlayer_lowered:
.L_overlay_start_2:
0x54: {  	(tag) =	ssettag $0x2  }
0x55: {  	s0 =	rddreg [dreg:$0x0];
	s2 =	stileid.u32  }
0x56: {  	s1 =	rddreg [dreg:$0x1];
	p0 =	sne.s32 s2, $0x0  }
0x57: {  	s3 =	rddreg [dreg:$0x2];
	[bflag:$0x3] =	sbarrier.arrive $0xFFFF;
	s2 =	simm.s32 @!p0 $0x1C04  }
0x58: {  	[timem:s3], [sflag:s2] =	dma.local @!p0 [hbm:s0], s1  }
0x59: {  	s0 =	simm.s32 @!p0 $0x4  }
0x5a: {  	_ =	swait.ge @!p0 [sflag:s0], s1  }
0x5b: {  	s1 =	ssub.s32 @!p0 $0x0, s1;
	[sflag:s0] =	ssyncset.done @!p0 $0x0  }
0x5c: {  	[sflag:s0] =	ssyncadd.s32 @!p0 s1  }
0x5d: {  	[bflag:$0x3] =	sbarrier.arrive $0xFFFF  }
0x5e: {  	_ =	shalt  }

// kernel: kernel.22.cloned.1.call-start
scs
__scs_entry_jumppad:
0x0: {  	(pc) =	sbr.rel $0x88, $3  }
0x1: {  	(tag) =	ssettag $0x0;
	lr =	simm.s32 $0x1  }
0x2: {  	[smem:$0x3F98] =	sst lr;
	_ =	strace $0xD0000000  }
0x3: {  	_ = 	snop  }
0x4: {  	_ = 	snop  }
0x5: {  	_ = 	snop  }
0x6: {  	_ = 	snop  }
0x7: {  	_ = 	snop  }
__scs_overlays_trampoline_lowered:
0x8: {  	[smem:$0x3FA7] =	sst s0  }
0x9: {  	[smem:$0x3FA8] =	sst s1  }
0xa: {  	[smem:$0x3FA9] =	sst s2  }
0xb: {  	[smem:$0x3FAA] =	sst s3  }
0xc: {  	[smem:$0x3FAB] =	sst s4  }
0xd: {  	[smem:$0x3FAC] =	sst s5  }
0xe: {  	[smem:$0x3FAD] =	sst s6  }
0xf: {  	[smem:$0x3FAE] =	sst s7  }
0x10: {  	[smem:$0x3FAF] =	sst s8  }
0x11: {  	[smem:$0x3FB0] =	sst s9;
	s0 =	simm.s32 @!p0 $0x0  }
0x12: {  	s1 =	sld [smem:$0x3F96];
	s0 =	simm.s32 @p0 $0x1  }
0x13: {  	[smem:$0x3FB1] =	sst s0;
	s0 =	simm.s32 @!p1 $0x0  }
0x14: {  	s2 =	sld [smem:$0x3F95];
	s0 =	simm.s32 @p1 $0x1  }
0x15: {  	[smem:$0x3FB2] =	sst s0;
	s0 =	simm.s32 @!p2 $0x0  }
0x16: {  	s3 =	sld [smem:$0x3FDB];
	s0 =	simm.s32 @p2 $0x1  }
0x17: {  	s4 =	simm.s32 $0x1BF5;
	[smem:$0x3FB4] =	sst s0  }
0x18: {  	s0 =	sld [smem:$0x3F97];
	_ =	swait.ge [sflag:s4], $0x0  }
0x19: {  	s7 =	sld [smem:$0x3F98]  }
0x1a: {  	s8 =	sadd.s32 $0xFFFFE003, lr  }
0x1b: {  	s9 =	sadd.s32 $0xFFFFFEF7, lr;
	s5 =	simm.s32 $0xFFFFFFFF;
	p2 =	slt.u32 s8, $0xFFFFF086  }
0x1c: {  	p1 =	slt.u32 s9, $0xF7A;
	s5 =	simm.s32 @!p2 $0x0  }
0x1d: {  	s5 =	simm.s32 @p1 $0x1;
	p0 =	seq.s32 s7, s2  }
0x1e: {  	s7 =	smul.u32 @!p0 $0xF7A, s2;
	p2 =	seq.s32 @!p0 s5, $0x0  }
0x1f: {  	s9 =	smul.u32 $0xF7A, s1;
	s8 =	simm.s32 @!p0 $0x1BF5;
	p2 =	por !p2, p0  }
0x20: {  	[sflag:s8] =	ssyncset.s32 @!p0 $0xFFFFF086;
	s6 =	sadd.s32 @!p0 s3, s7;
	s7 =	simm.s32 @!p0 $0x108  }
0x21: {  	s3 =	sadd.s32 s3, s9;
	s6 =	sadd.s32 @!p0 $0x88, s6;
	s7 =	simm.s32 @p2 $0x1082  }
0x22: {  	[simem:s7], [sflag:s8] =	dma.local @!p0 [hbm:s6], $0xF7A  }
0x23: {  	s9 =	sor.u32 $0xD0000000, s2;
	s6 =	simm.s32 $0x108;
	_ =	swait.ge @!p0 [sflag:s8], $0x0  }
0x24: {  	s3 =	sadd.s32 $0x88, s3;
	s6 =	simm.s32 @!p1 $0x1082;
	[sflag:s4] =	ssyncset.s32 $0xFFFFF086  }
0x25: {  	[simem:s6], [sflag:s4] =	dma.local [hbm:s3], $0xF7A  }
0x26: {  	[smem:$0x3F98] =	sst s1;
	(tag) =	ssettag s2;
	_ =	strace s9  }
0x27: {  	s1 =	sld [smem:$0x3FA8]  }
0x28: {  	s2 =	sld [smem:$0x3FA9]  }
0x29: {  	s4 =	sld [smem:$0x3FAB]  }
0x2a: {  	p0 =	seq.s32 s5, $0x0;
	s5 =	sld [smem:$0x3FAC]  }
0x2b: {  	s6 =	sld [smem:$0x3FAD]  }
0x2c: {  	s7 =	sld [smem:$0x3FAE]  }
0x2d: {  	s3 =	simm.s32 $0x108;
	s8 =	sld [smem:$0x3FAF]  }
0x2e: {  	s3 =	simm.s32 @!p0 $0x1082;
	s9 =	sld [smem:$0x3FB0]  }
0x2f: {  	lr =	sadd.s32 s0, s3;
	s0 =	sld [smem:$0x3FA7]  }
0x30: {  	s3 =	sld [smem:$0x3FAA]  }
0x31: {  	[smem:$0x3FB3] =	sst s10  }
0x32: {  	s10 =	sld [smem:$0x3FB1];
	_ =	sdelay $0x3  }
0x33: {  	p0 =	seq.s32 s10, $0x1;
	s10 =	sld [smem:$0x3FB3];
	_ =	sdelay $0x3  }
0x34: {  	[smem:$0x3FB3] =	sst s10  }
0x35: {  	s10 =	sld [smem:$0x3FB2];
	_ =	sdelay $0x3  }
0x36: {  	p1 =	seq.s32 s10, $0x1;
	s10 =	sld [smem:$0x3FB3];
	_ =	sdelay $0x3  }
0x37: {  	[smem:$0x3FB3] =	sst s10  }
0x38: {  	s10 =	sld [smem:$0x3FB4]  }
0x39: {  	_ = 	snop;
	(pc) =	sbr.ind lr, $3  }
0x3a: {  	_ = 	snop  }
0x3b: {  	_ = 	snop  }
0x3c: {  	p2 =	seq.s32 s10, $0x1;
	s10 =	sld [smem:$0x3FB3]  }
0x3d: {  	_ =	shalt  }
0x3e: {  	_ =	shalt  }
0x3f: {  	_ =	shalt  }
0x40: {  	_ =	shalt  }
0x41: {  	_ =	shalt  }
0x42: {  	_ =	shalt  }
0x43: {  	_ =	shalt  }
0x44: {  	_ =	shalt  }
0x45: {  	_ =	shalt  }
0x46: {  	_ =	shalt  }
0x47: {  	_ =	shalt  }
0x48: {  	_ =	shalt  }
0x49: {  	_ =	shalt  }
0x4a: {  	_ =	shalt  }
0x4b: {  	_ =	shalt  }
0x4c: {  	_ =	shalt  }
0x4d: {  	_ =	shalt  }
0x4e: {  	_ =	shalt  }
0x4f: {  	_ =	shalt  }
0x50: {  	_ =	shalt  }
0x51: {  	_ =	shalt  }
0x52: {  	_ =	shalt  }
0x53: {  	_ =	shalt  }
0x54: {  	_ =	shalt  }
0x55: {  	_ =	shalt  }
0x56: {  	_ =	shalt  }
0x57: {  	_ =	shalt  }
0x58: {  	_ =	shalt  }
0x59: {  	_ =	shalt  }
0x5a: {  	_ =	shalt  }
0x5b: {  	_ =	shalt  }
0x5c: {  	_ =	shalt  }
0x5d: {  	_ =	shalt  }
0x5e: {  	_ =	shalt  }
0x5f: {  	_ =	shalt  }
0x60: {  	_ =	shalt  }
0x61: {  	_ =	shalt  }
0x62: {  	_ =	shalt  }
0x63: {  	_ =	shalt  }
0x64: {  	_ =	shalt  }
0x65: {  	_ =	shalt  }
0x66: {  	_ =	shalt  }
0x67: {  	_ =	shalt  }
0x68: {  	_ =	shalt  }
0x69: {  	_ =	shalt  }
0x6a: {  	_ =	shalt  }
0x6b: {  	_ =	shalt  }
0x6c: {  	_ =	shalt  }
0x6d: {  	_ =	shalt  }
0x6e: {  	_ =	shalt  }
0x6f: {  	_ =	shalt  }
0x70: {  	_ =	shalt  }
0x71: {  	_ =	shalt  }
0x72: {  	_ =	shalt  }
0x73: {  	_ =	shalt  }
0x74: {  	_ =	shalt  }
0x75: {  	_ =	shalt  }
0x76: {  	_ =	shalt  }
0x77: {  	_ =	shalt  }
0x78: {  	_ =	shalt  }
0x79: {  	_ =	shalt  }
0x7a: {  	_ =	shalt  }
0x7b: {  	_ =	shalt  }
0x7c: {  	_ =	shalt  }
0x7d: {  	_ =	shalt  }
0x7e: {  	_ =	shalt  }
0x7f: {  	_ =	shalt  }
0x80: {  	_ =	shalt  }
0x81: {  	_ =	shalt  }
0x82: {  	_ =	shalt  }
0x83: {  	_ =	shalt  }
0x84: {  	_ =	shalt  }
0x85: {  	_ =	shalt  }
0x86: {  	_ =	shalt  }
0x87: {  	_ =	shalt  }
.Lfunc_end0:
.L_simem_size_0:
called_computation.5_lowered:
.L_overlay_start_0:
0x88: {  	s2 =	sld [smem:$0x3FD9]  }
0x89: {  	s3 =	sld [smem:$0x3FFE];
	_ =	sdelay $0x1  }
0x8a: {  	s1 =	srdreg.scid  }
0x8b: {  	s0 =	sand.u32 $0x1, s1  }
0x8c: {  	s17 =	sshll.u32 s0, $0xA;
	s2 =	sadd.s32 s3, s2  }
0x8d: {  	s2 =	sadd.s32 s2, s17  }
0x8e: {  	[smem:$0x3FBF] =	sst s2  }
0x8f: {  	_ = 	snop  }
0x90: {  	s2 =	sld [smem:$0x3FC6];
	(tm) =	ssettm $0x1  }
0x91: {  	s18 =	sld [smem:$0x3FFB];
	_ =	sdelay $0x3  }
0x92: {  	_ =	strace s18  }
0x93: {  	s3 =	sld [smem:$0x3FFC];
	_ =	sdelay $0x3  }
0x94: {  	_ =	strace s3  }
0x95: {  	s3 =	sld [smem:$0x3FFD];
	_ =	sdelay $0x3  }
0x96: {  	_ =	strace s3  }
0x97: {  	_ =	strace $0x8FFFFFFF  }
0x98: {  	s19 =	sld [smem:$0x3FDB];
	_ =	sdelay $0x1  }
0x99: {  	s4 =	simm.s32 $_scs_section_size  }
0x9a: {  	s5 =	simm.s32 $_size__tile_overlayer_lowered;
	s6 =	simm.s32 $_tile_overlayer_lowered  }
0x9b: {  	s22 =	simm.s32 $0x1BFF;
	s21 =	sshll.u32 s6, $0x1;
	s3 =	sadd.s32 s4, s19  }
0x9c: {  	s7 =	simm.s32 $0x0;
	s20 =	sshll.u32 s5, $0x1;
	s5 =	sadd.s32 s21, s3  }
0x9d: {  	[timem:s7], [sflag:s22] =	dma.local [hbm:s5], s20  }
0x9e: {  	_ =	swait.ge [sflag:s22], s20  }
0x9f: {  	s4 =	ssub.s32 $0x0, s20;
	[sflag:s22] =	ssyncset.done $0x0  }
0xa0: {  	[sflag:s22] =	ssyncadd.s32 s4;
	_ =	sdelay $0x1  }
0xa1: {  	s23 =	simm.s32 $0x1B8B  }
0xa2: {  	_ =	swait.ge [sflag:s23], $0x1  }
0xa3: {  	[sflag:s23] =	ssyncset.done $0x0  }
0xa4: {  	s25 =	simm.s32 $0x1B8E;
	s24 =	sld [smem:$0x3FFE];
	[sflag:s23] =	ssyncadd.s32 $0xFFFFFFFF  }
0xa5: {  	s26 =	simm.s32 $execute0_lowered;
	[smem:$0x3FD2] =	sst s25  }
0xa6: {  	s5 =	sshll.u32 s26, $0x1;
	_ =	strace $0x80000052;
	[dreg:$0x1] =	wrdreg $0xFFFFFFFF  }
0xa7: {  	s28 =	simm.s32 $_size_execute0_lowered;
	s3 =	sadd.s32 s3, s5;
	[dreg:$0x0] =	wrdreg $0x0  }
0xa8: {  	s5 =	sshll.u32 s28, $0x1;
	[dreg:$0x2] =	wrdreg s3  }
0xa9: {  	[dreg:$0x3] =	wrdreg s5  }
0xaa: {  	[dreg:$0x4] =	wrdreg $0xC0  }
0xab: {  	_ =	task [dreg:s7], $0x5FFFF  }
0xac: {  	[dreg:$0x1] =	wrdreg $0xFFFFFFFF  }
0xad: {  	[dreg:$0x0] =	wrdreg $0x60  }
0xae: {  	[dreg:$0x2] =	wrdreg s24  }
0xaf: {  	[dreg:$0x3] =	wrdreg s2  }
0xb0: {  	[dreg:$0x4] =	wrdreg $0x9E200  }
0xb1: {  	[dreg:$0x5] =	wrdreg $0x9  }
0xb2: {  	_ =	task.clear_ibuf [dreg:s7], $0x6FFFF;
	_ =	strace $0x90000052  }
0xb3: {  	s29 =	simm.s32 $0x9;
	_ =	strace $0x80000054  }
0xb4: {  	_ =	swait.ge [sflag:s29], $0x1  }
0xb5: {  	[sflag:s29] =	ssyncadd.s32 $0xFFFFFFFF  }
0xb6: {  	_ =	strace $0x90000054  }
0xb7: {  	_ =	sfence  }
0xb8: {  	s30 =	sld [smem:$0x0];
	_ =	sdelay $0x2  }
0xb9: {  	s31 =	sshll.u32 s1, $0xD;
	s1 =	sshrl.u32 s1, $0x2  }
0xba: {  	s3 =	sand.u32 $0x4000, s31;
	s1 =	sadd.s32 s1, s30  }
0xbb: {  	s0 =	sor.u32 s3, s0;
	s1 =	sshll.u32 s1, $0x11  }
0xbc: {  	s0 =	sor.u32 s1, s0  }
0xbd: {  	s0 =	sadd.s32 $0x8F2B, s0  }
0xbe: {  	[sflag:s0] =	ssyncadd.remote.s32 $0x1  }
0xbf: {  	_ =	sfence.sel $0xFFFF  }
0xc0: {  	[dreg:$0x0] =	wrdreg $0xFFFFFFFF;
	(pc) =	sbr.abs _section_cstart, $3  }
0xc1: {  	[dreg:$0x1] =	wrdreg $0xFFFFFFFF  }
0xc2: {  	_ =	task.clear_ibuf [dreg:s7], $0x2FFFF;
	_ =	strace $0x9FFFFFFF  }
0xc3: {  	(tm) =	ssettm $0x7FFFFFFF  }
tec
execute0_lowered:
.L_overlay_start_1:
0x0: {  	(tag) =	ssettag $0x1  }
0x1: {  	s0 =	rddreg [dreg:$0x0]  }
0x2: {  	s2 =	rddreg [dreg:$0x1]  }
0x3: {  	s1 =	rddreg [dreg:$0x2];
	s3 =	simm.s32 $0x0;
	s13 =	srdreg.scid  }
0x4: {  	s10 =	stileid.u32;
	s28 =	simm.s32 $0x4E20;
	s29 =	simm.s32 $0x80  }
0x5: {  	s30 =	simm.s32 $0x200;
	s31 =	simm.s32 $0x7620;
	s6 =	smul.u32 $0x9C4, s10  }
0x6: {  	[smem:$0x7FF] =	sst s3;
	s3 =	sand.u32 $0x1, s13;
	s8 =	smul.u32 $0x4E200, s10  }
0x7: {  	s4 =	sadd.s32 $0x1AF2C00, s0;
	s5 =	sadd.s32 $0x7400, s0;
	s15 =	smul.u32 $0x13880, s10  }
0x8: {  	s0 =	sadd.s32 $0xAE000, s0;
	_ =	strace $0x80000053;
	s7 =	ssub.s32 $0x2, s3  }
0x9: {  	s17 =	sshll.u32 s3, $0x8;
	s21 =	smul.u32 $0x271000, s3;
	s3 =	sshllo.u32 s3, $0x1  }
0xa: {  	s9 =	sshrl.u32 s7, $0x1;
	s2 =	sadd.s32 s2, s6;
	s6 =	smul.u32 $0x9C4000, s10  }
0xb: {  	s8 =	sshrl.u32 s8, $0x2;
	s25 =	sshll.u32 s3, $0x7;
	s3 =	smul.u32 $0x138800, s3  }
0xc: {  	s16 =	ssub.s32 s7, s9;
	[dreg:$0x4] =	wrdreg s2;
	s14 =	sadd.s32 s8, s1  }
0xd: {  	s7 =	sadd.s32 s15, s1;
	s24 =	sadd.s32 s15, s21;
	s8 =	sadd.s32 $0x2800, s14  }
0xe: {  	s9 =	sadd.s32 $0x5000, s14;
	s10 =	sadd.s32 $0x7800, s14;
	s11 =	sadd.s32 $0xA000, s14  }
0xf: {  	s12 =	sadd.s32 $0xC800, s14;
	s13 =	sadd.s32 $0xF000, s14;
	s18 =	sor.u32 s17, s6  }
0x10: {  	s20 =	sadd.s32 $0xA000, s6;
	s14 =	sadd.s32 $0x11800, s14;
	s3 =	sadd.s32 s15, s3  }
0x11: {  	s15 =	simm.s32 $0x4DD0;
	s19 =	sshrl.u32 s18, $0x3;
	s23 =	sor.u32 s17, s20  }
0x12: {  	s17 =	sshrl.u32 s24, $0x3;
	s3 =	sshrl.u32 s3, $0x3;
	s21 =	sadd.s32 $0x1E000, s18  }
0x13: {  	s22 =	sadd.s32 s4, s19;
	s2 =	sshrl.u32 s23, $0x3;
	s26 =	sadd.s32 s0, s17  }
0x14: {  	s17 =	sor.u32 s6, s25;
	s19 =	sor.u32 s20, s25;
	s0 =	sadd.s32 s0, s3  }
0x15: {  	s23 =	sadd.s32 $0x1E080, s18;
	s25 =	sadd.s32 $0x14080, s18;
	[dreg:$0x5] =	wrdreg s22  }
0x16: {  	s3 =	simm.s32 $0x2;
	s2 =	sadd.s32 s4, s2;
	[dreg:$0x7] =	wrdreg s26  }
0x17: {  	s20 =	sshrl.u32 s19, $0x3;
	[dreg:$0xa] =	wrdreg s0;
	s22 =	smax.u32 s16, $0x1  }
0x18: {  	s0 =	sshrl.u32 s21, $0x3;
	s24 =	sshrl.u32 s23, $0x3;
	s23 =	sadd.s32 $0x14000, s18  }
0x19: {  	s26 =	sshrl.u32 s25, $0x3;
	s16 =	simm.s32 $0x0;
	[dreg:$0x6] =	wrdreg s2  }
0x1a: {  	s2 =	sshrl.u32 s17, $0x3;
	[dreg:$0xb] =	wrdreg s22;
	s22 =	sadd.s32 s0, s4  }
0x1b: {  	s24 =	sadd.s32 s24, s4;
	s25 =	sadd.s32 s26, s4;
	s2 =	sadd.s32 s4, s2  }
0x1c: {  	s26 =	simm.s32 $0x3;
	[dreg:$0x8] =	wrdreg s2;
	s2 =	sadd.s32 s4, s20  }
0x1d: {  	s0 =	simm.s32 $0x1;
	[dreg:$0x9] =	wrdreg s2;
	s2 =	simm.s32 $0x50  }
.LBB2_1:
0x1e: {  	s6 =	simm.s32 $0x0;
	s17 =	rddreg [dreg:$0x4]  }
0x1f: {  	[tilespmem:s6], [sflag:$0x3] =	stream.linear.gather [hbm4b:s17+s6], $0x4E20, $0x38;
	[tilespmem:$0x1D6A0] =	vst v63  }
0x20: {  	_ =	swait.ge [sflag:s26], $0x4E20  }
0x21: {  	[sflag:s26] =	ssyncset.done $0x0  }
0x22: {  	[sflag:s26] =	ssyncadd.s32 $0xFFFFB1E0  }
0x23: {  	[tilespmem:s28], [sflag:$0x3] =	stream.linear.gather [hbm4b:s5+s6], $0x2800, $0x38;
	[tilespmem:$0x1D6A0] =	vst v63  }
0x24: {  	_ =	swait.ge [sflag:s26], $0x2800  }
0x25: {  	[sflag:s26] =	ssyncset.done $0x0  }
0x26: {  	[sflag:s26] =	ssyncadd.s32 $0xFFFFD800  }
0x27: {  	[spmem:s7] =	stream.linear.scatter [tilespmem:s28], [sflag:$0x3], $0x2800, $0x38;
	[tilespmem:$0x1D6A0] =	vst v63  }
0x28: {  	_ =	swait.ge [sflag:s26], $0x2800  }
0x29: {  	[sflag:s26] =	ssyncset.done $0x0  }
0x2a: {  	[sflag:s26] =	ssyncadd.s32 $0xFFFFD800  }
0x2b: {  	[spmem:s8] =	stream.linear.scatter [tilespmem:s28], [sflag:$0x3], $0x2800, $0x38;
	[tilespmem:$0x1D6A0] =	vst v63  }
0x2c: {  	_ =	swait.ge [sflag:s26], $0x2800  }
0x2d: {  	[sflag:s26] =	ssyncset.done $0x0  }
0x2e: {  	[sflag:s26] =	ssyncadd.s32 $0xFFFFD800  }
0x2f: {  	[spmem:s9] =	stream.linear.scatter [tilespmem:s28], [sflag:$0x3], $0x2800, $0x38;
	[tilespmem:$0x1D6A0] =	vst v63  }
0x30: {  	_ =	swait.ge [sflag:s26], $0x2800  }
0x31: {  	[sflag:s26] =	ssyncset.done $0x0  }
0x32: {  	[sflag:s26] =	ssyncadd.s32 $0xFFFFD800  }
0x33: {  	[spmem:s10] =	stream.linear.scatter [tilespmem:s28], [sflag:$0x3], $0x2800, $0x38;
	[tilespmem:$0x1D6A0] =	vst v63  }
0x34: {  	_ =	swait.ge [sflag:s26], $0x2800  }
0x35: {  	[sflag:s26] =	ssyncset.done $0x0  }
0x36: {  	[sflag:s26] =	ssyncadd.s32 $0xFFFFD800  }
0x37: {  	[spmem:s11] =	stream.linear.scatter [tilespmem:s28], [sflag:$0x3], $0x2800, $0x38;
	[tilespmem:$0x1D6A0] =	vst v63  }
0x38: {  	_ =	swait.ge [sflag:s26], $0x2800  }
0x39: {  	[sflag:s26] =	ssyncset.done $0x0  }
0x3a: {  	[sflag:s26] =	ssyncadd.s32 $0xFFFFD800  }
0x3b: {  	[spmem:s12] =	stream.linear.scatter [tilespmem:s28], [sflag:$0x3], $0x2800, $0x38;
	[tilespmem:$0x1D6A0] =	vst v63  }
0x3c: {  	_ =	swait.ge [sflag:s26], $0x2800  }
0x3d: {  	[sflag:s26] =	ssyncset.done $0x0  }
0x3e: {  	[sflag:s26] =	ssyncadd.s32 $0xFFFFD800  }
0x3f: {  	[spmem:s13] =	stream.linear.scatter [tilespmem:s28], [sflag:$0x3], $0x2800, $0x38;
	[tilespmem:$0x1D6A0] =	vst v63  }
0x40: {  	_ =	swait.ge [sflag:s26], $0x2800  }
0x41: {  	[sflag:s26] =	ssyncset.done $0x0  }
0x42: {  	[sflag:s26] =	ssyncadd.s32 $0xFFFFD800  }
0x43: {  	[spmem:s14] =	stream.linear.scatter [tilespmem:s28], [sflag:$0x3], $0x2080, $0x38;
	[tilespmem:$0x1D6A0] =	vst v63  }
0x44: {  	_ =	swait.ge [sflag:s26], $0x2080  }
0x45: {  	[sflag:s26] =	ssyncset.done $0x0  }
0x46: {  	[sflag:s26] =	ssyncadd.s32 $0xFFFFDF80  }
0x47: {  	[bflag:$0x0] =	sbarrier.arrive $0xFFFF  }
0x48: {  	s18 =	rddreg [dreg:$0x5]  }
0x49: {  	[tilespmem:s28], [sflag:$0x1] =	stream.strided.gather [hbm4b:s18+s29], $0x2800, s30, s29, $0x38;
	[tilespmem:$0x1D6A0] =	vst v63  }
0x4a: {  	s19 =	rddreg [dreg:$0x6]  }
0x4b: {  	[tilespmem:s31], [sflag:$0x2] =	stream.strided.gather [hbm4b:s19+s29], $0x2800, s30, s29, $0x38;
	[tilespmem:$0x1D6A0] =	vst v63  }
0x4c: {  	_ =	swait.ge [sflag:s0], $0x2800  }
0x4d: {  	[sflag:s0] =	ssyncset.done $0x0  }
0x4e: {  	s20 =	simm.s32 $0x0;
	[sflag:s0] =	ssyncadd.s32 $0xFFFFD800  }
0x4f: {  	[spmem:s1] =	stream.indirect.scatter.add.f32 [tilespmem:s28], [sflag:$0x3], $0x80, s20, s2, $0xb8;
	[tilespmem:$0x1D6A0] =	vst v63  }
0x50: {  	_ =	swait.ge [sflag:s26], $0x2800  }
0x51: {  	s21 =	sshrl.u32 s23, $0x3;
	[sflag:s26] =	ssyncset.done $0x0  }
0x52: {  	s17 =	sadd.s32 s4, s21;
	[sflag:s26] =	ssyncadd.s32 $0xFFFFD800  }
0x53: {  	[tilespmem:s28], [sflag:$0x1] =	stream.strided.gather [hbm4b:s17+s29], $0x2800, s30, s29, $0x38;
	[tilespmem:$0x1D6A0] =	vst v63  }
0x54: {  	_ =	swait.ge [sflag:s3], $0x2800  }
0x55: {  	[sflag:s3] =	ssyncset.done $0x0  }
0x56: {  	[sflag:s3] =	ssyncadd.s32 $0xFFFFD800  }
0x57: {  	[spmem:s1] =	stream.indirect.scatter.add.f32 [tilespmem:s31], [sflag:$0x3], $0x80, s2, s2, $0xb8;
	[tilespmem:$0x1D6A0] =	vst v63  }
0x58: {  	_ =	swait.ge [sflag:s26], $0x2800  }
0x59: {  	s18 =	sadd.s32 $0x14000, s23;
	s19 =	simm.s32 $0xF0;
	[sflag:s26] =	ssyncset.done $0x0  }
0x5a: {  	s20 =	sadd.s32 $0x0, s22;
	s17 =	simm.s32 $0x2800;
	[sflag:s26] =	ssyncadd.s32 $0xFFFFD800  }
.LBB2_2:
0x5b: {  	[tilespmem:s31], [sflag:$0x2] =	stream.strided.gather [hbm4b:s20+s29], $0x2800, s30, s29, $0x38;
	[tilespmem:$0x1D6A0] =	vst v63  }
0x5c: {  	s20 =	smov.u32 s17  }
0x5d: {  	p0 =	sne.s32 s17, $0x133800;
	s17 =	sadd.s32 $0x2800, s17;
	_ =	swait.ge [sflag:s0], $0x2800  }
0x5e: {  	[sflag:s0] =	ssyncset.done $0x0  }
0x5f: {  	s21 =	sadd.s32 $0xFFFFFFB0, s19;
	[sflag:s0] =	ssyncadd.s32 $0xFFFFD800  }
0x60: {  	[spmem:s1] =	stream.indirect.scatter.add.f32 [tilespmem:s28], [sflag:$0x3], $0x80, s21, s2, $0xb8;
	[tilespmem:$0x1D6A0] =	vst v63  }
0x61: {  	_ =	swait.ge [sflag:s26], $0x2800  }
0x62: {  	s21 =	sshrl.u32 s18, $0x3;
	[sflag:s26] =	ssyncset.done $0x0  }
0x63: {  	s21 =	sadd.s32 s4, s21;
	[sflag:s26] =	ssyncadd.s32 $0xFFFFD800  }
0x64: {  	[tilespmem:s28], [sflag:$0x1] =	stream.strided.gather [hbm4b:s21+s29], $0x2800, s30, s29, $0x38;
	[tilespmem:$0x1D6A0] =	vst v63  }
0x65: {  	_ =	swait.ge [sflag:s3], $0x2800  }
0x66: {  	[sflag:s3] =	ssyncset.done $0x0  }
.Ltmp0:
0x67: {  	[sflag:s3] =	ssyncadd.s32 $0xFFFFD800;
	(pc) =	sbr.rel @p0 .LBB2_2-.Ltmp0, $4  }
0x68: {  	[spmem:s1] =	stream.indirect.scatter.add.f32 [tilespmem:s31], [sflag:$0x3], $0x80, s19, s2, $0xb8;
	[tilespmem:$0x1D6A0] =	vst v63  }
0x69: {  	_ =	swait.ge [sflag:s26], $0x2800  }
0x6a: {  	s18 =	sadd.s32 $0x14000, s18;
	[sflag:s26] =	ssyncset.done $0x0  }
0x6b: {  	s20 =	sadd.s32 s20, s22;
	s19 =	sadd.s32 $0xA0, s19;
	[sflag:s26] =	ssyncadd.s32 $0xFFFFD800  }
0x6c: {  	[tilespmem:s31], [sflag:$0x2] =	stream.strided.gather [hbm4b:s20+s29], $0x2800, s30, s29, $0x38;
	[tilespmem:$0x1D6A0] =	vst v63  }
0x6d: {  	_ =	swait.ge [sflag:s0], $0x2800  }
0x6e: {  	[sflag:s0] =	ssyncset.done $0x0  }
0x6f: {  	s19 =	simm.s32 $0x50;
	s6 =	simm.s32 $0x4D80;
	[sflag:s0] =	ssyncadd.s32 $0xFFFFD800  }
0x70: {  	[spmem:s1] =	stream.indirect.scatter.add.f32 [tilespmem:s28], [sflag:$0x3], $0x80, s6, s19, $0xb8;
	[tilespmem:$0x1D6A0] =	vst v63  }
0x71: {  	_ =	swait.ge [sflag:s26], $0x2800  }
0x72: {  	[sflag:s26] =	ssyncset.done $0x0  }
0x73: {  	[sflag:s26] =	ssyncadd.s32 $0xFFFFD800  }
0x74: {  	_ =	swait.ge [sflag:s3], $0x2800  }
0x75: {  	[sflag:s3] =	ssyncset.done $0x0  }
0x76: {  	[sflag:s3] =	ssyncadd.s32 $0xFFFFD800  }
0x77: {  	[spmem:s1] =	stream.indirect.scatter.add.f32 [tilespmem:s31], [sflag:$0x3], $0x80, s15, s19, $0xb8;
	[tilespmem:$0x1D6A0] =	vst v63  }
0x78: {  	_ =	swait.ge [sflag:s26], $0x2800  }
0x79: {  	[sflag:s26] =	ssyncset.done $0x0  }
0x7a: {  	s20 =	stileid.u32;
	[sflag:s26] =	ssyncadd.s32 $0xFFFFD800  }
0x7b: {  	s17 =	sshll.u32 s20, $0x6;
	[bflag:$0x0] =	sbarrier.arrive $0xFFFF  }
0x7c: {  	s18 =	sshrl.u32 s7, $0x3;
	s17 =	sor.u32 $0x1C03, s17;
	s21 =	rddreg [dreg:$0x7]  }
0x7d: {  	[hbm:s21], [sflag:s17] =	dma.local [spmem:s18], $0x2710  }
0x7e: {  	_ =	swait.ge [sflag:s26], $0x2710  }
0x7f: {  	[sflag:s26] =	ssyncset.done $0x0  }
0x80: {  	s6 =	simm.s32 $0x0;
	[sflag:s26] =	ssyncadd.s32 $0xFFFFD8F0  }
0x81: {  	[tilespmem:s28], [sflag:$0x3] =	stream.linear.gather [hbm4b:s5+s6], $0x2800, $0x38;
	[tilespmem:$0x1D6A0] =	vst v63  }
0x82: {  	_ =	swait.ge [sflag:s26], $0x2800  }
0x83: {  	[sflag:s26] =	ssyncset.done $0x0  }
0x84: {  	[sflag:s26] =	ssyncadd.s32 $0xFFFFD800  }
0x85: {  	[spmem:s7] =	stream.linear.scatter [tilespmem:s28], [sflag:$0x3], $0x2800, $0x38;
	[tilespmem:$0x1D6A0] =	vst v63  }
0x86: {  	_ =	swait.ge [sflag:s26], $0x2800  }
0x87: {  	[sflag:s26] =	ssyncset.done $0x0  }
0x88: {  	[sflag:s26] =	ssyncadd.s32 $0xFFFFD800  }
0x89: {  	[spmem:s8] =	stream.linear.scatter [tilespmem:s28], [sflag:$0x3], $0x2800, $0x38;
	[tilespmem:$0x1D6A0] =	vst v63  }
0x8a: {  	_ =	swait.ge [sflag:s26], $0x2800  }
0x8b: {  	[sflag:s26] =	ssyncset.done $0x0  }
0x8c: {  	[sflag:s26] =	ssyncadd.s32 $0xFFFFD800  }
0x8d: {  	[spmem:s9] =	stream.linear.scatter [tilespmem:s28], [sflag:$0x3], $0x2800, $0x38;
	[tilespmem:$0x1D6A0] =	vst v63  }
0x8e: {  	_ =	swait.ge [sflag:s26], $0x2800  }
0x8f: {  	[sflag:s26] =	ssyncset.done $0x0  }
0x90: {  	[sflag:s26] =	ssyncadd.s32 $0xFFFFD800  }
0x91: {  	[spmem:s10] =	stream.linear.scatter [tilespmem:s28], [sflag:$0x3], $0x2800, $0x38;
	[tilespmem:$0x1D6A0] =	vst v63  }
0x92: {  	_ =	swait.ge [sflag:s26], $0x2800  }
0x93: {  	[sflag:s26] =	ssyncset.done $0x0  }
0x94: {  	[sflag:s26] =	ssyncadd.s32 $0xFFFFD800  }
0x95: {  	[spmem:s11] =	stream.linear.scatter [tilespmem:s28], [sflag:$0x3], $0x2800, $0x38;
	[tilespmem:$0x1D6A0] =	vst v63  }
0x96: {  	_ =	swait.ge [sflag:s26], $0x2800  }
0x97: {  	[sflag:s26] =	ssyncset.done $0x0  }
0x98: {  	[sflag:s26] =	ssyncadd.s32 $0xFFFFD800  }
0x99: {  	[spmem:s12] =	stream.linear.scatter [tilespmem:s28], [sflag:$0x3], $0x2800, $0x38;
	[tilespmem:$0x1D6A0] =	vst v63  }
0x9a: {  	_ =	swait.ge [sflag:s26], $0x2800  }
0x9b: {  	[sflag:s26] =	ssyncset.done $0x0  }
0x9c: {  	[sflag:s26] =	ssyncadd.s32 $0xFFFFD800  }
0x9d: {  	[spmem:s13] =	stream.linear.scatter [tilespmem:s28], [sflag:$0x3], $0x2800, $0x38;
	[tilespmem:$0x1D6A0] =	vst v63  }
0x9e: {  	_ =	swait.ge [sflag:s26], $0x2800  }
0x9f: {  	[sflag:s26] =	ssyncset.done $0x0  }
0xa0: {  	[sflag:s26] =	ssyncadd.s32 $0xFFFFD800  }
0xa1: {  	[spmem:s14] =	stream.linear.scatter [tilespmem:s28], [sflag:$0x3], $0x2080, $0x38;
	[tilespmem:$0x1D6A0] =	vst v63  }
0xa2: {  	_ =	swait.ge [sflag:s26], $0x2080  }
0xa3: {  	[sflag:s26] =	ssyncset.done $0x0  }
0xa4: {  	[sflag:s26] =	ssyncadd.s32 $0xFFFFDF80  }
0xa5: {  	[bflag:$0x0] =	sbarrier.arrive $0xFFFF  }
0xa6: {  	s20 =	rddreg [dreg:$0x8]  }
0xa7: {  	[tilespmem:s28], [sflag:$0x1] =	stream.strided.gather [hbm4b:s20+s29], $0x2800, s30, s29, $0x38;
	[tilespmem:$0x1D6A0] =	vst v63  }
0xa8: {  	s21 =	rddreg [dreg:$0x9]  }
0xa9: {  	[tilespmem:s31], [sflag:$0x2] =	stream.strided.gather [hbm4b:s21+s29], $0x2800, s30, s29, $0x38;
	[tilespmem:$0x1D6A0] =	vst v63  }
0xaa: {  	_ =	swait.ge [sflag:s0], $0x2800  }
0xab: {  	[sflag:s0] =	ssyncset.done $0x0  }
0xac: {  	s6 =	simm.s32 $0x0;
	[sflag:s0] =	ssyncadd.s32 $0xFFFFD800  }
0xad: {  	[spmem:s1] =	stream.indirect.scatter.add.f32 [tilespmem:s28], [sflag:$0x3], $0x80, s6, s2, $0xb8;
	[tilespmem:$0x1D6A0] =	vst v63  }
0xae: {  	_ =	swait.ge [sflag:s26], $0x2800  }
0xaf: {  	[sflag:s26] =	ssyncset.done $0x0  }
0xb0: {  	s21 =	sadd.s32 $0x0, s25;
	[sflag:s26] =	ssyncadd.s32 $0xFFFFD800  }
0xb1: {  	[tilespmem:s28], [sflag:$0x1] =	stream.strided.gather [hbm4b:s21+s29], $0x2800, s30, s29, $0x38;
	[tilespmem:$0x1D6A0] =	vst v63  }
0xb2: {  	_ =	swait.ge [sflag:s3], $0x2800  }
0xb3: {  	[sflag:s3] =	ssyncset.done $0x0  }
0xb4: {  	[sflag:s3] =	ssyncadd.s32 $0xFFFFD800  }
0xb5: {  	[spmem:s1] =	stream.indirect.scatter.add.f32 [tilespmem:s31], [sflag:$0x3], $0x80, s19, s2, $0xb8;
	[tilespmem:$0x1D6A0] =	vst v63  }
0xb6: {  	_ =	swait.ge [sflag:s26], $0x2800  }
0xb7: {  	s20 =	simm.s32 $0xF0;
	[sflag:s26] =	ssyncset.done $0x0  }
0xb8: {  	s21 =	sadd.s32 $0x0, s24;
	s19 =	simm.s32 $0x2800;
	[sflag:s26] =	ssyncadd.s32 $0xFFFFD800  }
.LBB2_4:
0xb9: {  	[tilespmem:s31], [sflag:$0x2] =	stream.strided.gather [hbm4b:s21+s29], $0x2800, s30, s29, $0x38;
	[tilespmem:$0x1D6A0] =	vst v63  }
0xba: {  	s21 =	smov.u32 s19  }
0xbb: {  	p0 =	sne.s32 s19, $0x133800;
	s19 =	sadd.s32 $0x2800, s19;
	_ =	swait.ge [sflag:s0], $0x2800  }
0xbc: {  	[sflag:s0] =	ssyncset.done $0x0  }
0xbd: {  	s6 =	sadd.s32 $0xFFFFFFB0, s20;
	[sflag:s0] =	ssyncadd.s32 $0xFFFFD800  }
0xbe: {  	[spmem:s1] =	stream.indirect.scatter.add.f32 [tilespmem:s28], [sflag:$0x3], $0x80, s6, s2, $0xb8;
	[tilespmem:$0x1D6A0] =	vst v63  }
0xbf: {  	_ =	swait.ge [sflag:s26], $0x2800  }
0xc0: {  	[sflag:s26] =	ssyncset.done $0x0  }
0xc1: {  	s6 =	sadd.s32 s21, s25;
	[sflag:s26] =	ssyncadd.s32 $0xFFFFD800  }
0xc2: {  	[tilespmem:s28], [sflag:$0x1] =	stream.strided.gather [hbm4b:s6+s29], $0x2800, s30, s29, $0x38;
	[tilespmem:$0x1D6A0] =	vst v63  }
0xc3: {  	_ =	swait.ge [sflag:s3], $0x2800  }
0xc4: {  	[sflag:s3] =	ssyncset.done $0x0  }
.Ltmp1:
0xc5: {  	[sflag:s3] =	ssyncadd.s32 $0xFFFFD800;
	(pc) =	sbr.rel @p0 .LBB2_4-.Ltmp1, $4  }
0xc6: {  	[spmem:s1] =	stream.indirect.scatter.add.f32 [tilespmem:s31], [sflag:$0x3], $0x80, s20, s2, $0xb8;
	[tilespmem:$0x1D6A0] =	vst v63  }
0xc7: {  	_ =	swait.ge [sflag:s26], $0x2800  }
0xc8: {  	[sflag:s26] =	ssyncset.done $0x0  }
0xc9: {  	s21 =	sadd.s32 s21, s24;
	s20 =	sadd.s32 $0xA0, s20;
	[sflag:s26] =	ssyncadd.s32 $0xFFFFD800  }
0xca: {  	[tilespmem:s31], [sflag:$0x2] =	stream.strided.gather [hbm4b:s21+s29], $0x2800, s30, s29, $0x38;
	[tilespmem:$0x1D6A0] =	vst v63  }
0xcb: {  	_ =	swait.ge [sflag:s0], $0x2800  }
0xcc: {  	[sflag:s0] =	ssyncset.done $0x0  }
0xcd: {  	s6 =	simm.s32 $0x4D80;
	[sflag:s0] =	ssyncadd.s32 $0xFFFFD800  }
0xce: {  	[spmem:s1] =	stream.indirect.scatter.add.f32 [tilespmem:s28], [sflag:$0x3], $0x80, s6, s2, $0xb8;
	[tilespmem:$0x1D6A0] =	vst v63  }
0xcf: {  	_ =	swait.ge [sflag:s26], $0x2800  }
0xd0: {  	[sflag:s26] =	ssyncset.done $0x0  }
0xd1: {  	[sflag:s26] =	ssyncadd.s32 $0xFFFFD800  }
0xd2: {  	_ =	swait.ge [sflag:s3], $0x2800  }
0xd3: {  	[sflag:s3] =	ssyncset.done $0x0  }
0xd4: {  	[sflag:s3] =	ssyncadd.s32 $0xFFFFD800  }
0xd5: {  	[spmem:s1] =	stream.indirect.scatter.add.f32 [tilespmem:s31], [sflag:$0x3], $0x80, s15, s2, $0xb8;
	[tilespmem:$0x1D6A0] =	vst v63  }
0xd6: {  	_ =	swait.ge [sflag:s26], $0x2800  }
0xd7: {  	[sflag:s26] =	ssyncset.done $0x0  }
0xd8: {  	[sflag:s26] =	ssyncadd.s32 $0xFFFFD800  }
0xd9: {  	[bflag:$0x0] =	sbarrier.arrive $0xFFFF  }
0xda: {  	s20 =	rddreg [dreg:$0xa]  }
0xdb: {  	[hbm:s20], [sflag:s17] =	dma.local [spmem:s18], $0x2710  }
0xdc: {  	_ =	swait.ge [sflag:s26], $0x2710  }
0xdd: {  	s16 =	sadd.s32 $0x1, s16;
	s21 =	rddreg [dreg:$0xb]  }
0xde: {  	p0 =	sne.s32 s16, s21  }
.Ltmp2:
0xdf: {  	_ = 	snop;
	(pc) =	sbr.rel @p0 .LBB2_1-.Ltmp2, $3  }
0xe0: {  	_ =	sdelay $0x1  }
0xe1: {  	[sflag:s26] =	ssyncset.done $0x0  }
0xe2: {  	[sflag:s26] =	ssyncadd.s32 $0xFFFFD8F0  }
0xe3: {  	_ =	sfence.sel $0x180000  }
0xe4: {  	[bflag:$0x0] =	sbarrier.arrive $0xFFFF  }
0xe5: {  	_ =	strace $0x90000053  }
0xe6: {  	s0 =	stileid.u32;
	[bflag:$0x2] =	sbarrier.arrive $0xFFFF  }
0xe7: {  	p0 =	sne.s32 s0, $0x0;
	s0 =	rddreg [dreg:$0x3]  }
0xe8: {  	s0 =	sadd.s32 @!p0 $0x100000, s0  }
0xe9: {  	[sflag:s0] =	ssyncadd.tile.s32 @!p0 $0x1;
	_ =	shalt  }
.Lfunc_end2:
_tile_overlayer_lowered:
.L_overlay_start_2:
0xea: {  	(tag) =	ssettag $0x2  }
0xeb: {  	s0 =	rddreg [dreg:$0x0];
	s2 =	stileid.u32  }
0xec: {  	s1 =	rddreg [dreg:$0x1];
	p0 =	sne.s32 s2, $0x0  }
0xed: {  	s3 =	rddreg [dreg:$0x2];
	[bflag:$0x3] =	sbarrier.arrive $0xFFFF;
	s2 =	simm.s32 @!p0 $0x1C03  }
0xee: {  	[timem:s3], [sflag:s2] =	dma.local @!p0 [hbm:s0], s1  }
0xef: {  	s0 =	simm.s32 @!p0 $0x3  }
0xf0: {  	_ =	swait.ge @!p0 [sflag:s0], s1  }
0xf1: {  	s1 =	ssub.s32 @!p0 $0x0, s1;
	[sflag:s0] =	ssyncset.done @!p0 $0x0  }
0xf2: {  	[sflag:s0] =	ssyncadd.s32 @!p0 s1  }
0xf3: {  	[bflag:$0x3] =	sbarrier.arrive $0xFFFF  }
0xf4: {  	_ =	shalt  }

// kernel: kernel.25.cloned.1.call-start
scs
__scs_entry_jumppad:
0x0: {  	(pc) =	sbr.rel $0x88, $3  }
0x1: {  	(tag) =	ssettag $0x0;
	lr =	simm.s32 $0x1  }
0x2: {  	[smem:$0x3F98] =	sst lr;
	_ =	strace $0xD0000000  }
0x3: {  	_ = 	snop  }
0x4: {  	_ = 	snop  }
0x5: {  	_ = 	snop  }
0x6: {  	_ = 	snop  }
0x7: {  	_ = 	snop  }
__scs_overlays_trampoline_lowered:
0x8: {  	[smem:$0x3FA7] =	sst s0  }
0x9: {  	[smem:$0x3FA8] =	sst s1  }
0xa: {  	[smem:$0x3FA9] =	sst s2  }
0xb: {  	[smem:$0x3FAA] =	sst s3  }
0xc: {  	[smem:$0x3FAB] =	sst s4  }
0xd: {  	[smem:$0x3FAC] =	sst s5  }
0xe: {  	[smem:$0x3FAD] =	sst s6  }
0xf: {  	[smem:$0x3FAE] =	sst s7  }
0x10: {  	[smem:$0x3FAF] =	sst s8  }
0x11: {  	[smem:$0x3FB0] =	sst s9;
	s0 =	simm.s32 @!p0 $0x0  }
0x12: {  	s1 =	sld [smem:$0x3F96];
	s0 =	simm.s32 @p0 $0x1  }
0x13: {  	[smem:$0x3FB1] =	sst s0;
	s0 =	simm.s32 @!p1 $0x0  }
0x14: {  	s2 =	sld [smem:$0x3F95];
	s0 =	simm.s32 @p1 $0x1  }
0x15: {  	[smem:$0x3FB2] =	sst s0;
	s0 =	simm.s32 @!p2 $0x0  }
0x16: {  	s3 =	sld [smem:$0x3FDB];
	s0 =	simm.s32 @p2 $0x1  }
0x17: {  	s4 =	simm.s32 $0x1BF5;
	[smem:$0x3FB4] =	sst s0  }
0x18: {  	s0 =	sld [smem:$0x3F97];
	_ =	swait.ge [sflag:s4], $0x0  }
0x19: {  	s7 =	sld [smem:$0x3F98]  }
0x1a: {  	s8 =	sadd.s32 $0xFFFFE003, lr  }
0x1b: {  	s9 =	sadd.s32 $0xFFFFFEF7, lr;
	s5 =	simm.s32 $0xFFFFFFFF;
	p2 =	slt.u32 s8, $0xFFFFF086  }
0x1c: {  	p1 =	slt.u32 s9, $0xF7A;
	s5 =	simm.s32 @!p2 $0x0  }
0x1d: {  	s5 =	simm.s32 @p1 $0x1;
	p0 =	seq.s32 s7, s2  }
0x1e: {  	s7 =	smul.u32 @!p0 $0xF7A, s2;
	p2 =	seq.s32 @!p0 s5, $0x0  }
0x1f: {  	s9 =	smul.u32 $0xF7A, s1;
	s8 =	simm.s32 @!p0 $0x1BF5;
	p2 =	por !p2, p0  }
0x20: {  	[sflag:s8] =	ssyncset.s32 @!p0 $0xFFFFF086;
	s6 =	sadd.s32 @!p0 s3, s7;
	s7 =	simm.s32 @!p0 $0x108  }
0x21: {  	s3 =	sadd.s32 s3, s9;
	s6 =	sadd.s32 @!p0 $0x88, s6;
	s7 =	simm.s32 @p2 $0x1082  }
0x22: {  	[simem:s7], [sflag:s8] =	dma.local @!p0 [hbm:s6], $0xF7A  }
0x23: {  	s9 =	sor.u32 $0xD0000000, s2;
	s6 =	simm.s32 $0x108;
	_ =	swait.ge @!p0 [sflag:s8], $0x0  }
0x24: {  	s3 =	sadd.s32 $0x88, s3;
	s6 =	simm.s32 @!p1 $0x1082;
	[sflag:s4] =	ssyncset.s32 $0xFFFFF086  }
0x25: {  	[simem:s6], [sflag:s4] =	dma.local [hbm:s3], $0xF7A  }
0x26: {  	[smem:$0x3F98] =	sst s1;
	(tag) =	ssettag s2;
	_ =	strace s9  }
0x27: {  	s1 =	sld [smem:$0x3FA8]  }
0x28: {  	s2 =	sld [smem:$0x3FA9]  }
0x29: {  	s4 =	sld [smem:$0x3FAB]  }
0x2a: {  	p0 =	seq.s32 s5, $0x0;
	s5 =	sld [smem:$0x3FAC]  }
0x2b: {  	s6 =	sld [smem:$0x3FAD]  }
0x2c: {  	s7 =	sld [smem:$0x3FAE]  }
0x2d: {  	s3 =	simm.s32 $0x108;
	s8 =	sld [smem:$0x3FAF]  }
0x2e: {  	s3 =	simm.s32 @!p0 $0x1082;
	s9 =	sld [smem:$0x3FB0]  }
0x2f: {  	lr =	sadd.s32 s0, s3;
	s0 =	sld [smem:$0x3FA7]  }
0x30: {  	s3 =	sld [smem:$0x3FAA]  }
0x31: {  	[smem:$0x3FB3] =	sst s10  }
0x32: {  	s10 =	sld [smem:$0x3FB1];
	_ =	sdelay $0x3  }
0x33: {  	p0 =	seq.s32 s10, $0x1;
	s10 =	sld [smem:$0x3FB3];
	_ =	sdelay $0x3  }
0x34: {  	[smem:$0x3FB3] =	sst s10  }
0x35: {  	s10 =	sld [smem:$0x3FB2];
	_ =	sdelay $0x3  }
0x36: {  	p1 =	seq.s32 s10, $0x1;
	s10 =	sld [smem:$0x3FB3];
	_ =	sdelay $0x3  }
0x37: {  	[smem:$0x3FB3] =	sst s10  }
0x38: {  	s10 =	sld [smem:$0x3FB4]  }
0x39: {  	_ = 	snop;
	(pc) =	sbr.ind lr, $3  }
0x3a: {  	_ = 	snop  }
0x3b: {  	_ = 	snop  }
0x3c: {  	p2 =	seq.s32 s10, $0x1;
	s10 =	sld [smem:$0x3FB3]  }
0x3d: {  	_ =	shalt  }
0x3e: {  	_ =	shalt  }
0x3f: {  	_ =	shalt  }
0x40: {  	_ =	shalt  }
0x41: {  	_ =	shalt  }
0x42: {  	_ =	shalt  }
0x43: {  	_ =	shalt  }
0x44: {  	_ =	shalt  }
0x45: {  	_ =	shalt  }
0x46: {  	_ =	shalt  }
0x47: {  	_ =	shalt  }
0x48: {  	_ =	shalt  }
0x49: {  	_ =	shalt  }
0x4a: {  	_ =	shalt  }
0x4b: {  	_ =	shalt  }
0x4c: {  	_ =	shalt  }
0x4d: {  	_ =	shalt  }
0x4e: {  	_ =	shalt  }
0x4f: {  	_ =	shalt  }
0x50: {  	_ =	shalt  }
0x51: {  	_ =	shalt  }
0x52: {  	_ =	shalt  }
0x53: {  	_ =	shalt  }
0x54: {  	_ =	shalt  }
0x55: {  	_ =	shalt  }
0x56: {  	_ =	shalt  }
0x57: {  	_ =	shalt  }
0x58: {  	_ =	shalt  }
0x59: {  	_ =	shalt  }
0x5a: {  	_ =	shalt  }
0x5b: {  	_ =	shalt  }
0x5c: {  	_ =	shalt  }
0x5d: {  	_ =	shalt  }
0x5e: {  	_ =	shalt  }
0x5f: {  	_ =	shalt  }
0x60: {  	_ =	shalt  }
0x61: {  	_ =	shalt  }
0x62: {  	_ =	shalt  }
0x63: {  	_ =	shalt  }
0x64: {  	_ =	shalt  }
0x65: {  	_ =	shalt  }
0x66: {  	_ =	shalt  }
0x67: {  	_ =	shalt  }
0x68: {  	_ =	shalt  }
0x69: {  	_ =	shalt  }
0x6a: {  	_ =	shalt  }
0x6b: {  	_ =	shalt  }
0x6c: {  	_ =	shalt  }
0x6d: {  	_ =	shalt  }
0x6e: {  	_ =	shalt  }
0x6f: {  	_ =	shalt  }
0x70: {  	_ =	shalt  }
0x71: {  	_ =	shalt  }
0x72: {  	_ =	shalt  }
0x73: {  	_ =	shalt  }
0x74: {  	_ =	shalt  }
0x75: {  	_ =	shalt  }
0x76: {  	_ =	shalt  }
0x77: {  	_ =	shalt  }
0x78: {  	_ =	shalt  }
0x79: {  	_ =	shalt  }
0x7a: {  	_ =	shalt  }
0x7b: {  	_ =	shalt  }
0x7c: {  	_ =	shalt  }
0x7d: {  	_ =	shalt  }
0x7e: {  	_ =	shalt  }
0x7f: {  	_ =	shalt  }
0x80: {  	_ =	shalt  }
0x81: {  	_ =	shalt  }
0x82: {  	_ =	shalt  }
0x83: {  	_ =	shalt  }
0x84: {  	_ =	shalt  }
0x85: {  	_ =	shalt  }
0x86: {  	_ =	shalt  }
0x87: {  	_ =	shalt  }
.Lfunc_end0:
.L_simem_size_0:
called_computation.6_lowered:
.L_overlay_start_0:
0x88: {  	s2 =	sld [smem:$0x3FD9]  }
0x89: {  	s3 =	sld [smem:$0x3FFE];
	_ =	sdelay $0x1  }
0x8a: {  	s1 =	srdreg.scid  }
0x8b: {  	s0 =	sand.u32 $0x1, s1  }
0x8c: {  	s17 =	sshll.u32 s0, $0xA;
	s2 =	sadd.s32 s3, s2  }
0x8d: {  	s2 =	sadd.s32 s2, s17  }
0x8e: {  	[smem:$0x3FBF] =	sst s2  }
0x8f: {  	_ = 	snop  }
0x90: {  	s2 =	sld [smem:$0x3FC7];
	(tm) =	ssettm $0x1  }
0x91: {  	s18 =	sld [smem:$0x3FFB];
	_ =	sdelay $0x3  }
0x92: {  	_ =	strace s18  }
0x93: {  	s3 =	sld [smem:$0x3FFC];
	_ =	sdelay $0x3  }
0x94: {  	_ =	strace s3  }
0x95: {  	s3 =	sld [smem:$0x3FFD];
	_ =	sdelay $0x3  }
0x96: {  	_ =	strace s3  }
0x97: {  	_ =	strace $0x8FFFFFFF  }
0x98: {  	s19 =	sld [smem:$0x3FDB];
	_ =	sdelay $0x1  }
0x99: {  	s4 =	simm.s32 $_scs_section_size  }
0x9a: {  	s5 =	simm.s32 $_size__tile_overlayer_lowered;
	s6 =	simm.s32 $_tile_overlayer_lowered  }
0x9b: {  	s22 =	simm.s32 $0x1BFF;
	s21 =	sshll.u32 s6, $0x1;
	s3 =	sadd.s32 s4, s19  }
0x9c: {  	s7 =	simm.s32 $0x0;
	s20 =	sshll.u32 s5, $0x1;
	s5 =	sadd.s32 s21, s3  }
0x9d: {  	[timem:s7], [sflag:s22] =	dma.local [hbm:s5], s20  }
0x9e: {  	_ =	swait.ge [sflag:s22], s20  }
0x9f: {  	s4 =	ssub.s32 $0x0, s20;
	[sflag:s22] =	ssyncset.done $0x0  }
0xa0: {  	[sflag:s22] =	ssyncadd.s32 s4;
	_ =	sdelay $0x1  }
0xa1: {  	s23 =	simm.s32 $0x1B8B  }
0xa2: {  	_ =	swait.ge [sflag:s23], $0x1  }
0xa3: {  	[sflag:s23] =	ssyncset.done $0x0  }
0xa4: {  	s25 =	simm.s32 $0x1B8E;
	s24 =	sld [smem:$0x3FFE];
	[sflag:s23] =	ssyncadd.s32 $0xFFFFFFFF  }
0xa5: {  	s26 =	simm.s32 $execute0_lowered;
	[smem:$0x3FD2] =	sst s25  }
0xa6: {  	s5 =	sshll.u32 s26, $0x1;
	_ =	strace $0x80000055;
	[dreg:$0x1] =	wrdreg $0xFFFFFFFF  }
0xa7: {  	s28 =	simm.s32 $_size_execute0_lowered;
	s3 =	sadd.s32 s3, s5;
	[dreg:$0x0] =	wrdreg $0x0  }
0xa8: {  	s5 =	sshll.u32 s28, $0x1;
	[dreg:$0x2] =	wrdreg s3  }
0xa9: {  	[dreg:$0x3] =	wrdreg s5  }
0xaa: {  	[dreg:$0x4] =	wrdreg $0xC0  }
0xab: {  	_ =	task [dreg:s7], $0x5FFFF  }
0xac: {  	[dreg:$0x1] =	wrdreg $0xFFFFFFFF  }
0xad: {  	[dreg:$0x0] =	wrdreg $0x60  }
0xae: {  	[dreg:$0x2] =	wrdreg s24  }
0xaf: {  	[dreg:$0x3] =	wrdreg s2  }
0xb0: {  	[dreg:$0x4] =	wrdreg $0x9  }
0xb1: {  	_ =	task.clear_ibuf [dreg:s7], $0x5FFFF;
	_ =	strace $0x90000055  }
0xb2: {  	s29 =	simm.s32 $0x9;
	_ =	strace $0x80000057  }
0xb3: {  	_ =	swait.ge [sflag:s29], $0x1  }
0xb4: {  	[sflag:s29] =	ssyncadd.s32 $0xFFFFFFFF  }
0xb5: {  	_ =	strace $0x90000057  }
0xb6: {  	_ =	sfence  }
0xb7: {  	s30 =	sld [smem:$0x0];
	_ =	sdelay $0x2  }
0xb8: {  	s31 =	sshll.u32 s1, $0xD;
	s1 =	sshrl.u32 s1, $0x2  }
0xb9: {  	s3 =	sand.u32 $0x4000, s31;
	s1 =	sadd.s32 s1, s30  }
0xba: {  	s0 =	sor.u32 s3, s0;
	s1 =	sshll.u32 s1, $0x11  }
0xbb: {  	s0 =	sor.u32 s1, s0  }
0xbc: {  	s0 =	sadd.s32 $0x8F2B, s0  }
0xbd: {  	[sflag:s0] =	ssyncadd.remote.s32 $0x1  }
0xbe: {  	_ =	sfence.sel $0xFFFF  }
0xbf: {  	[dreg:$0x0] =	wrdreg $0xFFFFFFFF;
	(pc) =	sbr.abs _section_cstart, $3  }
0xc0: {  	[dreg:$0x1] =	wrdreg $0xFFFFFFFF  }
0xc1: {  	_ =	task.clear_ibuf [dreg:s7], $0x2FFFF;
	_ =	strace $0x9FFFFFFF  }
0xc2: {  	(tm) =	ssettm $0x7FFFFFFF  }
0xc3: {  	_ =	shalt  }
tec
execute0_lowered:
.L_overlay_start_1:
0x0: {  	(tag) =	ssettag $0x1  }
0x1: {  	s4 =	rddreg [dreg:$0x0];
	s1 =	srdreg.scid  }
0x2: {  	s0 =	stileid.u32;
	s5 =	rddreg [dreg:$0x1]  }
0x3: {  	s2 =	simm.s32 $0x0;
	s14 =	simm.s32 $0x3;
	s15 =	simm.s32 $0x3110  }
0x4: {  	s16 =	simm.s32 $0x1;
	s17 =	simm.s32 $0x2;
	s12 =	smul.u32 $0x4E20, s0  }
0x5: {  	s18 =	simm.s32 $0x26C0;
	s6 =	sand.u32 $0x1, s1;
	s28 =	smul.u32 $0x13880, s0  }
0x6: {  	s19 =	simm.s32 $0x0;
	s3 =	sshll.u32 s0, $0x1;
	s13 =	smul.u32 $0x2710, s6  }
0x7: {  	s1 =	rddreg [dreg:$0x2];
	s7 =	sor.u32 s6, s3;
	s30 =	smul.u32 $0x9C40, s6  }
0x8: {  	[smem:$0x7FF] =	sst s2;
	s11 =	sadd.s32 $0xDF000, s4;
	s8 =	smul.u32 $0x4E2, s7  }
0x9: {  	_ =	strace $0x80000056;
	s10 =	ssub.s32 $0x2, s6;
	s9 =	smul.u32 $0x4E200, s7  }
0xa: {  	s3 =	sadd.s32 $0xD5200, s4;
	s7 =	smul.u32 $0x9C40, s7;
	s25 =	sshrl.u32 s10, $0x1  }
0xb: {  	s10 =	ssub.s32 s10, s25;
	s29 =	sadd.s32 s13, s12;
	s12 =	simm.s32 $0x50  }
0xc: {  	s13 =	simm.s32 $0x2710;
	s9 =	sshrl.u32 s9, $0x3;
	s4 =	sadd.s32 s5, s8  }
0xd: {  	s6 =	smax.u32 s10, $0x1;
	s8 =	sadd.s32 s28, s11;
	s7 =	sadd.s32 s11, s7  }
0xe: {  	s26 =	sadd.s32 s11, s9;
	s9 =	sshll.u32 s29, $0x2;
	s31 =	sadd.s32 s30, s8  }
0xf: {  	s8 =	sadd.s32 $0x140, s7;
	s5 =	sadd.s32 $0x9B00, s26;
	s9 =	sadd.s32 s11, s9  }
0x10: {  	s10 =	sadd.s32 $0x280, s31;
	s11 =	simm.s32 $0x4;
	s9 =	sadd.s32 $0x3C0, s9  }
.LBB2_1:
0x11: {  	[tilespmem:s2], [sflag:$0x4] =	stream.linear.gather [hbm4b:s4+s2], $0x2710, $0x38;
	[tilespmem:$0x3B10] =	vst v63  }
0x12: {  	_ =	swait.ge [sflag:s11], $0x2710  }
0x13: {  	[sflag:s11] =	ssyncset.done $0x0  }
0x14: {  	[sflag:s11] =	ssyncadd.s32 $0xFFFFD8F0  }
0x15: {  	[tilespmem:s13], [sflag:$0x3] =	stream.indirect.gather [hbm4b:s3+s12], $0x20, s2, s12, $0xb8;
	[tilespmem:$0x3B10] =	vst v63  }
0x16: {  	_ =	swait.ge [sflag:s14], $0xA00  }
0x17: {  	[sflag:s14] =	ssyncset.done $0x0  }
0x18: {  	[sflag:s14] =	ssyncadd.s32 $0xFFFFF600  }
0x19: {  	[hbm4b:s7+s2] =	stream.linear.scatter [tilespmem:s13], [sflag:$0x1], $0xA00, $0x38;
	[tilespmem:$0x3B10] =	vst v63  }
0x1a: {  	_ = 	snop  }
0x1b: {  	[tilespmem:s15], [sflag:$0x3] =	stream.indirect.gather [hbm4b:s3+s12], $0x20, s12, s12, $0xb8;
	[tilespmem:$0x3B10] =	vst v63  }
0x1c: {  	_ =	swait.ge [sflag:s14], $0xA00  }
0x1d: {  	[sflag:s14] =	ssyncset.done $0x0  }
0x1e: {  	[sflag:s14] =	ssyncadd.s32 $0xFFFFF600  }
0x1f: {  	[hbm4b:s8+s2] =	stream.linear.scatter [tilespmem:s15], [sflag:$0x2], $0xA00, $0x38;
	[tilespmem:$0x3B10] =	vst v63  }
0x20: {  	_ =	swait.ge [sflag:s16], $0xA00  }
0x21: {  	[sflag:s16] =	ssyncset.done $0x0  }
0x22: {  	s20 =	simm.s32 $0xA0;
	[sflag:s16] =	ssyncadd.s32 $0xFFFFF600  }
0x23: {  	[tilespmem:s13], [sflag:$0x3] =	stream.indirect.gather [hbm4b:s3+s12], $0x20, s20, s12, $0xb8;
	[tilespmem:$0x3B10] =	vst v63  }
0x24: {  	_ =	swait.ge [sflag:s14], $0xA00  }
0x25: {  	[sflag:s14] =	ssyncset.done $0x0  }
0x26: {  	s30 =	sadd.s32 $0x0, s10;
	[sflag:s14] =	ssyncadd.s32 $0xFFFFF600  }
0x27: {  	[hbm4b:s30+s2] =	stream.linear.scatter [tilespmem:s13], [sflag:$0x1], $0xA00, $0x38;
	[tilespmem:$0x3B10] =	vst v63  }
0x28: {  	_ =	swait.ge [sflag:s17], $0xA00  }
0x29: {  	[sflag:s17] =	ssyncset.done $0x0  }
0x2a: {  	s31 =	simm.s32 $0xF0;
	[sflag:s17] =	ssyncadd.s32 $0xFFFFF600  }
0x2b: {  	[tilespmem:s15], [sflag:$0x3] =	stream.indirect.gather [hbm4b:s3+s12], $0x20, s31, s12, $0xb8;
	[tilespmem:$0x3B10] =	vst v63  }
0x2c: {  	_ =	swait.ge [sflag:s14], $0xA00  }
0x2d: {  	[sflag:s14] =	ssyncset.done $0x0  }
0x2e: {  	s21 =	sadd.s32 $0x0, s9;
	s20 =	simm.s32 $0x280;
	[sflag:s14] =	ssyncadd.s32 $0xFFFFF600  }
.LBB2_2:
0x2f: {  	[hbm4b:s21+s2] =	stream.linear.scatter [tilespmem:s15], [sflag:$0x2], $0xA00, $0x38;
	[tilespmem:$0x3B10] =	vst v63  }
0x30: {  	s21 =	smov.u32 s20  }
0x31: {  	p0 =	sne.s32 s20, $0x9600;
	s20 =	sadd.s32 $0x280, s20;
	_ =	swait.ge [sflag:s16], $0xA00  }
0x32: {  	s22 =	sshra.s32 s21, $0x2;
	[sflag:s16] =	ssyncset.done $0x0  }
0x33: {  	s23 =	sadd.s32 $0xA0, s22;
	[sflag:s16] =	ssyncadd.s32 $0xFFFFF600  }
0x34: {  	[tilespmem:s13], [sflag:$0x3] =	stream.indirect.gather [hbm4b:s3+s12], $0x20, s23, s12, $0xb8;
	[tilespmem:$0x3B10] =	vst v63  }
0x35: {  	_ =	swait.ge [sflag:s14], $0xA00  }
0x36: {  	[sflag:s14] =	ssyncset.done $0x0  }
0x37: {  	s23 =	sadd.s32 s21, s10;
	[sflag:s14] =	ssyncadd.s32 $0xFFFFF600  }
0x38: {  	[hbm4b:s23+s2] =	stream.linear.scatter [tilespmem:s13], [sflag:$0x1], $0xA00, $0x38;
	[tilespmem:$0x3B10] =	vst v63  }
0x39: {  	_ =	swait.ge [sflag:s17], $0xA00  }
0x3a: {  	[sflag:s17] =	ssyncset.done $0x0  }
.Ltmp0:
0x3b: {  	s22 =	sadd.s32 $0xF0, s22;
	[sflag:s17] =	ssyncadd.s32 $0xFFFFF600;
	(pc) =	sbr.rel @p0 .LBB2_2-.Ltmp0, $4  }
0x3c: {  	[tilespmem:s15], [sflag:$0x3] =	stream.indirect.gather [hbm4b:s3+s12], $0x20, s22, s12, $0xb8;
	[tilespmem:$0x3B10] =	vst v63  }
0x3d: {  	_ =	swait.ge [sflag:s14], $0xA00  }
0x3e: {  	[sflag:s14] =	ssyncset.done $0x0  }
0x3f: {  	s21 =	sadd.s32 s21, s9;
	[sflag:s14] =	ssyncadd.s32 $0xFFFFF600  }
0x40: {  	[hbm4b:s21+s2] =	stream.linear.scatter [tilespmem:s15], [sflag:$0x2], $0xA00, $0x38;
	[tilespmem:$0x3B10] =	vst v63  }
0x41: {  	_ =	swait.ge [sflag:s16], $0xA00  }
0x42: {  	[sflag:s16] =	ssyncset.done $0x0  }
0x43: {  	[sflag:s16] =	ssyncadd.s32 $0xFFFFF600  }
0x44: {  	[tilespmem:s13], [sflag:$0x3] =	stream.indirect.gather [hbm4b:s3+s12], $0x20, s18, s12, $0xb8;
	[tilespmem:$0x3B10] =	vst v63  }
0x45: {  	_ =	swait.ge [sflag:s14], $0xA00  }
0x46: {  	[sflag:s14] =	ssyncset.done $0x0  }
0x47: {  	s19 =	sadd.s32 $0x1, s19;
	[sflag:s14] =	ssyncadd.s32 $0xFFFFF600  }
0x48: {  	[hbm4b:s5+s2] =	stream.linear.scatter [tilespmem:s13], [sflag:$0x1], $0xA00, $0x38;
	[tilespmem:$0x3B10] =	vst v63  }
0x49: {  	p0 =	sne.s32 s19, s6;
	_ =	swait.ge [sflag:s17], $0xA00  }
.Ltmp1:
0x4a: {  	[sflag:s17] =	ssyncset.done $0x0;
	(pc) =	sbr.rel @p0 .LBB2_1-.Ltmp1, $4  }
0x4b: {  	[sflag:s17] =	ssyncadd.s32 $0xFFFFF600  }
0x4c: {  	_ =	swait.ge [sflag:s16], $0xA00  }
0x4d: {  	[sflag:s16] =	ssyncset.done $0x0  }
0x4e: {  	[sflag:s16] =	ssyncadd.s32 $0xFFFFF600  }
0x4f: {  	_ =	sfence.sel $0x180000  }
0x50: {  	[bflag:$0x0] =	sbarrier.arrive $0xFFFF  }
0x51: {  	p0 =	sne.s32 s0, $0x0;
	_ =	strace $0x90000056  }
0x52: {  	s0 =	sadd.s32 @!p0 $0x100000, s1;
	[bflag:$0x2] =	sbarrier.arrive $0xFFFF  }
0x53: {  	[sflag:s0] =	ssyncadd.tile.s32 @!p0 $0x1;
	_ =	shalt  }
.Lfunc_end2:
_tile_overlayer_lowered:
.L_overlay_start_2:
0x54: {  	(tag) =	ssettag $0x2  }
0x55: {  	s0 =	rddreg [dreg:$0x0];
	s2 =	stileid.u32  }
0x56: {  	s1 =	rddreg [dreg:$0x1];
	p0 =	sne.s32 s2, $0x0  }
0x57: {  	s3 =	rddreg [dreg:$0x2];
	[bflag:$0x3] =	sbarrier.arrive $0xFFFF;
	s2 =	simm.s32 @!p0 $0x1C04  }
0x58: {  	[timem:s3], [sflag:s2] =	dma.local @!p0 [hbm:s0], s1  }
0x59: {  	s0 =	simm.s32 @!p0 $0x4  }
0x5a: {  	_ =	swait.ge @!p0 [sflag:s0], s1  }
0x5b: {  	s1 =	ssub.s32 @!p0 $0x0, s1;
	[sflag:s0] =	ssyncset.done @!p0 $0x0  }
0x5c: {  	[sflag:s0] =	ssyncadd.s32 @!p0 s1  }
0x5d: {  	[bflag:$0x3] =	sbarrier.arrive $0xFFFF  }
0x5e: {  	_ =	shalt  }

// kernel: kernel.28.cloned.1.call-start
scs
__scs_entry_jumppad:
0x0: {  	(pc) =	sbr.rel $0x88, $3  }
0x1: {  	(tag) =	ssettag $0x0;
	lr =	simm.s32 $0x1  }
0x2: {  	[smem:$0x3F98] =	sst lr;
	_ =	strace $0xD0000000  }
0x3: {  	_ = 	snop  }
0x4: {  	_ = 	snop  }
0x5: {  	_ = 	snop  }
0x6: {  	_ = 	snop  }
0x7: {  	_ = 	snop  }
__scs_overlays_trampoline_lowered:
0x8: {  	[smem:$0x3FA7] =	sst s0  }
0x9: {  	[smem:$0x3FA8] =	sst s1  }
0xa: {  	[smem:$0x3FA9] =	sst s2  }
0xb: {  	[smem:$0x3FAA] =	sst s3  }
0xc: {  	[smem:$0x3FAB] =	sst s4  }
0xd: {  	[smem:$0x3FAC] =	sst s5  }
0xe: {  	[smem:$0x3FAD] =	sst s6  }
0xf: {  	[smem:$0x3FAE] =	sst s7  }
0x10: {  	[smem:$0x3FAF] =	sst s8  }
0x11: {  	[smem:$0x3FB0] =	sst s9;
	s0 =	simm.s32 @!p0 $0x0  }
0x12: {  	s1 =	sld [smem:$0x3F96];
	s0 =	simm.s32 @p0 $0x1  }
0x13: {  	[smem:$0x3FB1] =	sst s0;
	s0 =	simm.s32 @!p1 $0x0  }
0x14: {  	s2 =	sld [smem:$0x3F95];
	s0 =	simm.s32 @p1 $0x1  }
0x15: {  	[smem:$0x3FB2] =	sst s0;
	s0 =	simm.s32 @!p2 $0x0  }
0x16: {  	s3 =	sld [smem:$0x3FDB];
	s0 =	simm.s32 @p2 $0x1  }
0x17: {  	s4 =	simm.s32 $0x1BF5;
	[smem:$0x3FB4] =	sst s0  }
0x18: {  	s0 =	sld [smem:$0x3F97];
	_ =	swait.ge [sflag:s4], $0x0  }
0x19: {  	s7 =	sld [smem:$0x3F98]  }
0x1a: {  	s8 =	sadd.s32 $0xFFFFE003, lr  }
0x1b: {  	s9 =	sadd.s32 $0xFFFFFEF7, lr;
	s5 =	simm.s32 $0xFFFFFFFF;
	p2 =	slt.u32 s8, $0xFFFFF086  }
0x1c: {  	p1 =	slt.u32 s9, $0xF7A;
	s5 =	simm.s32 @!p2 $0x0  }
0x1d: {  	s5 =	simm.s32 @p1 $0x1;
	p0 =	seq.s32 s7, s2  }
0x1e: {  	s7 =	smul.u32 @!p0 $0xF7A, s2;
	p2 =	seq.s32 @!p0 s5, $0x0  }
0x1f: {  	s9 =	smul.u32 $0xF7A, s1;
	s8 =	simm.s32 @!p0 $0x1BF5;
	p2 =	por !p2, p0  }
0x20: {  	[sflag:s8] =	ssyncset.s32 @!p0 $0xFFFFF086;
	s6 =	sadd.s32 @!p0 s3, s7;
	s7 =	simm.s32 @!p0 $0x108  }
0x21: {  	s3 =	sadd.s32 s3, s9;
	s6 =	sadd.s32 @!p0 $0x88, s6;
	s7 =	simm.s32 @p2 $0x1082  }
0x22: {  	[simem:s7], [sflag:s8] =	dma.local @!p0 [hbm:s6], $0xF7A  }
0x23: {  	s9 =	sor.u32 $0xD0000000, s2;
	s6 =	simm.s32 $0x108;
	_ =	swait.ge @!p0 [sflag:s8], $0x0  }
0x24: {  	s3 =	sadd.s32 $0x88, s3;
	s6 =	simm.s32 @!p1 $0x1082;
	[sflag:s4] =	ssyncset.s32 $0xFFFFF086  }
0x25: {  	[simem:s6], [sflag:s4] =	dma.local [hbm:s3], $0xF7A  }
0x26: {  	[smem:$0x3F98] =	sst s1;
	(tag) =	ssettag s2;
	_ =	strace s9  }
0x27: {  	s1 =	sld [smem:$0x3FA8]  }
0x28: {  	s2 =	sld [smem:$0x3FA9]  }
0x29: {  	s4 =	sld [smem:$0x3FAB]  }
0x2a: {  	p0 =	seq.s32 s5, $0x0;
	s5 =	sld [smem:$0x3FAC]  }
0x2b: {  	s6 =	sld [smem:$0x3FAD]  }
0x2c: {  	s7 =	sld [smem:$0x3FAE]  }
0x2d: {  	s3 =	simm.s32 $0x108;
	s8 =	sld [smem:$0x3FAF]  }
0x2e: {  	s3 =	simm.s32 @!p0 $0x1082;
	s9 =	sld [smem:$0x3FB0]  }
0x2f: {  	lr =	sadd.s32 s0, s3;
	s0 =	sld [smem:$0x3FA7]  }
0x30: {  	s3 =	sld [smem:$0x3FAA]  }
0x31: {  	[smem:$0x3FB3] =	sst s10  }
0x32: {  	s10 =	sld [smem:$0x3FB1];
	_ =	sdelay $0x3  }
0x33: {  	p0 =	seq.s32 s10, $0x1;
	s10 =	sld [smem:$0x3FB3];
	_ =	sdelay $0x3  }
0x34: {  	[smem:$0x3FB3] =	sst s10  }
0x35: {  	s10 =	sld [smem:$0x3FB2];
	_ =	sdelay $0x3  }
0x36: {  	p1 =	seq.s32 s10, $0x1;
	s10 =	sld [smem:$0x3FB3];
	_ =	sdelay $0x3  }
0x37: {  	[smem:$0x3FB3] =	sst s10  }
0x38: {  	s10 =	sld [smem:$0x3FB4]  }
0x39: {  	_ = 	snop;
	(pc) =	sbr.ind lr, $3  }
0x3a: {  	_ = 	snop  }
0x3b: {  	_ = 	snop  }
0x3c: {  	p2 =	seq.s32 s10, $0x1;
	s10 =	sld [smem:$0x3FB3]  }
0x3d: {  	_ =	shalt  }
0x3e: {  	_ =	shalt  }
0x3f: {  	_ =	shalt  }
0x40: {  	_ =	shalt  }
0x41: {  	_ =	shalt  }
0x42: {  	_ =	shalt  }
0x43: {  	_ =	shalt  }
0x44: {  	_ =	shalt  }
0x45: {  	_ =	shalt  }
0x46: {  	_ =	shalt  }
0x47: {  	_ =	shalt  }
0x48: {  	_ =	shalt  }
0x49: {  	_ =	shalt  }
0x4a: {  	_ =	shalt  }
0x4b: {  	_ =	shalt  }
0x4c: {  	_ =	shalt  }
0x4d: {  	_ =	shalt  }
0x4e: {  	_ =	shalt  }
0x4f: {  	_ =	shalt  }
0x50: {  	_ =	shalt  }
0x51: {  	_ =	shalt  }
0x52: {  	_ =	shalt  }
0x53: {  	_ =	shalt  }
0x54: {  	_ =	shalt  }
0x55: {  	_ =	shalt  }
0x56: {  	_ =	shalt  }
0x57: {  	_ =	shalt  }
0x58: {  	_ =	shalt  }
0x59: {  	_ =	shalt  }
0x5a: {  	_ =	shalt  }
0x5b: {  	_ =	shalt  }
0x5c: {  	_ =	shalt  }
0x5d: {  	_ =	shalt  }
0x5e: {  	_ =	shalt  }
0x5f: {  	_ =	shalt  }
0x60: {  	_ =	shalt  }
0x61: {  	_ =	shalt  }
0x62: {  	_ =	shalt  }
0x63: {  	_ =	shalt  }
0x64: {  	_ =	shalt  }
0x65: {  	_ =	shalt  }
0x66: {  	_ =	shalt  }
0x67: {  	_ =	shalt  }
0x68: {  	_ =	shalt  }
0x69: {  	_ =	shalt  }
0x6a: {  	_ =	shalt  }
0x6b: {  	_ =	shalt  }
0x6c: {  	_ =	shalt  }
0x6d: {  	_ =	shalt  }
0x6e: {  	_ =	shalt  }
0x6f: {  	_ =	shalt  }
0x70: {  	_ =	shalt  }
0x71: {  	_ =	shalt  }
0x72: {  	_ =	shalt  }
0x73: {  	_ =	shalt  }
0x74: {  	_ =	shalt  }
0x75: {  	_ =	shalt  }
0x76: {  	_ =	shalt  }
0x77: {  	_ =	shalt  }
0x78: {  	_ =	shalt  }
0x79: {  	_ =	shalt  }
0x7a: {  	_ =	shalt  }
0x7b: {  	_ =	shalt  }
0x7c: {  	_ =	shalt  }
0x7d: {  	_ =	shalt  }
0x7e: {  	_ =	shalt  }
0x7f: {  	_ =	shalt  }
0x80: {  	_ =	shalt  }
0x81: {  	_ =	shalt  }
0x82: {  	_ =	shalt  }
0x83: {  	_ =	shalt  }
0x84: {  	_ =	shalt  }
0x85: {  	_ =	shalt  }
0x86: {  	_ =	shalt  }
0x87: {  	_ =	shalt  }
.Lfunc_end0:
.L_simem_size_0:
called_computation.7_lowered:
.L_overlay_start_0:
0x88: {  	s2 =	sld [smem:$0x3FD9]  }
0x89: {  	s3 =	sld [smem:$0x3FFE];
	_ =	sdelay $0x1  }
0x8a: {  	s1 =	srdreg.scid  }
0x8b: {  	s0 =	sand.u32 $0x1, s1  }
0x8c: {  	s17 =	sshll.u32 s0, $0xA;
	s2 =	sadd.s32 s3, s2  }
0x8d: {  	s2 =	sadd.s32 s2, s17  }
0x8e: {  	[smem:$0x3FBF] =	sst s2  }
0x8f: {  	_ = 	snop  }
0x90: {  	s2 =	sld [smem:$0x3FC6];
	(tm) =	ssettm $0x1  }
0x91: {  	s18 =	sld [smem:$0x3FFB];
	_ =	sdelay $0x3  }
0x92: {  	_ =	strace s18  }
0x93: {  	s3 =	sld [smem:$0x3FFC];
	_ =	sdelay $0x3  }
0x94: {  	_ =	strace s3  }
0x95: {  	s3 =	sld [smem:$0x3FFD];
	_ =	sdelay $0x3  }
0x96: {  	_ =	strace s3  }
0x97: {  	_ =	strace $0x8FFFFFFF  }
0x98: {  	s19 =	sld [smem:$0x3FDB];
	_ =	sdelay $0x1  }
0x99: {  	s4 =	simm.s32 $_scs_section_size  }
0x9a: {  	s5 =	simm.s32 $_size__tile_overlayer_lowered;
	s6 =	simm.s32 $_tile_overlayer_lowered  }
0x9b: {  	s22 =	simm.s32 $0x1BFF;
	s21 =	sshll.u32 s6, $0x1;
	s3 =	sadd.s32 s4, s19  }
0x9c: {  	s7 =	simm.s32 $0x0;
	s20 =	sshll.u32 s5, $0x1;
	s5 =	sadd.s32 s21, s3  }
0x9d: {  	[timem:s7], [sflag:s22] =	dma.local [hbm:s5], s20  }
0x9e: {  	_ =	swait.ge [sflag:s22], s20  }
0x9f: {  	s4 =	ssub.s32 $0x0, s20;
	[sflag:s22] =	ssyncset.done $0x0  }
0xa0: {  	[sflag:s22] =	ssyncadd.s32 s4;
	_ =	sdelay $0x1  }
0xa1: {  	s23 =	simm.s32 $0x1B8B  }
0xa2: {  	_ =	swait.ge [sflag:s23], $0x1  }
0xa3: {  	[sflag:s23] =	ssyncset.done $0x0  }
0xa4: {  	s25 =	simm.s32 $0x1B8E;
	s24 =	sld [smem:$0x3FFE];
	[sflag:s23] =	ssyncadd.s32 $0xFFFFFFFF  }
0xa5: {  	s26 =	simm.s32 $execute0_lowered;
	[smem:$0x3FD2] =	sst s25  }
0xa6: {  	s5 =	sshll.u32 s26, $0x1;
	_ =	strace $0x8000005B;
	[dreg:$0x1] =	wrdreg $0xFFFFFFFF  }
0xa7: {  	s28 =	simm.s32 $_size_execute0_lowered;
	s3 =	sadd.s32 s3, s5;
	[dreg:$0x0] =	wrdreg $0x0  }
0xa8: {  	s5 =	sshll.u32 s28, $0x1;
	[dreg:$0x2] =	wrdreg s3  }
0xa9: {  	[dreg:$0x3] =	wrdreg s5  }
0xaa: {  	[dreg:$0x4] =	wrdreg $0xC0  }
0xab: {  	_ =	task [dreg:s7], $0x5FFFF  }
0xac: {  	[dreg:$0x1] =	wrdreg $0xFFFFFFFF  }
0xad: {  	[dreg:$0x0] =	wrdreg $0x60  }
0xae: {  	[dreg:$0x2] =	wrdreg s24  }
0xaf: {  	[dreg:$0x3] =	wrdreg s2  }
0xb0: {  	[dreg:$0x4] =	wrdreg $0x9E200  }
0xb1: {  	[dreg:$0x5] =	wrdreg $0x9  }
0xb2: {  	_ =	task.clear_ibuf [dreg:s7], $0x6FFFF;
	_ =	strace $0x9000005B  }
0xb3: {  	s29 =	simm.s32 $0x9;
	_ =	strace $0x8000005D  }
0xb4: {  	_ =	swait.ge [sflag:s29], $0x1  }
0xb5: {  	[sflag:s29] =	ssyncadd.s32 $0xFFFFFFFF  }
0xb6: {  	_ =	strace $0x9000005D  }
0xb7: {  	_ =	sfence  }
0xb8: {  	s30 =	sld [smem:$0x0];
	_ =	sdelay $0x2  }
0xb9: {  	s31 =	sshll.u32 s1, $0xD;
	s1 =	sshrl.u32 s1, $0x2  }
0xba: {  	s3 =	sand.u32 $0x4000, s31;
	s1 =	sadd.s32 s1, s30  }
0xbb: {  	s0 =	sor.u32 s3, s0;
	s1 =	sshll.u32 s1, $0x11  }
0xbc: {  	s0 =	sor.u32 s1, s0  }
0xbd: {  	s0 =	sadd.s32 $0x8F2B, s0  }
0xbe: {  	[sflag:s0] =	ssyncadd.remote.s32 $0x1  }
0xbf: {  	_ =	sfence.sel $0xFFFF  }
0xc0: {  	[dreg:$0x0] =	wrdreg $0xFFFFFFFF;
	(pc) =	sbr.abs _section_cstart, $3  }
0xc1: {  	[dreg:$0x1] =	wrdreg $0xFFFFFFFF  }
0xc2: {  	_ =	task.clear_ibuf [dreg:s7], $0x2FFFF;
	_ =	strace $0x9FFFFFFF  }
0xc3: {  	(tm) =	ssettm $0x7FFFFFFF  }
tec
execute0_lowered:
.L_overlay_start_1:
0x0: {  	(tag) =	ssettag $0x1  }
0x1: {  	s0 =	rddreg [dreg:$0x0]  }
0x2: {  	s2 =	rddreg [dreg:$0x1]  }
0x3: {  	s1 =	rddreg [dreg:$0x2];
	s3 =	simm.s32 $0x0;
	s13 =	srdreg.scid  }
0x4: {  	s10 =	stileid.u32;
	s28 =	simm.s32 $0x4E20;
	s29 =	simm.s32 $0x80  }
0x5: {  	s30 =	simm.s32 $0x200;
	s31 =	simm.s32 $0x7620;
	s6 =	smul.u32 $0x9C4, s10  }
0x6: {  	[smem:$0x7FF] =	sst s3;
	s3 =	sand.u32 $0x1, s13;
	s8 =	smul.u32 $0x4E200, s10  }
0x7: {  	s4 =	sadd.s32 $0x1A81800, s0;
	s5 =	sadd.s32 $0x7400, s0;
	s15 =	smul.u32 $0x13880, s10  }
0x8: {  	s0 =	sadd.s32 $0x11A00, s0;
	_ =	strace $0x8000005C;
	s7 =	ssub.s32 $0x2, s3  }
0x9: {  	s17 =	sshll.u32 s3, $0x8;
	s21 =	smul.u32 $0x271000, s3;
	s3 =	sshllo.u32 s3, $0x1  }
0xa: {  	s9 =	sshrl.u32 s7, $0x1;
	s2 =	sadd.s32 s2, s6;
	s6 =	smul.u32 $0x9C4000, s10  }
0xb: {  	s8 =	sshrl.u32 s8, $0x2;
	s25 =	sshll.u32 s3, $0x7;
	s3 =	smul.u32 $0x138800, s3  }
0xc: {  	s16 =	ssub.s32 s7, s9;
	[dreg:$0x4] =	wrdreg s2;
	s14 =	sadd.s32 s8, s1  }
0xd: {  	s7 =	sadd.s32 s15, s1;
	s24 =	sadd.s32 s15, s21;
	s8 =	sadd.s32 $0x2800, s14  }
0xe: {  	s9 =	sadd.s32 $0x5000, s14;
	s10 =	sadd.s32 $0x7800, s14;
	s11 =	sadd.s32 $0xA000, s14  }
0xf: {  	s12 =	sadd.s32 $0xC800, s14;
	s13 =	sadd.s32 $0xF000, s14;
	s18 =	sor.u32 s17, s6  }
0x10: {  	s20 =	sadd.s32 $0xA000, s6;
	s14 =	sadd.s32 $0x11800, s14;
	s3 =	sadd.s32 s15, s3  }
0x11: {  	s15 =	simm.s32 $0x4DD0;
	s19 =	sshrl.u32 s18, $0x3;
	s23 =	sor.u32 s17, s20  }
0x12: {  	s17 =	sshrl.u32 s24, $0x3;
	s3 =	sshrl.u32 s3, $0x3;
	s21 =	sadd.s32 $0x1E000, s18  }
0x13: {  	s22 =	sadd.s32 s4, s19;
	s2 =	sshrl.u32 s23, $0x3;
	s26 =	sadd.s32 s0, s17  }
0x14: {  	s17 =	sor.u32 s6, s25;
	s19 =	sor.u32 s20, s25;
	s0 =	sadd.s32 s0, s3  }
0x15: {  	s23 =	sadd.s32 $0x1E080, s18;
	s25 =	sadd.s32 $0x14080, s18;
	[dreg:$0x5] =	wrdreg s22  }
0x16: {  	s3 =	simm.s32 $0x2;
	s2 =	sadd.s32 s4, s2;
	[dreg:$0x7] =	wrdreg s26  }
0x17: {  	s20 =	sshrl.u32 s19, $0x3;
	[dreg:$0xa] =	wrdreg s0;
	s22 =	smax.u32 s16, $0x1  }
0x18: {  	s0 =	sshrl.u32 s21, $0x3;
	s24 =	sshrl.u32 s23, $0x3;
	s23 =	sadd.s32 $0x14000, s18  }
0x19: {  	s26 =	sshrl.u32 s25, $0x3;
	s16 =	simm.s32 $0x0;
	[dreg:$0x6] =	wrdreg s2  }
0x1a: {  	s2 =	sshrl.u32 s17, $0x3;
	[dreg:$0xb] =	wrdreg s22;
	s22 =	sadd.s32 s0, s4  }
0x1b: {  	s24 =	sadd.s32 s24, s4;
	s25 =	sadd.s32 s26, s4;
	s2 =	sadd.s32 s4, s2  }
0x1c: {  	s26 =	simm.s32 $0x3;
	[dreg:$0x8] =	wrdreg s2;
	s2 =	sadd.s32 s4, s20  }
0x1d: {  	s0 =	simm.s32 $0x1;
	[dreg:$0x9] =	wrdreg s2;
	s2 =	simm.s32 $0x50  }
.LBB2_1:
0x1e: {  	s6 =	simm.s32 $0x0;
	s17 =	rddreg [dreg:$0x4]  }
0x1f: {  	[tilespmem:s6], [sflag:$0x3] =	stream.linear.gather [hbm4b:s17+s6], $0x4E20, $0x38;
	[tilespmem:$0x1D6A0] =	vst v63  }
0x20: {  	_ =	swait.ge [sflag:s26], $0x4E20  }
0x21: {  	[sflag:s26] =	ssyncset.done $0x0  }
0x22: {  	[sflag:s26] =	ssyncadd.s32 $0xFFFFB1E0  }
0x23: {  	[tilespmem:s28], [sflag:$0x3] =	stream.linear.gather [hbm4b:s5+s6], $0x2800, $0x38;
	[tilespmem:$0x1D6A0] =	vst v63  }
0x24: {  	_ =	swait.ge [sflag:s26], $0x2800  }
0x25: {  	[sflag:s26] =	ssyncset.done $0x0  }
0x26: {  	[sflag:s26] =	ssyncadd.s32 $0xFFFFD800  }
0x27: {  	[spmem:s7] =	stream.linear.scatter [tilespmem:s28], [sflag:$0x3], $0x2800, $0x38;
	[tilespmem:$0x1D6A0] =	vst v63  }
0x28: {  	_ =	swait.ge [sflag:s26], $0x2800  }
0x29: {  	[sflag:s26] =	ssyncset.done $0x0  }
0x2a: {  	[sflag:s26] =	ssyncadd.s32 $0xFFFFD800  }
0x2b: {  	[spmem:s8] =	stream.linear.scatter [tilespmem:s28], [sflag:$0x3], $0x2800, $0x38;
	[tilespmem:$0x1D6A0] =	vst v63  }
0x2c: {  	_ =	swait.ge [sflag:s26], $0x2800  }
0x2d: {  	[sflag:s26] =	ssyncset.done $0x0  }
0x2e: {  	[sflag:s26] =	ssyncadd.s32 $0xFFFFD800  }
0x2f: {  	[spmem:s9] =	stream.linear.scatter [tilespmem:s28], [sflag:$0x3], $0x2800, $0x38;
	[tilespmem:$0x1D6A0] =	vst v63  }
0x30: {  	_ =	swait.ge [sflag:s26], $0x2800  }
0x31: {  	[sflag:s26] =	ssyncset.done $0x0  }
0x32: {  	[sflag:s26] =	ssyncadd.s32 $0xFFFFD800  }
0x33: {  	[spmem:s10] =	stream.linear.scatter [tilespmem:s28], [sflag:$0x3], $0x2800, $0x38;
	[tilespmem:$0x1D6A0] =	vst v63  }
0x34: {  	_ =	swait.ge [sflag:s26], $0x2800  }
0x35: {  	[sflag:s26] =	ssyncset.done $0x0  }
0x36: {  	[sflag:s26] =	ssyncadd.s32 $0xFFFFD800  }
0x37: {  	[spmem:s11] =	stream.linear.scatter [tilespmem:s28], [sflag:$0x3], $0x2800, $0x38;
	[tilespmem:$0x1D6A0] =	vst v63  }
0x38: {  	_ =	swait.ge [sflag:s26], $0x2800  }
0x39: {  	[sflag:s26] =	ssyncset.done $0x0  }
0x3a: {  	[sflag:s26] =	ssyncadd.s32 $0xFFFFD800  }
0x3b: {  	[spmem:s12] =	stream.linear.scatter [tilespmem:s28], [sflag:$0x3], $0x2800, $0x38;
	[tilespmem:$0x1D6A0] =	vst v63  }
0x3c: {  	_ =	swait.ge [sflag:s26], $0x2800  }
0x3d: {  	[sflag:s26] =	ssyncset.done $0x0  }
0x3e: {  	[sflag:s26] =	ssyncadd.s32 $0xFFFFD800  }
0x3f: {  	[spmem:s13] =	stream.linear.scatter [tilespmem:s28], [sflag:$0x3], $0x2800, $0x38;
	[tilespmem:$0x1D6A0] =	vst v63  }
0x40: {  	_ =	swait.ge [sflag:s26], $0x2800  }
0x41: {  	[sflag:s26] =	ssyncset.done $0x0  }
0x42: {  	[sflag:s26] =	ssyncadd.s32 $0xFFFFD800  }
0x43: {  	[spmem:s14] =	stream.linear.scatter [tilespmem:s28], [sflag:$0x3], $0x2080, $0x38;
	[tilespmem:$0x1D6A0] =	vst v63  }
0x44: {  	_ =	swait.ge [sflag:s26], $0x2080  }
0x45: {  	[sflag:s26] =	ssyncset.done $0x0  }
0x46: {  	[sflag:s26] =	ssyncadd.s32 $0xFFFFDF80  }
0x47: {  	[bflag:$0x0] =	sbarrier.arrive $0xFFFF  }
0x48: {  	s18 =	rddreg [dreg:$0x5]  }
0x49: {  	[tilespmem:s28], [sflag:$0x1] =	stream.strided.gather [hbm4b:s18+s29], $0x2800, s30, s29, $0x38;
	[tilespmem:$0x1D6A0] =	vst v63  }
0x4a: {  	s19 =	rddreg [dreg:$0x6]  }
0x4b: {  	[tilespmem:s31], [sflag:$0x2] =	stream.strided.gather [hbm4b:s19+s29], $0x2800, s30, s29, $0x38;
	[tilespmem:$0x1D6A0] =	vst v63  }
0x4c: {  	_ =	swait.ge [sflag:s0], $0x2800  }
0x4d: {  	[sflag:s0] =	ssyncset.done $0x0  }
0x4e: {  	s20 =	simm.s32 $0x0;
	[sflag:s0] =	ssyncadd.s32 $0xFFFFD800  }
0x4f: {  	[spmem:s1] =	stream.indirect.scatter.add.f32 [tilespmem:s28], [sflag:$0x3], $0x80, s20, s2, $0xb8;
	[tilespmem:$0x1D6A0] =	vst v63  }
0x50: {  	_ =	swait.ge [sflag:s26], $0x2800  }
0x51: {  	s21 =	sshrl.u32 s23, $0x3;
	[sflag:s26] =	ssyncset.done $0x0  }
0x52: {  	s17 =	sadd.s32 s4, s21;
	[sflag:s26] =	ssyncadd.s32 $0xFFFFD800  }
0x53: {  	[tilespmem:s28], [sflag:$0x1] =	stream.strided.gather [hbm4b:s17+s29], $0x2800, s30, s29, $0x38;
	[tilespmem:$0x1D6A0] =	vst v63  }
0x54: {  	_ =	swait.ge [sflag:s3], $0x2800  }
0x55: {  	[sflag:s3] =	ssyncset.done $0x0  }
0x56: {  	[sflag:s3] =	ssyncadd.s32 $0xFFFFD800  }
0x57: {  	[spmem:s1] =	stream.indirect.scatter.add.f32 [tilespmem:s31], [sflag:$0x3], $0x80, s2, s2, $0xb8;
	[tilespmem:$0x1D6A0] =	vst v63  }
0x58: {  	_ =	swait.ge [sflag:s26], $0x2800  }
0x59: {  	s18 =	sadd.s32 $0x14000, s23;
	s19 =	simm.s32 $0xF0;
	[sflag:s26] =	ssyncset.done $0x0  }
0x5a: {  	s20 =	sadd.s32 $0x0, s22;
	s17 =	simm.s32 $0x2800;
	[sflag:s26] =	ssyncadd.s32 $0xFFFFD800  }
.LBB2_2:
0x5b: {  	[tilespmem:s31], [sflag:$0x2] =	stream.strided.gather [hbm4b:s20+s29], $0x2800, s30, s29, $0x38;
	[tilespmem:$0x1D6A0] =	vst v63  }
0x5c: {  	s20 =	smov.u32 s17  }
0x5d: {  	p0 =	sne.s32 s17, $0x133800;
	s17 =	sadd.s32 $0x2800, s17;
	_ =	swait.ge [sflag:s0], $0x2800  }
0x5e: {  	[sflag:s0] =	ssyncset.done $0x0  }
0x5f: {  	s21 =	sadd.s32 $0xFFFFFFB0, s19;
	[sflag:s0] =	ssyncadd.s32 $0xFFFFD800  }
0x60: {  	[spmem:s1] =	stream.indirect.scatter.add.f32 [tilespmem:s28], [sflag:$0x3], $0x80, s21, s2, $0xb8;
	[tilespmem:$0x1D6A0] =	vst v63  }
0x61: {  	_ =	swait.ge [sflag:s26], $0x2800  }
0x62: {  	s21 =	sshrl.u32 s18, $0x3;
	[sflag:s26] =	ssyncset.done $0x0  }
0x63: {  	s21 =	sadd.s32 s4, s21;
	[sflag:s26] =	ssyncadd.s32 $0xFFFFD800  }
0x64: {  	[tilespmem:s28], [sflag:$0x1] =	stream.strided.gather [hbm4b:s21+s29], $0x2800, s30, s29, $0x38;
	[tilespmem:$0x1D6A0] =	vst v63  }
0x65: {  	_ =	swait.ge [sflag:s3], $0x2800  }
0x66: {  	[sflag:s3] =	ssyncset.done $0x0  }
.Ltmp0:
0x67: {  	[sflag:s3] =	ssyncadd.s32 $0xFFFFD800;
	(pc) =	sbr.rel @p0 .LBB2_2-.Ltmp0, $4  }
0x68: {  	[spmem:s1] =	stream.indirect.scatter.add.f32 [tilespmem:s31], [sflag:$0x3], $0x80, s19, s2, $0xb8;
	[tilespmem:$0x1D6A0] =	vst v63  }
0x69: {  	_ =	swait.ge [sflag:s26], $0x2800  }
0x6a: {  	s18 =	sadd.s32 $0x14000, s18;
	[sflag:s26] =	ssyncset.done $0x0  }
0x6b: {  	s20 =	sadd.s32 s20, s22;
	s19 =	sadd.s32 $0xA0, s19;
	[sflag:s26] =	ssyncadd.s32 $0xFFFFD800  }
0x6c: {  	[tilespmem:s31], [sflag:$0x2] =	stream.strided.gather [hbm4b:s20+s29], $0x2800, s30, s29, $0x38;
	[tilespmem:$0x1D6A0] =	vst v63  }
0x6d: {  	_ =	swait.ge [sflag:s0], $0x2800  }
0x6e: {  	[sflag:s0] =	ssyncset.done $0x0  }
0x6f: {  	s19 =	simm.s32 $0x50;
	s6 =	simm.s32 $0x4D80;
	[sflag:s0] =	ssyncadd.s32 $0xFFFFD800  }
0x70: {  	[spmem:s1] =	stream.indirect.scatter.add.f32 [tilespmem:s28], [sflag:$0x3], $0x80, s6, s19, $0xb8;
	[tilespmem:$0x1D6A0] =	vst v63  }
0x71: {  	_ =	swait.ge [sflag:s26], $0x2800  }
0x72: {  	[sflag:s26] =	ssyncset.done $0x0  }
0x73: {  	[sflag:s26] =	ssyncadd.s32 $0xFFFFD800  }
0x74: {  	_ =	swait.ge [sflag:s3], $0x2800  }
0x75: {  	[sflag:s3] =	ssyncset.done $0x0  }
0x76: {  	[sflag:s3] =	ssyncadd.s32 $0xFFFFD800  }
0x77: {  	[spmem:s1] =	stream.indirect.scatter.add.f32 [tilespmem:s31], [sflag:$0x3], $0x80, s15, s19, $0xb8;
	[tilespmem:$0x1D6A0] =	vst v63  }
0x78: {  	_ =	swait.ge [sflag:s26], $0x2800  }
0x79: {  	[sflag:s26] =	ssyncset.done $0x0  }
0x7a: {  	s20 =	stileid.u32;
	[sflag:s26] =	ssyncadd.s32 $0xFFFFD800  }
0x7b: {  	s17 =	sshll.u32 s20, $0x6;
	[bflag:$0x0] =	sbarrier.arrive $0xFFFF  }
0x7c: {  	s18 =	sshrl.u32 s7, $0x3;
	s17 =	sor.u32 $0x1C03, s17;
	s21 =	rddreg [dreg:$0x7]  }
0x7d: {  	[hbm:s21], [sflag:s17] =	dma.local [spmem:s18], $0x2710  }
0x7e: {  	_ =	swait.ge [sflag:s26], $0x2710  }
0x7f: {  	[sflag:s26] =	ssyncset.done $0x0  }
0x80: {  	s6 =	simm.s32 $0x0;
	[sflag:s26] =	ssyncadd.s32 $0xFFFFD8F0  }
0x81: {  	[tilespmem:s28], [sflag:$0x3] =	stream.linear.gather [hbm4b:s5+s6], $0x2800, $0x38;
	[tilespmem:$0x1D6A0] =	vst v63  }
0x82: {  	_ =	swait.ge [sflag:s26], $0x2800  }
0x83: {  	[sflag:s26] =	ssyncset.done $0x0  }
0x84: {  	[sflag:s26] =	ssyncadd.s32 $0xFFFFD800  }
0x85: {  	[spmem:s7] =	stream.linear.scatter [tilespmem:s28], [sflag:$0x3], $0x2800, $0x38;
	[tilespmem:$0x1D6A0] =	vst v63  }
0x86: {  	_ =	swait.ge [sflag:s26], $0x2800  }
0x87: {  	[sflag:s26] =	ssyncset.done $0x0  }
0x88: {  	[sflag:s26] =	ssyncadd.s32 $0xFFFFD800  }
0x89: {  	[spmem:s8] =	stream.linear.scatter [tilespmem:s28], [sflag:$0x3], $0x2800, $0x38;
	[tilespmem:$0x1D6A0] =	vst v63  }
0x8a: {  	_ =	swait.ge [sflag:s26], $0x2800  }
0x8b: {  	[sflag:s26] =	ssyncset.done $0x0  }
0x8c: {  	[sflag:s26] =	ssyncadd.s32 $0xFFFFD800  }
0x8d: {  	[spmem:s9] =	stream.linear.scatter [tilespmem:s28], [sflag:$0x3], $0x2800, $0x38;
	[tilespmem:$0x1D6A0] =	vst v63  }
0x8e: {  	_ =	swait.ge [sflag:s26], $0x2800  }
0x8f: {  	[sflag:s26] =	ssyncset.done $0x0  }
0x90: {  	[sflag:s26] =	ssyncadd.s32 $0xFFFFD800  }
0x91: {  	[spmem:s10] =	stream.linear.scatter [tilespmem:s28], [sflag:$0x3], $0x2800, $0x38;
	[tilespmem:$0x1D6A0] =	vst v63  }
0x92: {  	_ =	swait.ge [sflag:s26], $0x2800  }
0x93: {  	[sflag:s26] =	ssyncset.done $0x0  }
0x94: {  	[sflag:s26] =	ssyncadd.s32 $0xFFFFD800  }
0x95: {  	[spmem:s11] =	stream.linear.scatter [tilespmem:s28], [sflag:$0x3], $0x2800, $0x38;
	[tilespmem:$0x1D6A0] =	vst v63  }
0x96: {  	_ =	swait.ge [sflag:s26], $0x2800  }
0x97: {  	[sflag:s26] =	ssyncset.done $0x0  }
0x98: {  	[sflag:s26] =	ssyncadd.s32 $0xFFFFD800  }
0x99: {  	[spmem:s12] =	stream.linear.scatter [tilespmem:s28], [sflag:$0x3], $0x2800, $0x38;
	[tilespmem:$0x1D6A0] =	vst v63  }
0x9a: {  	_ =	swait.ge [sflag:s26], $0x2800  }
0x9b: {  	[sflag:s26] =	ssyncset.done $0x0  }
0x9c: {  	[sflag:s26] =	ssyncadd.s32 $0xFFFFD800  }
0x9d: {  	[spmem:s13] =	stream.linear.scatter [tilespmem:s28], [sflag:$0x3], $0x2800, $0x38;
	[tilespmem:$0x1D6A0] =	vst v63  }
0x9e: {  	_ =	swait.ge [sflag:s26], $0x2800  }
0x9f: {  	[sflag:s26] =	ssyncset.done $0x0  }
0xa0: {  	[sflag:s26] =	ssyncadd.s32 $0xFFFFD800  }
0xa1: {  	[spmem:s14] =	stream.linear.scatter [tilespmem:s28], [sflag:$0x3], $0x2080, $0x38;
	[tilespmem:$0x1D6A0] =	vst v63  }
0xa2: {  	_ =	swait.ge [sflag:s26], $0x2080  }
0xa3: {  	[sflag:s26] =	ssyncset.done $0x0  }
0xa4: {  	[sflag:s26] =	ssyncadd.s32 $0xFFFFDF80  }
0xa5: {  	[bflag:$0x0] =	sbarrier.arrive $0xFFFF  }
0xa6: {  	s20 =	rddreg [dreg:$0x8]  }
0xa7: {  	[tilespmem:s28], [sflag:$0x1] =	stream.strided.gather [hbm4b:s20+s29], $0x2800, s30, s29, $0x38;
	[tilespmem:$0x1D6A0] =	vst v63  }
0xa8: {  	s21 =	rddreg [dreg:$0x9]  }
0xa9: {  	[tilespmem:s31], [sflag:$0x2] =	stream.strided.gather [hbm4b:s21+s29], $0x2800, s30, s29, $0x38;
	[tilespmem:$0x1D6A0] =	vst v63  }
0xaa: {  	_ =	swait.ge [sflag:s0], $0x2800  }
0xab: {  	[sflag:s0] =	ssyncset.done $0x0  }
0xac: {  	s6 =	simm.s32 $0x0;
	[sflag:s0] =	ssyncadd.s32 $0xFFFFD800  }
0xad: {  	[spmem:s1] =	stream.indirect.scatter.add.f32 [tilespmem:s28], [sflag:$0x3], $0x80, s6, s2, $0xb8;
	[tilespmem:$0x1D6A0] =	vst v63  }
0xae: {  	_ =	swait.ge [sflag:s26], $0x2800  }
0xaf: {  	[sflag:s26] =	ssyncset.done $0x0  }
0xb0: {  	s21 =	sadd.s32 $0x0, s25;
	[sflag:s26] =	ssyncadd.s32 $0xFFFFD800  }
0xb1: {  	[tilespmem:s28], [sflag:$0x1] =	stream.strided.gather [hbm4b:s21+s29], $0x2800, s30, s29, $0x38;
	[tilespmem:$0x1D6A0] =	vst v63  }
0xb2: {  	_ =	swait.ge [sflag:s3], $0x2800  }
0xb3: {  	[sflag:s3] =	ssyncset.done $0x0  }
0xb4: {  	[sflag:s3] =	ssyncadd.s32 $0xFFFFD800  }
0xb5: {  	[spmem:s1] =	stream.indirect.scatter.add.f32 [tilespmem:s31], [sflag:$0x3], $0x80, s19, s2, $0xb8;
	[tilespmem:$0x1D6A0] =	vst v63  }
0xb6: {  	_ =	swait.ge [sflag:s26], $0x2800  }
0xb7: {  	s20 =	simm.s32 $0xF0;
	[sflag:s26] =	ssyncset.done $0x0  }
0xb8: {  	s21 =	sadd.s32 $0x0, s24;
	s19 =	simm.s32 $0x2800;
	[sflag:s26] =	ssyncadd.s32 $0xFFFFD800  }
.LBB2_4:
0xb9: {  	[tilespmem:s31], [sflag:$0x2] =	stream.strided.gather [hbm4b:s21+s29], $0x2800, s30, s29, $0x38;
	[tilespmem:$0x1D6A0] =	vst v63  }
0xba: {  	s21 =	smov.u32 s19  }
0xbb: {  	p0 =	sne.s32 s19, $0x133800;
	s19 =	sadd.s32 $0x2800, s19;
	_ =	swait.ge [sflag:s0], $0x2800  }
0xbc: {  	[sflag:s0] =	ssyncset.done $0x0  }
0xbd: {  	s6 =	sadd.s32 $0xFFFFFFB0, s20;
	[sflag:s0] =	ssyncadd.s32 $0xFFFFD800  }
0xbe: {  	[spmem:s1] =	stream.indirect.scatter.add.f32 [tilespmem:s28], [sflag:$0x3], $0x80, s6, s2, $0xb8;
	[tilespmem:$0x1D6A0] =	vst v63  }
0xbf: {  	_ =	swait.ge [sflag:s26], $0x2800  }
0xc0: {  	[sflag:s26] =	ssyncset.done $0x0  }
0xc1: {  	s6 =	sadd.s32 s21, s25;
	[sflag:s26] =	ssyncadd.s32 $0xFFFFD800  }
0xc2: {  	[tilespmem:s28], [sflag:$0x1] =	stream.strided.gather [hbm4b:s6+s29], $0x2800, s30, s29, $0x38;
	[tilespmem:$0x1D6A0] =	vst v63  }
0xc3: {  	_ =	swait.ge [sflag:s3], $0x2800  }
0xc4: {  	[sflag:s3] =	ssyncset.done $0x0  }
.Ltmp1:
0xc5: {  	[sflag:s3] =	ssyncadd.s32 $0xFFFFD800;
	(pc) =	sbr.rel @p0 .LBB2_4-.Ltmp1, $4  }
0xc6: {  	[spmem:s1] =	stream.indirect.scatter.add.f32 [tilespmem:s31], [sflag:$0x3], $0x80, s20, s2, $0xb8;
	[tilespmem:$0x1D6A0] =	vst v63  }
0xc7: {  	_ =	swait.ge [sflag:s26], $0x2800  }
0xc8: {  	[sflag:s26] =	ssyncset.done $0x0  }
0xc9: {  	s21 =	sadd.s32 s21, s24;
	s20 =	sadd.s32 $0xA0, s20;
	[sflag:s26] =	ssyncadd.s32 $0xFFFFD800  }
0xca: {  	[tilespmem:s31], [sflag:$0x2] =	stream.strided.gather [hbm4b:s21+s29], $0x2800, s30, s29, $0x38;
	[tilespmem:$0x1D6A0] =	vst v63  }
0xcb: {  	_ =	swait.ge [sflag:s0], $0x2800  }
0xcc: {  	[sflag:s0] =	ssyncset.done $0x0  }
0xcd: {  	s6 =	simm.s32 $0x4D80;
	[sflag:s0] =	ssyncadd.s32 $0xFFFFD800  }
0xce: {  	[spmem:s1] =	stream.indirect.scatter.add.f32 [tilespmem:s28], [sflag:$0x3], $0x80, s6, s2, $0xb8;
	[tilespmem:$0x1D6A0] =	vst v63  }
0xcf: {  	_ =	swait.ge [sflag:s26], $0x2800  }
0xd0: {  	[sflag:s26] =	ssyncset.done $0x0  }
0xd1: {  	[sflag:s26] =	ssyncadd.s32 $0xFFFFD800  }
0xd2: {  	_ =	swait.ge [sflag:s3], $0x2800  }
0xd3: {  	[sflag:s3] =	ssyncset.done $0x0  }
0xd4: {  	[sflag:s3] =	ssyncadd.s32 $0xFFFFD800  }
0xd5: {  	[spmem:s1] =	stream.indirect.scatter.add.f32 [tilespmem:s31], [sflag:$0x3], $0x80, s15, s2, $0xb8;
	[tilespmem:$0x1D6A0] =	vst v63  }
0xd6: {  	_ =	swait.ge [sflag:s26], $0x2800  }
0xd7: {  	[sflag:s26] =	ssyncset.done $0x0  }
0xd8: {  	[sflag:s26] =	ssyncadd.s32 $0xFFFFD800  }
0xd9: {  	[bflag:$0x0] =	sbarrier.arrive $0xFFFF  }
0xda: {  	s20 =	rddreg [dreg:$0xa]  }
0xdb: {  	[hbm:s20], [sflag:s17] =	dma.local [spmem:s18], $0x2710  }
0xdc: {  	_ =	swait.ge [sflag:s26], $0x2710  }
0xdd: {  	s16 =	sadd.s32 $0x1, s16;
	s21 =	rddreg [dreg:$0xb]  }
0xde: {  	p0 =	sne.s32 s16, s21  }
.Ltmp2:
0xdf: {  	_ = 	snop;
	(pc) =	sbr.rel @p0 .LBB2_1-.Ltmp2, $3  }
0xe0: {  	_ =	sdelay $0x1  }
0xe1: {  	[sflag:s26] =	ssyncset.done $0x0  }
0xe2: {  	[sflag:s26] =	ssyncadd.s32 $0xFFFFD8F0  }
0xe3: {  	_ =	sfence.sel $0x180000  }
0xe4: {  	[bflag:$0x0] =	sbarrier.arrive $0xFFFF  }
0xe5: {  	_ =	strace $0x9000005C  }
0xe6: {  	s0 =	stileid.u32;
	[bflag:$0x2] =	sbarrier.arrive $0xFFFF  }
0xe7: {  	p0 =	sne.s32 s0, $0x0;
	s0 =	rddreg [dreg:$0x3]  }
0xe8: {  	s0 =	sadd.s32 @!p0 $0x100000, s0  }
0xe9: {  	[sflag:s0] =	ssyncadd.tile.s32 @!p0 $0x1;
	_ =	shalt  }
.Lfunc_end2:
_tile_overlayer_lowered:
.L_overlay_start_2:
0xea: {  	(tag) =	ssettag $0x2  }
0xeb: {  	s0 =	rddreg [dreg:$0x0];
	s2 =	stileid.u32  }
0xec: {  	s1 =	rddreg [dreg:$0x1];
	p0 =	sne.s32 s2, $0x0  }
0xed: {  	s3 =	rddreg [dreg:$0x2];
	[bflag:$0x3] =	sbarrier.arrive $0xFFFF;
	s2 =	simm.s32 @!p0 $0x1C03  }
0xee: {  	[timem:s3], [sflag:s2] =	dma.local @!p0 [hbm:s0], s1  }
0xef: {  	s0 =	simm.s32 @!p0 $0x3  }
0xf0: {  	_ =	swait.ge @!p0 [sflag:s0], s1  }
0xf1: {  	s1 =	ssub.s32 @!p0 $0x0, s1;
	[sflag:s0] =	ssyncset.done @!p0 $0x0  }
0xf2: {  	[sflag:s0] =	ssyncadd.s32 @!p0 s1  }
0xf3: {  	[bflag:$0x3] =	sbarrier.arrive $0xFFFF  }
0xf4: {  	_ =	shalt  }

// kernel: sparse-core-data-format-call.1.cloned.1.call-start
scs
called_computation.1_lowered:
.L_overlay_start_0:
0x0: {  	s1 =	sld [smem:$0x3FD9]  }
0x1: {  	s2 =	sld [smem:$0x3FFE];
	_ =	sdelay $0x1  }
0x2: {  	s3 =	srdreg.scid  }
0x3: {  	s0 =	sand.u32 $0x1, s3  }
0x4: {  	s17 =	sshll.u32 s0, $0xA;
	s1 =	sadd.s32 s2, s1  }
0x5: {  	s1 =	sadd.s32 s1, s17  }
0x6: {  	[smem:$0x3FBF] =	sst s1  }
0x7: {  	_ = 	snop  }
0x8: {  	(tm) =	ssettm $0x1  }
0x9: {  	s18 =	sld [smem:$0x3FFB];
	_ =	sdelay $0x3  }
0xa: {  	_ =	strace s18  }
0xb: {  	s1 =	sld [smem:$0x3FFC];
	_ =	sdelay $0x3  }
0xc: {  	_ =	strace s1  }
0xd: {  	s1 =	sld [smem:$0x3FFD];
	_ =	sdelay $0x3  }
0xe: {  	_ =	strace s1  }
0xf: {  	_ =	strace $0x8FFFFFFF  }
0x10: {  	s19 =	sld [smem:$0x3FDB];
	_ =	sdelay $0x1  }
0x11: {  	s20 =	simm.s32 $_scs_section_size  }
0x12: {  	s4 =	simm.s32 $_size__tile_overlayer_lowered;
	s5 =	simm.s32 $_tile_overlayer_lowered  }
0x13: {  	s23 =	simm.s32 $0x1BFF;
	s22 =	sshll.u32 s5, $0x1;
	s1 =	sadd.s32 s20, s19  }
0x14: {  	s6 =	simm.s32 $0x0;
	s21 =	sshll.u32 s4, $0x1;
	s4 =	sadd.s32 s22, s1  }
0x15: {  	[timem:s6], [sflag:s23] =	dma.local [hbm:s4], s21  }
0x16: {  	_ =	swait.ge [sflag:s23], s21  }
0x17: {  	s2 =	ssub.s32 $0x0, s21;
	[sflag:s23] =	ssyncset.done $0x0  }
0x18: {  	[sflag:s23] =	ssyncadd.s32 s2;
	_ =	sdelay $0x1  }
0x19: {  	s24 =	simm.s32 $0x1B8B  }
0x1a: {  	_ =	swait.ge [sflag:s24], $0x1  }
0x1b: {  	[sflag:s24] =	ssyncset.done $0x0  }
0x1c: {  	s26 =	simm.s32 $0x1B8E;
	s25 =	sld [smem:$0x3FFE];
	[sflag:s24] =	ssyncadd.s32 $0xFFFFFFFF  }
0x1d: {  	s27 =	simm.s32 $execute0_lowered;
	[smem:$0x3FD2] =	sst s26  }
0x1e: {  	s4 =	sshll.u32 s27, $0x1;
	_ =	strace $0x8000004F;
	[dreg:$0x1] =	wrdreg $0xFFFFFFFF  }
0x1f: {  	s28 =	simm.s32 $_size_execute0_lowered;
	s1 =	sadd.s32 s1, s4;
	[dreg:$0x0] =	wrdreg $0x0  }
0x20: {  	s4 =	sshll.u32 s28, $0x1;
	[dreg:$0x2] =	wrdreg s1  }
0x21: {  	[dreg:$0x3] =	wrdreg s4  }
0x22: {  	[dreg:$0x4] =	wrdreg $0xC0  }
0x23: {  	_ =	task [dreg:s6], $0x5FFFF  }
0x24: {  	[dreg:$0x1] =	wrdreg $0xFFFFFFFF  }
0x25: {  	[dreg:$0x0] =	wrdreg $0x60  }
0x26: {  	[dreg:$0x2] =	wrdreg s25  }
0x27: {  	[dreg:$0x3] =	wrdreg $0x9  }
0x28: {  	_ =	task.clear_ibuf [dreg:s6], $0x4FFFF;
	_ =	strace $0x9000004F  }
0x29: {  	s29 =	simm.s32 $0x9;
	_ =	strace $0x80000051  }
0x2a: {  	_ =	swait.ge [sflag:s29], $0x1  }
0x2b: {  	[sflag:s29] =	ssyncadd.s32 $0xFFFFFFFF  }
0x2c: {  	_ =	strace $0x90000051  }
0x2d: {  	_ =	sfence  }
0x2e: {  	s30 =	sld [smem:$0x0];
	_ =	sdelay $0x2  }
0x2f: {  	s31 =	sshll.u32 s3, $0xD;
	s3 =	sshrl.u32 s3, $0x2  }
0x30: {  	s2 =	sand.u32 $0x4000, s31;
	s1 =	sadd.s32 s3, s30  }
0x31: {  	s0 =	sor.u32 s2, s0;
	s1 =	sshll.u32 s1, $0x11  }
0x32: {  	s0 =	sor.u32 s1, s0  }
0x33: {  	s0 =	sadd.s32 $0x8F2B, s0  }
0x34: {  	[sflag:s0] =	ssyncadd.remote.s32 $0x1  }
0x35: {  	_ =	sfence.sel $0xFFFF  }
0x36: {  	[dreg:$0x0] =	wrdreg $0xFFFFFFFF;
	(pc) =	sbr.abs _section_cstart, $3  }
0x37: {  	[dreg:$0x1] =	wrdreg $0xFFFFFFFF  }
0x38: {  	_ =	task.clear_ibuf [dreg:s6], $0x2FFFF;
	_ =	strace $0x9FFFFFFF  }
0x39: {  	(tm) =	ssettm $0x7FFFFFFF  }
tec
execute0_lowered:
.L_overlay_start_1:
0x0: {  	(tag) =	ssettag $0x1  }
0x1: {  	s0 =	srdreg.scid  }
0x2: {  	s1 =	sshll.u32 s0, $0x4  }
0x3: {  	s4 =	rddreg [dreg:$0x0];
	s0 =	stileid.u32;
	s1 =	sand.u32 $0x10, s1  }
0x4: {  	s7 =	simm.s32 $0x1;
	s8 =	simm.s32 $0x2;
	s2 =	sor.u32 s0, s1  }
0x5: {  	s9 =	simm.s32 $0x0;
	s12 =	simm.s32 $0x0;
	s2 =	sshll.u32 s2, $0x2  }
0x6: {  	s11 =	simm.s32 $0x0;
	s3 =	sadd.s32 $0x76AC00, s4;
	s6 =	ssub.s32 $0x9C40, s2  }
.Ltmp0:
0x7: {  	s4 =	sadd.s32 $0x1AF2C00, s4;
	s5 =	sand.u32 $0x7C, s6;
	(pc) =	sbr.rel .LBB1_1-.Ltmp0, $4  }
0x8: {  	s1 =	rddreg [dreg:$0x1];
	_ =	strace $0x80000050;
	p0 =	sne.s32 s5, $0x0  }
0x9: {  	s6 =	sshrl.u32 s6, $0x7;
	s5 =	simm.s32 $0x1;
	s7 =	simm.s32 @!p0 $0x0  }
0xa: {  	s10 =	smov.u32 s2;
	[sflag:s5] =	ssyncpa.u1 $0x0;
	s6 =	sadd.s32 s7, s6  }
0xb: {  	[sflag:s8] =	ssyncpa.u1 $0x0;
	s8 =	simm.s32 $0x0;
	s7 =	sadd.s32 $0x1, s6  }
.LBB1_9:
0xc: {  	s14 =	sadd.s32 $0x80, s10  }
0xd: {  	p1 =	sgt.s32 s14, $0x9C3F  }
0xe: {  	s14 =	smov.u32 @p1 s2;
	p1 =	sne.s32 s11, s7  }
.Ltmp1:
0xf: {  	p0 =	slt.u32 s11, $0x2;
	(pc) =	sbr.rel @!p1 .LBB1_10-.Ltmp1, $4  }
0x10: {  	s13 =	simm.s32 @!p0 $0x2  }
0x11: {  	s15 =	sadd.s32 $0x1, s11;
	_ =	swait.ge @!p0 [sflag:s13], $0x4000  }
0x12: {  	s12 =	smov.u32 s10;
	s9 =	sadd.s32 $0x4000, s9;
	[sflag:s13] =	ssyncset.done @!p0 $0x0  }
0x13: {  	s11 =	smov.u32 s15;
	s10 =	smov.u32 s14;
	[sflag:s13] =	ssyncadd.s32 @!p0 $0xFFFFC000  }
.LBB1_1:
0x14: {  	p0 =	sge.u32 s11, s6  }
0x15: {  	s13 =	sxor.u32 @!p0 $0xFFFFFFFF, s11  }
0x16: {  	s31 =	sadd.s32 $0xFFFFFFFF, s11;
	s14 =	sshll.u32 @!p0 s10, $0x9;
	s13 =	sshll.u32 @!p0 s13, $0xE  }
0x17: {  	s15 =	simm.s32 @!p0 $0x0;
	s14 =	sadd.s32 @!p0 s3, s14;
	s13 =	sand.u32 @!p0 $0x4000, s13  }
0x18: {  	[tilespmem:s13], [sflag:$0x1] =	stream.linear.gather @!p0 [hbm4b:s14+s15], $0x4000, $0x38;
	[tilespmem:$0x10000] =	vst v63  }
0x19: {  	p0 =	sge.u32 s31, s6  }
.Ltmp2:
0x1a: {  	_ = 	snop;
	(pc) =	sbr.rel @p0 .LBB1_9-.Ltmp2, $1  }
0x1b: {  	_ =	sdelay $0x3  }
0x1c: {  	s14 =	sand.u32 $0x4000, s9  }
0x1d: {  	_ =	swait.ge [sflag:s5], $0x4000;
	s15 =	sshll.u32 s11, $0xE;
	s16 =	simm.s32 $0x0  }
0x1e: {  	s13 =	sor.u32 $0x40, s14;
	[sflag:s5] =	ssyncset.done $0x0;
	s15 =	sand.u32 $0x4000, s15  }
0x1f: {  	s14 =	sor.u32 $0x8040, s14;
	[sflag:s5] =	ssyncadd.s32 $0xFFFFC000;
	s15 =	sor.u32 $0x8000, s15  }
.LBB1_3:
0x20: {  	s17 =	smov.u32 s14;
	s18 =	smov.u32 s13;
	s19 =	simm.s32 $0x0  }
.LBB1_4:
0x21: {  	v0 =	vmov s17;
	v2 =	vld [tilespmem:s18+$0x30]  }
0x22: {  	v4 =	vld [tilespmem:s18+$0xFFFFFFD0]  }
0x23: {  	v6 =	vld [tilespmem:s18+$0xFFFFFFE0]  }
0x24: {  	v7 =	vld [tilespmem:s18+$0xFFFFFFF0]  }
0x25: {  	s20 =	simm.s32 $0x0;
	v1 =	vld [tilespmem:s18+$0x0]  }
0x26: {  	v3 =	vld [tilespmem:s18+$0x10];
	[tilespmem:v0+s20+$0x30 ss:$0x1] =	vst.idx.msk $0xffff, v2  }
0x27: {  	v5 =	vld [tilespmem:s18+$0x20];
	[tilespmem:v0+s20+$0xFFFFFFD0 ss:$0x1] =	vst.idx.msk $0xffff, v4  }
0x28: {  	s21 =	sadd.s32 $0x80, s18;
	v2 =	vld [tilespmem:s18+$0xFFFFFFC0];
	[tilespmem:v0+s20+$0xFFFFFFE0 ss:$0x1] =	vst.idx.msk $0xffff, v6  }
0x29: {  	s22 =	simm.s32 $0x800;
	s23 =	simm.s32 $0x1000;
	v4 =	vld [tilespmem:s21+$0x30];
	[tilespmem:v0+s20+$0xFFFFFFF0 ss:$0x1] =	vst.idx.msk $0xffff, v7  }
.LBB1_5:
0x2a: {  	p0 =	sne.s32 s23, $0x3800;
	v6 =	vld [tilespmem:s21+$0xFFFFFFD0];
	[tilespmem:v0+s20+$0x0 ss:$0x1] =	vst.idx.msk $0xffff, v1  }
0x2b: {  	v7 =	vld [tilespmem:s21+$0xFFFFFFE0];
	[tilespmem:v0+s20+$0x10 ss:$0x1] =	vst.idx.msk $0xffff, v3  }
0x2c: {  	v8 =	vld [tilespmem:s21+$0xFFFFFFF0];
	[tilespmem:v0+s20+$0x20 ss:$0x1] =	vst.idx.msk $0xffff, v5  }
.Ltmp3:
0x2d: {  	v1 =	vld [tilespmem:s21+$0x0];
	[tilespmem:v0+s20+$0xFFFFFFC0 ss:$0x1] =	vst.idx.msk $0xffff, v2;
	s20 =	sshra.s32 s22, $0x2;
	s22 =	smov.u32 s23;
	(pc) =	sbr.rel @p0 .LBB1_5-.Ltmp3, $4  }
0x2e: {  	v3 =	vld [tilespmem:s21+$0x10];
	[tilespmem:v0+s20+$0x30 ss:$0x1] =	vst.idx.msk $0xffff, v4  }
0x2f: {  	[tilespmem:v0+s20+$0xFFFFFFD0 ss:$0x1] =	vst.idx.msk $0xffff, v6;
	v5 =	vld [tilespmem:s21+$0x20]  }
0x30: {  	v2 =	vld [tilespmem:s21+$0xFFFFFFC0];
	[tilespmem:v0+s20+$0xFFFFFFE0 ss:$0x1] =	vst.idx.msk $0xffff, v7;
	s21 =	sadd.s32 $0x80, s21  }
0x31: {  	s23 =	sadd.s32 $0x800, s23;
	v4 =	vld [tilespmem:s21+$0x30];
	[tilespmem:v0+s20+$0xFFFFFFF0 ss:$0x1] =	vst.idx.msk $0xffff, v8  }
0x32: {  	_ =	sdelay $0x3  }
0x33: {  	v6 =	vld [tilespmem:s21+$0xFFFFFFD0];
	[tilespmem:v0+s20+$0x0 ss:$0x1] =	vst.idx.msk $0xffff, v1  }
0x34: {  	v58 =	vld [tilespmem:s21+$0xFFFFFFE0];
	[tilespmem:v0+s20+$0x10 ss:$0x1] =	vst.idx.msk $0xffff, v3  }
0x35: {  	v59 =	vld [tilespmem:s21+$0xFFFFFFF0];
	[tilespmem:v0+s20+$0x20 ss:$0x1] =	vst.idx.msk $0xffff, v5  }
0x36: {  	s22 =	sshra.s32 s22, $0x2;
	v60 =	vld [tilespmem:s21+$0x0];
	[tilespmem:v0+s20+$0xFFFFFFC0 ss:$0x1] =	vst.idx.msk $0xffff, v2  }
0x37: {  	v61 =	vld [tilespmem:s21+$0x10];
	[tilespmem:v0+s22+$0x30 ss:$0x1] =	vst.idx.msk $0xffff, v4  }
0x38: {  	v62 =	vld [tilespmem:s21+$0x20];
	s19 =	sadd.s32 $0x1, s19;
	[tilespmem:v0+s22+$0xFFFFFFD0 ss:$0x1] =	vst.idx.msk $0xffff, v6  }
0x39: {  	v63 =	vld [tilespmem:s21+$0xFFFFFFC0];
	p0 =	sne.s32 s19, $0x4;
	[tilespmem:v0+s22+$0xFFFFFFE0 ss:$0x1] =	vst.idx.msk $0xffff, v58  }
.Ltmp4:
0x3a: {  	[tilespmem:v0+s22+$0xFFFFFFF0 ss:$0x1] =	vst.idx.msk $0xffff, v59;
	(pc) =	sbr.rel @p0 .LBB1_4-.Ltmp4, $4  }
0x3b: {  	[tilespmem:v0+s22+$0x0 ss:$0x1] =	vst.idx.msk $0xffff, v60  }
0x3c: {  	[tilespmem:v0+s22+$0x10 ss:$0x1] =	vst.idx.msk $0xffff, v61  }
0x3d: {  	[tilespmem:v0+s22+$0x20 ss:$0x1] =	vst.idx.msk $0xffff, v62  }
0x3e: {  	s18 =	sadd.s32 $0x400, s18;
	s17 =	sadd.s32 $0x80, s17;
	[tilespmem:v0+s22+$0xFFFFFFC0 ss:$0x1] =	vst.idx.msk $0xffff, v63  }
0x3f: {  	s16 =	sadd.s32 $0x1, s16  }
0x40: {  	p0 =	sne.s32 s16, $0x4  }
.Ltmp5:
0x41: {  	_ = 	snop;
	(pc) =	sbr.rel @p0 .LBB1_3-.Ltmp5, $2  }
0x42: {  	_ =	sdelay $0x2  }
0x43: {  	s13 =	sadd.s32 $0x1000, s13;
	s14 =	sadd.s32 $0x1000, s14  }
.Ltmp6:
0x44: {  	(pc) =	sbr.rel .LBB1_9-.Ltmp6, $4  }
0x45: {  	_ = 	snop  }
0x46: {  	s12 =	sshll.u32 s12, $0x9  }
0x47: {  	s12 =	sadd.s32 s4, s12  }
0x48: {  	[hbm4b:s12+s8] =	stream.linear.scatter [tilespmem:s15], [sflag:$0x2], $0x4000, $0x38;
	[tilespmem:$0x10000] =	vst v63  }
.LBB1_10:
0x49: {  	_ =	sfence.sel $0x180000  }
0x4a: {  	s2 =	simm.s32 $0x1;
	[bflag:$0x0] =	sbarrier.arrive $0xFFFF  }
0x4b: {  	s31 =	simm.s32 $0x2;
	[sflag:s2] =	ssyncpa.u1 $0x1  }
0x4c: {  	[sflag:s31] =	ssyncpa.u1 $0x1  }
0x4d: {  	p0 =	sne.s32 s0, $0x0;
	_ =	strace $0x90000050  }
0x4e: {  	s0 =	sadd.s32 @!p0 $0x100000, s1;
	[bflag:$0x2] =	sbarrier.arrive $0xFFFF  }
0x4f: {  	[sflag:s0] =	ssyncadd.tile.s32 @!p0 $0x1;
	_ =	shalt  }
.Lfunc_end1:
_tile_overlayer_lowered:
.L_overlay_start_2:
0x50: {  	(tag) =	ssettag $0x2  }
0x51: {  	s0 =	rddreg [dreg:$0x0];
	s2 =	stileid.u32  }
0x52: {  	s1 =	rddreg [dreg:$0x1];
	p0 =	sne.s32 s2, $0x0  }
0x53: {  	s3 =	rddreg [dreg:$0x2];
	[bflag:$0x3] =	sbarrier.arrive $0xFFFF;
	s2 =	simm.s32 @!p0 $0x1C01  }
0x54: {  	[timem:s3], [sflag:s2] =	dma.local @!p0 [hbm:s0], s1  }
0x55: {  	s0 =	simm.s32 @!p0 $0x1  }
0x56: {  	_ =	swait.ge @!p0 [sflag:s0], s1  }
0x57: {  	s1 =	ssub.s32 @!p0 $0x0, s1;
	[sflag:s0] =	ssyncset.done @!p0 $0x0  }
0x58: {  	[sflag:s0] =	ssyncadd.s32 @!p0 s1  }
0x59: {  	[bflag:$0x3] =	sbarrier.arrive $0xFFFF  }
0x5a: {  	_ =	shalt  }

// kernel: sparse-core-data-format-call.cloned.1.call-start
scs
called_computation_lowered:
.L_overlay_start_0:
0x0: {  	s1 =	sld [smem:$0x3FD9]  }
0x1: {  	s2 =	sld [smem:$0x3FFE];
	_ =	sdelay $0x1  }
0x2: {  	s3 =	srdreg.scid  }
0x3: {  	s0 =	sand.u32 $0x1, s3  }
0x4: {  	s17 =	sshll.u32 s0, $0xA;
	s1 =	sadd.s32 s2, s1  }
0x5: {  	s1 =	sadd.s32 s1, s17  }
0x6: {  	[smem:$0x3FBF] =	sst s1  }
0x7: {  	_ = 	snop  }
0x8: {  	(tm) =	ssettm $0x1  }
0x9: {  	s18 =	sld [smem:$0x3FFB];
	_ =	sdelay $0x3  }
0xa: {  	_ =	strace s18  }
0xb: {  	s1 =	sld [smem:$0x3FFC];
	_ =	sdelay $0x3  }
0xc: {  	_ =	strace s1  }
0xd: {  	s1 =	sld [smem:$0x3FFD];
	_ =	sdelay $0x3  }
0xe: {  	_ =	strace s1  }
0xf: {  	_ =	strace $0x8FFFFFFF  }
0x10: {  	s19 =	sld [smem:$0x3FDB];
	_ =	sdelay $0x1  }
0x11: {  	s20 =	simm.s32 $_scs_section_size  }
0x12: {  	s4 =	simm.s32 $_size__tile_overlayer_lowered;
	s5 =	simm.s32 $_tile_overlayer_lowered  }
0x13: {  	s23 =	simm.s32 $0x1BFF;
	s22 =	sshll.u32 s5, $0x1;
	s1 =	sadd.s32 s20, s19  }
0x14: {  	s6 =	simm.s32 $0x0;
	s21 =	sshll.u32 s4, $0x1;
	s4 =	sadd.s32 s22, s1  }
0x15: {  	[timem:s6], [sflag:s23] =	dma.local [hbm:s4], s21  }
0x16: {  	_ =	swait.ge [sflag:s23], s21  }
0x17: {  	s2 =	ssub.s32 $0x0, s21;
	[sflag:s23] =	ssyncset.done $0x0  }
0x18: {  	[sflag:s23] =	ssyncadd.s32 s2;
	_ =	sdelay $0x1  }
0x19: {  	s24 =	simm.s32 $0x1B8B  }
0x1a: {  	_ =	swait.ge [sflag:s24], $0x1  }
0x1b: {  	[sflag:s24] =	ssyncset.done $0x0  }
0x1c: {  	s26 =	simm.s32 $0x1B8E;
	s25 =	sld [smem:$0x3FFE];
	[sflag:s24] =	ssyncadd.s32 $0xFFFFFFFF  }
0x1d: {  	s27 =	simm.s32 $execute0_lowered;
	[smem:$0x3FD2] =	sst s26  }
0x1e: {  	s4 =	sshll.u32 s27, $0x1;
	_ =	strace $0x80000058;
	[dreg:$0x1] =	wrdreg $0xFFFFFFFF  }
0x1f: {  	s28 =	simm.s32 $_size_execute0_lowered;
	s1 =	sadd.s32 s1, s4;
	[dreg:$0x0] =	wrdreg $0x0  }
0x20: {  	s4 =	sshll.u32 s28, $0x1;
	[dreg:$0x2] =	wrdreg s1  }
0x21: {  	[dreg:$0x3] =	wrdreg s4  }
0x22: {  	[dreg:$0x4] =	wrdreg $0xC0  }
0x23: {  	_ =	task [dreg:s6], $0x5FFFF  }
0x24: {  	[dreg:$0x1] =	wrdreg $0xFFFFFFFF  }
0x25: {  	[dreg:$0x0] =	wrdreg $0x60  }
0x26: {  	[dreg:$0x2] =	wrdreg s25  }
0x27: {  	[dreg:$0x3] =	wrdreg $0x9  }
0x28: {  	_ =	task.clear_ibuf [dreg:s6], $0x4FFFF;
	_ =	strace $0x90000058  }
0x29: {  	s29 =	simm.s32 $0x9;
	_ =	strace $0x8000005A  }
0x2a: {  	_ =	swait.ge [sflag:s29], $0x1  }
0x2b: {  	[sflag:s29] =	ssyncadd.s32 $0xFFFFFFFF  }
0x2c: {  	_ =	strace $0x9000005A  }
0x2d: {  	_ =	sfence  }
0x2e: {  	s30 =	sld [smem:$0x0];
	_ =	sdelay $0x2  }
0x2f: {  	s31 =	sshll.u32 s3, $0xD;
	s3 =	sshrl.u32 s3, $0x2  }
0x30: {  	s2 =	sand.u32 $0x4000, s31;
	s1 =	sadd.s32 s3, s30  }
0x31: {  	s0 =	sor.u32 s2, s0;
	s1 =	sshll.u32 s1, $0x11  }
0x32: {  	s0 =	sor.u32 s1, s0  }
0x33: {  	s0 =	sadd.s32 $0x8F2B, s0  }
0x34: {  	[sflag:s0] =	ssyncadd.remote.s32 $0x1  }
0x35: {  	_ =	sfence.sel $0xFFFF  }
0x36: {  	[dreg:$0x0] =	wrdreg $0xFFFFFFFF;
	(pc) =	sbr.abs _section_cstart, $3  }
0x37: {  	[dreg:$0x1] =	wrdreg $0xFFFFFFFF  }
0x38: {  	_ =	task.clear_ibuf [dreg:s6], $0x2FFFF;
	_ =	strace $0x9FFFFFFF  }
0x39: {  	(tm) =	ssettm $0x7FFFFFFF  }
tec
execute0_lowered:
.L_overlay_start_1:
0x0: {  	(tag) =	ssettag $0x1  }
0x1: {  	s0 =	srdreg.scid  }
0x2: {  	s1 =	sshll.u32 s0, $0x4  }
0x3: {  	s4 =	rddreg [dreg:$0x0];
	s0 =	stileid.u32;
	s1 =	sand.u32 $0x10, s1  }
0x4: {  	s7 =	simm.s32 $0x1;
	s8 =	simm.s32 $0x2;
	s2 =	sor.u32 s0, s1  }
0x5: {  	s9 =	simm.s32 $0x0;
	s12 =	simm.s32 $0x0;
	s2 =	sshll.u32 s2, $0x2  }
0x6: {  	s11 =	simm.s32 $0x0;
	s3 =	sadd.s32 $0x6F9800, s4;
	s6 =	ssub.s32 $0x9C40, s2  }
.Ltmp0:
0x7: {  	s4 =	sadd.s32 $0x1A81800, s4;
	s5 =	sand.u32 $0x7C, s6;
	(pc) =	sbr.rel .LBB1_1-.Ltmp0, $4  }
0x8: {  	s1 =	rddreg [dreg:$0x1];
	_ =	strace $0x80000059;
	p0 =	sne.s32 s5, $0x0  }
0x9: {  	s6 =	sshrl.u32 s6, $0x7;
	s5 =	simm.s32 $0x1;
	s7 =	simm.s32 @!p0 $0x0  }
0xa: {  	s10 =	smov.u32 s2;
	[sflag:s5] =	ssyncpa.u1 $0x0;
	s6 =	sadd.s32 s7, s6  }
0xb: {  	[sflag:s8] =	ssyncpa.u1 $0x0;
	s8 =	simm.s32 $0x0;
	s7 =	sadd.s32 $0x1, s6  }
.LBB1_9:
0xc: {  	s14 =	sadd.s32 $0x80, s10  }
0xd: {  	p1 =	sgt.s32 s14, $0x9C3F  }
0xe: {  	s14 =	smov.u32 @p1 s2;
	p1 =	sne.s32 s11, s7  }
.Ltmp1:
0xf: {  	p0 =	slt.u32 s11, $0x2;
	(pc) =	sbr.rel @!p1 .LBB1_10-.Ltmp1, $4  }
0x10: {  	s13 =	simm.s32 @!p0 $0x2  }
0x11: {  	s15 =	sadd.s32 $0x1, s11;
	_ =	swait.ge @!p0 [sflag:s13], $0x4000  }
0x12: {  	s12 =	smov.u32 s10;
	s9 =	sadd.s32 $0x4000, s9;
	[sflag:s13] =	ssyncset.done @!p0 $0x0  }
0x13: {  	s11 =	smov.u32 s15;
	s10 =	smov.u32 s14;
	[sflag:s13] =	ssyncadd.s32 @!p0 $0xFFFFC000  }
.LBB1_1:
0x14: {  	p0 =	sge.u32 s11, s6  }
0x15: {  	s13 =	sxor.u32 @!p0 $0xFFFFFFFF, s11  }
0x16: {  	s31 =	sadd.s32 $0xFFFFFFFF, s11;
	s14 =	sshll.u32 @!p0 s10, $0x9;
	s13 =	sshll.u32 @!p0 s13, $0xE  }
0x17: {  	s15 =	simm.s32 @!p0 $0x0;
	s14 =	sadd.s32 @!p0 s3, s14;
	s13 =	sand.u32 @!p0 $0x4000, s13  }
0x18: {  	[tilespmem:s13], [sflag:$0x1] =	stream.linear.gather @!p0 [hbm4b:s14+s15], $0x4000, $0x38;
	[tilespmem:$0x10000] =	vst v63  }
0x19: {  	p0 =	sge.u32 s31, s6  }
.Ltmp2:
0x1a: {  	_ = 	snop;
	(pc) =	sbr.rel @p0 .LBB1_9-.Ltmp2, $1  }
0x1b: {  	_ =	sdelay $0x3  }
0x1c: {  	s14 =	sand.u32 $0x4000, s9  }
0x1d: {  	_ =	swait.ge [sflag:s5], $0x4000;
	s15 =	sshll.u32 s11, $0xE;
	s16 =	simm.s32 $0x0  }
0x1e: {  	s13 =	sor.u32 $0x40, s14;
	[sflag:s5] =	ssyncset.done $0x0;
	s15 =	sand.u32 $0x4000, s15  }
0x1f: {  	s14 =	sor.u32 $0x8040, s14;
	[sflag:s5] =	ssyncadd.s32 $0xFFFFC000;
	s15 =	sor.u32 $0x8000, s15  }
.LBB1_3:
0x20: {  	s17 =	smov.u32 s14;
	s18 =	smov.u32 s13;
	s19 =	simm.s32 $0x0  }
.LBB1_4:
0x21: {  	v0 =	vmov s17;
	v2 =	vld [tilespmem:s18+$0x30]  }
0x22: {  	v4 =	vld [tilespmem:s18+$0xFFFFFFD0]  }
0x23: {  	v6 =	vld [tilespmem:s18+$0xFFFFFFE0]  }
0x24: {  	v7 =	vld [tilespmem:s18+$0xFFFFFFF0]  }
0x25: {  	s20 =	simm.s32 $0x0;
	v1 =	vld [tilespmem:s18+$0x0]  }
0x26: {  	v3 =	vld [tilespmem:s18+$0x10];
	[tilespmem:v0+s20+$0x30 ss:$0x1] =	vst.idx.msk $0xffff, v2  }
0x27: {  	v5 =	vld [tilespmem:s18+$0x20];
	[tilespmem:v0+s20+$0xFFFFFFD0 ss:$0x1] =	vst.idx.msk $0xffff, v4  }
0x28: {  	s21 =	sadd.s32 $0x80, s18;
	v2 =	vld [tilespmem:s18+$0xFFFFFFC0];
	[tilespmem:v0+s20+$0xFFFFFFE0 ss:$0x1] =	vst.idx.msk $0xffff, v6  }
0x29: {  	s22 =	simm.s32 $0x800;
	s23 =	simm.s32 $0x1000;
	v4 =	vld [tilespmem:s21+$0x30];
	[tilespmem:v0+s20+$0xFFFFFFF0 ss:$0x1] =	vst.idx.msk $0xffff, v7  }
.LBB1_5:
0x2a: {  	p0 =	sne.s32 s23, $0x3800;
	v6 =	vld [tilespmem:s21+$0xFFFFFFD0];
	[tilespmem:v0+s20+$0x0 ss:$0x1] =	vst.idx.msk $0xffff, v1  }
0x2b: {  	v7 =	vld [tilespmem:s21+$0xFFFFFFE0];
	[tilespmem:v0+s20+$0x10 ss:$0x1] =	vst.idx.msk $0xffff, v3  }
0x2c: {  	v8 =	vld [tilespmem:s21+$0xFFFFFFF0];
	[tilespmem:v0+s20+$0x20 ss:$0x1] =	vst.idx.msk $0xffff, v5  }
.Ltmp3:
0x2d: {  	v1 =	vld [tilespmem:s21+$0x0];
	[tilespmem:v0+s20+$0xFFFFFFC0 ss:$0x1] =	vst.idx.msk $0xffff, v2;
	s20 =	sshra.s32 s22, $0x2;
	s22 =	smov.u32 s23;
	(pc) =	sbr.rel @p0 .LBB1_5-.Ltmp3, $4  }
0x2e: {  	v3 =	vld [tilespmem:s21+$0x10];
	[tilespmem:v0+s20+$0x30 ss:$0x1] =	vst.idx.msk $0xffff, v4  }
0x2f: {  	[tilespmem:v0+s20+$0xFFFFFFD0 ss:$0x1] =	vst.idx.msk $0xffff, v6;
	v5 =	vld [tilespmem:s21+$0x20]  }
0x30: {  	v2 =	vld [tilespmem:s21+$0xFFFFFFC0];
	[tilespmem:v0+s20+$0xFFFFFFE0 ss:$0x1] =	vst.idx.msk $0xffff, v7;
	s21 =	sadd.s32 $0x80, s21  }
0x31: {  	s23 =	sadd.s32 $0x800, s23;
	v4 =	vld [tilespmem:s21+$0x30];
	[tilespmem:v0+s20+$0xFFFFFFF0 ss:$0x1] =	vst.idx.msk $0xffff, v8  }
0x32: {  	_ =	sdelay $0x3  }
0x33: {  	v6 =	vld [tilespmem:s21+$0xFFFFFFD0];
	[tilespmem:v0+s20+$0x0 ss:$0x1] =	vst.idx.msk $0xffff, v1  }
0x34: {  	v58 =	vld [tilespmem:s21+$0xFFFFFFE0];
	[tilespmem:v0+s20+$0x10 ss:$0x1] =	vst.idx.msk $0xffff, v3  }
0x35: {  	v59 =	vld [tilespmem:s21+$0xFFFFFFF0];
	[tilespmem:v0+s20+$0x20 ss:$0x1] =	vst.idx.msk $0xffff, v5  }
0x36: {  	s22 =	sshra.s32 s22, $0x2;
	v60 =	vld [tilespmem:s21+$0x0];
	[tilespmem:v0+s20+$0xFFFFFFC0 ss:$0x1] =	vst.idx.msk $0xffff, v2  }
0x37: {  	v61 =	vld [tilespmem:s21+$0x10];
	[tilespmem:v0+s22+$0x30 ss:$0x1] =	vst.idx.msk $0xffff, v4  }
0x38: {  	v62 =	vld [tilespmem:s21+$0x20];
	s19 =	sadd.s32 $0x1, s19;
	[tilespmem:v0+s22+$0xFFFFFFD0 ss:$0x1] =	vst.idx.msk $0xffff, v6  }
0x39: {  	v63 =	vld [tilespmem:s21+$0xFFFFFFC0];
	p0 =	sne.s32 s19, $0x4;
	[tilespmem:v0+s22+$0xFFFFFFE0 ss:$0x1] =	vst.idx.msk $0xffff, v58  }
.Ltmp4:
0x3a: {  	[tilespmem:v0+s22+$0xFFFFFFF0 ss:$0x1] =	vst.idx.msk $0xffff, v59;
	(pc) =	sbr.rel @p0 .LBB1_4-.Ltmp4, $4  }
0x3b: {  	[tilespmem:v0+s22+$0x0 ss:$0x1] =	vst.idx.msk $0xffff, v60  }
0x3c: {  	[tilespmem:v0+s22+$0x10 ss:$0x1] =	vst.idx.msk $0xffff, v61  }
0x3d: {  	[tilespmem:v0+s22+$0x20 ss:$0x1] =	vst.idx.msk $0xffff, v62  }
0x3e: {  	s18 =	sadd.s32 $0x400, s18;
	s17 =	sadd.s32 $0x80, s17;
	[tilespmem:v0+s22+$0xFFFFFFC0 ss:$0x1] =	vst.idx.msk $0xffff, v63  }
0x3f: {  	s16 =	sadd.s32 $0x1, s16  }
0x40: {  	p0 =	sne.s32 s16, $0x4  }
.Ltmp5:
0x41: {  	_ = 	snop;
	(pc) =	sbr.rel @p0 .LBB1_3-.Ltmp5, $2  }
0x42: {  	_ =	sdelay $0x2  }
0x43: {  	s13 =	sadd.s32 $0x1000, s13;
	s14 =	sadd.s32 $0x1000, s14  }
.Ltmp6:
0x44: {  	(pc) =	sbr.rel .LBB1_9-.Ltmp6, $4  }
0x45: {  	_ = 	snop  }
0x46: {  	s12 =	sshll.u32 s12, $0x9  }
0x47: {  	s12 =	sadd.s32 s4, s12  }
0x48: {  	[hbm4b:s12+s8] =	stream.linear.scatter [tilespmem:s15], [sflag:$0x2], $0x4000, $0x38;
	[tilespmem:$0x10000] =	vst v63  }
.LBB1_10:
0x49: {  	_ =	sfence.sel $0x180000  }
0x4a: {  	s2 =	simm.s32 $0x1;
	[bflag:$0x0] =	sbarrier.arrive $0xFFFF  }
0x4b: {  	s31 =	simm.s32 $0x2;
	[sflag:s2] =	ssyncpa.u1 $0x1  }
0x4c: {  	[sflag:s31] =	ssyncpa.u1 $0x1  }
0x4d: {  	p0 =	sne.s32 s0, $0x0;
	_ =	strace $0x90000059  }
0x4e: {  	s0 =	sadd.s32 @!p0 $0x100000, s1;
	[bflag:$0x2] =	sbarrier.arrive $0xFFFF  }
0x4f: {  	[sflag:s0] =	ssyncadd.tile.s32 @!p0 $0x1;
	_ =	shalt  }
.Lfunc_end1:
_tile_overlayer_lowered:
.L_overlay_start_2:
0x50: {  	(tag) =	ssettag $0x2  }
0x51: {  	s0 =	rddreg [dreg:$0x0];
	s2 =	stileid.u32  }
0x52: {  	s1 =	rddreg [dreg:$0x1];
	p0 =	sne.s32 s2, $0x0  }
0x53: {  	s3 =	rddreg [dreg:$0x2];
	[bflag:$0x3] =	sbarrier.arrive $0xFFFF;
	s2 =	simm.s32 @!p0 $0x1C01  }
0x54: {  	[timem:s3], [sflag:s2] =	dma.local @!p0 [hbm:s0], s1  }
0x55: {  	s0 =	simm.s32 @!p0 $0x1  }
0x56: {  	_ =	swait.ge @!p0 [sflag:s0], s1  }
0x57: {  	s1 =	ssub.s32 @!p0 $0x0, s1;
	[sflag:s0] =	ssyncset.done @!p0 $0x0  }
0x58: {  	[sflag:s0] =	ssyncadd.s32 @!p0 s1  }
0x59: {  	[bflag:$0x3] =	sbarrier.arrive $0xFFFF  }
0x5a: {  	_ =	shalt  }

</sc_bundles>
